<compile_context>
chip_gen: v7x
topology: tpu7x:2x2x1
jax: 0.10.2.dev20260603
libtpu: 0.0.44.dev20260713+nightly
codegen_flags: <defaults>
</compile_context>

<pallas_src>
import functools

import jax
import jax.numpy as jnp
from jax import lax
from jax.experimental import pallas as pl
from jax.experimental.pallas import tpu as pltpu
from jax.experimental.pallas import tpu_sc as plsc

N = 10000
E = 320000
D_IN = 128
D_H1 = 256
D_H2 = 512
D_OUT = 128

NC = 2
NT = 16
D = 128

NPAD = 10240
NPT = NPAD // NT
LANES = 128
GRP = 8 * LANES
G = 320
EP = G * GRP
NBATCH = 8 * G

_NBP = 2048
_NB = 2000


def _vmesh():
    return plsc.VectorSubcoreMesh(core_axis_name="c", subcore_axis_name="s")


_SC_PARAMS = pltpu.CompilerParams(needs_layout_passes=False)



def _sc_degree(dst):
    EW = E // (NC * NT)

    @functools.partial(
        pl.kernel,
        out_type=jax.ShapeDtypeStruct((NC * NT * N,), jnp.float32),
        mesh=_vmesh(),
        compiler_params=_SC_PARAMS,
        scratch_types=[
            pltpu.VMEM((EW,), jnp.int32),
            pltpu.VMEM((N,), jnp.float32),
        ],
    )
    def deg_kernel(dst_hbm, out_hbm, idx_v, acc_v):
        c = lax.axis_index("c")
        s = lax.axis_index("s")
        wid = s * NC + c
        zeros16 = jnp.zeros((16,), jnp.float32)

        def zbody(i, carry):
            acc_v[pl.ds(i * 16, 16)] = zeros16
            return carry

        lax.fori_loop(0, N // 16, zbody, 0)
        pltpu.sync_copy(dst_hbm.at[pl.ds(wid * EW, EW)], idx_v)
        ones16 = jnp.ones((16,), jnp.float32)

        def body(k, carry):
            idx = idx_v[pl.ds(k * 16, 16)]
            plsc.addupdate_scatter(acc_v, [idx], ones16)
            return carry

        lax.fori_loop(0, EW // 16, body, 0)
        pltpu.sync_copy(acc_v, out_hbm.at[pl.ds(wid * N, N)])

    return deg_kernel(dst)



def _sc_propagate(g_flat, idx3, split):
    ngrp = G if split else G // 2
    GB = 4 if split else 2
    niter = ngrp // (GB * NT)

    @functools.partial(
        pl.kernel,
        out_type=jax.ShapeDtypeStruct((2 * NPAD, D), jnp.float32),
        mesh=_vmesh(),
        compiler_params=_SC_PARAMS,
        scratch_types=[
            pltpu.VMEM((16 * GB, LANES), jnp.int32),
            pltpu.VMEM((LANES, D), jnp.float32),
            pltpu.VMEM((LANES, D), jnp.float32),
            pltpu.VMEM_SHARED((NPAD, D), jnp.float32),
            pltpu.SemaphoreType.DMA,
            pltpu.SemaphoreType.DMA,
        ],
    )
    def prop_kernel(g_hbm, idx_hbm, out_hbm,
                    idx_v, rows0_v, rows1_v, acc_s, sem0, sem1):
        rows = (rows0_v, rows1_v)
        sems = (sem0, sem1)
        c = lax.axis_index("c")
        s = lax.axis_index("s")
        goff = (c * NPAD if split else 0) + s * NPT
        pltpu.sync_copy(g_hbm.at[pl.ds(goff, NPT)],
                        acc_s.at[pl.ds(s * NPT, NPT)])
        grp0 = 0 if split else c * (G // 2)
        plsc.subcore_barrier()

        nbb = 8 * GB

        def body(i, carry):
            grp = grp0 + (i * NT + s) * GB
            pltpu.sync_copy(idx_hbm.at[c, pl.ds(grp * 16, 16 * GB)], idx_v)
            descs = [None, None]
            descs[0] = pltpu.async_copy(g_hbm.at[idx_v.at[0]], rows[0],
                                        sems[0])
            for j in range(nbb):
                q = j % 2
                half, jj = divmod(j, 8)
                if j + 1 < nbb:
                    h2, j2 = divmod(j + 1, 8)
                    descs[1 - q] = pltpu.async_copy(
                        g_hbm.at[idx_v.at[h2 * 16 + j2]], rows[1 - q],
                        sems[1 - q])
                descs[q].wait()
                pltpu.sync_copy(rows[q],
                                acc_s.at[idx_v.at[half * 16 + 8 + jj]],
                                add=True)
            return carry

        lax.fori_loop(0, niter, body, 0)
        plsc.subcore_barrier()
        pltpu.sync_copy(acc_s.at[pl.ds(s * NPT, NPT)],
                        out_hbm.at[pl.ds(c * NPAD + s * NPT, NPT)])

    return prop_kernel(g_flat, idx3).reshape(2, NPAD, D)



def _tc_prescale(x, dinv):
    def body(x_ref, dinv_ref, g_ref):
        g_ref[...] = x_ref[...] * dinv_ref[...]

    return pl.pallas_call(
        body,
        grid=(NPAD // _NBP,),
        in_specs=[pl.BlockSpec((_NBP, D_IN), lambda i: (i, 0)),
                  pl.BlockSpec((_NBP, 1), lambda i: (i, 0))],
        out_specs=pl.BlockSpec((_NBP, D_IN), lambda i: (i, 0)),
        out_shape=jax.ShapeDtypeStruct((NPAD, D_IN), jnp.float32),
    )(x, dinv)


def _tc_layer1(p, g0, dinv, W1, b1):
    def body(p_ref, g0_ref, dinv_ref, w_ref, b_ref, out_ref):
        s0 = p_ref[0] + p_ref[1] - g0_ref[...]
        z = jnp.dot(s0 * dinv_ref[...], w_ref[...],
                    preferred_element_type=jnp.float32) + b_ref[...]
        g1 = jnp.maximum(z, 0.0) * dinv_ref[...]
        out_ref[0] = g1[:, :D]
        out_ref[1] = g1[:, D:]

    return pl.pallas_call(
        body,
        grid=(NPAD // _NBP,),
        in_specs=[pl.BlockSpec((2, _NBP, D), lambda i: (0, i, 0)),
                  pl.BlockSpec((_NBP, D_IN), lambda i: (i, 0)),
                  pl.BlockSpec((_NBP, 1), lambda i: (i, 0)),
                  pl.BlockSpec((D_IN, D_H1), lambda i: (0, 0)),
                  pl.BlockSpec((1, D_H1), lambda i: (0, 0))],
        out_specs=pl.BlockSpec((2, _NBP, D), lambda i: (0, i, 0)),
        out_shape=jax.ShapeDtypeStruct((2, NPAD, D), jnp.float32),
    )(p, g0, dinv, W1, b1)


def _tc_layer23(p, dinv, W2, b2, W3):
    def body(p_ref, dinv_ref, w2_ref, b2_ref, w3_ref, out_ref):
        s1 = jnp.concatenate([p_ref[0], p_ref[1]], axis=1)
        z2 = jnp.dot(s1 * dinv_ref[...], w2_ref[...],
                     preferred_element_type=jnp.float32) + b2_ref[...]
        h2 = jnp.maximum(z2, 0.0)
        t = jnp.dot(h2, w3_ref[...], preferred_element_type=jnp.float32)
        out_ref[...] = t * dinv_ref[...]

    return pl.pallas_call(
        body,
        grid=(NPAD // _NBP,),
        in_specs=[pl.BlockSpec((2, _NBP, D), lambda i: (0, i, 0)),
                  pl.BlockSpec((_NBP, 1), lambda i: (i, 0)),
                  pl.BlockSpec((D_H1, D_H2), lambda i: (0, 0)),
                  pl.BlockSpec((1, D_H2), lambda i: (0, 0)),
                  pl.BlockSpec((D_H2, D_OUT), lambda i: (0, 0))],
        out_specs=pl.BlockSpec((_NBP, D_OUT), lambda i: (i, 0)),
        out_shape=jax.ShapeDtypeStruct((NPAD, D_OUT), jnp.float32),
    )(p, dinv, W2, b2, W3)


def _tc_final(p, g2, dinv, b3):
    def body(p_ref, g2_ref, dinv_ref, b_ref, out_ref):
        s2 = p_ref[0] + p_ref[1] - g2_ref[...]
        out_ref[...] = s2 * dinv_ref[...] + b_ref[...]

    return pl.pallas_call(
        body,
        grid=(N // _NB,),
        in_specs=[pl.BlockSpec((2, _NB, D), lambda i: (0, i, 0)),
                  pl.BlockSpec((_NB, D_OUT), lambda i: (i, 0)),
                  pl.BlockSpec((_NB, 1), lambda i: (i, 0)),
                  pl.BlockSpec((1, D_OUT), lambda i: (0, 0))],
        out_specs=pl.BlockSpec((_NB, D_OUT), lambda i: (i, 0)),
        out_shape=jax.ShapeDtypeStruct((N, D_OUT), jnp.float32),
    )(p, g2, dinv, b3)



def kernel(x, edge_index, W1, b1, W2, b2, W3, b3):
    src = edge_index[0]
    dst = edge_index[1]

    deg32 = _sc_degree(dst).reshape(NC * NT, N)
    dinv = lax.rsqrt(jnp.sum(deg32, axis=0) + 1.0)[:, None]
    dinv = jnp.pad(dinv, ((0, NPAD - N), (0, 0)))

    g0 = _tc_prescale(x, dinv)

    pad_src = jnp.arange(EP - E, dtype=src.dtype) % N
    pad_dst = N + (jnp.arange(EP - E, dtype=dst.dtype) % (NPAD - N))
    src_g = jnp.concatenate([src, pad_src]).reshape(G, 8, LANES)
    dst_g = jnp.concatenate([dst, pad_dst]).reshape(G, 8, LANES)
    pack = jnp.concatenate([src_g, dst_g], axis=1).reshape(16 * G, LANES)
    pack_sh = jnp.concatenate([src_g + NPAD, dst_g],
                              axis=1).reshape(16 * G, LANES)
    idx_dup = jnp.stack([pack, pack])
    idx_shift = jnp.stack([pack, pack_sh])

    p0 = _sc_propagate(g0, idx_dup, split=False)
    g1 = _tc_layer1(p0, g0, dinv, W1, b1.reshape(1, -1))
    p1 = _sc_propagate(g1.reshape(2 * NPAD, D), idx_shift, split=True)
    g2 = _tc_layer23(p1, dinv, W2, b2.reshape(1, -1), W3)
    p2 = _sc_propagate(g2, idx_dup, split=False)
    return _tc_final(p2, g2, dinv, b3.reshape(1, -1))

# --- scband reference (transcript-rebuilt; emitter-appended) ---
"""Pipeline reference for scband-base-model-57071525429449 (READ-ONLY COPY).

The authoritative reference and input builder live on the scoring server;
editing this copy changes nothing except your own understanding.
"""

import jax, jax.numpy as jnp
import numpy as np

N = 10000
E = 320000
D_IN = 128
D_H1 = 256
D_H2 = 512
D_OUT = 128


def setup_inputs(seed: int = 0) -> dict:
    key = jax.random.key(seed)
    ks = jax.random.split(key, 9)
    x = jax.random.normal(ks[0], (N, D_IN), dtype=jnp.float32)
    edge_index = jax.random.randint(ks[1], (2, E), 0, N, dtype=jnp.int32)
    W1 = jax.random.normal(ks[2], (D_IN, D_H1), dtype=jnp.float32) * (1.0 / np.sqrt(D_IN))
    b1 = jnp.zeros((D_H1,), dtype=jnp.float32)
    W2 = jax.random.normal(ks[3], (D_H1, D_H2), dtype=jnp.float32) * (1.0 / np.sqrt(D_H1))
    b2 = jnp.zeros((D_H2,), dtype=jnp.float32)
    W3 = jax.random.normal(ks[4], (D_H2, D_OUT), dtype=jnp.float32) * (1.0 / np.sqrt(D_H2))
    b3 = jnp.zeros((D_OUT,), dtype=jnp.float32)
    return {"x": x, "edge_index": edge_index, "W1": W1, "b1": b1, "W2": W2, "b2": b2, "W3": W3, "b3": b3}


def _gcn_conv(x, edge_index, W, b):
    # Faithful PyG GCNConv: add self-loops, symmetric normalization, linear, scatter-add, bias
    src = edge_index[0]
    dst = edge_index[1]
    loop = jnp.arange(N, dtype=src.dtype)
    src = jnp.concatenate([src, loop])
    dst = jnp.concatenate([dst, loop])
    deg = jnp.zeros((N,), dtype=x.dtype).at[dst].add(1.0)
    dinv = jax.lax.rsqrt(jnp.maximum(deg, 1e-12))
    norm = dinv[src] * dinv[dst]
    h = x @ W
    msg = jnp.take(h, src, axis=0) * norm[:, None]
    out = jnp.zeros((N, W.shape[1]), dtype=x.dtype).at[dst].add(msg)
    return out + b


def reference(x, edge_index, W1, b1, W2, b2, W3, b3):
    # BaseModel.forward, sequential: layers[:-1] with .relu(), last layer without
    h = jax.nn.relu(_gcn_conv(x, edge_index, W1, b1))
    h = jax.nn.relu(_gcn_conv(h, edge_index, W2, b2))
    out = _gcn_conv(h, edge_index, W3, b3)
    return out

if __name__ == "__main__":
    import jax
    _d = setup_inputs()
    print(jax.jit(kernel)(*tuple(_d.values())))

</pallas_src>

<mosaic_0001>
#map = affine_map<(d0, d1) -> (0)>
module attributes {stable_mosaic.version = 14 : i64} {
  func.func @deg_kernel(%arg0: i32, %arg1: i32, %arg2: memref<320000xi32, #tpu.memory_space<hbm>>, %arg3: memref<320000xf32, #tpu.memory_space<hbm>>, %arg4: memref<10000xi32, #tpu.memory_space<vmem>>, %arg5: memref<10000xf32, #tpu.memory_space<vmem>>) attributes {dimension_semantics = [#tpu.dimension_semantics<core_parallel>, #tpu.dimension_semantics<subcore_parallel>], iteration_bounds = array<i64: 2, 16>, scalar_prefetch = 0 : i64, scratch_operands = 2 : i64, tpu.core_type = #tpu.core_type<sc_vector_subcore>, window_params = [{transform_indices = #map}, {transform_indices = #map}]} {
    %mul3A = arith.constant 2 : i32
    %mul3A_0 = arith.muli %arg1, %mul3A : i32
    %add3A = arith.addi %mul3A_0, %arg0 : i32
    %broadcast_in_dim3A = arith.constant 0.000000e+00 : f32
    %broadcast_in_dim3A_1 = vector.broadcast %broadcast_in_dim3A : f32 to vector<16xf32>
    %scan3A = arith.constant 0 : i32
    %scan3A_2 = arith.constant 0 : i32
    %scan3A_3 = arith.constant 625 : i32
    %scan3A_4 = arith.addi %scan3A_2, %scan3A_3 : i32
    %scan3A_5 = arith.constant 1 : i32
    scf.for %scan3A_19 = %scan3A_2 to %scan3A_4 step %scan3A_5  : i32 {
      %mul3A_20 = arith.constant 16 : i32
      %mul3A_21 = arith.muli %scan3A_19, %mul3A_20 : i32
      %swap3A = arith.index_cast %mul3A_21 : i32 to index
      %swap3A_22 = tpu.vector_load %arg5[%swap3A] {strides = array<i32>} : memref<10000xf32, #tpu.memory_space<vmem>>, vector<16xf32>,
      tpu.vector_store %arg5[%swap3A], %broadcast_in_dim3A_1 {strides = array<i32>} : memref<10000xf32, #tpu.memory_space<vmem>>, vector<16xf32>,
    }
    %scan3A_6 = arith.constant 625 : i32
    %mul3A_7 = arith.constant 10000 : i32
    %mul3A_8 = arith.muli %add3A, %mul3A_7 : i32
    "tpu.region"() ({
      %run_scoped3A = tpu.sem_alloc : memref<!tpu.dma_semaphore, #tpu.memory_space<semaphore_mem>>
      %dma_start3A = tpu.memref_slice %arg2[%mul3A_8] : memref<320000xi32, #tpu.memory_space<hbm>> -> memref<10000xi32, #tpu.memory_space<hbm>>
      %dma_start3A_19 = tpu.memref_slice %arg2[%mul3A_8] : memref<320000xi32, #tpu.memory_space<hbm>> -> memref<10000xi32, #tpu.memory_space<hbm>>
      tpu.enqueue_dma source(%dma_start3A_19 : memref<10000xi32, #tpu.memory_space<hbm>>) target(%arg4 : memref<10000xi32, #tpu.memory_space<vmem>>) target_semaphore(%run_scoped3A : memref<!tpu.dma_semaphore, #tpu.memory_space<semaphore_mem>>)
      %dma_wait3A = tpu.memref_slice %arg2[%mul3A_8] : memref<320000xi32, #tpu.memory_space<hbm>> -> memref<10000xi32, #tpu.memory_space<hbm>>
      %dma_wait3A_20 = tpu.memref_slice %arg2[%mul3A_8] : memref<320000xi32, #tpu.memory_space<hbm>> -> memref<10000xi32, #tpu.memory_space<hbm>>
      tpu.wait_dma2 semaphore(%run_scoped3A : memref<!tpu.dma_semaphore, #tpu.memory_space<semaphore_mem>>) src(%dma_wait3A_20 : memref<10000xi32, #tpu.memory_space<hbm>>) dst(%arg4 : memref<10000xi32, #tpu.memory_space<vmem>>)
      tpu.yield
    }) : () -> ()
    %broadcast_in_dim3A_9 = arith.constant 1.000000e+00 : f32
    %broadcast_in_dim3A_10 = vector.broadcast %broadcast_in_dim3A_9 : f32 to vector<16xf32>
    %scan3A_11 = arith.constant 0 : i32
    %scan3A_12 = arith.constant 0 : i32
    %scan3A_13 = arith.constant 625 : i32
    %scan3A_14 = arith.addi %scan3A_12, %scan3A_13 : i32
    %scan3A_15 = arith.constant 1 : i32
    scf.for %scan3A_19 = %scan3A_12 to %scan3A_14 step %scan3A_15  : i32 {
      %mul3A_20 = arith.constant 16 : i32
      %mul3A_21 = arith.muli %scan3A_19, %mul3A_20 : i32
      %get3A = arith.index_cast %mul3A_21 : i32 to index
      %get3A_22 = tpu.vector_load %arg4[%get3A] {strides = array<i32>} : memref<10000xi32, #tpu.memory_space<vmem>>, vector<16xi32>,
      tpu.vector_store_idx %arg5[%get3A_22], %broadcast_in_dim3A_10 {add = true} : memref<10000xf32, #tpu.memory_space<vmem>>[vector<16xi32>], vector<16xf32>,
    }
    %scan3A_16 = arith.constant 625 : i32
    %mul3A_17 = arith.constant 10000 : i32
    %mul3A_18 = arith.muli %add3A, %mul3A_17 : i32
    "tpu.region"() ({
      %run_scoped3A = tpu.sem_alloc : memref<!tpu.dma_semaphore, #tpu.memory_space<semaphore_mem>>
      %dma_start3A = tpu.memref_slice %arg3[%mul3A_18] : memref<320000xf32, #tpu.memory_space<hbm>> -> memref<10000xf32, #tpu.memory_space<hbm>>
      %dma_start3A_19 = tpu.memref_slice %arg3[%mul3A_18] : memref<320000xf32, #tpu.memory_space<hbm>> -> memref<10000xf32, #tpu.memory_space<hbm>>
      tpu.enqueue_dma source(%arg5 : memref<10000xf32, #tpu.memory_space<vmem>>) target(%dma_start3A_19 : memref<10000xf32, #tpu.memory_space<hbm>>) target_semaphore(%run_scoped3A : memref<!tpu.dma_semaphore, #tpu.memory_space<semaphore_mem>>)
      %dma_wait3A = tpu.memref_slice %arg3[%mul3A_18] : memref<320000xf32, #tpu.memory_space<hbm>> -> memref<10000xf32, #tpu.memory_space<hbm>>
      %dma_wait3A_20 = tpu.memref_slice %arg3[%mul3A_18] : memref<320000xf32, #tpu.memory_space<hbm>> -> memref<10000xf32, #tpu.memory_space<hbm>>
      tpu.wait_dma2 semaphore(%run_scoped3A : memref<!tpu.dma_semaphore, #tpu.memory_space<semaphore_mem>>) src(%arg5 : memref<10000xf32, #tpu.memory_space<vmem>>) dst(%dma_wait3A_20 : memref<10000xf32, #tpu.memory_space<hbm>>)
      tpu.yield
    }) : () -> ()
    return
  }
}

#map = affine_map<(d0, d1) -> (0, 0)>
#map1 = affine_map<(d0, d1) -> (0, 0, 0)>
module attributes {stable_mosaic.version = 14 : i64} {
  func.func @prop_kernel(%arg0: i32, %arg1: i32, %arg2: memref<10240x128xf32, #tpu.memory_space<hbm>>, %arg3: memref<2x5120x128xi32, #tpu.memory_space<hbm>>, %arg4: memref<20480x128xf32, #tpu.memory_space<hbm>>, %arg5: memref<32x128xi32, #tpu.memory_space<vmem>>, %arg6: memref<128x128xf32, #tpu.memory_space<vmem>>, %arg7: memref<128x128xf32, #tpu.memory_space<vmem>>, %arg8: memref<10240x128xf32, #tpu.memory_space<vmem_shared>>, %arg9: memref<!tpu.dma_semaphore, #tpu.memory_space<semaphore_mem>>, %arg10: memref<!tpu.dma_semaphore, #tpu.memory_space<semaphore_mem>>) attributes {dimension_semantics = [#tpu.dimension_semantics<core_parallel>, #tpu.dimension_semantics<subcore_parallel>], iteration_bounds = array<i64: 2, 16>, scalar_prefetch = 0 : i64, scratch_operands = 6 : i64, tpu.core_type = #tpu.core_type<sc_vector_subcore>, window_params = [{transform_indices = #map}, {transform_indices = #map1}, {transform_indices = #map}]} {
    %mul3A = arith.constant 640 : i32
    %mul3A_0 = arith.muli %arg1, %mul3A : i32
    %add3A = arith.constant 0 : i32
    %add3A_1 = arith.addi %add3A, %mul3A_0 : i32
    %mul3A_2 = arith.constant 640 : i32
    %mul3A_3 = arith.muli %arg1, %mul3A_2 : i32
    "tpu.region"() ({
      %run_scoped3A = tpu.sem_alloc : memref<!tpu.dma_semaphore, #tpu.memory_space<semaphore_mem>>
      %dma_start3A = arith.constant 0 : i32
      %dma_start3A_19 = tpu.memref_slice %arg8[%mul3A_3, %dma_start3A] : memref<10240x128xf32, #tpu.memory_space<vmem_shared>> -> memref<640x128xf32, #tpu.memory_space<vmem_shared>>
      %dma_start3A_20 = arith.constant 0 : i32
      %dma_start3A_21 = tpu.memref_slice %arg2[%add3A_1, %dma_start3A_20] : memref<10240x128xf32, #tpu.memory_space<hbm>> -> memref<640x128xf32, #tpu.memory_space<hbm>>
      tpu.enqueue_dma source(%dma_start3A_21 : memref<640x128xf32, #tpu.memory_space<hbm>>) target(%dma_start3A_19 : memref<640x128xf32, #tpu.memory_space<vmem_shared>>) target_semaphore(%run_scoped3A : memref<!tpu.dma_semaphore, #tpu.memory_space<semaphore_mem>>)
      %dma_wait3A = arith.constant 0 : i32
      %dma_wait3A_22 = tpu.memref_slice %arg8[%mul3A_3, %dma_wait3A] : memref<10240x128xf32, #tpu.memory_space<vmem_shared>> -> memref<640x128xf32, #tpu.memory_space<vmem_shared>>
      %dma_wait3A_23 = arith.constant 0 : i32
      %dma_wait3A_24 = tpu.memref_slice %arg2[%add3A_1, %dma_wait3A_23] : memref<10240x128xf32, #tpu.memory_space<hbm>> -> memref<640x128xf32, #tpu.memory_space<hbm>>
      tpu.wait_dma2 semaphore(%run_scoped3A : memref<!tpu.dma_semaphore, #tpu.memory_space<semaphore_mem>>) src(%dma_wait3A_24 : memref<640x128xf32, #tpu.memory_space<hbm>>) dst(%dma_wait3A_22 : memref<640x128xf32, #tpu.memory_space<vmem_shared>>)
      tpu.yield
    }) : () -> ()
    %mul3A_4 = arith.constant 160 : i32
    %mul3A_5 = arith.muli %arg0, %mul3A_4 : i32
    %barrier3A = arith.constant 0 : index
    tpu.barrier barrier_id(%barrier3A)
    %scan3A = arith.constant 0 : i32
    %scan3A_6 = arith.constant 0 : i32
    %scan3A_7 = arith.constant 5 : i32
    %scan3A_8 = arith.addi %scan3A_6, %scan3A_7 : i32
    %scan3A_9 = arith.constant 1 : i32
    scf.for %scan3A_19 = %scan3A_6 to %scan3A_8 step %scan3A_9  : i32 {
      %mul3A_20 = arith.constant 16 : i32
      %mul3A_21 = arith.muli %scan3A_19, %mul3A_20 : i32
      %add3A_22 = arith.addi %mul3A_21, %arg1 : i32
      %mul3A_23 = arith.constant 2 : i32
      %mul3A_24 = arith.muli %add3A_22, %mul3A_23 : i32
      %add3A_25 = arith.addi %mul3A_5, %mul3A_24 : i32
      %mul3A_26 = arith.constant 16 : i32
      %mul3A_27 = arith.muli %add3A_25, %mul3A_26 : i32
      "tpu.region"() ({
        %run_scoped3A_265 = tpu.sem_alloc : memref<!tpu.dma_semaphore, #tpu.memory_space<semaphore_mem>>
        %dma_start3A_266 = arith.constant 0 : i32
        %dma_start3A_267 = tpu.memref_slice %arg3[%arg0, %mul3A_27, %dma_start3A_266] : memref<2x5120x128xi32, #tpu.memory_space<hbm>> -> memref<1x32x128xi32, #tpu.memory_space<hbm>>
        %dma_start3A_268 = tpu.memref_squeeze %dma_start3A_267 : memref<1x32x128xi32, #tpu.memory_space<hbm>> -> memref<32x128xi32, #tpu.memory_space<hbm>>
        %dma_start3A_269 = arith.constant 0 : i32
        %dma_start3A_270 = tpu.memref_slice %arg3[%arg0, %mul3A_27, %dma_start3A_269] : memref<2x5120x128xi32, #tpu.memory_space<hbm>> -> memref<1x32x128xi32, #tpu.memory_space<hbm>>
        %dma_start3A_271 = tpu.memref_squeeze %dma_start3A_270 : memref<1x32x128xi32, #tpu.memory_space<hbm>> -> memref<32x128xi32, #tpu.memory_space<hbm>>
        tpu.enqueue_dma source(%dma_start3A_271 : memref<32x128xi32, #tpu.memory_space<hbm>>) target(%arg5 : memref<32x128xi32, #tpu.memory_space<vmem>>) target_semaphore(%run_scoped3A_265 : memref<!tpu.dma_semaphore, #tpu.memory_space<semaphore_mem>>)
        %dma_wait3A_272 = arith.constant 0 : i32
        %dma_wait3A_273 = tpu.memref_slice %arg3[%arg0, %mul3A_27, %dma_wait3A_272] : memref<2x5120x128xi32, #tpu.memory_space<hbm>> -> memref<1x32x128xi32, #tpu.memory_space<hbm>>
        %dma_wait3A_274 = tpu.memref_squeeze %dma_wait3A_273 : memref<1x32x128xi32, #tpu.memory_space<hbm>> -> memref<32x128xi32, #tpu.memory_space<hbm>>
        %dma_wait3A_275 = arith.constant 0 : i32
        %dma_wait3A_276 = tpu.memref_slice %arg3[%arg0, %mul3A_27, %dma_wait3A_275] : memref<2x5120x128xi32, #tpu.memory_space<hbm>> -> memref<1x32x128xi32, #tpu.memory_space<hbm>>
        %dma_wait3A_277 = tpu.memref_squeeze %dma_wait3A_276 : memref<1x32x128xi32, #tpu.memory_space<hbm>> -> memref<32x128xi32, #tpu.memory_space<hbm>>
        tpu.wait_dma2 semaphore(%run_scoped3A_265 : memref<!tpu.dma_semaphore, #tpu.memory_space<semaphore_mem>>) src(%dma_wait3A_277 : memref<32x128xi32, #tpu.memory_space<hbm>>) dst(%arg5 : memref<32x128xi32, #tpu.memory_space<vmem>>)
        tpu.yield
      }) : () -> ()
      %dma_start3A = arith.constant 0 : i32
      %dma_start3A_28 = arith.constant 0 : i32
      %dma_start3A_29 = tpu.memref_slice %arg5[%dma_start3A, %dma_start3A_28] : memref<32x128xi32, #tpu.memory_space<vmem>> -> memref<1x128xi32, #tpu.memory_space<vmem>>
      %dma_start3A_30 = tpu.memref_squeeze %dma_start3A_29 : memref<1x128xi32, #tpu.memory_space<vmem>> -> memref<128xi32, #tpu.memory_space<vmem>>
      %dma_start3A_31 = arith.constant 0 : i32
      %dma_start3A_32 = arith.constant 0 : i32
      %dma_start3A_33 = tpu.memref_slice %arg2[%dma_start3A_31, %dma_start3A_32] : memref<10240x128xf32, #tpu.memory_space<hbm>> -> memref<10240x128xf32, #tpu.memory_space<hbm>>
      tpu.enqueue_indirect_dma source(%dma_start3A_33 : memref<10240x128xf32, #tpu.memory_space<hbm>>) target(%arg6 : memref<128x128xf32, #tpu.memory_space<vmem>>) offsets(%dma_start3A_30 : memref<128xi32, #tpu.memory_space<vmem>>) semaphore(%arg9 : memref<!tpu.dma_semaphore, #tpu.memory_space<semaphore_mem>>)
      %dma_start3A_34 = arith.constant 1 : i32
      %dma_start3A_35 = arith.constant 0 : i32
      %dma_start3A_36 = tpu.memref_slice %arg5[%dma_start3A_34, %dma_start3A_35] : memref<32x128xi32, #tpu.memory_space<vmem>> -> memref<1x128xi32, #tpu.memory_space<vmem>>
      %dma_start3A_37 = tpu.memref_squeeze %dma_start3A_36 : memref<1x128xi32, #tpu.memory_space<vmem>> -> memref<128xi32, #tpu.memory_space<vmem>>
      %dma_start3A_38 = arith.constant 0 : i32
      %dma_start3A_39 = arith.constant 0 : i32
      %dma_start3A_40 = tpu.memref_slice %arg2[%dma_start3A_38, %dma_start3A_39] : memref<10240x128xf32, #tpu.memory_space<hbm>> -> memref<10240x128xf32, #tpu.memory_space<hbm>>
      tpu.enqueue_indirect_dma source(%dma_start3A_40 : memref<10240x128xf32, #tpu.memory_space<hbm>>) target(%arg7 : memref<128x128xf32, #tpu.memory_space<vmem>>) offsets(%dma_start3A_37 : memref<128xi32, #tpu.memory_space<vmem>>) semaphore(%arg10 : memref<!tpu.dma_semaphore, #tpu.memory_space<semaphore_mem>>)
      %dma_wait3A = arith.constant 0 : i32
      %dma_wait3A_41 = arith.constant 0 : i32
      %dma_wait3A_42 = tpu.memref_slice %arg5[%dma_wait3A, %dma_wait3A_41] : memref<32x128xi32, #tpu.memory_space<vmem>> -> memref<1x128xi32, #tpu.memory_space<vmem>>
      %dma_wait3A_43 = tpu.memref_squeeze %dma_wait3A_42 : memref<1x128xi32, #tpu.memory_space<vmem>> -> memref<128xi32, #tpu.memory_space<vmem>>
      %dma_wait3A_44 = arith.constant 0 : i32
      %dma_wait3A_45 = arith.constant 0 : i32
      %dma_wait3A_46 = tpu.memref_slice %arg2[%dma_wait3A_44, %dma_wait3A_45] : memref<10240x128xf32, #tpu.memory_space<hbm>> -> memref<10240x128xf32, #tpu.memory_space<hbm>>
      tpu.wait_indirect_dma semaphore(%arg9 : memref<!tpu.dma_semaphore, #tpu.memory_space<semaphore_mem>>) src(%dma_wait3A_46 : memref<10240x128xf32, #tpu.memory_space<hbm>>) dst(%arg6 : memref<128x128xf32, #tpu.memory_space<vmem>>)
      %run_scoped3A = arith.constant 8 : i32
      "tpu.region"() ({
        %run_scoped3A_265 = tpu.sem_alloc : memref<!tpu.dma_semaphore, #tpu.memory_space<semaphore_mem>>
        %dma_start3A_266 = arith.constant 0 : i32
        %dma_start3A_267 = tpu.memref_slice %arg5[%run_scoped3A, %dma_start3A_266] : memref<32x128xi32, #tpu.memory_space<vmem>> -> memref<1x128xi32, #tpu.memory_space<vmem>>
        %dma_start3A_268 = tpu.memref_squeeze %dma_start3A_267 : memref<1x128xi32, #tpu.memory_space<vmem>> -> memref<128xi32, #tpu.memory_space<vmem>>
        %dma_start3A_269 = arith.constant 0 : i32
        %dma_start3A_270 = arith.constant 0 : i32
        %dma_start3A_271 = tpu.memref_slice %arg8[%dma_start3A_269, %dma_start3A_270] : memref<10240x128xf32, #tpu.memory_space<vmem_shared>> -> memref<10240x128xf32, #tpu.memory_space<vmem_shared>>
        tpu.enqueue_indirect_dma source(%arg6 : memref<128x128xf32, #tpu.memory_space<vmem>>) target(%dma_start3A_271 : memref<10240x128xf32, #tpu.memory_space<vmem_shared>>) offsets(%dma_start3A_268 : memref<128xi32, #tpu.memory_space<vmem>>) semaphore(%run_scoped3A_265 : memref<!tpu.dma_semaphore, #tpu.memory_space<semaphore_mem>>) {add = true}
        %dma_wait3A_272 = arith.constant 0 : i32
        %dma_wait3A_273 = tpu.memref_slice %arg5[%run_scoped3A, %dma_wait3A_272] : memref<32x128xi32, #tpu.memory_space<vmem>> -> memref<1x128xi32, #tpu.memory_space<vmem>>
        %dma_wait3A_274 = tpu.memref_squeeze %dma_wait3A_273 : memref<1x128xi32, #tpu.memory_space<vmem>> -> memref<128xi32, #tpu.memory_space<vmem>>
        %dma_wait3A_275 = arith.constant 0 : i32
        %dma_wait3A_276 = arith.constant 0 : i32
        %dma_wait3A_277 = tpu.memref_slice %arg8[%dma_wait3A_275, %dma_wait3A_276] : memref<10240x128xf32, #tpu.memory_space<vmem_shared>> -> memref<10240x128xf32, #tpu.memory_space<vmem_shared>>
        tpu.wait_indirect_dma semaphore(%run_scoped3A_265 : memref<!tpu.dma_semaphore, #tpu.memory_space<semaphore_mem>>) src(%arg6 : memref<128x128xf32, #tpu.memory_space<vmem>>) dst(%dma_wait3A_277 : memref<10240x128xf32, #tpu.memory_space<vmem_shared>>)
        tpu.yield
      }) : () -> ()
      %dma_start3A_47 = arith.constant 2 : i32
      %dma_start3A_48 = arith.constant 0 : i32
      %dma_start3A_49 = tpu.memref_slice %arg5[%dma_start3A_47, %dma_start3A_48] : memref<32x128xi32, #tpu.memory_space<vmem>> -> memref<1x128xi32, #tpu.memory_space<vmem>>
      %dma_start3A_50 = tpu.memref_squeeze %dma_start3A_49 : memref<1x128xi32, #tpu.memory_space<vmem>> -> memref<128xi32, #tpu.memory_space<vmem>>
      %dma_start3A_51 = arith.constant 0 : i32
      %dma_start3A_52 = arith.constant 0 : i32
      %dma_start3A_53 = tpu.memref_slice %arg2[%dma_start3A_51, %dma_start3A_52] : memref<10240x128xf32, #tpu.memory_space<hbm>> -> memref<10240x128xf32, #tpu.memory_space<hbm>>
      tpu.enqueue_indirect_dma source(%dma_start3A_53 : memref<10240x128xf32, #tpu.memory_space<hbm>>) target(%arg6 : memref<128x128xf32, #tpu.memory_space<vmem>>) offsets(%dma_start3A_50 : memref<128xi32, #tpu.memory_space<vmem>>) semaphore(%arg9 : memref<!tpu.dma_semaphore, #tpu.memory_space<semaphore_mem>>)
      %dma_wait3A_54 = arith.constant 1 : i32
      %dma_wait3A_55 = arith.constant 0 : i32
      %dma_wait3A_56 = tpu.memref_slice %arg5[%dma_wait3A_54, %dma_wait3A_55] : memref<32x128xi32, #tpu.memory_space<vmem>> -> memref<1x128xi32, #tpu.memory_space<vmem>>
      %dma_wait3A_57 = tpu.memref_squeeze %dma_wait3A_56 : memref<1x128xi32, #tpu.memory_space<vmem>> -> memref<128xi32, #tpu.memory_space<vmem>>
      %dma_wait3A_58 = arith.constant 0 : i32
      %dma_wait3A_59 = arith.constant 0 : i32
      %dma_wait3A_60 = tpu.memref_slice %arg2[%dma_wait3A_58, %dma_wait3A_59] : memref<10240x128xf32, #tpu.memory_space<hbm>> -> memref<10240x128xf32, #tpu.memory_space<hbm>>
      tpu.wait_indirect_dma semaphore(%arg10 : memref<!tpu.dma_semaphore, #tpu.memory_space<semaphore_mem>>) src(%dma_wait3A_60 : memref<10240x128xf32, #tpu.memory_space<hbm>>) dst(%arg7 : memref<128x128xf32, #tpu.memory_space<vmem>>)
      %run_scoped3A_61 = arith.constant 9 : i32
      "tpu.region"() ({
        %run_scoped3A_265 = tpu.sem_alloc : memref<!tpu.dma_semaphore, #tpu.memory_space<semaphore_mem>>
        %dma_start3A_266 = arith.constant 0 : i32
        %dma_start3A_267 = tpu.memref_slice %arg5[%run_scoped3A_61, %dma_start3A_266] : memref<32x128xi32, #tpu.memory_space<vmem>> -> memref<1x128xi32, #tpu.memory_space<vmem>>
        %dma_start3A_268 = tpu.memref_squeeze %dma_start3A_267 : memref<1x128xi32, #tpu.memory_space<vmem>> -> memref<128xi32, #tpu.memory_space<vmem>>
        %dma_start3A_269 = arith.constant 0 : i32
        %dma_start3A_270 = arith.constant 0 : i32
        %dma_start3A_271 = tpu.memref_slice %arg8[%dma_start3A_269, %dma_start3A_270] : memref<10240x128xf32, #tpu.memory_space<vmem_shared>> -> memref<10240x128xf32, #tpu.memory_space<vmem_shared>>
        tpu.enqueue_indirect_dma source(%arg7 : memref<128x128xf32, #tpu.memory_space<vmem>>) target(%dma_start3A_271 : memref<10240x128xf32, #tpu.memory_space<vmem_shared>>) offsets(%dma_start3A_268 : memref<128xi32, #tpu.memory_space<vmem>>) semaphore(%run_scoped3A_265 : memref<!tpu.dma_semaphore, #tpu.memory_space<semaphore_mem>>) {add = true}
        %dma_wait3A_272 = arith.constant 0 : i32
        %dma_wait3A_273 = tpu.memref_slice %arg5[%run_scoped3A_61, %dma_wait3A_272] : memref<32x128xi32, #tpu.memory_space<vmem>> -> memref<1x128xi32, #tpu.memory_space<vmem>>
        %dma_wait3A_274 = tpu.memref_squeeze %dma_wait3A_273 : memref<1x128xi32, #tpu.memory_space<vmem>> -> memref<128xi32, #tpu.memory_space<vmem>>
        %dma_wait3A_275 = arith.constant 0 : i32
        %dma_wait3A_276 = arith.constant 0 : i32
        %dma_wait3A_277 = tpu.memref_slice %arg8[%dma_wait3A_275, %dma_wait3A_276] : memref<10240x128xf32, #tpu.memory_space<vmem_shared>> -> memref<10240x128xf32, #tpu.memory_space<vmem_shared>>
        tpu.wait_indirect_dma semaphore(%run_scoped3A_265 : memref<!tpu.dma_semaphore, #tpu.memory_space<semaphore_mem>>) src(%arg7 : memref<128x128xf32, #tpu.memory_space<vmem>>) dst(%dma_wait3A_277 : memref<10240x128xf32, #tpu.memory_space<vmem_shared>>)
        tpu.yield
      }) : () -> ()
      %dma_start3A_62 = arith.constant 3 : i32
      %dma_start3A_63 = arith.constant 0 : i32
      %dma_start3A_64 = tpu.memref_slice %arg5[%dma_start3A_62, %dma_start3A_63] : memref<32x128xi32, #tpu.memory_space<vmem>> -> memref<1x128xi32, #tpu.memory_space<vmem>>
      %dma_start3A_65 = tpu.memref_squeeze %dma_start3A_64 : memref<1x128xi32, #tpu.memory_space<vmem>> -> memref<128xi32, #tpu.memory_space<vmem>>
      %dma_start3A_66 = arith.constant 0 : i32
      %dma_start3A_67 = arith.constant 0 : i32
      %dma_start3A_68 = tpu.memref_slice %arg2[%dma_start3A_66, %dma_start3A_67] : memref<10240x128xf32, #tpu.memory_space<hbm>> -> memref<10240x128xf32, #tpu.memory_space<hbm>>
      tpu.enqueue_indirect_dma source(%dma_start3A_68 : memref<10240x128xf32, #tpu.memory_space<hbm>>) target(%arg7 : memref<128x128xf32, #tpu.memory_space<vmem>>) offsets(%dma_start3A_65 : memref<128xi32, #tpu.memory_space<vmem>>) semaphore(%arg10 : memref<!tpu.dma_semaphore, #tpu.memory_space<semaphore_mem>>)
      %dma_wait3A_69 = arith.constant 2 : i32
      %dma_wait3A_70 = arith.constant 0 : i32
      %dma_wait3A_71 = tpu.memref_slice %arg5[%dma_wait3A_69, %dma_wait3A_70] : memref<32x128xi32, #tpu.memory_space<vmem>> -> memref<1x128xi32, #tpu.memory_space<vmem>>
      %dma_wait3A_72 = tpu.memref_squeeze %dma_wait3A_71 : memref<1x128xi32, #tpu.memory_space<vmem>> -> memref<128xi32, #tpu.memory_space<vmem>>
      %dma_wait3A_73 = arith.constant 0 : i32
      %dma_wait3A_74 = arith.constant 0 : i32
      %dma_wait3A_75 = tpu.memref_slice %arg2[%dma_wait3A_73, %dma_wait3A_74] : memref<10240x128xf32, #tpu.memory_space<hbm>> -> memref<10240x128xf32, #tpu.memory_space<hbm>>
      tpu.wait_indirect_dma semaphore(%arg9 : memref<!tpu.dma_semaphore, #tpu.memory_space<semaphore_mem>>) src(%dma_wait3A_75 : memref<10240x128xf32, #tpu.memory_space<hbm>>) dst(%arg6 : memref<128x128xf32, #tpu.memory_space<vmem>>)
      %run_scoped3A_76 = arith.constant 10 : i32
      "tpu.region"() ({
        %run_scoped3A_265 = tpu.sem_alloc : memref<!tpu.dma_semaphore, #tpu.memory_space<semaphore_mem>>
        %dma_start3A_266 = arith.constant 0 : i32
        %dma_start3A_267 = tpu.memref_slice %arg5[%run_scoped3A_76, %dma_start3A_266] : memref<32x128xi32, #tpu.memory_space<vmem>> -> memref<1x128xi32, #tpu.memory_space<vmem>>
        %dma_start3A_268 = tpu.memref_squeeze %dma_start3A_267 : memref<1x128xi32, #tpu.memory_space<vmem>> -> memref<128xi32, #tpu.memory_space<vmem>>
        %dma_start3A_269 = arith.constant 0 : i32
        %dma_start3A_270 = arith.constant 0 : i32
        %dma_start3A_271 = tpu.memref_slice %arg8[%dma_start3A_269, %dma_start3A_270] : memref<10240x128xf32, #tpu.memory_space<vmem_shared>> -> memref<10240x128xf32, #tpu.memory_space<vmem_shared>>
        tpu.enqueue_indirect_dma source(%arg6 : memref<128x128xf32, #tpu.memory_space<vmem>>) target(%dma_start3A_271 : memref<10240x128xf32, #tpu.memory_space<vmem_shared>>) offsets(%dma_start3A_268 : memref<128xi32, #tpu.memory_space<vmem>>) semaphore(%run_scoped3A_265 : memref<!tpu.dma_semaphore, #tpu.memory_space<semaphore_mem>>) {add = true}
        %dma_wait3A_272 = arith.constant 0 : i32
        %dma_wait3A_273 = tpu.memref_slice %arg5[%run_scoped3A_76, %dma_wait3A_272] : memref<32x128xi32, #tpu.memory_space<vmem>> -> memref<1x128xi32, #tpu.memory_space<vmem>>
        %dma_wait3A_274 = tpu.memref_squeeze %dma_wait3A_273 : memref<1x128xi32, #tpu.memory_space<vmem>> -> memref<128xi32, #tpu.memory_space<vmem>>
        %dma_wait3A_275 = arith.constant 0 : i32
        %dma_wait3A_276 = arith.constant 0 : i32
        %dma_wait3A_277 = tpu.memref_slice %arg8[%dma_wait3A_275, %dma_wait3A_276] : memref<10240x128xf32, #tpu.memory_space<vmem_shared>> -> memref<10240x128xf32, #tpu.memory_space<vmem_shared>>
        tpu.wait_indirect_dma semaphore(%run_scoped3A_265 : memref<!tpu.dma_semaphore, #tpu.memory_space<semaphore_mem>>) src(%arg6 : memref<128x128xf32, #tpu.memory_space<vmem>>) dst(%dma_wait3A_277 : memref<10240x128xf32, #tpu.memory_space<vmem_shared>>)
        tpu.yield
      }) : () -> ()
      %dma_start3A_77 = arith.constant 4 : i32
      %dma_start3A_78 = arith.constant 0 : i32
      %dma_start3A_79 = tpu.memref_slice %arg5[%dma_start3A_77, %dma_start3A_78] : memref<32x128xi32, #tpu.memory_space<vmem>> -> memref<1x128xi32, #tpu.memory_space<vmem>>
      %dma_start3A_80 = tpu.memref_squeeze %dma_start3A_79 : memref<1x128xi32, #tpu.memory_space<vmem>> -> memref<128xi32, #tpu.memory_space<vmem>>
      %dma_start3A_81 = arith.constant 0 : i32
      %dma_start3A_82 = arith.constant 0 : i32
      %dma_start3A_83 = tpu.memref_slice %arg2[%dma_start3A_81, %dma_start3A_82] : memref<10240x128xf32, #tpu.memory_space<hbm>> -> memref<10240x128xf32, #tpu.memory_space<hbm>>
      tpu.enqueue_indirect_dma source(%dma_start3A_83 : memref<10240x128xf32, #tpu.memory_space<hbm>>) target(%arg6 : memref<128x128xf32, #tpu.memory_space<vmem>>) offsets(%dma_start3A_80 : memref<128xi32, #tpu.memory_space<vmem>>) semaphore(%arg9 : memref<!tpu.dma_semaphore, #tpu.memory_space<semaphore_mem>>)
      %dma_wait3A_84 = arith.constant 3 : i32
      %dma_wait3A_85 = arith.constant 0 : i32
      %dma_wait3A_86 = tpu.memref_slice %arg5[%dma_wait3A_84, %dma_wait3A_85] : memref<32x128xi32, #tpu.memory_space<vmem>> -> memref<1x128xi32, #tpu.memory_space<vmem>>
      %dma_wait3A_87 = tpu.memref_squeeze %dma_wait3A_86 : memref<1x128xi32, #tpu.memory_space<vmem>> -> memref<128xi32, #tpu.memory_space<vmem>>
      %dma_wait3A_88 = arith.constant 0 : i32
      %dma_wait3A_89 = arith.constant 0 : i32
      %dma_wait3A_90 = tpu.memref_slice %arg2[%dma_wait3A_88, %dma_wait3A_89] : memref<10240x128xf32, #tpu.memory_space<hbm>> -> memref<10240x128xf32, #tpu.memory_space<hbm>>
      tpu.wait_indirect_dma semaphore(%arg10 : memref<!tpu.dma_semaphore, #tpu.memory_space<semaphore_mem>>) src(%dma_wait3A_90 : memref<10240x128xf32, #tpu.memory_space<hbm>>) dst(%arg7 : memref<128x128xf32, #tpu.memory_space<vmem>>)
      %run_scoped3A_91 = arith.constant 11 : i32
      "tpu.region"() ({
        %run_scoped3A_265 = tpu.sem_alloc : memref<!tpu.dma_semaphore, #tpu.memory_space<semaphore_mem>>
        %dma_start3A_266 = arith.constant 0 : i32
        %dma_start3A_267 = tpu.memref_slice %arg5[%run_scoped3A_91, %dma_start3A_266] : memref<32x128xi32, #tpu.memory_space<vmem>> -> memref<1x128xi32, #tpu.memory_space<vmem>>
        %dma_start3A_268 = tpu.memref_squeeze %dma_start3A_267 : memref<1x128xi32, #tpu.memory_space<vmem>> -> memref<128xi32, #tpu.memory_space<vmem>>
        %dma_start3A_269 = arith.constant 0 : i32
        %dma_start3A_270 = arith.constant 0 : i32
        %dma_start3A_271 = tpu.memref_slice %arg8[%dma_start3A_269, %dma_start3A_270] : memref<10240x128xf32, #tpu.memory_space<vmem_shared>> -> memref<10240x128xf32, #tpu.memory_space<vmem_shared>>
        tpu.enqueue_indirect_dma source(%arg7 : memref<128x128xf32, #tpu.memory_space<vmem>>) target(%dma_start3A_271 : memref<10240x128xf32, #tpu.memory_space<vmem_shared>>) offsets(%dma_start3A_268 : memref<128xi32, #tpu.memory_space<vmem>>) semaphore(%run_scoped3A_265 : memref<!tpu.dma_semaphore, #tpu.memory_space<semaphore_mem>>) {add = true}
        %dma_wait3A_272 = arith.constant 0 : i32
        %dma_wait3A_273 = tpu.memref_slice %arg5[%run_scoped3A_91, %dma_wait3A_272] : memref<32x128xi32, #tpu.memory_space<vmem>> -> memref<1x128xi32, #tpu.memory_space<vmem>>
        %dma_wait3A_274 = tpu.memref_squeeze %dma_wait3A_273 : memref<1x128xi32, #tpu.memory_space<vmem>> -> memref<128xi32, #tpu.memory_space<vmem>>
        %dma_wait3A_275 = arith.constant 0 : i32
        %dma_wait3A_276 = arith.constant 0 : i32
        %dma_wait3A_277 = tpu.memref_slice %arg8[%dma_wait3A_275, %dma_wait3A_276] : memref<10240x128xf32, #tpu.memory_space<vmem_shared>> -> memref<10240x128xf32, #tpu.memory_space<vmem_shared>>
        tpu.wait_indirect_dma semaphore(%run_scoped3A_265 : memref<!tpu.dma_semaphore, #tpu.memory_space<semaphore_mem>>) src(%arg7 : memref<128x128xf32, #tpu.memory_space<vmem>>) dst(%dma_wait3A_277 : memref<10240x128xf32, #tpu.memory_space<vmem_shared>>)
        tpu.yield
      }) : () -> ()
      %dma_start3A_92 = arith.constant 5 : i32
      %dma_start3A_93 = arith.constant 0 : i32
      %dma_start3A_94 = tpu.memref_slice %arg5[%dma_start3A_92, %dma_start3A_93] : memref<32x128xi32, #tpu.memory_space<vmem>> -> memref<1x128xi32, #tpu.memory_space<vmem>>
      %dma_start3A_95 = tpu.memref_squeeze %dma_start3A_94 : memref<1x128xi32, #tpu.memory_space<vmem>> -> memref<128xi32, #tpu.memory_space<vmem>>
      %dma_start3A_96 = arith.constant 0 : i32
      %dma_start3A_97 = arith.constant 0 : i32
      %dma_start3A_98 = tpu.memref_slice %arg2[%dma_start3A_96, %dma_start3A_97] : memref<10240x128xf32, #tpu.memory_space<hbm>> -> memref<10240x128xf32, #tpu.memory_space<hbm>>
      tpu.enqueue_indirect_dma source(%dma_start3A_98 : memref<10240x128xf32, #tpu.memory_space<hbm>>) target(%arg7 : memref<128x128xf32, #tpu.memory_space<vmem>>) offsets(%dma_start3A_95 : memref<128xi32, #tpu.memory_space<vmem>>) semaphore(%arg10 : memref<!tpu.dma_semaphore, #tpu.memory_space<semaphore_mem>>)
      %dma_wait3A_99 = arith.constant 4 : i32
      %dma_wait3A_100 = arith.constant 0 : i32
      %dma_wait3A_101 = tpu.memref_slice %arg5[%dma_wait3A_99, %dma_wait3A_100] : memref<32x128xi32, #tpu.memory_space<vmem>> -> memref<1x128xi32, #tpu.memory_space<vmem>>
      %dma_wait3A_102 = tpu.memref_squeeze %dma_wait3A_101 : memref<1x128xi32, #tpu.memory_space<vmem>> -> memref<128xi32, #tpu.memory_space<vmem>>
      %dma_wait3A_103 = arith.constant 0 : i32
      %dma_wait3A_104 = arith.constant 0 : i32
      %dma_wait3A_105 = tpu.memref_slice %arg2[%dma_wait3A_103, %dma_wait3A_104] : memref<10240x128xf32, #tpu.memory_space<hbm>> -> memref<10240x128xf32, #tpu.memory_space<hbm>>
      tpu.wait_indirect_dma semaphore(%arg9 : memref<!tpu.dma_semaphore, #tpu.memory_space<semaphore_mem>>) src(%dma_wait3A_105 : memref<10240x128xf32, #tpu.memory_space<hbm>>) dst(%arg6 : memref<128x128xf32, #tpu.memory_space<vmem>>)
      %run_scoped3A_106 = arith.constant 12 : i32
      "tpu.region"() ({
        %run_scoped3A_265 = tpu.sem_alloc : memref<!tpu.dma_semaphore, #tpu.memory_space<semaphore_mem>>
        %dma_start3A_266 = arith.constant 0 : i32
        %dma_start3A_267 = tpu.memref_slice %arg5[%run_scoped3A_106, %dma_start3A_266] : memref<32x128xi32, #tpu.memory_space<vmem>> -> memref<1x128xi32, #tpu.memory_space<vmem>>
        %dma_start3A_268 = tpu.memref_squeeze %dma_start3A_267 : memref<1x128xi32, #tpu.memory_space<vmem>> -> memref<128xi32, #tpu.memory_space<vmem>>
        %dma_start3A_269 = arith.constant 0 : i32
        %dma_start3A_270 = arith.constant 0 : i32
        %dma_start3A_271 = tpu.memref_slice %arg8[%dma_start3A_269, %dma_start3A_270] : memref<10240x128xf32, #tpu.memory_space<vmem_shared>> -> memref<10240x128xf32, #tpu.memory_space<vmem_shared>>
        tpu.enqueue_indirect_dma source(%arg6 : memref<128x128xf32, #tpu.memory_space<vmem>>) target(%dma_start3A_271 : memref<10240x128xf32, #tpu.memory_space<vmem_shared>>) offsets(%dma_start3A_268 : memref<128xi32, #tpu.memory_space<vmem>>) semaphore(%run_scoped3A_265 : memref<!tpu.dma_semaphore, #tpu.memory_space<semaphore_mem>>) {add = true}
        %dma_wait3A_272 = arith.constant 0 : i32
        %dma_wait3A_273 = tpu.memref_slice %arg5[%run_scoped3A_106, %dma_wait3A_272] : memref<32x128xi32, #tpu.memory_space<vmem>> -> memref<1x128xi32, #tpu.memory_space<vmem>>
        %dma_wait3A_274 = tpu.memref_squeeze %dma_wait3A_273 : memref<1x128xi32, #tpu.memory_space<vmem>> -> memref<128xi32, #tpu.memory_space<vmem>>
        %dma_wait3A_275 = arith.constant 0 : i32
        %dma_wait3A_276 = arith.constant 0 : i32
        %dma_wait3A_277 = tpu.memref_slice %arg8[%dma_wait3A_275, %dma_wait3A_276] : memref<10240x128xf32, #tpu.memory_space<vmem_shared>> -> memref<10240x128xf32, #tpu.memory_space<vmem_shared>>
        tpu.wait_indirect_dma semaphore(%run_scoped3A_265 : memref<!tpu.dma_semaphore, #tpu.memory_space<semaphore_mem>>) src(%arg6 : memref<128x128xf32, #tpu.memory_space<vmem>>) dst(%dma_wait3A_277 : memref<10240x128xf32, #tpu.memory_space<vmem_shared>>)
        tpu.yield
      }) : () -> ()
      %dma_start3A_107 = arith.constant 6 : i32
      %dma_start3A_108 = arith.constant 0 : i32
      %dma_start3A_109 = tpu.memref_slice %arg5[%dma_start3A_107, %dma_start3A_108] : memref<32x128xi32, #tpu.memory_space<vmem>> -> memref<1x128xi32, #tpu.memory_space<vmem>>
      %dma_start3A_110 = tpu.memref_squeeze %dma_start3A_109 : memref<1x128xi32, #tpu.memory_space<vmem>> -> memref<128xi32, #tpu.memory_space<vmem>>
      %dma_start3A_111 = arith.constant 0 : i32
      %dma_start3A_112 = arith.constant 0 : i32
      %dma_start3A_113 = tpu.memref_slice %arg2[%dma_start3A_111, %dma_start3A_112] : memref<10240x128xf32, #tpu.memory_space<hbm>> -> memref<10240x128xf32, #tpu.memory_space<hbm>>
      tpu.enqueue_indirect_dma source(%dma_start3A_113 : memref<10240x128xf32, #tpu.memory_space<hbm>>) target(%arg6 : memref<128x128xf32, #tpu.memory_space<vmem>>) offsets(%dma_start3A_110 : memref<128xi32, #tpu.memory_space<vmem>>) semaphore(%arg9 : memref<!tpu.dma_semaphore, #tpu.memory_space<semaphore_mem>>)
      %dma_wait3A_114 = arith.constant 5 : i32
      %dma_wait3A_115 = arith.constant 0 : i32
      %dma_wait3A_116 = tpu.memref_slice %arg5[%dma_wait3A_114, %dma_wait3A_115] : memref<32x128xi32, #tpu.memory_space<vmem>> -> memref<1x128xi32, #tpu.memory_space<vmem>>
      %dma_wait3A_117 = tpu.memref_squeeze %dma_wait3A_116 : memref<1x128xi32, #tpu.memory_space<vmem>> -> memref<128xi32, #tpu.memory_space<vmem>>
      %dma_wait3A_118 = arith.constant 0 : i32
      %dma_wait3A_119 = arith.constant 0 : i32
      %dma_wait3A_120 = tpu.memref_slice %arg2[%dma_wait3A_118, %dma_wait3A_119] : memref<10240x128xf32, #tpu.memory_space<hbm>> -> memref<10240x128xf32, #tpu.memory_space<hbm>>
      tpu.wait_indirect_dma semaphore(%arg10 : memref<!tpu.dma_semaphore, #tpu.memory_space<semaphore_mem>>) src(%dma_wait3A_120 : memref<10240x128xf32, #tpu.memory_space<hbm>>) dst(%arg7 : memref<128x128xf32, #tpu.memory_space<vmem>>)
      %run_scoped3A_121 = arith.constant 13 : i32
      "tpu.region"() ({
        %run_scoped3A_265 = tpu.sem_alloc : memref<!tpu.dma_semaphore, #tpu.memory_space<semaphore_mem>>
        %dma_start3A_266 = arith.constant 0 : i32
        %dma_start3A_267 = tpu.memref_slice %arg5[%run_scoped3A_121, %dma_start3A_266] : memref<32x128xi32, #tpu.memory_space<vmem>> -> memref<1x128xi32, #tpu.memory_space<vmem>>
        %dma_start3A_268 = tpu.memref_squeeze %dma_start3A_267 : memref<1x128xi32, #tpu.memory_space<vmem>> -> memref<128xi32, #tpu.memory_space<vmem>>
        %dma_start3A_269 = arith.constant 0 : i32
        %dma_start3A_270 = arith.constant 0 : i32
        %dma_start3A_271 = tpu.memref_slice %arg8[%dma_start3A_269, %dma_start3A_270] : memref<10240x128xf32, #tpu.memory_space<vmem_shared>> -> memref<10240x128xf32, #tpu.memory_space<vmem_shared>>
        tpu.enqueue_indirect_dma source(%arg7 : memref<128x128xf32, #tpu.memory_space<vmem>>) target(%dma_start3A_271 : memref<10240x128xf32, #tpu.memory_space<vmem_shared>>) offsets(%dma_start3A_268 : memref<128xi32, #tpu.memory_space<vmem>>) semaphore(%run_scoped3A_265 : memref<!tpu.dma_semaphore, #tpu.memory_space<semaphore_mem>>) {add = true}
        %dma_wait3A_272 = arith.constant 0 : i32
        %dma_wait3A_273 = tpu.memref_slice %arg5[%run_scoped3A_121, %dma_wait3A_272] : memref<32x128xi32, #tpu.memory_space<vmem>> -> memref<1x128xi32, #tpu.memory_space<vmem>>
        %dma_wait3A_274 = tpu.memref_squeeze %dma_wait3A_273 : memref<1x128xi32, #tpu.memory_space<vmem>> -> memref<128xi32, #tpu.memory_space<vmem>>
        %dma_wait3A_275 = arith.constant 0 : i32
        %dma_wait3A_276 = arith.constant 0 : i32
        %dma_wait3A_277 = tpu.memref_slice %arg8[%dma_wait3A_275, %dma_wait3A_276] : memref<10240x128xf32, #tpu.memory_space<vmem_shared>> -> memref<10240x128xf32, #tpu.memory_space<vmem_shared>>
        tpu.wait_indirect_dma semaphore(%run_scoped3A_265 : memref<!tpu.dma_semaphore, #tpu.memory_space<semaphore_mem>>) src(%arg7 : memref<128x128xf32, #tpu.memory_space<vmem>>) dst(%dma_wait3A_277 : memref<10240x128xf32, #tpu.memory_space<vmem_shared>>)
        tpu.yield
      }) : () -> ()
      %dma_start3A_122 = arith.constant 7 : i32
      %dma_start3A_123 = arith.constant 0 : i32
      %dma_start3A_124 = tpu.memref_slice %arg5[%dma_start3A_122, %dma_start3A_123] : memref<32x128xi32, #tpu.memory_space<vmem>> -> memref<1x128xi32, #tpu.memory_space<vmem>>
      %dma_start3A_125 = tpu.memref_squeeze %dma_start3A_124 : memref<1x128xi32, #tpu.memory_space<vmem>> -> memref<128xi32, #tpu.memory_space<vmem>>
      %dma_start3A_126 = arith.constant 0 : i32
      %dma_start3A_127 = arith.constant 0 : i32
      %dma_start3A_128 = tpu.memref_slice %arg2[%dma_start3A_126, %dma_start3A_127] : memref<10240x128xf32, #tpu.memory_space<hbm>> -> memref<10240x128xf32, #tpu.memory_space<hbm>>
      tpu.enqueue_indirect_dma source(%dma_start3A_128 : memref<10240x128xf32, #tpu.memory_space<hbm>>) target(%arg7 : memref<128x128xf32, #tpu.memory_space<vmem>>) offsets(%dma_start3A_125 : memref<128xi32, #tpu.memory_space<vmem>>) semaphore(%arg10 : memref<!tpu.dma_semaphore, #tpu.memory_space<semaphore_mem>>)
      %dma_wait3A_129 = arith.constant 6 : i32
      %dma_wait3A_130 = arith.constant 0 : i32
      %dma_wait3A_131 = tpu.memref_slice %arg5[%dma_wait3A_129, %dma_wait3A_130] : memref<32x128xi32, #tpu.memory_space<vmem>> -> memref<1x128xi32, #tpu.memory_space<vmem>>
      %dma_wait3A_132 = tpu.memref_squeeze %dma_wait3A_131 : memref<1x128xi32, #tpu.memory_space<vmem>> -> memref<128xi32, #tpu.memory_space<vmem>>
      %dma_wait3A_133 = arith.constant 0 : i32
      %dma_wait3A_134 = arith.constant 0 : i32
      %dma_wait3A_135 = tpu.memref_slice %arg2[%dma_wait3A_133, %dma_wait3A_134] : memref<10240x128xf32, #tpu.memory_space<hbm>> -> memref<10240x128xf32, #tpu.memory_space<hbm>>
      tpu.wait_indirect_dma semaphore(%arg9 : memref<!tpu.dma_semaphore, #tpu.memory_space<semaphore_mem>>) src(%dma_wait3A_135 : memref<10240x128xf32, #tpu.memory_space<hbm>>) dst(%arg6 : memref<128x128xf32, #tpu.memory_space<vmem>>)
      %run_scoped3A_136 = arith.constant 14 : i32
      "tpu.region"() ({
        %run_scoped3A_265 = tpu.sem_alloc : memref<!tpu.dma_semaphore, #tpu.memory_space<semaphore_mem>>
        %dma_start3A_266 = arith.constant 0 : i32
        %dma_start3A_267 = tpu.memref_slice %arg5[%run_scoped3A_136, %dma_start3A_266] : memref<32x128xi32, #tpu.memory_space<vmem>> -> memref<1x128xi32, #tpu.memory_space<vmem>>
        %dma_start3A_268 = tpu.memref_squeeze %dma_start3A_267 : memref<1x128xi32, #tpu.memory_space<vmem>> -> memref<128xi32, #tpu.memory_space<vmem>>
        %dma_start3A_269 = arith.constant 0 : i32
        %dma_start3A_270 = arith.constant 0 : i32
        %dma_start3A_271 = tpu.memref_slice %arg8[%dma_start3A_269, %dma_start3A_270] : memref<10240x128xf32, #tpu.memory_space<vmem_shared>> -> memref<10240x128xf32, #tpu.memory_space<vmem_shared>>
        tpu.enqueue_indirect_dma source(%arg6 : memref<128x128xf32, #tpu.memory_space<vmem>>) target(%dma_start3A_271 : memref<10240x128xf32, #tpu.memory_space<vmem_shared>>) offsets(%dma_start3A_268 : memref<128xi32, #tpu.memory_space<vmem>>) semaphore(%run_scoped3A_265 : memref<!tpu.dma_semaphore, #tpu.memory_space<semaphore_mem>>) {add = true}
        %dma_wait3A_272 = arith.constant 0 : i32
        %dma_wait3A_273 = tpu.memref_slice %arg5[%run_scoped3A_136, %dma_wait3A_272] : memref<32x128xi32, #tpu.memory_space<vmem>> -> memref<1x128xi32, #tpu.memory_space<vmem>>
        %dma_wait3A_274 = tpu.memref_squeeze %dma_wait3A_273 : memref<1x128xi32, #tpu.memory_space<vmem>> -> memref<128xi32, #tpu.memory_space<vmem>>
        %dma_wait3A_275 = arith.constant 0 : i32
        %dma_wait3A_276 = arith.constant 0 : i32
        %dma_wait3A_277 = tpu.memref_slice %arg8[%dma_wait3A_275, %dma_wait3A_276] : memref<10240x128xf32, #tpu.memory_space<vmem_shared>> -> memref<10240x128xf32, #tpu.memory_space<vmem_shared>>
        tpu.wait_indirect_dma semaphore(%run_scoped3A_265 : memref<!tpu.dma_semaphore, #tpu.memory_space<semaphore_mem>>) src(%arg6 : memref<128x128xf32, #tpu.memory_space<vmem>>) dst(%dma_wait3A_277 : memref<10240x128xf32, #tpu.memory_space<vmem_shared>>)
        tpu.yield
      }) : () -> ()
      %dma_start3A_137 = arith.constant 16 : i32
      %dma_start3A_138 = arith.constant 0 : i32
      %dma_start3A_139 = tpu.memref_slice %arg5[%dma_start3A_137, %dma_start3A_138] : memref<32x128xi32, #tpu.memory_space<vmem>> -> memref<1x128xi32, #tpu.memory_space<vmem>>
      %dma_start3A_140 = tpu.memref_squeeze %dma_start3A_139 : memref<1x128xi32, #tpu.memory_space<vmem>> -> memref<128xi32, #tpu.memory_space<vmem>>
      %dma_start3A_141 = arith.constant 0 : i32
      %dma_start3A_142 = arith.constant 0 : i32
      %dma_start3A_143 = tpu.memref_slice %arg2[%dma_start3A_141, %dma_start3A_142] : memref<10240x128xf32, #tpu.memory_space<hbm>> -> memref<10240x128xf32, #tpu.memory_space<hbm>>
      tpu.enqueue_indirect_dma source(%dma_start3A_143 : memref<10240x128xf32, #tpu.memory_space<hbm>>) target(%arg6 : memref<128x128xf32, #tpu.memory_space<vmem>>) offsets(%dma_start3A_140 : memref<128xi32, #tpu.memory_space<vmem>>) semaphore(%arg9 : memref<!tpu.dma_semaphore, #tpu.memory_space<semaphore_mem>>)
      %dma_wait3A_144 = arith.constant 7 : i32
      %dma_wait3A_145 = arith.constant 0 : i32
      %dma_wait3A_146 = tpu.memref_slice %arg5[%dma_wait3A_144, %dma_wait3A_145] : memref<32x128xi32, #tpu.memory_space<vmem>> -> memref<1x128xi32, #tpu.memory_space<vmem>>
      %dma_wait3A_147 = tpu.memref_squeeze %dma_wait3A_146 : memref<1x128xi32, #tpu.memory_space<vmem>> -> memref<128xi32, #tpu.memory_space<vmem>>
      %dma_wait3A_148 = arith.constant 0 : i32
      %dma_wait3A_149 = arith.constant 0 : i32
      %dma_wait3A_150 = tpu.memref_slice %arg2[%dma_wait3A_148, %dma_wait3A_149] : memref<10240x128xf32, #tpu.memory_space<hbm>> -> memref<10240x128xf32, #tpu.memory_space<hbm>>
      tpu.wait_indirect_dma semaphore(%arg10 : memref<!tpu.dma_semaphore, #tpu.memory_space<semaphore_mem>>) src(%dma_wait3A_150 : memref<10240x128xf32, #tpu.memory_space<hbm>>) dst(%arg7 : memref<128x128xf32, #tpu.memory_space<vmem>>)
      %run_scoped3A_151 = arith.constant 15 : i32
      "tpu.region"() ({
        %run_scoped3A_265 = tpu.sem_alloc : memref<!tpu.dma_semaphore, #tpu.memory_space<semaphore_mem>>
        %dma_start3A_266 = arith.constant 0 : i32
        %dma_start3A_267 = tpu.memref_slice %arg5[%run_scoped3A_151, %dma_start3A_266] : memref<32x128xi32, #tpu.memory_space<vmem>> -> memref<1x128xi32, #tpu.memory_space<vmem>>
        %dma_start3A_268 = tpu.memref_squeeze %dma_start3A_267 : memref<1x128xi32, #tpu.memory_space<vmem>> -> memref<128xi32, #tpu.memory_space<vmem>>
        %dma_start3A_269 = arith.constant 0 : i32
        %dma_start3A_270 = arith.constant 0 : i32
        %dma_start3A_271 = tpu.memref_slice %arg8[%dma_start3A_269, %dma_start3A_270] : memref<10240x128xf32, #tpu.memory_space<vmem_shared>> -> memref<10240x128xf32, #tpu.memory_space<vmem_shared>>
        tpu.enqueue_indirect_dma source(%arg7 : memref<128x128xf32, #tpu.memory_space<vmem>>) target(%dma_start3A_271 : memref<10240x128xf32, #tpu.memory_space<vmem_shared>>) offsets(%dma_start3A_268 : memref<128xi32, #tpu.memory_space<vmem>>) semaphore(%run_scoped3A_265 : memref<!tpu.dma_semaphore, #tpu.memory_space<semaphore_mem>>) {add = true}
        %dma_wait3A_272 = arith.constant 0 : i32
        %dma_wait3A_273 = tpu.memref_slice %arg5[%run_scoped3A_151, %dma_wait3A_272] : memref<32x128xi32, #tpu.memory_space<vmem>> -> memref<1x128xi32, #tpu.memory_space<vmem>>
        %dma_wait3A_274 = tpu.memref_squeeze %dma_wait3A_273 : memref<1x128xi32, #tpu.memory_space<vmem>> -> memref<128xi32, #tpu.memory_space<vmem>>
        %dma_wait3A_275 = arith.constant 0 : i32
        %dma_wait3A_276 = arith.constant 0 : i32
        %dma_wait3A_277 = tpu.memref_slice %arg8[%dma_wait3A_275, %dma_wait3A_276] : memref<10240x128xf32, #tpu.memory_space<vmem_shared>> -> memref<10240x128xf32, #tpu.memory_space<vmem_shared>>
        tpu.wait_indirect_dma semaphore(%run_scoped3A_265 : memref<!tpu.dma_semaphore, #tpu.memory_space<semaphore_mem>>) src(%arg7 : memref<128x128xf32, #tpu.memory_space<vmem>>) dst(%dma_wait3A_277 : memref<10240x128xf32, #tpu.memory_space<vmem_shared>>)
        tpu.yield
      }) : () -> ()
      %dma_start3A_152 = arith.constant 17 : i32
      %dma_start3A_153 = arith.constant 0 : i32
      %dma_start3A_154 = tpu.memref_slice %arg5[%dma_start3A_152, %dma_start3A_153] : memref<32x128xi32, #tpu.memory_space<vmem>> -> memref<1x128xi32, #tpu.memory_space<vmem>>
      %dma_start3A_155 = tpu.memref_squeeze %dma_start3A_154 : memref<1x128xi32, #tpu.memory_space<vmem>> -> memref<128xi32, #tpu.memory_space<vmem>>
      %dma_start3A_156 = arith.constant 0 : i32
      %dma_start3A_157 = arith.constant 0 : i32
      %dma_start3A_158 = tpu.memref_slice %arg2[%dma_start3A_156, %dma_start3A_157] : memref<10240x128xf32, #tpu.memory_space<hbm>> -> memref<10240x128xf32, #tpu.memory_space<hbm>>
      tpu.enqueue_indirect_dma source(%dma_start3A_158 : memref<10240x128xf32, #tpu.memory_space<hbm>>) target(%arg7 : memref<128x128xf32, #tpu.memory_space<vmem>>) offsets(%dma_start3A_155 : memref<128xi32, #tpu.memory_space<vmem>>) semaphore(%arg10 : memref<!tpu.dma_semaphore, #tpu.memory_space<semaphore_mem>>)
      %dma_wait3A_159 = arith.constant 16 : i32
      %dma_wait3A_160 = arith.constant 0 : i32
      %dma_wait3A_161 = tpu.memref_slice %arg5[%dma_wait3A_159, %dma_wait3A_160] : memref<32x128xi32, #tpu.memory_space<vmem>> -> memref<1x128xi32, #tpu.memory_space<vmem>>
      %dma_wait3A_162 = tpu.memref_squeeze %dma_wait3A_161 : memref<1x128xi32, #tpu.memory_space<vmem>> -> memref<128xi32, #tpu.memory_space<vmem>>
      %dma_wait3A_163 = arith.constant 0 : i32
      %dma_wait3A_164 = arith.constant 0 : i32
      %dma_wait3A_165 = tpu.memref_slice %arg2[%dma_wait3A_163, %dma_wait3A_164] : memref<10240x128xf32, #tpu.memory_space<hbm>> -> memref<10240x128xf32, #tpu.memory_space<hbm>>
      tpu.wait_indirect_dma semaphore(%arg9 : memref<!tpu.dma_semaphore, #tpu.memory_space<semaphore_mem>>) src(%dma_wait3A_165 : memref<10240x128xf32, #tpu.memory_space<hbm>>) dst(%arg6 : memref<128x128xf32, #tpu.memory_space<vmem>>)
      %run_scoped3A_166 = arith.constant 24 : i32
      "tpu.region"() ({
        %run_scoped3A_265 = tpu.sem_alloc : memref<!tpu.dma_semaphore, #tpu.memory_space<semaphore_mem>>
        %dma_start3A_266 = arith.constant 0 : i32
        %dma_start3A_267 = tpu.memref_slice %arg5[%run_scoped3A_166, %dma_start3A_266] : memref<32x128xi32, #tpu.memory_space<vmem>> -> memref<1x128xi32, #tpu.memory_space<vmem>>
        %dma_start3A_268 = tpu.memref_squeeze %dma_start3A_267 : memref<1x128xi32, #tpu.memory_space<vmem>> -> memref<128xi32, #tpu.memory_space<vmem>>
        %dma_start3A_269 = arith.constant 0 : i32
        %dma_start3A_270 = arith.constant 0 : i32
        %dma_start3A_271 = tpu.memref_slice %arg8[%dma_start3A_269, %dma_start3A_270] : memref<10240x128xf32, #tpu.memory_space<vmem_shared>> -> memref<10240x128xf32, #tpu.memory_space<vmem_shared>>
        tpu.enqueue_indirect_dma source(%arg6 : memref<128x128xf32, #tpu.memory_space<vmem>>) target(%dma_start3A_271 : memref<10240x128xf32, #tpu.memory_space<vmem_shared>>) offsets(%dma_start3A_268 : memref<128xi32, #tpu.memory_space<vmem>>) semaphore(%run_scoped3A_265 : memref<!tpu.dma_semaphore, #tpu.memory_space<semaphore_mem>>) {add = true}
        %dma_wait3A_272 = arith.constant 0 : i32
        %dma_wait3A_273 = tpu.memref_slice %arg5[%run_scoped3A_166, %dma_wait3A_272] : memref<32x128xi32, #tpu.memory_space<vmem>> -> memref<1x128xi32, #tpu.memory_space<vmem>>
        %dma_wait3A_274 = tpu.memref_squeeze %dma_wait3A_273 : memref<1x128xi32, #tpu.memory_space<vmem>> -> memref<128xi32, #tpu.memory_space<vmem>>
        %dma_wait3A_275 = arith.constant 0 : i32
        %dma_wait3A_276 = arith.constant 0 : i32
        %dma_wait3A_277 = tpu.memref_slice %arg8[%dma_wait3A_275, %dma_wait3A_276] : memref<10240x128xf32, #tpu.memory_space<vmem_shared>> -> memref<10240x128xf32, #tpu.memory_space<vmem_shared>>
        tpu.wait_indirect_dma semaphore(%run_scoped3A_265 : memref<!tpu.dma_semaphore, #tpu.memory_space<semaphore_mem>>) src(%arg6 : memref<128x128xf32, #tpu.memory_space<vmem>>) dst(%dma_wait3A_277 : memref<10240x128xf32, #tpu.memory_space<vmem_shared>>)
        tpu.yield
      }) : () -> ()
      %dma_start3A_167 = arith.constant 18 : i32
      %dma_start3A_168 = arith.constant 0 : i32
      %dma_start3A_169 = tpu.memref_slice %arg5[%dma_start3A_167, %dma_start3A_168] : memref<32x128xi32, #tpu.memory_space<vmem>> -> memref<1x128xi32, #tpu.memory_space<vmem>>
      %dma_start3A_170 = tpu.memref_squeeze %dma_start3A_169 : memref<1x128xi32, #tpu.memory_space<vmem>> -> memref<128xi32, #tpu.memory_space<vmem>>
      %dma_start3A_171 = arith.constant 0 : i32
      %dma_start3A_172 = arith.constant 0 : i32
      %dma_start3A_173 = tpu.memref_slice %arg2[%dma_start3A_171, %dma_start3A_172] : memref<10240x128xf32, #tpu.memory_space<hbm>> -> memref<10240x128xf32, #tpu.memory_space<hbm>>
      tpu.enqueue_indirect_dma source(%dma_start3A_173 : memref<10240x128xf32, #tpu.memory_space<hbm>>) target(%arg6 : memref<128x128xf32, #tpu.memory_space<vmem>>) offsets(%dma_start3A_170 : memref<128xi32, #tpu.memory_space<vmem>>) semaphore(%arg9 : memref<!tpu.dma_semaphore, #tpu.memory_space<semaphore_mem>>)
      %dma_wait3A_174 = arith.constant 17 : i32
      %dma_wait3A_175 = arith.constant 0 : i32
      %dma_wait3A_176 = tpu.memref_slice %arg5[%dma_wait3A_174, %dma_wait3A_175] : memref<32x128xi32, #tpu.memory_space<vmem>> -> memref<1x128xi32, #tpu.memory_space<vmem>>
      %dma_wait3A_177 = tpu.memref_squeeze %dma_wait3A_176 : memref<1x128xi32, #tpu.memory_space<vmem>> -> memref<128xi32, #tpu.memory_space<vmem>>
      %dma_wait3A_178 = arith.constant 0 : i32
      %dma_wait3A_179 = arith.constant 0 : i32
      %dma_wait3A_180 = tpu.memref_slice %arg2[%dma_wait3A_178, %dma_wait3A_179] : memref<10240x128xf32, #tpu.memory_space<hbm>> -> memref<10240x128xf32, #tpu.memory_space<hbm>>
      tpu.wait_indirect_dma semaphore(%arg10 : memref<!tpu.dma_semaphore, #tpu.memory_space<semaphore_mem>>) src(%dma_wait3A_180 : memref<10240x128xf32, #tpu.memory_space<hbm>>) dst(%arg7 : memref<128x128xf32, #tpu.memory_space<vmem>>)
      %run_scoped3A_181 = arith.constant 25 : i32
      "tpu.region"() ({
        %run_scoped3A_265 = tpu.sem_alloc : memref<!tpu.dma_semaphore, #tpu.memory_space<semaphore_mem>>
        %dma_start3A_266 = arith.constant 0 : i32
        %dma_start3A_267 = tpu.memref_slice %arg5[%run_scoped3A_181, %dma_start3A_266] : memref<32x128xi32, #tpu.memory_space<vmem>> -> memref<1x128xi32, #tpu.memory_space<vmem>>
        %dma_start3A_268 = tpu.memref_squeeze %dma_start3A_267 : memref<1x128xi32, #tpu.memory_space<vmem>> -> memref<128xi32, #tpu.memory_space<vmem>>
        %dma_start3A_269 = arith.constant 0 : i32
        %dma_start3A_270 = arith.constant 0 : i32
        %dma_start3A_271 = tpu.memref_slice %arg8[%dma_start3A_269, %dma_start3A_270] : memref<10240x128xf32, #tpu.memory_space<vmem_shared>> -> memref<10240x128xf32, #tpu.memory_space<vmem_shared>>
        tpu.enqueue_indirect_dma source(%arg7 : memref<128x128xf32, #tpu.memory_space<vmem>>) target(%dma_start3A_271 : memref<10240x128xf32, #tpu.memory_space<vmem_shared>>) offsets(%dma_start3A_268 : memref<128xi32, #tpu.memory_space<vmem>>) semaphore(%run_scoped3A_265 : memref<!tpu.dma_semaphore, #tpu.memory_space<semaphore_mem>>) {add = true}
        %dma_wait3A_272 = arith.constant 0 : i32
        %dma_wait3A_273 = tpu.memref_slice %arg5[%run_scoped3A_181, %dma_wait3A_272] : memref<32x128xi32, #tpu.memory_space<vmem>> -> memref<1x128xi32, #tpu.memory_space<vmem>>
        %dma_wait3A_274 = tpu.memref_squeeze %dma_wait3A_273 : memref<1x128xi32, #tpu.memory_space<vmem>> -> memref<128xi32, #tpu.memory_space<vmem>>
        %dma_wait3A_275 = arith.constant 0 : i32
        %dma_wait3A_276 = arith.constant 0 : i32
        %dma_wait3A_277 = tpu.memref_slice %arg8[%dma_wait3A_275, %dma_wait3A_276] : memref<10240x128xf32, #tpu.memory_space<vmem_shared>> -> memref<10240x128xf32, #tpu.memory_space<vmem_shared>>
        tpu.wait_indirect_dma semaphore(%run_scoped3A_265 : memref<!tpu.dma_semaphore, #tpu.memory_space<semaphore_mem>>) src(%arg7 : memref<128x128xf32, #tpu.memory_space<vmem>>) dst(%dma_wait3A_277 : memref<10240x128xf32, #tpu.memory_space<vmem_shared>>)
        tpu.yield
      }) : () -> ()
      %dma_start3A_182 = arith.constant 19 : i32
      %dma_start3A_183 = arith.constant 0 : i32
      %dma_start3A_184 = tpu.memref_slice %arg5[%dma_start3A_182, %dma_start3A_183] : memref<32x128xi32, #tpu.memory_space<vmem>> -> memref<1x128xi32, #tpu.memory_space<vmem>>
      %dma_start3A_185 = tpu.memref_squeeze %dma_start3A_184 : memref<1x128xi32, #tpu.memory_space<vmem>> -> memref<128xi32, #tpu.memory_space<vmem>>
      %dma_start3A_186 = arith.constant 0 : i32
      %dma_start3A_187 = arith.constant 0 : i32
      %dma_start3A_188 = tpu.memref_slice %arg2[%dma_start3A_186, %dma_start3A_187] : memref<10240x128xf32, #tpu.memory_space<hbm>> -> memref<10240x128xf32, #tpu.memory_space<hbm>>
      tpu.enqueue_indirect_dma source(%dma_start3A_188 : memref<10240x128xf32, #tpu.memory_space<hbm>>) target(%arg7 : memref<128x128xf32, #tpu.memory_space<vmem>>) offsets(%dma_start3A_185 : memref<128xi32, #tpu.memory_space<vmem>>) semaphore(%arg10 : memref<!tpu.dma_semaphore, #tpu.memory_space<semaphore_mem>>)
      %dma_wait3A_189 = arith.constant 18 : i32
      %dma_wait3A_190 = arith.constant 0 : i32
      %dma_wait3A_191 = tpu.memref_slice %arg5[%dma_wait3A_189, %dma_wait3A_190] : memref<32x128xi32, #tpu.memory_space<vmem>> -> memref<1x128xi32, #tpu.memory_space<vmem>>
      %dma_wait3A_192 = tpu.memref_squeeze %dma_wait3A_191 : memref<1x128xi32, #tpu.memory_space<vmem>> -> memref<128xi32, #tpu.memory_space<vmem>>
      %dma_wait3A_193 = arith.constant 0 : i32
      %dma_wait3A_194 = arith.constant 0 : i32
      %dma_wait3A_195 = tpu.memref_slice %arg2[%dma_wait3A_193, %dma_wait3A_194] : memref<10240x128xf32, #tpu.memory_space<hbm>> -> memref<10240x128xf32, #tpu.memory_space<hbm>>
      tpu.wait_indirect_dma semaphore(%arg9 : memref<!tpu.dma_semaphore, #tpu.memory_space<semaphore_mem>>) src(%dma_wait3A_195 : memref<10240x128xf32, #tpu.memory_space<hbm>>) dst(%arg6 : memref<128x128xf32, #tpu.memory_space<vmem>>)
      %run_scoped3A_196 = arith.constant 26 : i32
      "tpu.region"() ({
        %run_scoped3A_265 = tpu.sem_alloc : memref<!tpu.dma_semaphore, #tpu.memory_space<semaphore_mem>>
        %dma_start3A_266 = arith.constant 0 : i32
        %dma_start3A_267 = tpu.memref_slice %arg5[%run_scoped3A_196, %dma_start3A_266] : memref<32x128xi32, #tpu.memory_space<vmem>> -> memref<1x128xi32, #tpu.memory_space<vmem>>
        %dma_start3A_268 = tpu.memref_squeeze %dma_start3A_267 : memref<1x128xi32, #tpu.memory_space<vmem>> -> memref<128xi32, #tpu.memory_space<vmem>>
        %dma_start3A_269 = arith.constant 0 : i32
        %dma_start3A_270 = arith.constant 0 : i32
        %dma_start3A_271 = tpu.memref_slice %arg8[%dma_start3A_269, %dma_start3A_270] : memref<10240x128xf32, #tpu.memory_space<vmem_shared>> -> memref<10240x128xf32, #tpu.memory_space<vmem_shared>>
        tpu.enqueue_indirect_dma source(%arg6 : memref<128x128xf32, #tpu.memory_space<vmem>>) target(%dma_start3A_271 : memref<10240x128xf32, #tpu.memory_space<vmem_shared>>) offsets(%dma_start3A_268 : memref<128xi32, #tpu.memory_space<vmem>>) semaphore(%run_scoped3A_265 : memref<!tpu.dma_semaphore, #tpu.memory_space<semaphore_mem>>) {add = true}
        %dma_wait3A_272 = arith.constant 0 : i32
        %dma_wait3A_273 = tpu.memref_slice %arg5[%run_scoped3A_196, %dma_wait3A_272] : memref<32x128xi32, #tpu.memory_space<vmem>> -> memref<1x128xi32, #tpu.memory_space<vmem>>
        %dma_wait3A_274 = tpu.memref_squeeze %dma_wait3A_273 : memref<1x128xi32, #tpu.memory_space<vmem>> -> memref<128xi32, #tpu.memory_space<vmem>>
        %dma_wait3A_275 = arith.constant 0 : i32
        %dma_wait3A_276 = arith.constant 0 : i32
        %dma_wait3A_277 = tpu.memref_slice %arg8[%dma_wait3A_275, %dma_wait3A_276] : memref<10240x128xf32, #tpu.memory_space<vmem_shared>> -> memref<10240x128xf32, #tpu.memory_space<vmem_shared>>
        tpu.wait_indirect_dma semaphore(%run_scoped3A_265 : memref<!tpu.dma_semaphore, #tpu.memory_space<semaphore_mem>>) src(%arg6 : memref<128x128xf32, #tpu.memory_space<vmem>>) dst(%dma_wait3A_277 : memref<10240x128xf32, #tpu.memory_space<vmem_shared>>)
        tpu.yield
      }) : () -> ()
      %dma_start3A_197 = arith.constant 20 : i32
      %dma_start3A_198 = arith.constant 0 : i32
      %dma_start3A_199 = tpu.memref_slice %arg5[%dma_start3A_197, %dma_start3A_198] : memref<32x128xi32, #tpu.memory_space<vmem>> -> memref<1x128xi32, #tpu.memory_space<vmem>>
      %dma_start3A_200 = tpu.memref_squeeze %dma_start3A_199 : memref<1x128xi32, #tpu.memory_space<vmem>> -> memref<128xi32, #tpu.memory_space<vmem>>
      %dma_start3A_201 = arith.constant 0 : i32
      %dma_start3A_202 = arith.constant 0 : i32
      %dma_start3A_203 = tpu.memref_slice %arg2[%dma_start3A_201, %dma_start3A_202] : memref<10240x128xf32, #tpu.memory_space<hbm>> -> memref<10240x128xf32, #tpu.memory_space<hbm>>
      tpu.enqueue_indirect_dma source(%dma_start3A_203 : memref<10240x128xf32, #tpu.memory_space<hbm>>) target(%arg6 : memref<128x128xf32, #tpu.memory_space<vmem>>) offsets(%dma_start3A_200 : memref<128xi32, #tpu.memory_space<vmem>>) semaphore(%arg9 : memref<!tpu.dma_semaphore, #tpu.memory_space<semaphore_mem>>)
      %dma_wait3A_204 = arith.constant 19 : i32
      %dma_wait3A_205 = arith.constant 0 : i32
      %dma_wait3A_206 = tpu.memref_slice %arg5[%dma_wait3A_204, %dma_wait3A_205] : memref<32x128xi32, #tpu.memory_space<vmem>> -> memref<1x128xi32, #tpu.memory_space<vmem>>
      %dma_wait3A_207 = tpu.memref_squeeze %dma_wait3A_206 : memref<1x128xi32, #tpu.memory_space<vmem>> -> memref<128xi32, #tpu.memory_space<vmem>>
      %dma_wait3A_208 = arith.constant 0 : i32
      %dma_wait3A_209 = arith.constant 0 : i32
      %dma_wait3A_210 = tpu.memref_slice %arg2[%dma_wait3A_208, %dma_wait3A_209] : memref<10240x128xf32, #tpu.memory_space<hbm>> -> memref<10240x128xf32, #tpu.memory_space<hbm>>
      tpu.wait_indirect_dma semaphore(%arg10 : memref<!tpu.dma_semaphore, #tpu.memory_space<semaphore_mem>>) src(%dma_wait3A_210 : memref<10240x128xf32, #tpu.memory_space<hbm>>) dst(%arg7 : memref<128x128xf32, #tpu.memory_space<vmem>>)
      %run_scoped3A_211 = arith.constant 27 : i32
      "tpu.region"() ({
        %run_scoped3A_265 = tpu.sem_alloc : memref<!tpu.dma_semaphore, #tpu.memory_space<semaphore_mem>>
        %dma_start3A_266 = arith.constant 0 : i32
        %dma_start3A_267 = tpu.memref_slice %arg5[%run_scoped3A_211, %dma_start3A_266] : memref<32x128xi32, #tpu.memory_space<vmem>> -> memref<1x128xi32, #tpu.memory_space<vmem>>
        %dma_start3A_268 = tpu.memref_squeeze %dma_start3A_267 : memref<1x128xi32, #tpu.memory_space<vmem>> -> memref<128xi32, #tpu.memory_space<vmem>>
        %dma_start3A_269 = arith.constant 0 : i32
        %dma_start3A_270 = arith.constant 0 : i32
        %dma_start3A_271 = tpu.memref_slice %arg8[%dma_start3A_269, %dma_start3A_270] : memref<10240x128xf32, #tpu.memory_space<vmem_shared>> -> memref<10240x128xf32, #tpu.memory_space<vmem_shared>>
        tpu.enqueue_indirect_dma source(%arg7 : memref<128x128xf32, #tpu.memory_space<vmem>>) target(%dma_start3A_271 : memref<10240x128xf32, #tpu.memory_space<vmem_shared>>) offsets(%dma_start3A_268 : memref<128xi32, #tpu.memory_space<vmem>>) semaphore(%run_scoped3A_265 : memref<!tpu.dma_semaphore, #tpu.memory_space<semaphore_mem>>) {add = true}
        %dma_wait3A_272 = arith.constant 0 : i32
        %dma_wait3A_273 = tpu.memref_slice %arg5[%run_scoped3A_211, %dma_wait3A_272] : memref<32x128xi32, #tpu.memory_space<vmem>> -> memref<1x128xi32, #tpu.memory_space<vmem>>
        %dma_wait3A_274 = tpu.memref_squeeze %dma_wait3A_273 : memref<1x128xi32, #tpu.memory_space<vmem>> -> memref<128xi32, #tpu.memory_space<vmem>>
        %dma_wait3A_275 = arith.constant 0 : i32
        %dma_wait3A_276 = arith.constant 0 : i32
        %dma_wait3A_277 = tpu.memref_slice %arg8[%dma_wait3A_275, %dma_wait3A_276] : memref<10240x128xf32, #tpu.memory_space<vmem_shared>> -> memref<10240x128xf32, #tpu.memory_space<vmem_shared>>
        tpu.wait_indirect_dma semaphore(%run_scoped3A_265 : memref<!tpu.dma_semaphore, #tpu.memory_space<semaphore_mem>>) src(%arg7 : memref<128x128xf32, #tpu.memory_space<vmem>>) dst(%dma_wait3A_277 : memref<10240x128xf32, #tpu.memory_space<vmem_shared>>)
        tpu.yield
      }) : () -> ()
      %dma_start3A_212 = arith.constant 21 : i32
      %dma_start3A_213 = arith.constant 0 : i32
      %dma_start3A_214 = tpu.memref_slice %arg5[%dma_start3A_212, %dma_start3A_213] : memref<32x128xi32, #tpu.memory_space<vmem>> -> memref<1x128xi32, #tpu.memory_space<vmem>>
      %dma_start3A_215 = tpu.memref_squeeze %dma_start3A_214 : memref<1x128xi32, #tpu.memory_space<vmem>> -> memref<128xi32, #tpu.memory_space<vmem>>
      %dma_start3A_216 = arith.constant 0 : i32
      %dma_start3A_217 = arith.constant 0 : i32
      %dma_start3A_218 = tpu.memref_slice %arg2[%dma_start3A_216, %dma_start3A_217] : memref<10240x128xf32, #tpu.memory_space<hbm>> -> memref<10240x128xf32, #tpu.memory_space<hbm>>
      tpu.enqueue_indirect_dma source(%dma_start3A_218 : memref<10240x128xf32, #tpu.memory_space<hbm>>) target(%arg7 : memref<128x128xf32, #tpu.memory_space<vmem>>) offsets(%dma_start3A_215 : memref<128xi32, #tpu.memory_space<vmem>>) semaphore(%arg10 : memref<!tpu.dma_semaphore, #tpu.memory_space<semaphore_mem>>)
      %dma_wait3A_219 = arith.constant 20 : i32
      %dma_wait3A_220 = arith.constant 0 : i32
      %dma_wait3A_221 = tpu.memref_slice %arg5[%dma_wait3A_219, %dma_wait3A_220] : memref<32x128xi32, #tpu.memory_space<vmem>> -> memref<1x128xi32, #tpu.memory_space<vmem>>
      %dma_wait3A_222 = tpu.memref_squeeze %dma_wait3A_221 : memref<1x128xi32, #tpu.memory_space<vmem>> -> memref<128xi32, #tpu.memory_space<vmem>>
      %dma_wait3A_223 = arith.constant 0 : i32
      %dma_wait3A_224 = arith.constant 0 : i32
      %dma_wait3A_225 = tpu.memref_slice %arg2[%dma_wait3A_223, %dma_wait3A_224] : memref<10240x128xf32, #tpu.memory_space<hbm>> -> memref<10240x128xf32, #tpu.memory_space<hbm>>
      tpu.wait_indirect_dma semaphore(%arg9 : memref<!tpu.dma_semaphore, #tpu.memory_space<semaphore_mem>>) src(%dma_wait3A_225 : memref<10240x128xf32, #tpu.memory_space<hbm>>) dst(%arg6 : memref<128x128xf32, #tpu.memory_space<vmem>>)
      %run_scoped3A_226 = arith.constant 28 : i32
      "tpu.region"() ({
        %run_scoped3A_265 = tpu.sem_alloc : memref<!tpu.dma_semaphore, #tpu.memory_space<semaphore_mem>>
        %dma_start3A_266 = arith.constant 0 : i32
        %dma_start3A_267 = tpu.memref_slice %arg5[%run_scoped3A_226, %dma_start3A_266] : memref<32x128xi32, #tpu.memory_space<vmem>> -> memref<1x128xi32, #tpu.memory_space<vmem>>
        %dma_start3A_268 = tpu.memref_squeeze %dma_start3A_267 : memref<1x128xi32, #tpu.memory_space<vmem>> -> memref<128xi32, #tpu.memory_space<vmem>>
        %dma_start3A_269 = arith.constant 0 : i32
        %dma_start3A_270 = arith.constant 0 : i32
        %dma_start3A_271 = tpu.memref_slice %arg8[%dma_start3A_269, %dma_start3A_270] : memref<10240x128xf32, #tpu.memory_space<vmem_shared>> -> memref<10240x128xf32, #tpu.memory_space<vmem_shared>>
        tpu.enqueue_indirect_dma source(%arg6 : memref<128x128xf32, #tpu.memory_space<vmem>>) target(%dma_start3A_271 : memref<10240x128xf32, #tpu.memory_space<vmem_shared>>) offsets(%dma_start3A_268 : memref<128xi32, #tpu.memory_space<vmem>>) semaphore(%run_scoped3A_265 : memref<!tpu.dma_semaphore, #tpu.memory_space<semaphore_mem>>) {add = true}
        %dma_wait3A_272 = arith.constant 0 : i32
        %dma_wait3A_273 = tpu.memref_slice %arg5[%run_scoped3A_226, %dma_wait3A_272] : memref<32x128xi32, #tpu.memory_space<vmem>> -> memref<1x128xi32, #tpu.memory_space<vmem>>
        %dma_wait3A_274 = tpu.memref_squeeze %dma_wait3A_273 : memref<1x128xi32, #tpu.memory_space<vmem>> -> memref<128xi32, #tpu.memory_space<vmem>>
        %dma_wait3A_275 = arith.constant 0 : i32
        %dma_wait3A_276 = arith.constant 0 : i32
        %dma_wait3A_277 = tpu.memref_slice %arg8[%dma_wait3A_275, %dma_wait3A_276] : memref<10240x128xf32, #tpu.memory_space<vmem_shared>> -> memref<10240x128xf32, #tpu.memory_space<vmem_shared>>
        tpu.wait_indirect_dma semaphore(%run_scoped3A_265 : memref<!tpu.dma_semaphore, #tpu.memory_space<semaphore_mem>>) src(%arg6 : memref<128x128xf32, #tpu.memory_space<vmem>>) dst(%dma_wait3A_277 : memref<10240x128xf32, #tpu.memory_space<vmem_shared>>)
        tpu.yield
      }) : () -> ()
      %dma_start3A_227 = arith.constant 22 : i32
      %dma_start3A_228 = arith.constant 0 : i32
      %dma_start3A_229 = tpu.memref_slice %arg5[%dma_start3A_227, %dma_start3A_228] : memref<32x128xi32, #tpu.memory_space<vmem>> -> memref<1x128xi32, #tpu.memory_space<vmem>>
      %dma_start3A_230 = tpu.memref_squeeze %dma_start3A_229 : memref<1x128xi32, #tpu.memory_space<vmem>> -> memref<128xi32, #tpu.memory_space<vmem>>
      %dma_start3A_231 = arith.constant 0 : i32
      %dma_start3A_232 = arith.constant 0 : i32
      %dma_start3A_233 = tpu.memref_slice %arg2[%dma_start3A_231, %dma_start3A_232] : memref<10240x128xf32, #tpu.memory_space<hbm>> -> memref<10240x128xf32, #tpu.memory_space<hbm>>
      tpu.enqueue_indirect_dma source(%dma_start3A_233 : memref<10240x128xf32, #tpu.memory_space<hbm>>) target(%arg6 : memref<128x128xf32, #tpu.memory_space<vmem>>) offsets(%dma_start3A_230 : memref<128xi32, #tpu.memory_space<vmem>>) semaphore(%arg9 : memref<!tpu.dma_semaphore, #tpu.memory_space<semaphore_mem>>)
      %dma_wait3A_234 = arith.constant 21 : i32
      %dma_wait3A_235 = arith.constant 0 : i32
      %dma_wait3A_236 = tpu.memref_slice %arg5[%dma_wait3A_234, %dma_wait3A_235] : memref<32x128xi32, #tpu.memory_space<vmem>> -> memref<1x128xi32, #tpu.memory_space<vmem>>
      %dma_wait3A_237 = tpu.memref_squeeze %dma_wait3A_236 : memref<1x128xi32, #tpu.memory_space<vmem>> -> memref<128xi32, #tpu.memory_space<vmem>>
      %dma_wait3A_238 = arith.constant 0 : i32
      %dma_wait3A_239 = arith.constant 0 : i32
      %dma_wait3A_240 = tpu.memref_slice %arg2[%dma_wait3A_238, %dma_wait3A_239] : memref<10240x128xf32, #tpu.memory_space<hbm>> -> memref<10240x128xf32, #tpu.memory_space<hbm>>
      tpu.wait_indirect_dma semaphore(%arg10 : memref<!tpu.dma_semaphore, #tpu.memory_space<semaphore_mem>>) src(%dma_wait3A_240 : memref<10240x128xf32, #tpu.memory_space<hbm>>) dst(%arg7 : memref<128x128xf32, #tpu.memory_space<vmem>>)
      %run_scoped3A_241 = arith.constant 29 : i32
      "tpu.region"() ({
        %run_scoped3A_265 = tpu.sem_alloc : memref<!tpu.dma_semaphore, #tpu.memory_space<semaphore_mem>>
        %dma_start3A_266 = arith.constant 0 : i32
        %dma_start3A_267 = tpu.memref_slice %arg5[%run_scoped3A_241, %dma_start3A_266] : memref<32x128xi32, #tpu.memory_space<vmem>> -> memref<1x128xi32, #tpu.memory_space<vmem>>
        %dma_start3A_268 = tpu.memref_squeeze %dma_start3A_267 : memref<1x128xi32, #tpu.memory_space<vmem>> -> memref<128xi32, #tpu.memory_space<vmem>>
        %dma_start3A_269 = arith.constant 0 : i32
        %dma_start3A_270 = arith.constant 0 : i32
        %dma_start3A_271 = tpu.memref_slice %arg8[%dma_start3A_269, %dma_start3A_270] : memref<10240x128xf32, #tpu.memory_space<vmem_shared>> -> memref<10240x128xf32, #tpu.memory_space<vmem_shared>>
        tpu.enqueue_indirect_dma source(%arg7 : memref<128x128xf32, #tpu.memory_space<vmem>>) target(%dma_start3A_271 : memref<10240x128xf32, #tpu.memory_space<vmem_shared>>) offsets(%dma_start3A_268 : memref<128xi32, #tpu.memory_space<vmem>>) semaphore(%run_scoped3A_265 : memref<!tpu.dma_semaphore, #tpu.memory_space<semaphore_mem>>) {add = true}
        %dma_wait3A_272 = arith.constant 0 : i32
        %dma_wait3A_273 = tpu.memref_slice %arg5[%run_scoped3A_241, %dma_wait3A_272] : memref<32x128xi32, #tpu.memory_space<vmem>> -> memref<1x128xi32, #tpu.memory_space<vmem>>
        %dma_wait3A_274 = tpu.memref_squeeze %dma_wait3A_273 : memref<1x128xi32, #tpu.memory_space<vmem>> -> memref<128xi32, #tpu.memory_space<vmem>>
        %dma_wait3A_275 = arith.constant 0 : i32
        %dma_wait3A_276 = arith.constant 0 : i32
        %dma_wait3A_277 = tpu.memref_slice %arg8[%dma_wait3A_275, %dma_wait3A_276] : memref<10240x128xf32, #tpu.memory_space<vmem_shared>> -> memref<10240x128xf32, #tpu.memory_space<vmem_shared>>
        tpu.wait_indirect_dma semaphore(%run_scoped3A_265 : memref<!tpu.dma_semaphore, #tpu.memory_space<semaphore_mem>>) src(%arg7 : memref<128x128xf32, #tpu.memory_space<vmem>>) dst(%dma_wait3A_277 : memref<10240x128xf32, #tpu.memory_space<vmem_shared>>)
        tpu.yield
      }) : () -> ()
      %dma_start3A_242 = arith.constant 23 : i32
      %dma_start3A_243 = arith.constant 0 : i32
      %dma_start3A_244 = tpu.memref_slice %arg5[%dma_start3A_242, %dma_start3A_243] : memref<32x128xi32, #tpu.memory_space<vmem>> -> memref<1x128xi32, #tpu.memory_space<vmem>>
      %dma_start3A_245 = tpu.memref_squeeze %dma_start3A_244 : memref<1x128xi32, #tpu.memory_space<vmem>> -> memref<128xi32, #tpu.memory_space<vmem>>
      %dma_start3A_246 = arith.constant 0 : i32
      %dma_start3A_247 = arith.constant 0 : i32
      %dma_start3A_248 = tpu.memref_slice %arg2[%dma_start3A_246, %dma_start3A_247] : memref<10240x128xf32, #tpu.memory_space<hbm>> -> memref<10240x128xf32, #tpu.memory_space<hbm>>
      tpu.enqueue_indirect_dma source(%dma_start3A_248 : memref<10240x128xf32, #tpu.memory_space<hbm>>) target(%arg7 : memref<128x128xf32, #tpu.memory_space<vmem>>) offsets(%dma_start3A_245 : memref<128xi32, #tpu.memory_space<vmem>>) semaphore(%arg10 : memref<!tpu.dma_semaphore, #tpu.memory_space<semaphore_mem>>)
      %dma_wait3A_249 = arith.constant 22 : i32
      %dma_wait3A_250 = arith.constant 0 : i32
      %dma_wait3A_251 = tpu.memref_slice %arg5[%dma_wait3A_249, %dma_wait3A_250] : memref<32x128xi32, #tpu.memory_space<vmem>> -> memref<1x128xi32, #tpu.memory_space<vmem>>
      %dma_wait3A_252 = tpu.memref_squeeze %dma_wait3A_251 : memref<1x128xi32, #tpu.memory_space<vmem>> -> memref<128xi32, #tpu.memory_space<vmem>>
      %dma_wait3A_253 = arith.constant 0 : i32
      %dma_wait3A_254 = arith.constant 0 : i32
      %dma_wait3A_255 = tpu.memref_slice %arg2[%dma_wait3A_253, %dma_wait3A_254] : memref<10240x128xf32, #tpu.memory_space<hbm>> -> memref<10240x128xf32, #tpu.memory_space<hbm>>
      tpu.wait_indirect_dma semaphore(%arg9 : memref<!tpu.dma_semaphore, #tpu.memory_space<semaphore_mem>>) src(%dma_wait3A_255 : memref<10240x128xf32, #tpu.memory_space<hbm>>) dst(%arg6 : memref<128x128xf32, #tpu.memory_space<vmem>>)
      %run_scoped3A_256 = arith.constant 30 : i32
      "tpu.region"() ({
        %run_scoped3A_265 = tpu.sem_alloc : memref<!tpu.dma_semaphore, #tpu.memory_space<semaphore_mem>>
        %dma_start3A_266 = arith.constant 0 : i32
        %dma_start3A_267 = tpu.memref_slice %arg5[%run_scoped3A_256, %dma_start3A_266] : memref<32x128xi32, #tpu.memory_space<vmem>> -> memref<1x128xi32, #tpu.memory_space<vmem>>
        %dma_start3A_268 = tpu.memref_squeeze %dma_start3A_267 : memref<1x128xi32, #tpu.memory_space<vmem>> -> memref<128xi32, #tpu.memory_space<vmem>>
        %dma_start3A_269 = arith.constant 0 : i32
        %dma_start3A_270 = arith.constant 0 : i32
        %dma_start3A_271 = tpu.memref_slice %arg8[%dma_start3A_269, %dma_start3A_270] : memref<10240x128xf32, #tpu.memory_space<vmem_shared>> -> memref<10240x128xf32, #tpu.memory_space<vmem_shared>>
        tpu.enqueue_indirect_dma source(%arg6 : memref<128x128xf32, #tpu.memory_space<vmem>>) target(%dma_start3A_271 : memref<10240x128xf32, #tpu.memory_space<vmem_shared>>) offsets(%dma_start3A_268 : memref<128xi32, #tpu.memory_space<vmem>>) semaphore(%run_scoped3A_265 : memref<!tpu.dma_semaphore, #tpu.memory_space<semaphore_mem>>) {add = true}
        %dma_wait3A_272 = arith.constant 0 : i32
        %dma_wait3A_273 = tpu.memref_slice %arg5[%run_scoped3A_256, %dma_wait3A_272] : memref<32x128xi32, #tpu.memory_space<vmem>> -> memref<1x128xi32, #tpu.memory_space<vmem>>
        %dma_wait3A_274 = tpu.memref_squeeze %dma_wait3A_273 : memref<1x128xi32, #tpu.memory_space<vmem>> -> memref<128xi32, #tpu.memory_space<vmem>>
        %dma_wait3A_275 = arith.constant 0 : i32
        %dma_wait3A_276 = arith.constant 0 : i32
        %dma_wait3A_277 = tpu.memref_slice %arg8[%dma_wait3A_275, %dma_wait3A_276] : memref<10240x128xf32, #tpu.memory_space<vmem_shared>> -> memref<10240x128xf32, #tpu.memory_space<vmem_shared>>
        tpu.wait_indirect_dma semaphore(%run_scoped3A_265 : memref<!tpu.dma_semaphore, #tpu.memory_space<semaphore_mem>>) src(%arg6 : memref<128x128xf32, #tpu.memory_space<vmem>>) dst(%dma_wait3A_277 : memref<10240x128xf32, #tpu.memory_space<vmem_shared>>)
        tpu.yield
      }) : () -> ()
      %dma_wait3A_257 = arith.constant 23 : i32
      %dma_wait3A_258 = arith.constant 0 : i32
      %dma_wait3A_259 = tpu.memref_slice %arg5[%dma_wait3A_257, %dma_wait3A_258] : memref<32x128xi32, #tpu.memory_space<vmem>> -> memref<1x128xi32, #tpu.memory_space<vmem>>
      %dma_wait3A_260 = tpu.memref_squeeze %dma_wait3A_259 : memref<1x128xi32, #tpu.memory_space<vmem>> -> memref<128xi32, #tpu.memory_space<vmem>>
      %dma_wait3A_261 = arith.constant 0 : i32
      %dma_wait3A_262 = arith.constant 0 : i32
      %dma_wait3A_263 = tpu.memref_slice %arg2[%dma_wait3A_261, %dma_wait3A_262] : memref<10240x128xf32, #tpu.memory_space<hbm>> -> memref<10240x128xf32, #tpu.memory_space<hbm>>
      tpu.wait_indirect_dma semaphore(%arg10 : memref<!tpu.dma_semaphore, #tpu.memory_space<semaphore_mem>>) src(%dma_wait3A_263 : memref<10240x128xf32, #tpu.memory_space<hbm>>) dst(%arg7 : memref<128x128xf32, #tpu.memory_space<vmem>>)
      %run_scoped3A_264 = arith.constant 31 : i32
      "tpu.region"() ({
        %run_scoped3A_265 = tpu.sem_alloc : memref<!tpu.dma_semaphore, #tpu.memory_space<semaphore_mem>>
        %dma_start3A_266 = arith.constant 0 : i32
        %dma_start3A_267 = tpu.memref_slice %arg5[%run_scoped3A_264, %dma_start3A_266] : memref<32x128xi32, #tpu.memory_space<vmem>> -> memref<1x128xi32, #tpu.memory_space<vmem>>
        %dma_start3A_268 = tpu.memref_squeeze %dma_start3A_267 : memref<1x128xi32, #tpu.memory_space<vmem>> -> memref<128xi32, #tpu.memory_space<vmem>>
        %dma_start3A_269 = arith.constant 0 : i32
        %dma_start3A_270 = arith.constant 0 : i32
        %dma_start3A_271 = tpu.memref_slice %arg8[%dma_start3A_269, %dma_start3A_270] : memref<10240x128xf32, #tpu.memory_space<vmem_shared>> -> memref<10240x128xf32, #tpu.memory_space<vmem_shared>>
        tpu.enqueue_indirect_dma source(%arg7 : memref<128x128xf32, #tpu.memory_space<vmem>>) target(%dma_start3A_271 : memref<10240x128xf32, #tpu.memory_space<vmem_shared>>) offsets(%dma_start3A_268 : memref<128xi32, #tpu.memory_space<vmem>>) semaphore(%run_scoped3A_265 : memref<!tpu.dma_semaphore, #tpu.memory_space<semaphore_mem>>) {add = true}
        %dma_wait3A_272 = arith.constant 0 : i32
        %dma_wait3A_273 = tpu.memref_slice %arg5[%run_scoped3A_264, %dma_wait3A_272] : memref<32x128xi32, #tpu.memory_space<vmem>> -> memref<1x128xi32, #tpu.memory_space<vmem>>
        %dma_wait3A_274 = tpu.memref_squeeze %dma_wait3A_273 : memref<1x128xi32, #tpu.memory_space<vmem>> -> memref<128xi32, #tpu.memory_space<vmem>>
        %dma_wait3A_275 = arith.constant 0 : i32
        %dma_wait3A_276 = arith.constant 0 : i32
        %dma_wait3A_277 = tpu.memref_slice %arg8[%dma_wait3A_275, %dma_wait3A_276] : memref<10240x128xf32, #tpu.memory_space<vmem_shared>> -> memref<10240x128xf32, #tpu.memory_space<vmem_shared>>
        tpu.wait_indirect_dma semaphore(%run_scoped3A_265 : memref<!tpu.dma_semaphore, #tpu.memory_space<semaphore_mem>>) src(%arg7 : memref<128x128xf32, #tpu.memory_space<vmem>>) dst(%dma_wait3A_277 : memref<10240x128xf32, #tpu.memory_space<vmem_shared>>)
        tpu.yield
      }) : () -> ()
    }
    %scan3A_10 = arith.constant 5 : i32
    %barrier3A_11 = arith.constant 0 : index
    tpu.barrier barrier_id(%barrier3A_11)
    %mul3A_12 = arith.constant 640 : i32
    %mul3A_13 = arith.muli %arg1, %mul3A_12 : i32
    %mul3A_14 = arith.constant 10240 : i32
    %mul3A_15 = arith.muli %arg0, %mul3A_14 : i32
    %mul3A_16 = arith.constant 640 : i32
    %mul3A_17 = arith.muli %arg1, %mul3A_16 : i32
    %add3A_18 = arith.addi %mul3A_15, %mul3A_17 : i32
    "tpu.region"() ({
      %run_scoped3A = tpu.sem_alloc : memref<!tpu.dma_semaphore, #tpu.memory_space<semaphore_mem>>
      %dma_start3A = arith.constant 0 : i32
      %dma_start3A_19 = tpu.memref_slice %arg4[%add3A_18, %dma_start3A] : memref<20480x128xf32, #tpu.memory_space<hbm>> -> memref<640x128xf32, #tpu.memory_space<hbm>>
      %dma_start3A_20 = arith.constant 0 : i32
      %dma_start3A_21 = tpu.memref_slice %arg8[%mul3A_13, %dma_start3A_20] : memref<10240x128xf32, #tpu.memory_space<vmem_shared>> -> memref<640x128xf32, #tpu.memory_space<vmem_shared>>
      tpu.enqueue_dma source(%dma_start3A_21 : memref<640x128xf32, #tpu.memory_space<vmem_shared>>) target(%dma_start3A_19 : memref<640x128xf32, #tpu.memory_space<hbm>>) target_semaphore(%run_scoped3A : memref<!tpu.dma_semaphore, #tpu.memory_space<semaphore_mem>>)
      %dma_wait3A = arith.constant 0 : i32
      %dma_wait3A_22 = tpu.memref_slice %arg4[%add3A_18, %dma_wait3A] : memref<20480x128xf32, #tpu.memory_space<hbm>> -> memref<640x128xf32, #tpu.memory_space<hbm>>
      %dma_wait3A_23 = arith.constant 0 : i32
      %dma_wait3A_24 = tpu.memref_slice %arg8[%mul3A_13, %dma_wait3A_23] : memref<10240x128xf32, #tpu.memory_space<vmem_shared>> -> memref<640x128xf32, #tpu.memory_space<vmem_shared>>
      tpu.wait_dma2 semaphore(%run_scoped3A : memref<!tpu.dma_semaphore, #tpu.memory_space<semaphore_mem>>) src(%dma_wait3A_24 : memref<640x128xf32, #tpu.memory_space<vmem_shared>>) dst(%dma_wait3A_22 : memref<640x128xf32, #tpu.memory_space<hbm>>)
      tpu.yield
    }) : () -> ()
    return
  }
}

#map = affine_map<(d0, d1) -> (0, 0)>
#map1 = affine_map<(d0, d1) -> (0, 0, 0)>
module attributes {stable_mosaic.version = 14 : i64} {
  func.func @prop_kernel(%arg0: i32, %arg1: i32, %arg2: memref<20480x128xf32, #tpu.memory_space<hbm>>, %arg3: memref<2x5120x128xi32, #tpu.memory_space<hbm>>, %arg4: memref<20480x128xf32, #tpu.memory_space<hbm>>, %arg5: memref<64x128xi32, #tpu.memory_space<vmem>>, %arg6: memref<128x128xf32, #tpu.memory_space<vmem>>, %arg7: memref<128x128xf32, #tpu.memory_space<vmem>>, %arg8: memref<10240x128xf32, #tpu.memory_space<vmem_shared>>, %arg9: memref<!tpu.dma_semaphore, #tpu.memory_space<semaphore_mem>>, %arg10: memref<!tpu.dma_semaphore, #tpu.memory_space<semaphore_mem>>) attributes {dimension_semantics = [#tpu.dimension_semantics<core_parallel>, #tpu.dimension_semantics<subcore_parallel>], iteration_bounds = array<i64: 2, 16>, scalar_prefetch = 0 : i64, scratch_operands = 6 : i64, tpu.core_type = #tpu.core_type<sc_vector_subcore>, window_params = [{transform_indices = #map}, {transform_indices = #map1}, {transform_indices = #map}]} {
    %mul3A = arith.constant 10240 : i32
    %mul3A_0 = arith.muli %arg0, %mul3A : i32
    %mul3A_1 = arith.constant 640 : i32
    %mul3A_2 = arith.muli %arg1, %mul3A_1 : i32
    %add3A = arith.addi %mul3A_0, %mul3A_2 : i32
    %mul3A_3 = arith.constant 640 : i32
    %mul3A_4 = arith.muli %arg1, %mul3A_3 : i32
    "tpu.region"() ({
      %run_scoped3A = tpu.sem_alloc : memref<!tpu.dma_semaphore, #tpu.memory_space<semaphore_mem>>
      %dma_start3A = arith.constant 0 : i32
      %dma_start3A_18 = tpu.memref_slice %arg8[%mul3A_4, %dma_start3A] : memref<10240x128xf32, #tpu.memory_space<vmem_shared>> -> memref<640x128xf32, #tpu.memory_space<vmem_shared>>
      %dma_start3A_19 = arith.constant 0 : i32
      %dma_start3A_20 = tpu.memref_slice %arg2[%add3A, %dma_start3A_19] : memref<20480x128xf32, #tpu.memory_space<hbm>> -> memref<640x128xf32, #tpu.memory_space<hbm>>
      tpu.enqueue_dma source(%dma_start3A_20 : memref<640x128xf32, #tpu.memory_space<hbm>>) target(%dma_start3A_18 : memref<640x128xf32, #tpu.memory_space<vmem_shared>>) target_semaphore(%run_scoped3A : memref<!tpu.dma_semaphore, #tpu.memory_space<semaphore_mem>>)
      %dma_wait3A = arith.constant 0 : i32
      %dma_wait3A_21 = tpu.memref_slice %arg8[%mul3A_4, %dma_wait3A] : memref<10240x128xf32, #tpu.memory_space<vmem_shared>> -> memref<640x128xf32, #tpu.memory_space<vmem_shared>>
      %dma_wait3A_22 = arith.constant 0 : i32
      %dma_wait3A_23 = tpu.memref_slice %arg2[%add3A, %dma_wait3A_22] : memref<20480x128xf32, #tpu.memory_space<hbm>> -> memref<640x128xf32, #tpu.memory_space<hbm>>
      tpu.wait_dma2 semaphore(%run_scoped3A : memref<!tpu.dma_semaphore, #tpu.memory_space<semaphore_mem>>) src(%dma_wait3A_23 : memref<640x128xf32, #tpu.memory_space<hbm>>) dst(%dma_wait3A_21 : memref<640x128xf32, #tpu.memory_space<vmem_shared>>)
      tpu.yield
    }) : () -> ()
    %barrier3A = arith.constant 0 : index
    tpu.barrier barrier_id(%barrier3A)
    %scan3A = arith.constant 0 : i32
    %scan3A_5 = arith.constant 0 : i32
    %scan3A_6 = arith.constant 5 : i32
    %scan3A_7 = arith.addi %scan3A_5, %scan3A_6 : i32
    %scan3A_8 = arith.constant 1 : i32
    scf.for %scan3A_18 = %scan3A_5 to %scan3A_7 step %scan3A_8  : i32 {
      %mul3A_19 = arith.constant 16 : i32
      %mul3A_20 = arith.muli %scan3A_18, %mul3A_19 : i32
      %add3A_21 = arith.addi %mul3A_20, %arg1 : i32
      %mul3A_22 = arith.constant 4 : i32
      %mul3A_23 = arith.muli %add3A_21, %mul3A_22 : i32
      %add3A_24 = arith.constant 0 : i32
      %add3A_25 = arith.addi %add3A_24, %mul3A_23 : i32
      %mul3A_26 = arith.constant 16 : i32
      %mul3A_27 = arith.muli %add3A_25, %mul3A_26 : i32
      "tpu.region"() ({
        %run_scoped3A_505 = tpu.sem_alloc : memref<!tpu.dma_semaphore, #tpu.memory_space<semaphore_mem>>
        %dma_start3A_506 = arith.constant 0 : i32
        %dma_start3A_507 = tpu.memref_slice %arg3[%arg0, %mul3A_27, %dma_start3A_506] : memref<2x5120x128xi32, #tpu.memory_space<hbm>> -> memref<1x64x128xi32, #tpu.memory_space<hbm>>
        %dma_start3A_508 = tpu.memref_squeeze %dma_start3A_507 : memref<1x64x128xi32, #tpu.memory_space<hbm>> -> memref<64x128xi32, #tpu.memory_space<hbm>>
        %dma_start3A_509 = arith.constant 0 : i32
        %dma_start3A_510 = tpu.memref_slice %arg3[%arg0, %mul3A_27, %dma_start3A_509] : memref<2x5120x128xi32, #tpu.memory_space<hbm>> -> memref<1x64x128xi32, #tpu.memory_space<hbm>>
        %dma_start3A_511 = tpu.memref_squeeze %dma_start3A_510 : memref<1x64x128xi32, #tpu.memory_space<hbm>> -> memref<64x128xi32, #tpu.memory_space<hbm>>
        tpu.enqueue_dma source(%dma_start3A_511 : memref<64x128xi32, #tpu.memory_space<hbm>>) target(%arg5 : memref<64x128xi32, #tpu.memory_space<vmem>>) target_semaphore(%run_scoped3A_505 : memref<!tpu.dma_semaphore, #tpu.memory_space<semaphore_mem>>)
        %dma_wait3A_512 = arith.constant 0 : i32
        %dma_wait3A_513 = tpu.memref_slice %arg3[%arg0, %mul3A_27, %dma_wait3A_512] : memref<2x5120x128xi32, #tpu.memory_space<hbm>> -> memref<1x64x128xi32, #tpu.memory_space<hbm>>
        %dma_wait3A_514 = tpu.memref_squeeze %dma_wait3A_513 : memref<1x64x128xi32, #tpu.memory_space<hbm>> -> memref<64x128xi32, #tpu.memory_space<hbm>>
        %dma_wait3A_515 = arith.constant 0 : i32
        %dma_wait3A_516 = tpu.memref_slice %arg3[%arg0, %mul3A_27, %dma_wait3A_515] : memref<2x5120x128xi32, #tpu.memory_space<hbm>> -> memref<1x64x128xi32, #tpu.memory_space<hbm>>
        %dma_wait3A_517 = tpu.memref_squeeze %dma_wait3A_516 : memref<1x64x128xi32, #tpu.memory_space<hbm>> -> memref<64x128xi32, #tpu.memory_space<hbm>>
        tpu.wait_dma2 semaphore(%run_scoped3A_505 : memref<!tpu.dma_semaphore, #tpu.memory_space<semaphore_mem>>) src(%dma_wait3A_517 : memref<64x128xi32, #tpu.memory_space<hbm>>) dst(%arg5 : memref<64x128xi32, #tpu.memory_space<vmem>>)
        tpu.yield
      }) : () -> ()
      %dma_start3A = arith.constant 0 : i32
      %dma_start3A_28 = arith.constant 0 : i32
      %dma_start3A_29 = tpu.memref_slice %arg5[%dma_start3A, %dma_start3A_28] : memref<64x128xi32, #tpu.memory_space<vmem>> -> memref<1x128xi32, #tpu.memory_space<vmem>>
      %dma_start3A_30 = tpu.memref_squeeze %dma_start3A_29 : memref<1x128xi32, #tpu.memory_space<vmem>> -> memref<128xi32, #tpu.memory_space<vmem>>
      %dma_start3A_31 = arith.constant 0 : i32
      %dma_start3A_32 = arith.constant 0 : i32
      %dma_start3A_33 = tpu.memref_slice %arg2[%dma_start3A_31, %dma_start3A_32] : memref<20480x128xf32, #tpu.memory_space<hbm>> -> memref<20480x128xf32, #tpu.memory_space<hbm>>
      tpu.enqueue_indirect_dma source(%dma_start3A_33 : memref<20480x128xf32, #tpu.memory_space<hbm>>) target(%arg6 : memref<128x128xf32, #tpu.memory_space<vmem>>) offsets(%dma_start3A_30 : memref<128xi32, #tpu.memory_space<vmem>>) semaphore(%arg9 : memref<!tpu.dma_semaphore, #tpu.memory_space<semaphore_mem>>)
      %dma_start3A_34 = arith.constant 1 : i32
      %dma_start3A_35 = arith.constant 0 : i32
      %dma_start3A_36 = tpu.memref_slice %arg5[%dma_start3A_34, %dma_start3A_35] : memref<64x128xi32, #tpu.memory_space<vmem>> -> memref<1x128xi32, #tpu.memory_space<vmem>>
      %dma_start3A_37 = tpu.memref_squeeze %dma_start3A_36 : memref<1x128xi32, #tpu.memory_space<vmem>> -> memref<128xi32, #tpu.memory_space<vmem>>
      %dma_start3A_38 = arith.constant 0 : i32
      %dma_start3A_39 = arith.constant 0 : i32
      %dma_start3A_40 = tpu.memref_slice %arg2[%dma_start3A_38, %dma_start3A_39] : memref<20480x128xf32, #tpu.memory_space<hbm>> -> memref<20480x128xf32, #tpu.memory_space<hbm>>
      tpu.enqueue_indirect_dma source(%dma_start3A_40 : memref<20480x128xf32, #tpu.memory_space<hbm>>) target(%arg7 : memref<128x128xf32, #tpu.memory_space<vmem>>) offsets(%dma_start3A_37 : memref<128xi32, #tpu.memory_space<vmem>>) semaphore(%arg10 : memref<!tpu.dma_semaphore, #tpu.memory_space<semaphore_mem>>)
      %dma_wait3A = arith.constant 0 : i32
      %dma_wait3A_41 = arith.constant 0 : i32
      %dma_wait3A_42 = tpu.memref_slice %arg5[%dma_wait3A, %dma_wait3A_41] : memref<64x128xi32, #tpu.memory_space<vmem>> -> memref<1x128xi32, #tpu.memory_space<vmem>>
      %dma_wait3A_43 = tpu.memref_squeeze %dma_wait3A_42 : memref<1x128xi32, #tpu.memory_space<vmem>> -> memref<128xi32, #tpu.memory_space<vmem>>
      %dma_wait3A_44 = arith.constant 0 : i32
      %dma_wait3A_45 = arith.constant 0 : i32
      %dma_wait3A_46 = tpu.memref_slice %arg2[%dma_wait3A_44, %dma_wait3A_45] : memref<20480x128xf32, #tpu.memory_space<hbm>> -> memref<20480x128xf32, #tpu.memory_space<hbm>>
      tpu.wait_indirect_dma semaphore(%arg9 : memref<!tpu.dma_semaphore, #tpu.memory_space<semaphore_mem>>) src(%dma_wait3A_46 : memref<20480x128xf32, #tpu.memory_space<hbm>>) dst(%arg6 : memref<128x128xf32, #tpu.memory_space<vmem>>)
      %run_scoped3A = arith.constant 8 : i32
      "tpu.region"() ({
        %run_scoped3A_505 = tpu.sem_alloc : memref<!tpu.dma_semaphore, #tpu.memory_space<semaphore_mem>>
        %dma_start3A_506 = arith.constant 0 : i32
        %dma_start3A_507 = tpu.memref_slice %arg5[%run_scoped3A, %dma_start3A_506] : memref<64x128xi32, #tpu.memory_space<vmem>> -> memref<1x128xi32, #tpu.memory_space<vmem>>
        %dma_start3A_508 = tpu.memref_squeeze %dma_start3A_507 : memref<1x128xi32, #tpu.memory_space<vmem>> -> memref<128xi32, #tpu.memory_space<vmem>>
        %dma_start3A_509 = arith.constant 0 : i32
        %dma_start3A_510 = arith.constant 0 : i32
        %dma_start3A_511 = tpu.memref_slice %arg8[%dma_start3A_509, %dma_start3A_510] : memref<10240x128xf32, #tpu.memory_space<vmem_shared>> -> memref<10240x128xf32, #tpu.memory_space<vmem_shared>>
        tpu.enqueue_indirect_dma source(%arg6 : memref<128x128xf32, #tpu.memory_space<vmem>>) target(%dma_start3A_511 : memref<10240x128xf32, #tpu.memory_space<vmem_shared>>) offsets(%dma_start3A_508 : memref<128xi32, #tpu.memory_space<vmem>>) semaphore(%run_scoped3A_505 : memref<!tpu.dma_semaphore, #tpu.memory_space<semaphore_mem>>) {add = true}
        %dma_wait3A_512 = arith.constant 0 : i32
        %dma_wait3A_513 = tpu.memref_slice %arg5[%run_scoped3A, %dma_wait3A_512] : memref<64x128xi32, #tpu.memory_space<vmem>> -> memref<1x128xi32, #tpu.memory_space<vmem>>
        %dma_wait3A_514 = tpu.memref_squeeze %dma_wait3A_513 : memref<1x128xi32, #tpu.memory_space<vmem>> -> memref<128xi32, #tpu.memory_space<vmem>>
        %dma_wait3A_515 = arith.constant 0 : i32
        %dma_wait3A_516 = arith.constant 0 : i32
        %dma_wait3A_517 = tpu.memref_slice %arg8[%dma_wait3A_515, %dma_wait3A_516] : memref<10240x128xf32, #tpu.memory_space<vmem_shared>> -> memref<10240x128xf32, #tpu.memory_space<vmem_shared>>
        tpu.wait_indirect_dma semaphore(%run_scoped3A_505 : memref<!tpu.dma_semaphore, #tpu.memory_space<semaphore_mem>>) src(%arg6 : memref<128x128xf32, #tpu.memory_space<vmem>>) dst(%dma_wait3A_517 : memref<10240x128xf32, #tpu.memory_space<vmem_shared>>)
        tpu.yield
      }) : () -> ()
      %dma_start3A_47 = arith.constant 2 : i32
      %dma_start3A_48 = arith.constant 0 : i32
      %dma_start3A_49 = tpu.memref_slice %arg5[%dma_start3A_47, %dma_start3A_48] : memref<64x128xi32, #tpu.memory_space<vmem>> -> memref<1x128xi32, #tpu.memory_space<vmem>>
      %dma_start3A_50 = tpu.memref_squeeze %dma_start3A_49 : memref<1x128xi32, #tpu.memory_space<vmem>> -> memref<128xi32, #tpu.memory_space<vmem>>
      %dma_start3A_51 = arith.constant 0 : i32
      %dma_start3A_52 = arith.constant 0 : i32
      %dma_start3A_53 = tpu.memref_slice %arg2[%dma_start3A_51, %dma_start3A_52] : memref<20480x128xf32, #tpu.memory_space<hbm>> -> memref<20480x128xf32, #tpu.memory_space<hbm>>
      tpu.enqueue_indirect_dma source(%dma_start3A_53 : memref<20480x128xf32, #tpu.memory_space<hbm>>) target(%arg6 : memref<128x128xf32, #tpu.memory_space<vmem>>) offsets(%dma_start3A_50 : memref<128xi32, #tpu.memory_space<vmem>>) semaphore(%arg9 : memref<!tpu.dma_semaphore, #tpu.memory_space<semaphore_mem>>)
      %dma_wait3A_54 = arith.constant 1 : i32
      %dma_wait3A_55 = arith.constant 0 : i32
      %dma_wait3A_56 = tpu.memref_slice %arg5[%dma_wait3A_54, %dma_wait3A_55] : memref<64x128xi32, #tpu.memory_space<vmem>> -> memref<1x128xi32, #tpu.memory_space<vmem>>
      %dma_wait3A_57 = tpu.memref_squeeze %dma_wait3A_56 : memref<1x128xi32, #tpu.memory_space<vmem>> -> memref<128xi32, #tpu.memory_space<vmem>>
      %dma_wait3A_58 = arith.constant 0 : i32
      %dma_wait3A_59 = arith.constant 0 : i32
      %dma_wait3A_60 = tpu.memref_slice %arg2[%dma_wait3A_58, %dma_wait3A_59] : memref<20480x128xf32, #tpu.memory_space<hbm>> -> memref<20480x128xf32, #tpu.memory_space<hbm>>
      tpu.wait_indirect_dma semaphore(%arg10 : memref<!tpu.dma_semaphore, #tpu.memory_space<semaphore_mem>>) src(%dma_wait3A_60 : memref<20480x128xf32, #tpu.memory_space<hbm>>) dst(%arg7 : memref<128x128xf32, #tpu.memory_space<vmem>>)
      %run_scoped3A_61 = arith.constant 9 : i32
      "tpu.region"() ({
        %run_scoped3A_505 = tpu.sem_alloc : memref<!tpu.dma_semaphore, #tpu.memory_space<semaphore_mem>>
        %dma_start3A_506 = arith.constant 0 : i32
        %dma_start3A_507 = tpu.memref_slice %arg5[%run_scoped3A_61, %dma_start3A_506] : memref<64x128xi32, #tpu.memory_space<vmem>> -> memref<1x128xi32, #tpu.memory_space<vmem>>
        %dma_start3A_508 = tpu.memref_squeeze %dma_start3A_507 : memref<1x128xi32, #tpu.memory_space<vmem>> -> memref<128xi32, #tpu.memory_space<vmem>>
        %dma_start3A_509 = arith.constant 0 : i32
        %dma_start3A_510 = arith.constant 0 : i32
        %dma_start3A_511 = tpu.memref_slice %arg8[%dma_start3A_509, %dma_start3A_510] : memref<10240x128xf32, #tpu.memory_space<vmem_shared>> -> memref<10240x128xf32, #tpu.memory_space<vmem_shared>>
        tpu.enqueue_indirect_dma source(%arg7 : memref<128x128xf32, #tpu.memory_space<vmem>>) target(%dma_start3A_511 : memref<10240x128xf32, #tpu.memory_space<vmem_shared>>) offsets(%dma_start3A_508 : memref<128xi32, #tpu.memory_space<vmem>>) semaphore(%run_scoped3A_505 : memref<!tpu.dma_semaphore, #tpu.memory_space<semaphore_mem>>) {add = true}
        %dma_wait3A_512 = arith.constant 0 : i32
        %dma_wait3A_513 = tpu.memref_slice %arg5[%run_scoped3A_61, %dma_wait3A_512] : memref<64x128xi32, #tpu.memory_space<vmem>> -> memref<1x128xi32, #tpu.memory_space<vmem>>
        %dma_wait3A_514 = tpu.memref_squeeze %dma_wait3A_513 : memref<1x128xi32, #tpu.memory_space<vmem>> -> memref<128xi32, #tpu.memory_space<vmem>>
        %dma_wait3A_515 = arith.constant 0 : i32
        %dma_wait3A_516 = arith.constant 0 : i32
        %dma_wait3A_517 = tpu.memref_slice %arg8[%dma_wait3A_515, %dma_wait3A_516] : memref<10240x128xf32, #tpu.memory_space<vmem_shared>> -> memref<10240x128xf32, #tpu.memory_space<vmem_shared>>
        tpu.wait_indirect_dma semaphore(%run_scoped3A_505 : memref<!tpu.dma_semaphore, #tpu.memory_space<semaphore_mem>>) src(%arg7 : memref<128x128xf32, #tpu.memory_space<vmem>>) dst(%dma_wait3A_517 : memref<10240x128xf32, #tpu.memory_space<vmem_shared>>)
        tpu.yield
      }) : () -> ()
      %dma_start3A_62 = arith.constant 3 : i32
      %dma_start3A_63 = arith.constant 0 : i32
      %dma_start3A_64 = tpu.memref_slice %arg5[%dma_start3A_62, %dma_start3A_63] : memref<64x128xi32, #tpu.memory_space<vmem>> -> memref<1x128xi32, #tpu.memory_space<vmem>>
      %dma_start3A_65 = tpu.memref_squeeze %dma_start3A_64 : memref<1x128xi32, #tpu.memory_space<vmem>> -> memref<128xi32, #tpu.memory_space<vmem>>
      %dma_start3A_66 = arith.constant 0 : i32
      %dma_start3A_67 = arith.constant 0 : i32
      %dma_start3A_68 = tpu.memref_slice %arg2[%dma_start3A_66, %dma_start3A_67] : memref<20480x128xf32, #tpu.memory_space<hbm>> -> memref<20480x128xf32, #tpu.memory_space<hbm>>
      tpu.enqueue_indirect_dma source(%dma_start3A_68 : memref<20480x128xf32, #tpu.memory_space<hbm>>) target(%arg7 : memref<128x128xf32, #tpu.memory_space<vmem>>) offsets(%dma_start3A_65 : memref<128xi32, #tpu.memory_space<vmem>>) semaphore(%arg10 : memref<!tpu.dma_semaphore, #tpu.memory_space<semaphore_mem>>)
      %dma_wait3A_69 = arith.constant 2 : i32
      %dma_wait3A_70 = arith.constant 0 : i32
      %dma_wait3A_71 = tpu.memref_slice %arg5[%dma_wait3A_69, %dma_wait3A_70] : memref<64x128xi32, #tpu.memory_space<vmem>> -> memref<1x128xi32, #tpu.memory_space<vmem>>
      %dma_wait3A_72 = tpu.memref_squeeze %dma_wait3A_71 : memref<1x128xi32, #tpu.memory_space<vmem>> -> memref<128xi32, #tpu.memory_space<vmem>>
      %dma_wait3A_73 = arith.constant 0 : i32
      %dma_wait3A_74 = arith.constant 0 : i32
      %dma_wait3A_75 = tpu.memref_slice %arg2[%dma_wait3A_73, %dma_wait3A_74] : memref<20480x128xf32, #tpu.memory_space<hbm>> -> memref<20480x128xf32, #tpu.memory_space<hbm>>
      tpu.wait_indirect_dma semaphore(%arg9 : memref<!tpu.dma_semaphore, #tpu.memory_space<semaphore_mem>>) src(%dma_wait3A_75 : memref<20480x128xf32, #tpu.memory_space<hbm>>) dst(%arg6 : memref<128x128xf32, #tpu.memory_space<vmem>>)
      %run_scoped3A_76 = arith.constant 10 : i32
      "tpu.region"() ({
        %run_scoped3A_505 = tpu.sem_alloc : memref<!tpu.dma_semaphore, #tpu.memory_space<semaphore_mem>>
        %dma_start3A_506 = arith.constant 0 : i32
        %dma_start3A_507 = tpu.memref_slice %arg5[%run_scoped3A_76, %dma_start3A_506] : memref<64x128xi32, #tpu.memory_space<vmem>> -> memref<1x128xi32, #tpu.memory_space<vmem>>
        %dma_start3A_508 = tpu.memref_squeeze %dma_start3A_507 : memref<1x128xi32, #tpu.memory_space<vmem>> -> memref<128xi32, #tpu.memory_space<vmem>>
        %dma_start3A_509 = arith.constant 0 : i32
        %dma_start3A_510 = arith.constant 0 : i32
        %dma_start3A_511 = tpu.memref_slice %arg8[%dma_start3A_509, %dma_start3A_510] : memref<10240x128xf32, #tpu.memory_space<vmem_shared>> -> memref<10240x128xf32, #tpu.memory_space<vmem_shared>>
        tpu.enqueue_indirect_dma source(%arg6 : memref<128x128xf32, #tpu.memory_space<vmem>>) target(%dma_start3A_511 : memref<10240x128xf32, #tpu.memory_space<vmem_shared>>) offsets(%dma_start3A_508 : memref<128xi32, #tpu.memory_space<vmem>>) semaphore(%run_scoped3A_505 : memref<!tpu.dma_semaphore, #tpu.memory_space<semaphore_mem>>) {add = true}
        %dma_wait3A_512 = arith.constant 0 : i32
        %dma_wait3A_513 = tpu.memref_slice %arg5[%run_scoped3A_76, %dma_wait3A_512] : memref<64x128xi32, #tpu.memory_space<vmem>> -> memref<1x128xi32, #tpu.memory_space<vmem>>
        %dma_wait3A_514 = tpu.memref_squeeze %dma_wait3A_513 : memref<1x128xi32, #tpu.memory_space<vmem>> -> memref<128xi32, #tpu.memory_space<vmem>>
        %dma_wait3A_515 = arith.constant 0 : i32
        %dma_wait3A_516 = arith.constant 0 : i32
        %dma_wait3A_517 = tpu.memref_slice %arg8[%dma_wait3A_515, %dma_wait3A_516] : memref<10240x128xf32, #tpu.memory_space<vmem_shared>> -> memref<10240x128xf32, #tpu.memory_space<vmem_shared>>
        tpu.wait_indirect_dma semaphore(%run_scoped3A_505 : memref<!tpu.dma_semaphore, #tpu.memory_space<semaphore_mem>>) src(%arg6 : memref<128x128xf32, #tpu.memory_space<vmem>>) dst(%dma_wait3A_517 : memref<10240x128xf32, #tpu.memory_space<vmem_shared>>)
        tpu.yield
      }) : () -> ()
      %dma_start3A_77 = arith.constant 4 : i32
      %dma_start3A_78 = arith.constant 0 : i32
      %dma_start3A_79 = tpu.memref_slice %arg5[%dma_start3A_77, %dma_start3A_78] : memref<64x128xi32, #tpu.memory_space<vmem>> -> memref<1x128xi32, #tpu.memory_space<vmem>>
      %dma_start3A_80 = tpu.memref_squeeze %dma_start3A_79 : memref<1x128xi32, #tpu.memory_space<vmem>> -> memref<128xi32, #tpu.memory_space<vmem>>
      %dma_start3A_81 = arith.constant 0 : i32
      %dma_start3A_82 = arith.constant 0 : i32
      %dma_start3A_83 = tpu.memref_slice %arg2[%dma_start3A_81, %dma_start3A_82] : memref<20480x128xf32, #tpu.memory_space<hbm>> -> memref<20480x128xf32, #tpu.memory_space<hbm>>
      tpu.enqueue_indirect_dma source(%dma_start3A_83 : memref<20480x128xf32, #tpu.memory_space<hbm>>) target(%arg6 : memref<128x128xf32, #tpu.memory_space<vmem>>) offsets(%dma_start3A_80 : memref<128xi32, #tpu.memory_space<vmem>>) semaphore(%arg9 : memref<!tpu.dma_semaphore, #tpu.memory_space<semaphore_mem>>)
      %dma_wait3A_84 = arith.constant 3 : i32
      %dma_wait3A_85 = arith.constant 0 : i32
      %dma_wait3A_86 = tpu.memref_slice %arg5[%dma_wait3A_84, %dma_wait3A_85] : memref<64x128xi32, #tpu.memory_space<vmem>> -> memref<1x128xi32, #tpu.memory_space<vmem>>
      %dma_wait3A_87 = tpu.memref_squeeze %dma_wait3A_86 : memref<1x128xi32, #tpu.memory_space<vmem>> -> memref<128xi32, #tpu.memory_space<vmem>>
      %dma_wait3A_88 = arith.constant 0 : i32
      %dma_wait3A_89 = arith.constant 0 : i32
      %dma_wait3A_90 = tpu.memref_slice %arg2[%dma_wait3A_88, %dma_wait3A_89] : memref<20480x128xf32, #tpu.memory_space<hbm>> -> memref<20480x128xf32, #tpu.memory_space<hbm>>
      tpu.wait_indirect_dma semaphore(%arg10 : memref<!tpu.dma_semaphore, #tpu.memory_space<semaphore_mem>>) src(%dma_wait3A_90 : memref<20480x128xf32, #tpu.memory_space<hbm>>) dst(%arg7 : memref<128x128xf32, #tpu.memory_space<vmem>>)
      %run_scoped3A_91 = arith.constant 11 : i32
      "tpu.region"() ({
        %run_scoped3A_505 = tpu.sem_alloc : memref<!tpu.dma_semaphore, #tpu.memory_space<semaphore_mem>>
        %dma_start3A_506 = arith.constant 0 : i32
        %dma_start3A_507 = tpu.memref_slice %arg5[%run_scoped3A_91, %dma_start3A_506] : memref<64x128xi32, #tpu.memory_space<vmem>> -> memref<1x128xi32, #tpu.memory_space<vmem>>
        %dma_start3A_508 = tpu.memref_squeeze %dma_start3A_507 : memref<1x128xi32, #tpu.memory_space<vmem>> -> memref<128xi32, #tpu.memory_space<vmem>>
        %dma_start3A_509 = arith.constant 0 : i32
        %dma_start3A_510 = arith.constant 0 : i32
        %dma_start3A_511 = tpu.memref_slice %arg8[%dma_start3A_509, %dma_start3A_510] : memref<10240x128xf32, #tpu.memory_space<vmem_shared>> -> memref<10240x128xf32, #tpu.memory_space<vmem_shared>>
        tpu.enqueue_indirect_dma source(%arg7 : memref<128x128xf32, #tpu.memory_space<vmem>>) target(%dma_start3A_511 : memref<10240x128xf32, #tpu.memory_space<vmem_shared>>) offsets(%dma_start3A_508 : memref<128xi32, #tpu.memory_space<vmem>>) semaphore(%run_scoped3A_505 : memref<!tpu.dma_semaphore, #tpu.memory_space<semaphore_mem>>) {add = true}
        %dma_wait3A_512 = arith.constant 0 : i32
        %dma_wait3A_513 = tpu.memref_slice %arg5[%run_scoped3A_91, %dma_wait3A_512] : memref<64x128xi32, #tpu.memory_space<vmem>> -> memref<1x128xi32, #tpu.memory_space<vmem>>
        %dma_wait3A_514 = tpu.memref_squeeze %dma_wait3A_513 : memref<1x128xi32, #tpu.memory_space<vmem>> -> memref<128xi32, #tpu.memory_space<vmem>>
        %dma_wait3A_515 = arith.constant 0 : i32
        %dma_wait3A_516 = arith.constant 0 : i32
        %dma_wait3A_517 = tpu.memref_slice %arg8[%dma_wait3A_515, %dma_wait3A_516] : memref<10240x128xf32, #tpu.memory_space<vmem_shared>> -> memref<10240x128xf32, #tpu.memory_space<vmem_shared>>
        tpu.wait_indirect_dma semaphore(%run_scoped3A_505 : memref<!tpu.dma_semaphore, #tpu.memory_space<semaphore_mem>>) src(%arg7 : memref<128x128xf32, #tpu.memory_space<vmem>>) dst(%dma_wait3A_517 : memref<10240x128xf32, #tpu.memory_space<vmem_shared>>)
        tpu.yield
      }) : () -> ()
      %dma_start3A_92 = arith.constant 5 : i32
      %dma_start3A_93 = arith.constant 0 : i32
      %dma_start3A_94 = tpu.memref_slice %arg5[%dma_start3A_92, %dma_start3A_93] : memref<64x128xi32, #tpu.memory_space<vmem>> -> memref<1x128xi32, #tpu.memory_space<vmem>>
      %dma_start3A_95 = tpu.memref_squeeze %dma_start3A_94 : memref<1x128xi32, #tpu.memory_space<vmem>> -> memref<128xi32, #tpu.memory_space<vmem>>
      %dma_start3A_96 = arith.constant 0 : i32
      %dma_start3A_97 = arith.constant 0 : i32
      %dma_start3A_98 = tpu.memref_slice %arg2[%dma_start3A_96, %dma_start3A_97] : memref<20480x128xf32, #tpu.memory_space<hbm>> -> memref<20480x128xf32, #tpu.memory_space<hbm>>
      tpu.enqueue_indirect_dma source(%dma_start3A_98 : memref<20480x128xf32, #tpu.memory_space<hbm>>) target(%arg7 : memref<128x128xf32, #tpu.memory_space<vmem>>) offsets(%dma_start3A_95 : memref<128xi32, #tpu.memory_space<vmem>>) semaphore(%arg10 : memref<!tpu.dma_semaphore, #tpu.memory_space<semaphore_mem>>)
      %dma_wait3A_99 = arith.constant 4 : i32
      %dma_wait3A_100 = arith.constant 0 : i32
      %dma_wait3A_101 = tpu.memref_slice %arg5[%dma_wait3A_99, %dma_wait3A_100] : memref<64x128xi32, #tpu.memory_space<vmem>> -> memref<1x128xi32, #tpu.memory_space<vmem>>
      %dma_wait3A_102 = tpu.memref_squeeze %dma_wait3A_101 : memref<1x128xi32, #tpu.memory_space<vmem>> -> memref<128xi32, #tpu.memory_space<vmem>>
      %dma_wait3A_103 = arith.constant 0 : i32
      %dma_wait3A_104 = arith.constant 0 : i32
      %dma_wait3A_105 = tpu.memref_slice %arg2[%dma_wait3A_103, %dma_wait3A_104] : memref<20480x128xf32, #tpu.memory_space<hbm>> -> memref<20480x128xf32, #tpu.memory_space<hbm>>
      tpu.wait_indirect_dma semaphore(%arg9 : memref<!tpu.dma_semaphore, #tpu.memory_space<semaphore_mem>>) src(%dma_wait3A_105 : memref<20480x128xf32, #tpu.memory_space<hbm>>) dst(%arg6 : memref<128x128xf32, #tpu.memory_space<vmem>>)
      %run_scoped3A_106 = arith.constant 12 : i32
      "tpu.region"() ({
        %run_scoped3A_505 = tpu.sem_alloc : memref<!tpu.dma_semaphore, #tpu.memory_space<semaphore_mem>>
        %dma_start3A_506 = arith.constant 0 : i32
        %dma_start3A_507 = tpu.memref_slice %arg5[%run_scoped3A_106, %dma_start3A_506] : memref<64x128xi32, #tpu.memory_space<vmem>> -> memref<1x128xi32, #tpu.memory_space<vmem>>
        %dma_start3A_508 = tpu.memref_squeeze %dma_start3A_507 : memref<1x128xi32, #tpu.memory_space<vmem>> -> memref<128xi32, #tpu.memory_space<vmem>>
        %dma_start3A_509 = arith.constant 0 : i32
        %dma_start3A_510 = arith.constant 0 : i32
        %dma_start3A_511 = tpu.memref_slice %arg8[%dma_start3A_509, %dma_start3A_510] : memref<10240x128xf32, #tpu.memory_space<vmem_shared>> -> memref<10240x128xf32, #tpu.memory_space<vmem_shared>>
        tpu.enqueue_indirect_dma source(%arg6 : memref<128x128xf32, #tpu.memory_space<vmem>>) target(%dma_start3A_511 : memref<10240x128xf32, #tpu.memory_space<vmem_shared>>) offsets(%dma_start3A_508 : memref<128xi32, #tpu.memory_space<vmem>>) semaphore(%run_scoped3A_505 : memref<!tpu.dma_semaphore, #tpu.memory_space<semaphore_mem>>) {add = true}
        %dma_wait3A_512 = arith.constant 0 : i32
        %dma_wait3A_513 = tpu.memref_slice %arg5[%run_scoped3A_106, %dma_wait3A_512] : memref<64x128xi32, #tpu.memory_space<vmem>> -> memref<1x128xi32, #tpu.memory_space<vmem>>
        %dma_wait3A_514 = tpu.memref_squeeze %dma_wait3A_513 : memref<1x128xi32, #tpu.memory_space<vmem>> -> memref<128xi32, #tpu.memory_space<vmem>>
        %dma_wait3A_515 = arith.constant 0 : i32
        %dma_wait3A_516 = arith.constant 0 : i32
        %dma_wait3A_517 = tpu.memref_slice %arg8[%dma_wait3A_515, %dma_wait3A_516] : memref<10240x128xf32, #tpu.memory_space<vmem_shared>> -> memref<10240x128xf32, #tpu.memory_space<vmem_shared>>
        tpu.wait_indirect_dma semaphore(%run_scoped3A_505 : memref<!tpu.dma_semaphore, #tpu.memory_space<semaphore_mem>>) src(%arg6 : memref<128x128xf32, #tpu.memory_space<vmem>>) dst(%dma_wait3A_517 : memref<10240x128xf32, #tpu.memory_space<vmem_shared>>)
        tpu.yield
      }) : () -> ()
      %dma_start3A_107 = arith.constant 6 : i32
      %dma_start3A_108 = arith.constant 0 : i32
      %dma_start3A_109 = tpu.memref_slice %arg5[%dma_start3A_107, %dma_start3A_108] : memref<64x128xi32, #tpu.memory_space<vmem>> -> memref<1x128xi32, #tpu.memory_space<vmem>>
      %dma_start3A_110 = tpu.memref_squeeze %dma_start3A_109 : memref<1x128xi32, #tpu.memory_space<vmem>> -> memref<128xi32, #tpu.memory_space<vmem>>
      %dma_start3A_111 = arith.constant 0 : i32
      %dma_start3A_112 = arith.constant 0 : i32
      %dma_start3A_113 = tpu.memref_slice %arg2[%dma_start3A_111, %dma_start3A_112] : memref<20480x128xf32, #tpu.memory_space<hbm>> -> memref<20480x128xf32, #tpu.memory_space<hbm>>
      tpu.enqueue_indirect_dma source(%dma_start3A_113 : memref<20480x128xf32, #tpu.memory_space<hbm>>) target(%arg6 : memref<128x128xf32, #tpu.memory_space<vmem>>) offsets(%dma_start3A_110 : memref<128xi32, #tpu.memory_space<vmem>>) semaphore(%arg9 : memref<!tpu.dma_semaphore, #tpu.memory_space<semaphore_mem>>)
      %dma_wait3A_114 = arith.constant 5 : i32
      %dma_wait3A_115 = arith.constant 0 : i32
      %dma_wait3A_116 = tpu.memref_slice %arg5[%dma_wait3A_114, %dma_wait3A_115] : memref<64x128xi32, #tpu.memory_space<vmem>> -> memref<1x128xi32, #tpu.memory_space<vmem>>
      %dma_wait3A_117 = tpu.memref_squeeze %dma_wait3A_116 : memref<1x128xi32, #tpu.memory_space<vmem>> -> memref<128xi32, #tpu.memory_space<vmem>>
      %dma_wait3A_118 = arith.constant 0 : i32
      %dma_wait3A_119 = arith.constant 0 : i32
      %dma_wait3A_120 = tpu.memref_slice %arg2[%dma_wait3A_118, %dma_wait3A_119] : memref<20480x128xf32, #tpu.memory_space<hbm>> -> memref<20480x128xf32, #tpu.memory_space<hbm>>
      tpu.wait_indirect_dma semaphore(%arg10 : memref<!tpu.dma_semaphore, #tpu.memory_space<semaphore_mem>>) src(%dma_wait3A_120 : memref<20480x128xf32, #tpu.memory_space<hbm>>) dst(%arg7 : memref<128x128xf32, #tpu.memory_space<vmem>>)
      %run_scoped3A_121 = arith.constant 13 : i32
      "tpu.region"() ({
        %run_scoped3A_505 = tpu.sem_alloc : memref<!tpu.dma_semaphore, #tpu.memory_space<semaphore_mem>>
        %dma_start3A_506 = arith.constant 0 : i32
        %dma_start3A_507 = tpu.memref_slice %arg5[%run_scoped3A_121, %dma_start3A_506] : memref<64x128xi32, #tpu.memory_space<vmem>> -> memref<1x128xi32, #tpu.memory_space<vmem>>
        %dma_start3A_508 = tpu.memref_squeeze %dma_start3A_507 : memref<1x128xi32, #tpu.memory_space<vmem>> -> memref<128xi32, #tpu.memory_space<vmem>>
        %dma_start3A_509 = arith.constant 0 : i32
        %dma_start3A_510 = arith.constant 0 : i32
        %dma_start3A_511 = tpu.memref_slice %arg8[%dma_start3A_509, %dma_start3A_510] : memref<10240x128xf32, #tpu.memory_space<vmem_shared>> -> memref<10240x128xf32, #tpu.memory_space<vmem_shared>>
        tpu.enqueue_indirect_dma source(%arg7 : memref<128x128xf32, #tpu.memory_space<vmem>>) target(%dma_start3A_511 : memref<10240x128xf32, #tpu.memory_space<vmem_shared>>) offsets(%dma_start3A_508 : memref<128xi32, #tpu.memory_space<vmem>>) semaphore(%run_scoped3A_505 : memref<!tpu.dma_semaphore, #tpu.memory_space<semaphore_mem>>) {add = true}
        %dma_wait3A_512 = arith.constant 0 : i32
        %dma_wait3A_513 = tpu.memref_slice %arg5[%run_scoped3A_121, %dma_wait3A_512] : memref<64x128xi32, #tpu.memory_space<vmem>> -> memref<1x128xi32, #tpu.memory_space<vmem>>
        %dma_wait3A_514 = tpu.memref_squeeze %dma_wait3A_513 : memref<1x128xi32, #tpu.memory_space<vmem>> -> memref<128xi32, #tpu.memory_space<vmem>>
        %dma_wait3A_515 = arith.constant 0 : i32
        %dma_wait3A_516 = arith.constant 0 : i32
        %dma_wait3A_517 = tpu.memref_slice %arg8[%dma_wait3A_515, %dma_wait3A_516] : memref<10240x128xf32, #tpu.memory_space<vmem_shared>> -> memref<10240x128xf32, #tpu.memory_space<vmem_shared>>
        tpu.wait_indirect_dma semaphore(%run_scoped3A_505 : memref<!tpu.dma_semaphore, #tpu.memory_space<semaphore_mem>>) src(%arg7 : memref<128x128xf32, #tpu.memory_space<vmem>>) dst(%dma_wait3A_517 : memref<10240x128xf32, #tpu.memory_space<vmem_shared>>)
        tpu.yield
      }) : () -> ()
      %dma_start3A_122 = arith.constant 7 : i32
      %dma_start3A_123 = arith.constant 0 : i32
      %dma_start3A_124 = tpu.memref_slice %arg5[%dma_start3A_122, %dma_start3A_123] : memref<64x128xi32, #tpu.memory_space<vmem>> -> memref<1x128xi32, #tpu.memory_space<vmem>>
      %dma_start3A_125 = tpu.memref_squeeze %dma_start3A_124 : memref<1x128xi32, #tpu.memory_space<vmem>> -> memref<128xi32, #tpu.memory_space<vmem>>
      %dma_start3A_126 = arith.constant 0 : i32
      %dma_start3A_127 = arith.constant 0 : i32
      %dma_start3A_128 = tpu.memref_slice %arg2[%dma_start3A_126, %dma_start3A_127] : memref<20480x128xf32, #tpu.memory_space<hbm>> -> memref<20480x128xf32, #tpu.memory_space<hbm>>
      tpu.enqueue_indirect_dma source(%dma_start3A_128 : memref<20480x128xf32, #tpu.memory_space<hbm>>) target(%arg7 : memref<128x128xf32, #tpu.memory_space<vmem>>) offsets(%dma_start3A_125 : memref<128xi32, #tpu.memory_space<vmem>>) semaphore(%arg10 : memref<!tpu.dma_semaphore, #tpu.memory_space<semaphore_mem>>)
      %dma_wait3A_129 = arith.constant 6 : i32
      %dma_wait3A_130 = arith.constant 0 : i32
      %dma_wait3A_131 = tpu.memref_slice %arg5[%dma_wait3A_129, %dma_wait3A_130] : memref<64x128xi32, #tpu.memory_space<vmem>> -> memref<1x128xi32, #tpu.memory_space<vmem>>
      %dma_wait3A_132 = tpu.memref_squeeze %dma_wait3A_131 : memref<1x128xi32, #tpu.memory_space<vmem>> -> memref<128xi32, #tpu.memory_space<vmem>>
      %dma_wait3A_133 = arith.constant 0 : i32
      %dma_wait3A_134 = arith.constant 0 : i32
      %dma_wait3A_135 = tpu.memref_slice %arg2[%dma_wait3A_133, %dma_wait3A_134] : memref<20480x128xf32, #tpu.memory_space<hbm>> -> memref<20480x128xf32, #tpu.memory_space<hbm>>
      tpu.wait_indirect_dma semaphore(%arg9 : memref<!tpu.dma_semaphore, #tpu.memory_space<semaphore_mem>>) src(%dma_wait3A_135 : memref<20480x128xf32, #tpu.memory_space<hbm>>) dst(%arg6 : memref<128x128xf32, #tpu.memory_space<vmem>>)
      %run_scoped3A_136 = arith.constant 14 : i32
      "tpu.region"() ({
        %run_scoped3A_505 = tpu.sem_alloc : memref<!tpu.dma_semaphore, #tpu.memory_space<semaphore_mem>>
        %dma_start3A_506 = arith.constant 0 : i32
        %dma_start3A_507 = tpu.memref_slice %arg5[%run_scoped3A_136, %dma_start3A_506] : memref<64x128xi32, #tpu.memory_space<vmem>> -> memref<1x128xi32, #tpu.memory_space<vmem>>
        %dma_start3A_508 = tpu.memref_squeeze %dma_start3A_507 : memref<1x128xi32, #tpu.memory_space<vmem>> -> memref<128xi32, #tpu.memory_space<vmem>>
        %dma_start3A_509 = arith.constant 0 : i32
        %dma_start3A_510 = arith.constant 0 : i32
        %dma_start3A_511 = tpu.memref_slice %arg8[%dma_start3A_509, %dma_start3A_510] : memref<10240x128xf32, #tpu.memory_space<vmem_shared>> -> memref<10240x128xf32, #tpu.memory_space<vmem_shared>>
        tpu.enqueue_indirect_dma source(%arg6 : memref<128x128xf32, #tpu.memory_space<vmem>>) target(%dma_start3A_511 : memref<10240x128xf32, #tpu.memory_space<vmem_shared>>) offsets(%dma_start3A_508 : memref<128xi32, #tpu.memory_space<vmem>>) semaphore(%run_scoped3A_505 : memref<!tpu.dma_semaphore, #tpu.memory_space<semaphore_mem>>) {add = true}
        %dma_wait3A_512 = arith.constant 0 : i32
        %dma_wait3A_513 = tpu.memref_slice %arg5[%run_scoped3A_136, %dma_wait3A_512] : memref<64x128xi32, #tpu.memory_space<vmem>> -> memref<1x128xi32, #tpu.memory_space<vmem>>
        %dma_wait3A_514 = tpu.memref_squeeze %dma_wait3A_513 : memref<1x128xi32, #tpu.memory_space<vmem>> -> memref<128xi32, #tpu.memory_space<vmem>>
        %dma_wait3A_515 = arith.constant 0 : i32
        %dma_wait3A_516 = arith.constant 0 : i32
        %dma_wait3A_517 = tpu.memref_slice %arg8[%dma_wait3A_515, %dma_wait3A_516] : memref<10240x128xf32, #tpu.memory_space<vmem_shared>> -> memref<10240x128xf32, #tpu.memory_space<vmem_shared>>
        tpu.wait_indirect_dma semaphore(%run_scoped3A_505 : memref<!tpu.dma_semaphore, #tpu.memory_space<semaphore_mem>>) src(%arg6 : memref<128x128xf32, #tpu.memory_space<vmem>>) dst(%dma_wait3A_517 : memref<10240x128xf32, #tpu.memory_space<vmem_shared>>)
        tpu.yield
      }) : () -> ()
      %dma_start3A_137 = arith.constant 16 : i32
      %dma_start3A_138 = arith.constant 0 : i32
      %dma_start3A_139 = tpu.memref_slice %arg5[%dma_start3A_137, %dma_start3A_138] : memref<64x128xi32, #tpu.memory_space<vmem>> -> memref<1x128xi32, #tpu.memory_space<vmem>>
      %dma_start3A_140 = tpu.memref_squeeze %dma_start3A_139 : memref<1x128xi32, #tpu.memory_space<vmem>> -> memref<128xi32, #tpu.memory_space<vmem>>
      %dma_start3A_141 = arith.constant 0 : i32
      %dma_start3A_142 = arith.constant 0 : i32
      %dma_start3A_143 = tpu.memref_slice %arg2[%dma_start3A_141, %dma_start3A_142] : memref<20480x128xf32, #tpu.memory_space<hbm>> -> memref<20480x128xf32, #tpu.memory_space<hbm>>
      tpu.enqueue_indirect_dma source(%dma_start3A_143 : memref<20480x128xf32, #tpu.memory_space<hbm>>) target(%arg6 : memref<128x128xf32, #tpu.memory_space<vmem>>) offsets(%dma_start3A_140 : memref<128xi32, #tpu.memory_space<vmem>>) semaphore(%arg9 : memref<!tpu.dma_semaphore, #tpu.memory_space<semaphore_mem>>)
      %dma_wait3A_144 = arith.constant 7 : i32
      %dma_wait3A_145 = arith.constant 0 : i32
      %dma_wait3A_146 = tpu.memref_slice %arg5[%dma_wait3A_144, %dma_wait3A_145] : memref<64x128xi32, #tpu.memory_space<vmem>> -> memref<1x128xi32, #tpu.memory_space<vmem>>
      %dma_wait3A_147 = tpu.memref_squeeze %dma_wait3A_146 : memref<1x128xi32, #tpu.memory_space<vmem>> -> memref<128xi32, #tpu.memory_space<vmem>>
      %dma_wait3A_148 = arith.constant 0 : i32
      %dma_wait3A_149 = arith.constant 0 : i32
      %dma_wait3A_150 = tpu.memref_slice %arg2[%dma_wait3A_148, %dma_wait3A_149] : memref<20480x128xf32, #tpu.memory_space<hbm>> -> memref<20480x128xf32, #tpu.memory_space<hbm>>
      tpu.wait_indirect_dma semaphore(%arg10 : memref<!tpu.dma_semaphore, #tpu.memory_space<semaphore_mem>>) src(%dma_wait3A_150 : memref<20480x128xf32, #tpu.memory_space<hbm>>) dst(%arg7 : memref<128x128xf32, #tpu.memory_space<vmem>>)
      %run_scoped3A_151 = arith.constant 15 : i32
      "tpu.region"() ({
        %run_scoped3A_505 = tpu.sem_alloc : memref<!tpu.dma_semaphore, #tpu.memory_space<semaphore_mem>>
        %dma_start3A_506 = arith.constant 0 : i32
        %dma_start3A_507 = tpu.memref_slice %arg5[%run_scoped3A_151, %dma_start3A_506] : memref<64x128xi32, #tpu.memory_space<vmem>> -> memref<1x128xi32, #tpu.memory_space<vmem>>
        %dma_start3A_508 = tpu.memref_squeeze %dma_start3A_507 : memref<1x128xi32, #tpu.memory_space<vmem>> -> memref<128xi32, #tpu.memory_space<vmem>>
        %dma_start3A_509 = arith.constant 0 : i32
        %dma_start3A_510 = arith.constant 0 : i32
        %dma_start3A_511 = tpu.memref_slice %arg8[%dma_start3A_509, %dma_start3A_510] : memref<10240x128xf32, #tpu.memory_space<vmem_shared>> -> memref<10240x128xf32, #tpu.memory_space<vmem_shared>>
        tpu.enqueue_indirect_dma source(%arg7 : memref<128x128xf32, #tpu.memory_space<vmem>>) target(%dma_start3A_511 : memref<10240x128xf32, #tpu.memory_space<vmem_shared>>) offsets(%dma_start3A_508 : memref<128xi32, #tpu.memory_space<vmem>>) semaphore(%run_scoped3A_505 : memref<!tpu.dma_semaphore, #tpu.memory_space<semaphore_mem>>) {add = true}
        %dma_wait3A_512 = arith.constant 0 : i32
        %dma_wait3A_513 = tpu.memref_slice %arg5[%run_scoped3A_151, %dma_wait3A_512] : memref<64x128xi32, #tpu.memory_space<vmem>> -> memref<1x128xi32, #tpu.memory_space<vmem>>
        %dma_wait3A_514 = tpu.memref_squeeze %dma_wait3A_513 : memref<1x128xi32, #tpu.memory_space<vmem>> -> memref<128xi32, #tpu.memory_space<vmem>>
        %dma_wait3A_515 = arith.constant 0 : i32
        %dma_wait3A_516 = arith.constant 0 : i32
        %dma_wait3A_517 = tpu.memref_slice %arg8[%dma_wait3A_515, %dma_wait3A_516] : memref<10240x128xf32, #tpu.memory_space<vmem_shared>> -> memref<10240x128xf32, #tpu.memory_space<vmem_shared>>
        tpu.wait_indirect_dma semaphore(%run_scoped3A_505 : memref<!tpu.dma_semaphore, #tpu.memory_space<semaphore_mem>>) src(%arg7 : memref<128x128xf32, #tpu.memory_space<vmem>>) dst(%dma_wait3A_517 : memref<10240x128xf32, #tpu.memory_space<vmem_shared>>)
        tpu.yield
      }) : () -> ()
      %dma_start3A_152 = arith.constant 17 : i32
      %dma_start3A_153 = arith.constant 0 : i32
      %dma_start3A_154 = tpu.memref_slice %arg5[%dma_start3A_152, %dma_start3A_153] : memref<64x128xi32, #tpu.memory_space<vmem>> -> memref<1x128xi32, #tpu.memory_space<vmem>>
      %dma_start3A_155 = tpu.memref_squeeze %dma_start3A_154 : memref<1x128xi32, #tpu.memory_space<vmem>> -> memref<128xi32, #tpu.memory_space<vmem>>
      %dma_start3A_156 = arith.constant 0 : i32
      %dma_start3A_157 = arith.constant 0 : i32
      %dma_start3A_158 = tpu.memref_slice %arg2[%dma_start3A_156, %dma_start3A_157] : memref<20480x128xf32, #tpu.memory_space<hbm>> -> memref<20480x128xf32, #tpu.memory_space<hbm>>
      tpu.enqueue_indirect_dma source(%dma_start3A_158 : memref<20480x128xf32, #tpu.memory_space<hbm>>) target(%arg7 : memref<128x128xf32, #tpu.memory_space<vmem>>) offsets(%dma_start3A_155 : memref<128xi32, #tpu.memory_space<vmem>>) semaphore(%arg10 : memref<!tpu.dma_semaphore, #tpu.memory_space<semaphore_mem>>)
      %dma_wait3A_159 = arith.constant 16 : i32
      %dma_wait3A_160 = arith.constant 0 : i32
      %dma_wait3A_161 = tpu.memref_slice %arg5[%dma_wait3A_159, %dma_wait3A_160] : memref<64x128xi32, #tpu.memory_space<vmem>> -> memref<1x128xi32, #tpu.memory_space<vmem>>
      %dma_wait3A_162 = tpu.memref_squeeze %dma_wait3A_161 : memref<1x128xi32, #tpu.memory_space<vmem>> -> memref<128xi32, #tpu.memory_space<vmem>>
      %dma_wait3A_163 = arith.constant 0 : i32
      %dma_wait3A_164 = arith.constant 0 : i32
      %dma_wait3A_165 = tpu.memref_slice %arg2[%dma_wait3A_163, %dma_wait3A_164] : memref<20480x128xf32, #tpu.memory_space<hbm>> -> memref<20480x128xf32, #tpu.memory_space<hbm>>
      tpu.wait_indirect_dma semaphore(%arg9 : memref<!tpu.dma_semaphore, #tpu.memory_space<semaphore_mem>>) src(%dma_wait3A_165 : memref<20480x128xf32, #tpu.memory_space<hbm>>) dst(%arg6 : memref<128x128xf32, #tpu.memory_space<vmem>>)
      %run_scoped3A_166 = arith.constant 24 : i32
      "tpu.region"() ({
        %run_scoped3A_505 = tpu.sem_alloc : memref<!tpu.dma_semaphore, #tpu.memory_space<semaphore_mem>>
        %dma_start3A_506 = arith.constant 0 : i32
        %dma_start3A_507 = tpu.memref_slice %arg5[%run_scoped3A_166, %dma_start3A_506] : memref<64x128xi32, #tpu.memory_space<vmem>> -> memref<1x128xi32, #tpu.memory_space<vmem>>
        %dma_start3A_508 = tpu.memref_squeeze %dma_start3A_507 : memref<1x128xi32, #tpu.memory_space<vmem>> -> memref<128xi32, #tpu.memory_space<vmem>>
        %dma_start3A_509 = arith.constant 0 : i32
        %dma_start3A_510 = arith.constant 0 : i32
        %dma_start3A_511 = tpu.memref_slice %arg8[%dma_start3A_509, %dma_start3A_510] : memref<10240x128xf32, #tpu.memory_space<vmem_shared>> -> memref<10240x128xf32, #tpu.memory_space<vmem_shared>>
        tpu.enqueue_indirect_dma source(%arg6 : memref<128x128xf32, #tpu.memory_space<vmem>>) target(%dma_start3A_511 : memref<10240x128xf32, #tpu.memory_space<vmem_shared>>) offsets(%dma_start3A_508 : memref<128xi32, #tpu.memory_space<vmem>>) semaphore(%run_scoped3A_505 : memref<!tpu.dma_semaphore, #tpu.memory_space<semaphore_mem>>) {add = true}
        %dma_wait3A_512 = arith.constant 0 : i32
        %dma_wait3A_513 = tpu.memref_slice %arg5[%run_scoped3A_166, %dma_wait3A_512] : memref<64x128xi32, #tpu.memory_space<vmem>> -> memref<1x128xi32, #tpu.memory_space<vmem>>
        %dma_wait3A_514 = tpu.memref_squeeze %dma_wait3A_513 : memref<1x128xi32, #tpu.memory_space<vmem>> -> memref<128xi32, #tpu.memory_space<vmem>>
        %dma_wait3A_515 = arith.constant 0 : i32
        %dma_wait3A_516 = arith.constant 0 : i32
        %dma_wait3A_517 = tpu.memref_slice %arg8[%dma_wait3A_515, %dma_wait3A_516] : memref<10240x128xf32, #tpu.memory_space<vmem_shared>> -> memref<10240x128xf32, #tpu.memory_space<vmem_shared>>
        tpu.wait_indirect_dma semaphore(%run_scoped3A_505 : memref<!tpu.dma_semaphore, #tpu.memory_space<semaphore_mem>>) src(%arg6 : memref<128x128xf32, #tpu.memory_space<vmem>>) dst(%dma_wait3A_517 : memref<10240x128xf32, #tpu.memory_space<vmem_shared>>)
        tpu.yield
      }) : () -> ()
      %dma_start3A_167 = arith.constant 18 : i32
      %dma_start3A_168 = arith.constant 0 : i32
      %dma_start3A_169 = tpu.memref_slice %arg5[%dma_start3A_167, %dma_start3A_168] : memref<64x128xi32, #tpu.memory_space<vmem>> -> memref<1x128xi32, #tpu.memory_space<vmem>>
      %dma_start3A_170 = tpu.memref_squeeze %dma_start3A_169 : memref<1x128xi32, #tpu.memory_space<vmem>> -> memref<128xi32, #tpu.memory_space<vmem>>
      %dma_start3A_171 = arith.constant 0 : i32
      %dma_start3A_172 = arith.constant 0 : i32
      %dma_start3A_173 = tpu.memref_slice %arg2[%dma_start3A_171, %dma_start3A_172] : memref<20480x128xf32, #tpu.memory_space<hbm>> -> memref<20480x128xf32, #tpu.memory_space<hbm>>
      tpu.enqueue_indirect_dma source(%dma_start3A_173 : memref<20480x128xf32, #tpu.memory_space<hbm>>) target(%arg6 : memref<128x128xf32, #tpu.memory_space<vmem>>) offsets(%dma_start3A_170 : memref<128xi32, #tpu.memory_space<vmem>>) semaphore(%arg9 : memref<!tpu.dma_semaphore, #tpu.memory_space<semaphore_mem>>)
      %dma_wait3A_174 = arith.constant 17 : i32
      %dma_wait3A_175 = arith.constant 0 : i32
      %dma_wait3A_176 = tpu.memref_slice %arg5[%dma_wait3A_174, %dma_wait3A_175] : memref<64x128xi32, #tpu.memory_space<vmem>> -> memref<1x128xi32, #tpu.memory_space<vmem>>
      %dma_wait3A_177 = tpu.memref_squeeze %dma_wait3A_176 : memref<1x128xi32, #tpu.memory_space<vmem>> -> memref<128xi32, #tpu.memory_space<vmem>>
      %dma_wait3A_178 = arith.constant 0 : i32
      %dma_wait3A_179 = arith.constant 0 : i32
      %dma_wait3A_180 = tpu.memref_slice %arg2[%dma_wait3A_178, %dma_wait3A_179] : memref<20480x128xf32, #tpu.memory_space<hbm>> -> memref<20480x128xf32, #tpu.memory_space<hbm>>
      tpu.wait_indirect_dma semaphore(%arg10 : memref<!tpu.dma_semaphore, #tpu.memory_space<semaphore_mem>>) src(%dma_wait3A_180 : memref<20480x128xf32, #tpu.memory_space<hbm>>) dst(%arg7 : memref<128x128xf32, #tpu.memory_space<vmem>>)
      %run_scoped3A_181 = arith.constant 25 : i32
      "tpu.region"() ({
        %run_scoped3A_505 = tpu.sem_alloc : memref<!tpu.dma_semaphore, #tpu.memory_space<semaphore_mem>>
        %dma_start3A_506 = arith.constant 0 : i32
        %dma_start3A_507 = tpu.memref_slice %arg5[%run_scoped3A_181, %dma_start3A_506] : memref<64x128xi32, #tpu.memory_space<vmem>> -> memref<1x128xi32, #tpu.memory_space<vmem>>
        %dma_start3A_508 = tpu.memref_squeeze %dma_start3A_507 : memref<1x128xi32, #tpu.memory_space<vmem>> -> memref<128xi32, #tpu.memory_space<vmem>>
        %dma_start3A_509 = arith.constant 0 : i32
        %dma_start3A_510 = arith.constant 0 : i32
        %dma_start3A_511 = tpu.memref_slice %arg8[%dma_start3A_509, %dma_start3A_510] : memref<10240x128xf32, #tpu.memory_space<vmem_shared>> -> memref<10240x128xf32, #tpu.memory_space<vmem_shared>>
        tpu.enqueue_indirect_dma source(%arg7 : memref<128x128xf32, #tpu.memory_space<vmem>>) target(%dma_start3A_511 : memref<10240x128xf32, #tpu.memory_space<vmem_shared>>) offsets(%dma_start3A_508 : memref<128xi32, #tpu.memory_space<vmem>>) semaphore(%run_scoped3A_505 : memref<!tpu.dma_semaphore, #tpu.memory_space<semaphore_mem>>) {add = true}
        %dma_wait3A_512 = arith.constant 0 : i32
        %dma_wait3A_513 = tpu.memref_slice %arg5[%run_scoped3A_181, %dma_wait3A_512] : memref<64x128xi32, #tpu.memory_space<vmem>> -> memref<1x128xi32, #tpu.memory_space<vmem>>
        %dma_wait3A_514 = tpu.memref_squeeze %dma_wait3A_513 : memref<1x128xi32, #tpu.memory_space<vmem>> -> memref<128xi32, #tpu.memory_space<vmem>>
        %dma_wait3A_515 = arith.constant 0 : i32
        %dma_wait3A_516 = arith.constant 0 : i32
        %dma_wait3A_517 = tpu.memref_slice %arg8[%dma_wait3A_515, %dma_wait3A_516] : memref<10240x128xf32, #tpu.memory_space<vmem_shared>> -> memref<10240x128xf32, #tpu.memory_space<vmem_shared>>
        tpu.wait_indirect_dma semaphore(%run_scoped3A_505 : memref<!tpu.dma_semaphore, #tpu.memory_space<semaphore_mem>>) src(%arg7 : memref<128x128xf32, #tpu.memory_space<vmem>>) dst(%dma_wait3A_517 : memref<10240x128xf32, #tpu.memory_space<vmem_shared>>)
        tpu.yield
      }) : () -> ()
      %dma_start3A_182 = arith.constant 19 : i32
      %dma_start3A_183 = arith.constant 0 : i32
      %dma_start3A_184 = tpu.memref_slice %arg5[%dma_start3A_182, %dma_start3A_183] : memref<64x128xi32, #tpu.memory_space<vmem>> -> memref<1x128xi32, #tpu.memory_space<vmem>>
      %dma_start3A_185 = tpu.memref_squeeze %dma_start3A_184 : memref<1x128xi32, #tpu.memory_space<vmem>> -> memref<128xi32, #tpu.memory_space<vmem>>
      %dma_start3A_186 = arith.constant 0 : i32
      %dma_start3A_187 = arith.constant 0 : i32
      %dma_start3A_188 = tpu.memref_slice %arg2[%dma_start3A_186, %dma_start3A_187] : memref<20480x128xf32, #tpu.memory_space<hbm>> -> memref<20480x128xf32, #tpu.memory_space<hbm>>
      tpu.enqueue_indirect_dma source(%dma_start3A_188 : memref<20480x128xf32, #tpu.memory_space<hbm>>) target(%arg7 : memref<128x128xf32, #tpu.memory_space<vmem>>) offsets(%dma_start3A_185 : memref<128xi32, #tpu.memory_space<vmem>>) semaphore(%arg10 : memref<!tpu.dma_semaphore, #tpu.memory_space<semaphore_mem>>)
      %dma_wait3A_189 = arith.constant 18 : i32
      %dma_wait3A_190 = arith.constant 0 : i32
      %dma_wait3A_191 = tpu.memref_slice %arg5[%dma_wait3A_189, %dma_wait3A_190] : memref<64x128xi32, #tpu.memory_space<vmem>> -> memref<1x128xi32, #tpu.memory_space<vmem>>
      %dma_wait3A_192 = tpu.memref_squeeze %dma_wait3A_191 : memref<1x128xi32, #tpu.memory_space<vmem>> -> memref<128xi32, #tpu.memory_space<vmem>>
      %dma_wait3A_193 = arith.constant 0 : i32
      %dma_wait3A_194 = arith.constant 0 : i32
      %dma_wait3A_195 = tpu.memref_slice %arg2[%dma_wait3A_193, %dma_wait3A_194] : memref<20480x128xf32, #tpu.memory_space<hbm>> -> memref<20480x128xf32, #tpu.memory_space<hbm>>
      tpu.wait_indirect_dma semaphore(%arg9 : memref<!tpu.dma_semaphore, #tpu.memory_space<semaphore_mem>>) src(%dma_wait3A_195 : memref<20480x128xf32, #tpu.memory_space<hbm>>) dst(%arg6 : memref<128x128xf32, #tpu.memory_space<vmem>>)
      %run_scoped3A_196 = arith.constant 26 : i32
      "tpu.region"() ({
        %run_scoped3A_505 = tpu.sem_alloc : memref<!tpu.dma_semaphore, #tpu.memory_space<semaphore_mem>>
        %dma_start3A_506 = arith.constant 0 : i32
        %dma_start3A_507 = tpu.memref_slice %arg5[%run_scoped3A_196, %dma_start3A_506] : memref<64x128xi32, #tpu.memory_space<vmem>> -> memref<1x128xi32, #tpu.memory_space<vmem>>
        %dma_start3A_508 = tpu.memref_squeeze %dma_start3A_507 : memref<1x128xi32, #tpu.memory_space<vmem>> -> memref<128xi32, #tpu.memory_space<vmem>>
        %dma_start3A_509 = arith.constant 0 : i32
        %dma_start3A_510 = arith.constant 0 : i32
        %dma_start3A_511 = tpu.memref_slice %arg8[%dma_start3A_509, %dma_start3A_510] : memref<10240x128xf32, #tpu.memory_space<vmem_shared>> -> memref<10240x128xf32, #tpu.memory_space<vmem_shared>>
        tpu.enqueue_indirect_dma source(%arg6 : memref<128x128xf32, #tpu.memory_space<vmem>>) target(%dma_start3A_511 : memref<10240x128xf32, #tpu.memory_space<vmem_shared>>) offsets(%dma_start3A_508 : memref<128xi32, #tpu.memory_space<vmem>>) semaphore(%run_scoped3A_505 : memref<!tpu.dma_semaphore, #tpu.memory_space<semaphore_mem>>) {add = true}
        %dma_wait3A_512 = arith.constant 0 : i32
        %dma_wait3A_513 = tpu.memref_slice %arg5[%run_scoped3A_196, %dma_wait3A_512] : memref<64x128xi32, #tpu.memory_space<vmem>> -> memref<1x128xi32, #tpu.memory_space<vmem>>
        %dma_wait3A_514 = tpu.memref_squeeze %dma_wait3A_513 : memref<1x128xi32, #tpu.memory_space<vmem>> -> memref<128xi32, #tpu.memory_space<vmem>>
        %dma_wait3A_515 = arith.constant 0 : i32
        %dma_wait3A_516 = arith.constant 0 : i32
        %dma_wait3A_517 = tpu.memref_slice %arg8[%dma_wait3A_515, %dma_wait3A_516] : memref<10240x128xf32, #tpu.memory_space<vmem_shared>> -> memref<10240x128xf32, #tpu.memory_space<vmem_shared>>
        tpu.wait_indirect_dma semaphore(%run_scoped3A_505 : memref<!tpu.dma_semaphore, #tpu.memory_space<semaphore_mem>>) src(%arg6 : memref<128x128xf32, #tpu.memory_space<vmem>>) dst(%dma_wait3A_517 : memref<10240x128xf32, #tpu.memory_space<vmem_shared>>)
        tpu.yield
      }) : () -> ()
      %dma_start3A_197 = arith.constant 20 : i32
      %dma_start3A_198 = arith.constant 0 : i32
      %dma_start3A_199 = tpu.memref_slice %arg5[%dma_start3A_197, %dma_start3A_198] : memref<64x128xi32, #tpu.memory_space<vmem>> -> memref<1x128xi32, #tpu.memory_space<vmem>>
      %dma_start3A_200 = tpu.memref_squeeze %dma_start3A_199 : memref<1x128xi32, #tpu.memory_space<vmem>> -> memref<128xi32, #tpu.memory_space<vmem>>
      %dma_start3A_201 = arith.constant 0 : i32
      %dma_start3A_202 = arith.constant 0 : i32
      %dma_start3A_203 = tpu.memref_slice %arg2[%dma_start3A_201, %dma_start3A_202] : memref<20480x128xf32, #tpu.memory_space<hbm>> -> memref<20480x128xf32, #tpu.memory_space<hbm>>
      tpu.enqueue_indirect_dma source(%dma_start3A_203 : memref<20480x128xf32, #tpu.memory_space<hbm>>) target(%arg6 : memref<128x128xf32, #tpu.memory_space<vmem>>) offsets(%dma_start3A_200 : memref<128xi32, #tpu.memory_space<vmem>>) semaphore(%arg9 : memref<!tpu.dma_semaphore, #tpu.memory_space<semaphore_mem>>)
      %dma_wait3A_204 = arith.constant 19 : i32
      %dma_wait3A_205 = arith.constant 0 : i32
      %dma_wait3A_206 = tpu.memref_slice %arg5[%dma_wait3A_204, %dma_wait3A_205] : memref<64x128xi32, #tpu.memory_space<vmem>> -> memref<1x128xi32, #tpu.memory_space<vmem>>
      %dma_wait3A_207 = tpu.memref_squeeze %dma_wait3A_206 : memref<1x128xi32, #tpu.memory_space<vmem>> -> memref<128xi32, #tpu.memory_space<vmem>>
      %dma_wait3A_208 = arith.constant 0 : i32
      %dma_wait3A_209 = arith.constant 0 : i32
      %dma_wait3A_210 = tpu.memref_slice %arg2[%dma_wait3A_208, %dma_wait3A_209] : memref<20480x128xf32, #tpu.memory_space<hbm>> -> memref<20480x128xf32, #tpu.memory_space<hbm>>
      tpu.wait_indirect_dma semaphore(%arg10 : memref<!tpu.dma_semaphore, #tpu.memory_space<semaphore_mem>>) src(%dma_wait3A_210 : memref<20480x128xf32, #tpu.memory_space<hbm>>) dst(%arg7 : memref<128x128xf32, #tpu.memory_space<vmem>>)
      %run_scoped3A_211 = arith.constant 27 : i32
      "tpu.region"() ({
        %run_scoped3A_505 = tpu.sem_alloc : memref<!tpu.dma_semaphore, #tpu.memory_space<semaphore_mem>>
        %dma_start3A_506 = arith.constant 0 : i32
        %dma_start3A_507 = tpu.memref_slice %arg5[%run_scoped3A_211, %dma_start3A_506] : memref<64x128xi32, #tpu.memory_space<vmem>> -> memref<1x128xi32, #tpu.memory_space<vmem>>
        %dma_start3A_508 = tpu.memref_squeeze %dma_start3A_507 : memref<1x128xi32, #tpu.memory_space<vmem>> -> memref<128xi32, #tpu.memory_space<vmem>>
        %dma_start3A_509 = arith.constant 0 : i32
        %dma_start3A_510 = arith.constant 0 : i32
        %dma_start3A_511 = tpu.memref_slice %arg8[%dma_start3A_509, %dma_start3A_510] : memref<10240x128xf32, #tpu.memory_space<vmem_shared>> -> memref<10240x128xf32, #tpu.memory_space<vmem_shared>>
        tpu.enqueue_indirect_dma source(%arg7 : memref<128x128xf32, #tpu.memory_space<vmem>>) target(%dma_start3A_511 : memref<10240x128xf32, #tpu.memory_space<vmem_shared>>) offsets(%dma_start3A_508 : memref<128xi32, #tpu.memory_space<vmem>>) semaphore(%run_scoped3A_505 : memref<!tpu.dma_semaphore, #tpu.memory_space<semaphore_mem>>) {add = true}
        %dma_wait3A_512 = arith.constant 0 : i32
        %dma_wait3A_513 = tpu.memref_slice %arg5[%run_scoped3A_211, %dma_wait3A_512] : memref<64x128xi32, #tpu.memory_space<vmem>> -> memref<1x128xi32, #tpu.memory_space<vmem>>
        %dma_wait3A_514 = tpu.memref_squeeze %dma_wait3A_513 : memref<1x128xi32, #tpu.memory_space<vmem>> -> memref<128xi32, #tpu.memory_space<vmem>>
        %dma_wait3A_515 = arith.constant 0 : i32
        %dma_wait3A_516 = arith.constant 0 : i32
        %dma_wait3A_517 = tpu.memref_slice %arg8[%dma_wait3A_515, %dma_wait3A_516] : memref<10240x128xf32, #tpu.memory_space<vmem_shared>> -> memref<10240x128xf32, #tpu.memory_space<vmem_shared>>
        tpu.wait_indirect_dma semaphore(%run_scoped3A_505 : memref<!tpu.dma_semaphore, #tpu.memory_space<semaphore_mem>>) src(%arg7 : memref<128x128xf32, #tpu.memory_space<vmem>>) dst(%dma_wait3A_517 : memref<10240x128xf32, #tpu.memory_space<vmem_shared>>)
        tpu.yield
      }) : () -> ()
      %dma_start3A_212 = arith.constant 21 : i32
      %dma_start3A_213 = arith.constant 0 : i32
      %dma_start3A_214 = tpu.memref_slice %arg5[%dma_start3A_212, %dma_start3A_213] : memref<64x128xi32, #tpu.memory_space<vmem>> -> memref<1x128xi32, #tpu.memory_space<vmem>>
      %dma_start3A_215 = tpu.memref_squeeze %dma_start3A_214 : memref<1x128xi32, #tpu.memory_space<vmem>> -> memref<128xi32, #tpu.memory_space<vmem>>
      %dma_start3A_216 = arith.constant 0 : i32
      %dma_start3A_217 = arith.constant 0 : i32
      %dma_start3A_218 = tpu.memref_slice %arg2[%dma_start3A_216, %dma_start3A_217] : memref<20480x128xf32, #tpu.memory_space<hbm>> -> memref<20480x128xf32, #tpu.memory_space<hbm>>
      tpu.enqueue_indirect_dma source(%dma_start3A_218 : memref<20480x128xf32, #tpu.memory_space<hbm>>) target(%arg7 : memref<128x128xf32, #tpu.memory_space<vmem>>) offsets(%dma_start3A_215 : memref<128xi32, #tpu.memory_space<vmem>>) semaphore(%arg10 : memref<!tpu.dma_semaphore, #tpu.memory_space<semaphore_mem>>)
      %dma_wait3A_219 = arith.constant 20 : i32
      %dma_wait3A_220 = arith.constant 0 : i32
      %dma_wait3A_221 = tpu.memref_slice %arg5[%dma_wait3A_219, %dma_wait3A_220] : memref<64x128xi32, #tpu.memory_space<vmem>> -> memref<1x128xi32, #tpu.memory_space<vmem>>
      %dma_wait3A_222 = tpu.memref_squeeze %dma_wait3A_221 : memref<1x128xi32, #tpu.memory_space<vmem>> -> memref<128xi32, #tpu.memory_space<vmem>>
      %dma_wait3A_223 = arith.constant 0 : i32
      %dma_wait3A_224 = arith.constant 0 : i32
      %dma_wait3A_225 = tpu.memref_slice %arg2[%dma_wait3A_223, %dma_wait3A_224] : memref<20480x128xf32, #tpu.memory_space<hbm>> -> memref<20480x128xf32, #tpu.memory_space<hbm>>
      tpu.wait_indirect_dma semaphore(%arg9 : memref<!tpu.dma_semaphore, #tpu.memory_space<semaphore_mem>>) src(%dma_wait3A_225 : memref<20480x128xf32, #tpu.memory_space<hbm>>) dst(%arg6 : memref<128x128xf32, #tpu.memory_space<vmem>>)
      %run_scoped3A_226 = arith.constant 28 : i32
      "tpu.region"() ({
        %run_scoped3A_505 = tpu.sem_alloc : memref<!tpu.dma_semaphore, #tpu.memory_space<semaphore_mem>>
        %dma_start3A_506 = arith.constant 0 : i32
        %dma_start3A_507 = tpu.memref_slice %arg5[%run_scoped3A_226, %dma_start3A_506] : memref<64x128xi32, #tpu.memory_space<vmem>> -> memref<1x128xi32, #tpu.memory_space<vmem>>
        %dma_start3A_508 = tpu.memref_squeeze %dma_start3A_507 : memref<1x128xi32, #tpu.memory_space<vmem>> -> memref<128xi32, #tpu.memory_space<vmem>>
        %dma_start3A_509 = arith.constant 0 : i32
        %dma_start3A_510 = arith.constant 0 : i32
        %dma_start3A_511 = tpu.memref_slice %arg8[%dma_start3A_509, %dma_start3A_510] : memref<10240x128xf32, #tpu.memory_space<vmem_shared>> -> memref<10240x128xf32, #tpu.memory_space<vmem_shared>>
        tpu.enqueue_indirect_dma source(%arg6 : memref<128x128xf32, #tpu.memory_space<vmem>>) target(%dma_start3A_511 : memref<10240x128xf32, #tpu.memory_space<vmem_shared>>) offsets(%dma_start3A_508 : memref<128xi32, #tpu.memory_space<vmem>>) semaphore(%run_scoped3A_505 : memref<!tpu.dma_semaphore, #tpu.memory_space<semaphore_mem>>) {add = true}
        %dma_wait3A_512 = arith.constant 0 : i32
        %dma_wait3A_513 = tpu.memref_slice %arg5[%run_scoped3A_226, %dma_wait3A_512] : memref<64x128xi32, #tpu.memory_space<vmem>> -> memref<1x128xi32, #tpu.memory_space<vmem>>
        %dma_wait3A_514 = tpu.memref_squeeze %dma_wait3A_513 : memref<1x128xi32, #tpu.memory_space<vmem>> -> memref<128xi32, #tpu.memory_space<vmem>>
        %dma_wait3A_515 = arith.constant 0 : i32
        %dma_wait3A_516 = arith.constant 0 : i32
        %dma_wait3A_517 = tpu.memref_slice %arg8[%dma_wait3A_515, %dma_wait3A_516] : memref<10240x128xf32, #tpu.memory_space<vmem_shared>> -> memref<10240x128xf32, #tpu.memory_space<vmem_shared>>
        tpu.wait_indirect_dma semaphore(%run_scoped3A_505 : memref<!tpu.dma_semaphore, #tpu.memory_space<semaphore_mem>>) src(%arg6 : memref<128x128xf32, #tpu.memory_space<vmem>>) dst(%dma_wait3A_517 : memref<10240x128xf32, #tpu.memory_space<vmem_shared>>)
        tpu.yield
      }) : () -> ()
      %dma_start3A_227 = arith.constant 22 : i32
      %dma_start3A_228 = arith.constant 0 : i32
      %dma_start3A_229 = tpu.memref_slice %arg5[%dma_start3A_227, %dma_start3A_228] : memref<64x128xi32, #tpu.memory_space<vmem>> -> memref<1x128xi32, #tpu.memory_space<vmem>>
      %dma_start3A_230 = tpu.memref_squeeze %dma_start3A_229 : memref<1x128xi32, #tpu.memory_space<vmem>> -> memref<128xi32, #tpu.memory_space<vmem>>
      %dma_start3A_231 = arith.constant 0 : i32
      %dma_start3A_232 = arith.constant 0 : i32
      %dma_start3A_233 = tpu.memref_slice %arg2[%dma_start3A_231, %dma_start3A_232] : memref<20480x128xf32, #tpu.memory_space<hbm>> -> memref<20480x128xf32, #tpu.memory_space<hbm>>
      tpu.enqueue_indirect_dma source(%dma_start3A_233 : memref<20480x128xf32, #tpu.memory_space<hbm>>) target(%arg6 : memref<128x128xf32, #tpu.memory_space<vmem>>) offsets(%dma_start3A_230 : memref<128xi32, #tpu.memory_space<vmem>>) semaphore(%arg9 : memref<!tpu.dma_semaphore, #tpu.memory_space<semaphore_mem>>)
      %dma_wait3A_234 = arith.constant 21 : i32
      %dma_wait3A_235 = arith.constant 0 : i32
      %dma_wait3A_236 = tpu.memref_slice %arg5[%dma_wait3A_234, %dma_wait3A_235] : memref<64x128xi32, #tpu.memory_space<vmem>> -> memref<1x128xi32, #tpu.memory_space<vmem>>
      %dma_wait3A_237 = tpu.memref_squeeze %dma_wait3A_236 : memref<1x128xi32, #tpu.memory_space<vmem>> -> memref<128xi32, #tpu.memory_space<vmem>>
      %dma_wait3A_238 = arith.constant 0 : i32
      %dma_wait3A_239 = arith.constant 0 : i32
      %dma_wait3A_240 = tpu.memref_slice %arg2[%dma_wait3A_238, %dma_wait3A_239] : memref<20480x128xf32, #tpu.memory_space<hbm>> -> memref<20480x128xf32, #tpu.memory_space<hbm>>
      tpu.wait_indirect_dma semaphore(%arg10 : memref<!tpu.dma_semaphore, #tpu.memory_space<semaphore_mem>>) src(%dma_wait3A_240 : memref<20480x128xf32, #tpu.memory_space<hbm>>) dst(%arg7 : memref<128x128xf32, #tpu.memory_space<vmem>>)
      %run_scoped3A_241 = arith.constant 29 : i32
      "tpu.region"() ({
        %run_scoped3A_505 = tpu.sem_alloc : memref<!tpu.dma_semaphore, #tpu.memory_space<semaphore_mem>>
        %dma_start3A_506 = arith.constant 0 : i32
        %dma_start3A_507 = tpu.memref_slice %arg5[%run_scoped3A_241, %dma_start3A_506] : memref<64x128xi32, #tpu.memory_space<vmem>> -> memref<1x128xi32, #tpu.memory_space<vmem>>
        %dma_start3A_508 = tpu.memref_squeeze %dma_start3A_507 : memref<1x128xi32, #tpu.memory_space<vmem>> -> memref<128xi32, #tpu.memory_space<vmem>>
        %dma_start3A_509 = arith.constant 0 : i32
        %dma_start3A_510 = arith.constant 0 : i32
        %dma_start3A_511 = tpu.memref_slice %arg8[%dma_start3A_509, %dma_start3A_510] : memref<10240x128xf32, #tpu.memory_space<vmem_shared>> -> memref<10240x128xf32, #tpu.memory_space<vmem_shared>>
        tpu.enqueue_indirect_dma source(%arg7 : memref<128x128xf32, #tpu.memory_space<vmem>>) target(%dma_start3A_511 : memref<10240x128xf32, #tpu.memory_space<vmem_shared>>) offsets(%dma_start3A_508 : memref<128xi32, #tpu.memory_space<vmem>>) semaphore(%run_scoped3A_505 : memref<!tpu.dma_semaphore, #tpu.memory_space<semaphore_mem>>) {add = true}
        %dma_wait3A_512 = arith.constant 0 : i32
        %dma_wait3A_513 = tpu.memref_slice %arg5[%run_scoped3A_241, %dma_wait3A_512] : memref<64x128xi32, #tpu.memory_space<vmem>> -> memref<1x128xi32, #tpu.memory_space<vmem>>
        %dma_wait3A_514 = tpu.memref_squeeze %dma_wait3A_513 : memref<1x128xi32, #tpu.memory_space<vmem>> -> memref<128xi32, #tpu.memory_space<vmem>>
        %dma_wait3A_515 = arith.constant 0 : i32
        %dma_wait3A_516 = arith.constant 0 : i32
        %dma_wait3A_517 = tpu.memref_slice %arg8[%dma_wait3A_515, %dma_wait3A_516] : memref<10240x128xf32, #tpu.memory_space<vmem_shared>> -> memref<10240x128xf32, #tpu.memory_space<vmem_shared>>
        tpu.wait_indirect_dma semaphore(%run_scoped3A_505 : memref<!tpu.dma_semaphore, #tpu.memory_space<semaphore_mem>>) src(%arg7 : memref<128x128xf32, #tpu.memory_space<vmem>>) dst(%dma_wait3A_517 : memref<10240x128xf32, #tpu.memory_space<vmem_shared>>)
        tpu.yield
      }) : () -> ()
      %dma_start3A_242 = arith.constant 23 : i32
      %dma_start3A_243 = arith.constant 0 : i32
      %dma_start3A_244 = tpu.memref_slice %arg5[%dma_start3A_242, %dma_start3A_243] : memref<64x128xi32, #tpu.memory_space<vmem>> -> memref<1x128xi32, #tpu.memory_space<vmem>>
      %dma_start3A_245 = tpu.memref_squeeze %dma_start3A_244 : memref<1x128xi32, #tpu.memory_space<vmem>> -> memref<128xi32, #tpu.memory_space<vmem>>
      %dma_start3A_246 = arith.constant 0 : i32
      %dma_start3A_247 = arith.constant 0 : i32
      %dma_start3A_248 = tpu.memref_slice %arg2[%dma_start3A_246, %dma_start3A_247] : memref<20480x128xf32, #tpu.memory_space<hbm>> -> memref<20480x128xf32, #tpu.memory_space<hbm>>
      tpu.enqueue_indirect_dma source(%dma_start3A_248 : memref<20480x128xf32, #tpu.memory_space<hbm>>) target(%arg7 : memref<128x128xf32, #tpu.memory_space<vmem>>) offsets(%dma_start3A_245 : memref<128xi32, #tpu.memory_space<vmem>>) semaphore(%arg10 : memref<!tpu.dma_semaphore, #tpu.memory_space<semaphore_mem>>)
      %dma_wait3A_249 = arith.constant 22 : i32
      %dma_wait3A_250 = arith.constant 0 : i32
      %dma_wait3A_251 = tpu.memref_slice %arg5[%dma_wait3A_249, %dma_wait3A_250] : memref<64x128xi32, #tpu.memory_space<vmem>> -> memref<1x128xi32, #tpu.memory_space<vmem>>
      %dma_wait3A_252 = tpu.memref_squeeze %dma_wait3A_251 : memref<1x128xi32, #tpu.memory_space<vmem>> -> memref<128xi32, #tpu.memory_space<vmem>>
      %dma_wait3A_253 = arith.constant 0 : i32
      %dma_wait3A_254 = arith.constant 0 : i32
      %dma_wait3A_255 = tpu.memref_slice %arg2[%dma_wait3A_253, %dma_wait3A_254] : memref<20480x128xf32, #tpu.memory_space<hbm>> -> memref<20480x128xf32, #tpu.memory_space<hbm>>
      tpu.wait_indirect_dma semaphore(%arg9 : memref<!tpu.dma_semaphore, #tpu.memory_space<semaphore_mem>>) src(%dma_wait3A_255 : memref<20480x128xf32, #tpu.memory_space<hbm>>) dst(%arg6 : memref<128x128xf32, #tpu.memory_space<vmem>>)
      %run_scoped3A_256 = arith.constant 30 : i32
      "tpu.region"() ({
        %run_scoped3A_505 = tpu.sem_alloc : memref<!tpu.dma_semaphore, #tpu.memory_space<semaphore_mem>>
        %dma_start3A_506 = arith.constant 0 : i32
        %dma_start3A_507 = tpu.memref_slice %arg5[%run_scoped3A_256, %dma_start3A_506] : memref<64x128xi32, #tpu.memory_space<vmem>> -> memref<1x128xi32, #tpu.memory_space<vmem>>
        %dma_start3A_508 = tpu.memref_squeeze %dma_start3A_507 : memref<1x128xi32, #tpu.memory_space<vmem>> -> memref<128xi32, #tpu.memory_space<vmem>>
        %dma_start3A_509 = arith.constant 0 : i32
        %dma_start3A_510 = arith.constant 0 : i32
        %dma_start3A_511 = tpu.memref_slice %arg8[%dma_start3A_509, %dma_start3A_510] : memref<10240x128xf32, #tpu.memory_space<vmem_shared>> -> memref<10240x128xf32, #tpu.memory_space<vmem_shared>>
        tpu.enqueue_indirect_dma source(%arg6 : memref<128x128xf32, #tpu.memory_space<vmem>>) target(%dma_start3A_511 : memref<10240x128xf32, #tpu.memory_space<vmem_shared>>) offsets(%dma_start3A_508 : memref<128xi32, #tpu.memory_space<vmem>>) semaphore(%run_scoped3A_505 : memref<!tpu.dma_semaphore, #tpu.memory_space<semaphore_mem>>) {add = true}
        %dma_wait3A_512 = arith.constant 0 : i32
        %dma_wait3A_513 = tpu.memref_slice %arg5[%run_scoped3A_256, %dma_wait3A_512] : memref<64x128xi32, #tpu.memory_space<vmem>> -> memref<1x128xi32, #tpu.memory_space<vmem>>
        %dma_wait3A_514 = tpu.memref_squeeze %dma_wait3A_513 : memref<1x128xi32, #tpu.memory_space<vmem>> -> memref<128xi32, #tpu.memory_space<vmem>>
        %dma_wait3A_515 = arith.constant 0 : i32
        %dma_wait3A_516 = arith.constant 0 : i32
        %dma_wait3A_517 = tpu.memref_slice %arg8[%dma_wait3A_515, %dma_wait3A_516] : memref<10240x128xf32, #tpu.memory_space<vmem_shared>> -> memref<10240x128xf32, #tpu.memory_space<vmem_shared>>
        tpu.wait_indirect_dma semaphore(%run_scoped3A_505 : memref<!tpu.dma_semaphore, #tpu.memory_space<semaphore_mem>>) src(%arg6 : memref<128x128xf32, #tpu.memory_space<vmem>>) dst(%dma_wait3A_517 : memref<10240x128xf32, #tpu.memory_space<vmem_shared>>)
        tpu.yield
      }) : () -> ()
      %dma_start3A_257 = arith.constant 32 : i32
      %dma_start3A_258 = arith.constant 0 : i32
      %dma_start3A_259 = tpu.memref_slice %arg5[%dma_start3A_257, %dma_start3A_258] : memref<64x128xi32, #tpu.memory_space<vmem>> -> memref<1x128xi32, #tpu.memory_space<vmem>>
      %dma_start3A_260 = tpu.memref_squeeze %dma_start3A_259 : memref<1x128xi32, #tpu.memory_space<vmem>> -> memref<128xi32, #tpu.memory_space<vmem>>
      %dma_start3A_261 = arith.constant 0 : i32
      %dma_start3A_262 = arith.constant 0 : i32
      %dma_start3A_263 = tpu.memref_slice %arg2[%dma_start3A_261, %dma_start3A_262] : memref<20480x128xf32, #tpu.memory_space<hbm>> -> memref<20480x128xf32, #tpu.memory_space<hbm>>
      tpu.enqueue_indirect_dma source(%dma_start3A_263 : memref<20480x128xf32, #tpu.memory_space<hbm>>) target(%arg6 : memref<128x128xf32, #tpu.memory_space<vmem>>) offsets(%dma_start3A_260 : memref<128xi32, #tpu.memory_space<vmem>>) semaphore(%arg9 : memref<!tpu.dma_semaphore, #tpu.memory_space<semaphore_mem>>)
      %dma_wait3A_264 = arith.constant 23 : i32
      %dma_wait3A_265 = arith.constant 0 : i32
      %dma_wait3A_266 = tpu.memref_slice %arg5[%dma_wait3A_264, %dma_wait3A_265] : memref<64x128xi32, #tpu.memory_space<vmem>> -> memref<1x128xi32, #tpu.memory_space<vmem>>
      %dma_wait3A_267 = tpu.memref_squeeze %dma_wait3A_266 : memref<1x128xi32, #tpu.memory_space<vmem>> -> memref<128xi32, #tpu.memory_space<vmem>>
      %dma_wait3A_268 = arith.constant 0 : i32
      %dma_wait3A_269 = arith.constant 0 : i32
      %dma_wait3A_270 = tpu.memref_slice %arg2[%dma_wait3A_268, %dma_wait3A_269] : memref<20480x128xf32, #tpu.memory_space<hbm>> -> memref<20480x128xf32, #tpu.memory_space<hbm>>
      tpu.wait_indirect_dma semaphore(%arg10 : memref<!tpu.dma_semaphore, #tpu.memory_space<semaphore_mem>>) src(%dma_wait3A_270 : memref<20480x128xf32, #tpu.memory_space<hbm>>) dst(%arg7 : memref<128x128xf32, #tpu.memory_space<vmem>>)
      %run_scoped3A_271 = arith.constant 31 : i32
      "tpu.region"() ({
        %run_scoped3A_505 = tpu.sem_alloc : memref<!tpu.dma_semaphore, #tpu.memory_space<semaphore_mem>>
        %dma_start3A_506 = arith.constant 0 : i32
        %dma_start3A_507 = tpu.memref_slice %arg5[%run_scoped3A_271, %dma_start3A_506] : memref<64x128xi32, #tpu.memory_space<vmem>> -> memref<1x128xi32, #tpu.memory_space<vmem>>
        %dma_start3A_508 = tpu.memref_squeeze %dma_start3A_507 : memref<1x128xi32, #tpu.memory_space<vmem>> -> memref<128xi32, #tpu.memory_space<vmem>>
        %dma_start3A_509 = arith.constant 0 : i32
        %dma_start3A_510 = arith.constant 0 : i32
        %dma_start3A_511 = tpu.memref_slice %arg8[%dma_start3A_509, %dma_start3A_510] : memref<10240x128xf32, #tpu.memory_space<vmem_shared>> -> memref<10240x128xf32, #tpu.memory_space<vmem_shared>>
        tpu.enqueue_indirect_dma source(%arg7 : memref<128x128xf32, #tpu.memory_space<vmem>>) target(%dma_start3A_511 : memref<10240x128xf32, #tpu.memory_space<vmem_shared>>) offsets(%dma_start3A_508 : memref<128xi32, #tpu.memory_space<vmem>>) semaphore(%run_scoped3A_505 : memref<!tpu.dma_semaphore, #tpu.memory_space<semaphore_mem>>) {add = true}
        %dma_wait3A_512 = arith.constant 0 : i32
        %dma_wait3A_513 = tpu.memref_slice %arg5[%run_scoped3A_271, %dma_wait3A_512] : memref<64x128xi32, #tpu.memory_space<vmem>> -> memref<1x128xi32, #tpu.memory_space<vmem>>
        %dma_wait3A_514 = tpu.memref_squeeze %dma_wait3A_513 : memref<1x128xi32, #tpu.memory_space<vmem>> -> memref<128xi32, #tpu.memory_space<vmem>>
        %dma_wait3A_515 = arith.constant 0 : i32
        %dma_wait3A_516 = arith.constant 0 : i32
        %dma_wait3A_517 = tpu.memref_slice %arg8[%dma_wait3A_515, %dma_wait3A_516] : memref<10240x128xf32, #tpu.memory_space<vmem_shared>> -> memref<10240x128xf32, #tpu.memory_space<vmem_shared>>
        tpu.wait_indirect_dma semaphore(%run_scoped3A_505 : memref<!tpu.dma_semaphore, #tpu.memory_space<semaphore_mem>>) src(%arg7 : memref<128x128xf32, #tpu.memory_space<vmem>>) dst(%dma_wait3A_517 : memref<10240x128xf32, #tpu.memory_space<vmem_shared>>)
        tpu.yield
      }) : () -> ()
      %dma_start3A_272 = arith.constant 33 : i32
      %dma_start3A_273 = arith.constant 0 : i32
      %dma_start3A_274 = tpu.memref_slice %arg5[%dma_start3A_272, %dma_start3A_273] : memref<64x128xi32, #tpu.memory_space<vmem>> -> memref<1x128xi32, #tpu.memory_space<vmem>>
      %dma_start3A_275 = tpu.memref_squeeze %dma_start3A_274 : memref<1x128xi32, #tpu.memory_space<vmem>> -> memref<128xi32, #tpu.memory_space<vmem>>
      %dma_start3A_276 = arith.constant 0 : i32
      %dma_start3A_277 = arith.constant 0 : i32
      %dma_start3A_278 = tpu.memref_slice %arg2[%dma_start3A_276, %dma_start3A_277] : memref<20480x128xf32, #tpu.memory_space<hbm>> -> memref<20480x128xf32, #tpu.memory_space<hbm>>
      tpu.enqueue_indirect_dma source(%dma_start3A_278 : memref<20480x128xf32, #tpu.memory_space<hbm>>) target(%arg7 : memref<128x128xf32, #tpu.memory_space<vmem>>) offsets(%dma_start3A_275 : memref<128xi32, #tpu.memory_space<vmem>>) semaphore(%arg10 : memref<!tpu.dma_semaphore, #tpu.memory_space<semaphore_mem>>)
      %dma_wait3A_279 = arith.constant 32 : i32
      %dma_wait3A_280 = arith.constant 0 : i32
      %dma_wait3A_281 = tpu.memref_slice %arg5[%dma_wait3A_279, %dma_wait3A_280] : memref<64x128xi32, #tpu.memory_space<vmem>> -> memref<1x128xi32, #tpu.memory_space<vmem>>
      %dma_wait3A_282 = tpu.memref_squeeze %dma_wait3A_281 : memref<1x128xi32, #tpu.memory_space<vmem>> -> memref<128xi32, #tpu.memory_space<vmem>>
      %dma_wait3A_283 = arith.constant 0 : i32
      %dma_wait3A_284 = arith.constant 0 : i32
      %dma_wait3A_285 = tpu.memref_slice %arg2[%dma_wait3A_283, %dma_wait3A_284] : memref<20480x128xf32, #tpu.memory_space<hbm>> -> memref<20480x128xf32, #tpu.memory_space<hbm>>
      tpu.wait_indirect_dma semaphore(%arg9 : memref<!tpu.dma_semaphore, #tpu.memory_space<semaphore_mem>>) src(%dma_wait3A_285 : memref<20480x128xf32, #tpu.memory_space<hbm>>) dst(%arg6 : memref<128x128xf32, #tpu.memory_space<vmem>>)
      %run_scoped3A_286 = arith.constant 40 : i32
      "tpu.region"() ({
        %run_scoped3A_505 = tpu.sem_alloc : memref<!tpu.dma_semaphore, #tpu.memory_space<semaphore_mem>>
        %dma_start3A_506 = arith.constant 0 : i32
        %dma_start3A_507 = tpu.memref_slice %arg5[%run_scoped3A_286, %dma_start3A_506] : memref<64x128xi32, #tpu.memory_space<vmem>> -> memref<1x128xi32, #tpu.memory_space<vmem>>
        %dma_start3A_508 = tpu.memref_squeeze %dma_start3A_507 : memref<1x128xi32, #tpu.memory_space<vmem>> -> memref<128xi32, #tpu.memory_space<vmem>>
        %dma_start3A_509 = arith.constant 0 : i32
        %dma_start3A_510 = arith.constant 0 : i32
        %dma_start3A_511 = tpu.memref_slice %arg8[%dma_start3A_509, %dma_start3A_510] : memref<10240x128xf32, #tpu.memory_space<vmem_shared>> -> memref<10240x128xf32, #tpu.memory_space<vmem_shared>>
        tpu.enqueue_indirect_dma source(%arg6 : memref<128x128xf32, #tpu.memory_space<vmem>>) target(%dma_start3A_511 : memref<10240x128xf32, #tpu.memory_space<vmem_shared>>) offsets(%dma_start3A_508 : memref<128xi32, #tpu.memory_space<vmem>>) semaphore(%run_scoped3A_505 : memref<!tpu.dma_semaphore, #tpu.memory_space<semaphore_mem>>) {add = true}
        %dma_wait3A_512 = arith.constant 0 : i32
        %dma_wait3A_513 = tpu.memref_slice %arg5[%run_scoped3A_286, %dma_wait3A_512] : memref<64x128xi32, #tpu.memory_space<vmem>> -> memref<1x128xi32, #tpu.memory_space<vmem>>
        %dma_wait3A_514 = tpu.memref_squeeze %dma_wait3A_513 : memref<1x128xi32, #tpu.memory_space<vmem>> -> memref<128xi32, #tpu.memory_space<vmem>>
        %dma_wait3A_515 = arith.constant 0 : i32
        %dma_wait3A_516 = arith.constant 0 : i32
        %dma_wait3A_517 = tpu.memref_slice %arg8[%dma_wait3A_515, %dma_wait3A_516] : memref<10240x128xf32, #tpu.memory_space<vmem_shared>> -> memref<10240x128xf32, #tpu.memory_space<vmem_shared>>
        tpu.wait_indirect_dma semaphore(%run_scoped3A_505 : memref<!tpu.dma_semaphore, #tpu.memory_space<semaphore_mem>>) src(%arg6 : memref<128x128xf32, #tpu.memory_space<vmem>>) dst(%dma_wait3A_517 : memref<10240x128xf32, #tpu.memory_space<vmem_shared>>)
        tpu.yield
      }) : () -> ()
      %dma_start3A_287 = arith.constant 34 : i32
      %dma_start3A_288 = arith.constant 0 : i32
      %dma_start3A_289 = tpu.memref_slice %arg5[%dma_start3A_287, %dma_start3A_288] : memref<64x128xi32, #tpu.memory_space<vmem>> -> memref<1x128xi32, #tpu.memory_space<vmem>>
      %dma_start3A_290 = tpu.memref_squeeze %dma_start3A_289 : memref<1x128xi32, #tpu.memory_space<vmem>> -> memref<128xi32, #tpu.memory_space<vmem>>
      %dma_start3A_291 = arith.constant 0 : i32
      %dma_start3A_292 = arith.constant 0 : i32
      %dma_start3A_293 = tpu.memref_slice %arg2[%dma_start3A_291, %dma_start3A_292] : memref<20480x128xf32, #tpu.memory_space<hbm>> -> memref<20480x128xf32, #tpu.memory_space<hbm>>
      tpu.enqueue_indirect_dma source(%dma_start3A_293 : memref<20480x128xf32, #tpu.memory_space<hbm>>) target(%arg6 : memref<128x128xf32, #tpu.memory_space<vmem>>) offsets(%dma_start3A_290 : memref<128xi32, #tpu.memory_space<vmem>>) semaphore(%arg9 : memref<!tpu.dma_semaphore, #tpu.memory_space<semaphore_mem>>)
      %dma_wait3A_294 = arith.constant 33 : i32
      %dma_wait3A_295 = arith.constant 0 : i32
      %dma_wait3A_296 = tpu.memref_slice %arg5[%dma_wait3A_294, %dma_wait3A_295] : memref<64x128xi32, #tpu.memory_space<vmem>> -> memref<1x128xi32, #tpu.memory_space<vmem>>
      %dma_wait3A_297 = tpu.memref_squeeze %dma_wait3A_296 : memref<1x128xi32, #tpu.memory_space<vmem>> -> memref<128xi32, #tpu.memory_space<vmem>>
      %dma_wait3A_298 = arith.constant 0 : i32
      %dma_wait3A_299 = arith.constant 0 : i32
      %dma_wait3A_300 = tpu.memref_slice %arg2[%dma_wait3A_298, %dma_wait3A_299] : memref<20480x128xf32, #tpu.memory_space<hbm>> -> memref<20480x128xf32, #tpu.memory_space<hbm>>
      tpu.wait_indirect_dma semaphore(%arg10 : memref<!tpu.dma_semaphore, #tpu.memory_space<semaphore_mem>>) src(%dma_wait3A_300 : memref<20480x128xf32, #tpu.memory_space<hbm>>) dst(%arg7 : memref<128x128xf32, #tpu.memory_space<vmem>>)
      %run_scoped3A_301 = arith.constant 41 : i32
      "tpu.region"() ({
        %run_scoped3A_505 = tpu.sem_alloc : memref<!tpu.dma_semaphore, #tpu.memory_space<semaphore_mem>>
        %dma_start3A_506 = arith.constant 0 : i32
        %dma_start3A_507 = tpu.memref_slice %arg5[%run_scoped3A_301, %dma_start3A_506] : memref<64x128xi32, #tpu.memory_space<vmem>> -> memref<1x128xi32, #tpu.memory_space<vmem>>
        %dma_start3A_508 = tpu.memref_squeeze %dma_start3A_507 : memref<1x128xi32, #tpu.memory_space<vmem>> -> memref<128xi32, #tpu.memory_space<vmem>>
        %dma_start3A_509 = arith.constant 0 : i32
        %dma_start3A_510 = arith.constant 0 : i32
        %dma_start3A_511 = tpu.memref_slice %arg8[%dma_start3A_509, %dma_start3A_510] : memref<10240x128xf32, #tpu.memory_space<vmem_shared>> -> memref<10240x128xf32, #tpu.memory_space<vmem_shared>>
        tpu.enqueue_indirect_dma source(%arg7 : memref<128x128xf32, #tpu.memory_space<vmem>>) target(%dma_start3A_511 : memref<10240x128xf32, #tpu.memory_space<vmem_shared>>) offsets(%dma_start3A_508 : memref<128xi32, #tpu.memory_space<vmem>>) semaphore(%run_scoped3A_505 : memref<!tpu.dma_semaphore, #tpu.memory_space<semaphore_mem>>) {add = true}
        %dma_wait3A_512 = arith.constant 0 : i32
        %dma_wait3A_513 = tpu.memref_slice %arg5[%run_scoped3A_301, %dma_wait3A_512] : memref<64x128xi32, #tpu.memory_space<vmem>> -> memref<1x128xi32, #tpu.memory_space<vmem>>
        %dma_wait3A_514 = tpu.memref_squeeze %dma_wait3A_513 : memref<1x128xi32, #tpu.memory_space<vmem>> -> memref<128xi32, #tpu.memory_space<vmem>>
        %dma_wait3A_515 = arith.constant 0 : i32
        %dma_wait3A_516 = arith.constant 0 : i32
        %dma_wait3A_517 = tpu.memref_slice %arg8[%dma_wait3A_515, %dma_wait3A_516] : memref<10240x128xf32, #tpu.memory_space<vmem_shared>> -> memref<10240x128xf32, #tpu.memory_space<vmem_shared>>
        tpu.wait_indirect_dma semaphore(%run_scoped3A_505 : memref<!tpu.dma_semaphore, #tpu.memory_space<semaphore_mem>>) src(%arg7 : memref<128x128xf32, #tpu.memory_space<vmem>>) dst(%dma_wait3A_517 : memref<10240x128xf32, #tpu.memory_space<vmem_shared>>)
        tpu.yield
      }) : () -> ()
      %dma_start3A_302 = arith.constant 35 : i32
      %dma_start3A_303 = arith.constant 0 : i32
      %dma_start3A_304 = tpu.memref_slice %arg5[%dma_start3A_302, %dma_start3A_303] : memref<64x128xi32, #tpu.memory_space<vmem>> -> memref<1x128xi32, #tpu.memory_space<vmem>>
      %dma_start3A_305 = tpu.memref_squeeze %dma_start3A_304 : memref<1x128xi32, #tpu.memory_space<vmem>> -> memref<128xi32, #tpu.memory_space<vmem>>
      %dma_start3A_306 = arith.constant 0 : i32
      %dma_start3A_307 = arith.constant 0 : i32
      %dma_start3A_308 = tpu.memref_slice %arg2[%dma_start3A_306, %dma_start3A_307] : memref<20480x128xf32, #tpu.memory_space<hbm>> -> memref<20480x128xf32, #tpu.memory_space<hbm>>
      tpu.enqueue_indirect_dma source(%dma_start3A_308 : memref<20480x128xf32, #tpu.memory_space<hbm>>) target(%arg7 : memref<128x128xf32, #tpu.memory_space<vmem>>) offsets(%dma_start3A_305 : memref<128xi32, #tpu.memory_space<vmem>>) semaphore(%arg10 : memref<!tpu.dma_semaphore, #tpu.memory_space<semaphore_mem>>)
      %dma_wait3A_309 = arith.constant 34 : i32
      %dma_wait3A_310 = arith.constant 0 : i32
      %dma_wait3A_311 = tpu.memref_slice %arg5[%dma_wait3A_309, %dma_wait3A_310] : memref<64x128xi32, #tpu.memory_space<vmem>> -> memref<1x128xi32, #tpu.memory_space<vmem>>
      %dma_wait3A_312 = tpu.memref_squeeze %dma_wait3A_311 : memref<1x128xi32, #tpu.memory_space<vmem>> -> memref<128xi32, #tpu.memory_space<vmem>>
      %dma_wait3A_313 = arith.constant 0 : i32
      %dma_wait3A_314 = arith.constant 0 : i32
      %dma_wait3A_315 = tpu.memref_slice %arg2[%dma_wait3A_313, %dma_wait3A_314] : memref<20480x128xf32, #tpu.memory_space<hbm>> -> memref<20480x128xf32, #tpu.memory_space<hbm>>
      tpu.wait_indirect_dma semaphore(%arg9 : memref<!tpu.dma_semaphore, #tpu.memory_space<semaphore_mem>>) src(%dma_wait3A_315 : memref<20480x128xf32, #tpu.memory_space<hbm>>) dst(%arg6 : memref<128x128xf32, #tpu.memory_space<vmem>>)
      %run_scoped3A_316 = arith.constant 42 : i32
      "tpu.region"() ({
        %run_scoped3A_505 = tpu.sem_alloc : memref<!tpu.dma_semaphore, #tpu.memory_space<semaphore_mem>>
        %dma_start3A_506 = arith.constant 0 : i32
        %dma_start3A_507 = tpu.memref_slice %arg5[%run_scoped3A_316, %dma_start3A_506] : memref<64x128xi32, #tpu.memory_space<vmem>> -> memref<1x128xi32, #tpu.memory_space<vmem>>
        %dma_start3A_508 = tpu.memref_squeeze %dma_start3A_507 : memref<1x128xi32, #tpu.memory_space<vmem>> -> memref<128xi32, #tpu.memory_space<vmem>>
        %dma_start3A_509 = arith.constant 0 : i32
        %dma_start3A_510 = arith.constant 0 : i32
        %dma_start3A_511 = tpu.memref_slice %arg8[%dma_start3A_509, %dma_start3A_510] : memref<10240x128xf32, #tpu.memory_space<vmem_shared>> -> memref<10240x128xf32, #tpu.memory_space<vmem_shared>>
        tpu.enqueue_indirect_dma source(%arg6 : memref<128x128xf32, #tpu.memory_space<vmem>>) target(%dma_start3A_511 : memref<10240x128xf32, #tpu.memory_space<vmem_shared>>) offsets(%dma_start3A_508 : memref<128xi32, #tpu.memory_space<vmem>>) semaphore(%run_scoped3A_505 : memref<!tpu.dma_semaphore, #tpu.memory_space<semaphore_mem>>) {add = true}
        %dma_wait3A_512 = arith.constant 0 : i32
        %dma_wait3A_513 = tpu.memref_slice %arg5[%run_scoped3A_316, %dma_wait3A_512] : memref<64x128xi32, #tpu.memory_space<vmem>> -> memref<1x128xi32, #tpu.memory_space<vmem>>
        %dma_wait3A_514 = tpu.memref_squeeze %dma_wait3A_513 : memref<1x128xi32, #tpu.memory_space<vmem>> -> memref<128xi32, #tpu.memory_space<vmem>>
        %dma_wait3A_515 = arith.constant 0 : i32
        %dma_wait3A_516 = arith.constant 0 : i32
        %dma_wait3A_517 = tpu.memref_slice %arg8[%dma_wait3A_515, %dma_wait3A_516] : memref<10240x128xf32, #tpu.memory_space<vmem_shared>> -> memref<10240x128xf32, #tpu.memory_space<vmem_shared>>
        tpu.wait_indirect_dma semaphore(%run_scoped3A_505 : memref<!tpu.dma_semaphore, #tpu.memory_space<semaphore_mem>>) src(%arg6 : memref<128x128xf32, #tpu.memory_space<vmem>>) dst(%dma_wait3A_517 : memref<10240x128xf32, #tpu.memory_space<vmem_shared>>)
        tpu.yield
      }) : () -> ()
      %dma_start3A_317 = arith.constant 36 : i32
      %dma_start3A_318 = arith.constant 0 : i32
      %dma_start3A_319 = tpu.memref_slice %arg5[%dma_start3A_317, %dma_start3A_318] : memref<64x128xi32, #tpu.memory_space<vmem>> -> memref<1x128xi32, #tpu.memory_space<vmem>>
      %dma_start3A_320 = tpu.memref_squeeze %dma_start3A_319 : memref<1x128xi32, #tpu.memory_space<vmem>> -> memref<128xi32, #tpu.memory_space<vmem>>
      %dma_start3A_321 = arith.constant 0 : i32
      %dma_start3A_322 = arith.constant 0 : i32
      %dma_start3A_323 = tpu.memref_slice %arg2[%dma_start3A_321, %dma_start3A_322] : memref<20480x128xf32, #tpu.memory_space<hbm>> -> memref<20480x128xf32, #tpu.memory_space<hbm>>
      tpu.enqueue_indirect_dma source(%dma_start3A_323 : memref<20480x128xf32, #tpu.memory_space<hbm>>) target(%arg6 : memref<128x128xf32, #tpu.memory_space<vmem>>) offsets(%dma_start3A_320 : memref<128xi32, #tpu.memory_space<vmem>>) semaphore(%arg9 : memref<!tpu.dma_semaphore, #tpu.memory_space<semaphore_mem>>)
      %dma_wait3A_324 = arith.constant 35 : i32
      %dma_wait3A_325 = arith.constant 0 : i32
      %dma_wait3A_326 = tpu.memref_slice %arg5[%dma_wait3A_324, %dma_wait3A_325] : memref<64x128xi32, #tpu.memory_space<vmem>> -> memref<1x128xi32, #tpu.memory_space<vmem>>
      %dma_wait3A_327 = tpu.memref_squeeze %dma_wait3A_326 : memref<1x128xi32, #tpu.memory_space<vmem>> -> memref<128xi32, #tpu.memory_space<vmem>>
      %dma_wait3A_328 = arith.constant 0 : i32
      %dma_wait3A_329 = arith.constant 0 : i32
      %dma_wait3A_330 = tpu.memref_slice %arg2[%dma_wait3A_328, %dma_wait3A_329] : memref<20480x128xf32, #tpu.memory_space<hbm>> -> memref<20480x128xf32, #tpu.memory_space<hbm>>
      tpu.wait_indirect_dma semaphore(%arg10 : memref<!tpu.dma_semaphore, #tpu.memory_space<semaphore_mem>>) src(%dma_wait3A_330 : memref<20480x128xf32, #tpu.memory_space<hbm>>) dst(%arg7 : memref<128x128xf32, #tpu.memory_space<vmem>>)
      %run_scoped3A_331 = arith.constant 43 : i32
      "tpu.region"() ({
        %run_scoped3A_505 = tpu.sem_alloc : memref<!tpu.dma_semaphore, #tpu.memory_space<semaphore_mem>>
        %dma_start3A_506 = arith.constant 0 : i32
        %dma_start3A_507 = tpu.memref_slice %arg5[%run_scoped3A_331, %dma_start3A_506] : memref<64x128xi32, #tpu.memory_space<vmem>> -> memref<1x128xi32, #tpu.memory_space<vmem>>
        %dma_start3A_508 = tpu.memref_squeeze %dma_start3A_507 : memref<1x128xi32, #tpu.memory_space<vmem>> -> memref<128xi32, #tpu.memory_space<vmem>>
        %dma_start3A_509 = arith.constant 0 : i32
        %dma_start3A_510 = arith.constant 0 : i32
        %dma_start3A_511 = tpu.memref_slice %arg8[%dma_start3A_509, %dma_start3A_510] : memref<10240x128xf32, #tpu.memory_space<vmem_shared>> -> memref<10240x128xf32, #tpu.memory_space<vmem_shared>>
        tpu.enqueue_indirect_dma source(%arg7 : memref<128x128xf32, #tpu.memory_space<vmem>>) target(%dma_start3A_511 : memref<10240x128xf32, #tpu.memory_space<vmem_shared>>) offsets(%dma_start3A_508 : memref<128xi32, #tpu.memory_space<vmem>>) semaphore(%run_scoped3A_505 : memref<!tpu.dma_semaphore, #tpu.memory_space<semaphore_mem>>) {add = true}
        %dma_wait3A_512 = arith.constant 0 : i32
        %dma_wait3A_513 = tpu.memref_slice %arg5[%run_scoped3A_331, %dma_wait3A_512] : memref<64x128xi32, #tpu.memory_space<vmem>> -> memref<1x128xi32, #tpu.memory_space<vmem>>
        %dma_wait3A_514 = tpu.memref_squeeze %dma_wait3A_513 : memref<1x128xi32, #tpu.memory_space<vmem>> -> memref<128xi32, #tpu.memory_space<vmem>>
        %dma_wait3A_515 = arith.constant 0 : i32
        %dma_wait3A_516 = arith.constant 0 : i32
        %dma_wait3A_517 = tpu.memref_slice %arg8[%dma_wait3A_515, %dma_wait3A_516] : memref<10240x128xf32, #tpu.memory_space<vmem_shared>> -> memref<10240x128xf32, #tpu.memory_space<vmem_shared>>
        tpu.wait_indirect_dma semaphore(%run_scoped3A_505 : memref<!tpu.dma_semaphore, #tpu.memory_space<semaphore_mem>>) src(%arg7 : memref<128x128xf32, #tpu.memory_space<vmem>>) dst(%dma_wait3A_517 : memref<10240x128xf32, #tpu.memory_space<vmem_shared>>)
        tpu.yield
      }) : () -> ()
      %dma_start3A_332 = arith.constant 37 : i32
      %dma_start3A_333 = arith.constant 0 : i32
      %dma_start3A_334 = tpu.memref_slice %arg5[%dma_start3A_332, %dma_start3A_333] : memref<64x128xi32, #tpu.memory_space<vmem>> -> memref<1x128xi32, #tpu.memory_space<vmem>>
      %dma_start3A_335 = tpu.memref_squeeze %dma_start3A_334 : memref<1x128xi32, #tpu.memory_space<vmem>> -> memref<128xi32, #tpu.memory_space<vmem>>
      %dma_start3A_336 = arith.constant 0 : i32
      %dma_start3A_337 = arith.constant 0 : i32
      %dma_start3A_338 = tpu.memref_slice %arg2[%dma_start3A_336, %dma_start3A_337] : memref<20480x128xf32, #tpu.memory_space<hbm>> -> memref<20480x128xf32, #tpu.memory_space<hbm>>
      tpu.enqueue_indirect_dma source(%dma_start3A_338 : memref<20480x128xf32, #tpu.memory_space<hbm>>) target(%arg7 : memref<128x128xf32, #tpu.memory_space<vmem>>) offsets(%dma_start3A_335 : memref<128xi32, #tpu.memory_space<vmem>>) semaphore(%arg10 : memref<!tpu.dma_semaphore, #tpu.memory_space<semaphore_mem>>)
      %dma_wait3A_339 = arith.constant 36 : i32
      %dma_wait3A_340 = arith.constant 0 : i32
      %dma_wait3A_341 = tpu.memref_slice %arg5[%dma_wait3A_339, %dma_wait3A_340] : memref<64x128xi32, #tpu.memory_space<vmem>> -> memref<1x128xi32, #tpu.memory_space<vmem>>
      %dma_wait3A_342 = tpu.memref_squeeze %dma_wait3A_341 : memref<1x128xi32, #tpu.memory_space<vmem>> -> memref<128xi32, #tpu.memory_space<vmem>>
      %dma_wait3A_343 = arith.constant 0 : i32
      %dma_wait3A_344 = arith.constant 0 : i32
      %dma_wait3A_345 = tpu.memref_slice %arg2[%dma_wait3A_343, %dma_wait3A_344] : memref<20480x128xf32, #tpu.memory_space<hbm>> -> memref<20480x128xf32, #tpu.memory_space<hbm>>
      tpu.wait_indirect_dma semaphore(%arg9 : memref<!tpu.dma_semaphore, #tpu.memory_space<semaphore_mem>>) src(%dma_wait3A_345 : memref<20480x128xf32, #tpu.memory_space<hbm>>) dst(%arg6 : memref<128x128xf32, #tpu.memory_space<vmem>>)
      %run_scoped3A_346 = arith.constant 44 : i32
      "tpu.region"() ({
        %run_scoped3A_505 = tpu.sem_alloc : memref<!tpu.dma_semaphore, #tpu.memory_space<semaphore_mem>>
        %dma_start3A_506 = arith.constant 0 : i32
        %dma_start3A_507 = tpu.memref_slice %arg5[%run_scoped3A_346, %dma_start3A_506] : memref<64x128xi32, #tpu.memory_space<vmem>> -> memref<1x128xi32, #tpu.memory_space<vmem>>
        %dma_start3A_508 = tpu.memref_squeeze %dma_start3A_507 : memref<1x128xi32, #tpu.memory_space<vmem>> -> memref<128xi32, #tpu.memory_space<vmem>>
        %dma_start3A_509 = arith.constant 0 : i32
        %dma_start3A_510 = arith.constant 0 : i32
        %dma_start3A_511 = tpu.memref_slice %arg8[%dma_start3A_509, %dma_start3A_510] : memref<10240x128xf32, #tpu.memory_space<vmem_shared>> -> memref<10240x128xf32, #tpu.memory_space<vmem_shared>>
        tpu.enqueue_indirect_dma source(%arg6 : memref<128x128xf32, #tpu.memory_space<vmem>>) target(%dma_start3A_511 : memref<10240x128xf32, #tpu.memory_space<vmem_shared>>) offsets(%dma_start3A_508 : memref<128xi32, #tpu.memory_space<vmem>>) semaphore(%run_scoped3A_505 : memref<!tpu.dma_semaphore, #tpu.memory_space<semaphore_mem>>) {add = true}
        %dma_wait3A_512 = arith.constant 0 : i32
        %dma_wait3A_513 = tpu.memref_slice %arg5[%run_scoped3A_346, %dma_wait3A_512] : memref<64x128xi32, #tpu.memory_space<vmem>> -> memref<1x128xi32, #tpu.memory_space<vmem>>
        %dma_wait3A_514 = tpu.memref_squeeze %dma_wait3A_513 : memref<1x128xi32, #tpu.memory_space<vmem>> -> memref<128xi32, #tpu.memory_space<vmem>>
        %dma_wait3A_515 = arith.constant 0 : i32
        %dma_wait3A_516 = arith.constant 0 : i32
        %dma_wait3A_517 = tpu.memref_slice %arg8[%dma_wait3A_515, %dma_wait3A_516] : memref<10240x128xf32, #tpu.memory_space<vmem_shared>> -> memref<10240x128xf32, #tpu.memory_space<vmem_shared>>
        tpu.wait_indirect_dma semaphore(%run_scoped3A_505 : memref<!tpu.dma_semaphore, #tpu.memory_space<semaphore_mem>>) src(%arg6 : memref<128x128xf32, #tpu.memory_space<vmem>>) dst(%dma_wait3A_517 : memref<10240x128xf32, #tpu.memory_space<vmem_shared>>)
        tpu.yield
      }) : () -> ()
      %dma_start3A_347 = arith.constant 38 : i32
      %dma_start3A_348 = arith.constant 0 : i32
      %dma_start3A_349 = tpu.memref_slice %arg5[%dma_start3A_347, %dma_start3A_348] : memref<64x128xi32, #tpu.memory_space<vmem>> -> memref<1x128xi32, #tpu.memory_space<vmem>>
      %dma_start3A_350 = tpu.memref_squeeze %dma_start3A_349 : memref<1x128xi32, #tpu.memory_space<vmem>> -> memref<128xi32, #tpu.memory_space<vmem>>
      %dma_start3A_351 = arith.constant 0 : i32
      %dma_start3A_352 = arith.constant 0 : i32
      %dma_start3A_353 = tpu.memref_slice %arg2[%dma_start3A_351, %dma_start3A_352] : memref<20480x128xf32, #tpu.memory_space<hbm>> -> memref<20480x128xf32, #tpu.memory_space<hbm>>
      tpu.enqueue_indirect_dma source(%dma_start3A_353 : memref<20480x128xf32, #tpu.memory_space<hbm>>) target(%arg6 : memref<128x128xf32, #tpu.memory_space<vmem>>) offsets(%dma_start3A_350 : memref<128xi32, #tpu.memory_space<vmem>>) semaphore(%arg9 : memref<!tpu.dma_semaphore, #tpu.memory_space<semaphore_mem>>)
      %dma_wait3A_354 = arith.constant 37 : i32
      %dma_wait3A_355 = arith.constant 0 : i32
      %dma_wait3A_356 = tpu.memref_slice %arg5[%dma_wait3A_354, %dma_wait3A_355] : memref<64x128xi32, #tpu.memory_space<vmem>> -> memref<1x128xi32, #tpu.memory_space<vmem>>
      %dma_wait3A_357 = tpu.memref_squeeze %dma_wait3A_356 : memref<1x128xi32, #tpu.memory_space<vmem>> -> memref<128xi32, #tpu.memory_space<vmem>>
      %dma_wait3A_358 = arith.constant 0 : i32
      %dma_wait3A_359 = arith.constant 0 : i32
      %dma_wait3A_360 = tpu.memref_slice %arg2[%dma_wait3A_358, %dma_wait3A_359] : memref<20480x128xf32, #tpu.memory_space<hbm>> -> memref<20480x128xf32, #tpu.memory_space<hbm>>
      tpu.wait_indirect_dma semaphore(%arg10 : memref<!tpu.dma_semaphore, #tpu.memory_space<semaphore_mem>>) src(%dma_wait3A_360 : memref<20480x128xf32, #tpu.memory_space<hbm>>) dst(%arg7 : memref<128x128xf32, #tpu.memory_space<vmem>>)
      %run_scoped3A_361 = arith.constant 45 : i32
      "tpu.region"() ({
        %run_scoped3A_505 = tpu.sem_alloc : memref<!tpu.dma_semaphore, #tpu.memory_space<semaphore_mem>>
        %dma_start3A_506 = arith.constant 0 : i32
        %dma_start3A_507 = tpu.memref_slice %arg5[%run_scoped3A_361, %dma_start3A_506] : memref<64x128xi32, #tpu.memory_space<vmem>> -> memref<1x128xi32, #tpu.memory_space<vmem>>
        %dma_start3A_508 = tpu.memref_squeeze %dma_start3A_507 : memref<1x128xi32, #tpu.memory_space<vmem>> -> memref<128xi32, #tpu.memory_space<vmem>>
        %dma_start3A_509 = arith.constant 0 : i32
        %dma_start3A_510 = arith.constant 0 : i32
        %dma_start3A_511 = tpu.memref_slice %arg8[%dma_start3A_509, %dma_start3A_510] : memref<10240x128xf32, #tpu.memory_space<vmem_shared>> -> memref<10240x128xf32, #tpu.memory_space<vmem_shared>>
        tpu.enqueue_indirect_dma source(%arg7 : memref<128x128xf32, #tpu.memory_space<vmem>>) target(%dma_start3A_511 : memref<10240x128xf32, #tpu.memory_space<vmem_shared>>) offsets(%dma_start3A_508 : memref<128xi32, #tpu.memory_space<vmem>>) semaphore(%run_scoped3A_505 : memref<!tpu.dma_semaphore, #tpu.memory_space<semaphore_mem>>) {add = true}
        %dma_wait3A_512 = arith.constant 0 : i32
        %dma_wait3A_513 = tpu.memref_slice %arg5[%run_scoped3A_361, %dma_wait3A_512] : memref<64x128xi32, #tpu.memory_space<vmem>> -> memref<1x128xi32, #tpu.memory_space<vmem>>
        %dma_wait3A_514 = tpu.memref_squeeze %dma_wait3A_513 : memref<1x128xi32, #tpu.memory_space<vmem>> -> memref<128xi32, #tpu.memory_space<vmem>>
        %dma_wait3A_515 = arith.constant 0 : i32
        %dma_wait3A_516 = arith.constant 0 : i32
        %dma_wait3A_517 = tpu.memref_slice %arg8[%dma_wait3A_515, %dma_wait3A_516] : memref<10240x128xf32, #tpu.memory_space<vmem_shared>> -> memref<10240x128xf32, #tpu.memory_space<vmem_shared>>
        tpu.wait_indirect_dma semaphore(%run_scoped3A_505 : memref<!tpu.dma_semaphore, #tpu.memory_space<semaphore_mem>>) src(%arg7 : memref<128x128xf32, #tpu.memory_space<vmem>>) dst(%dma_wait3A_517 : memref<10240x128xf32, #tpu.memory_space<vmem_shared>>)
        tpu.yield
      }) : () -> ()
      %dma_start3A_362 = arith.constant 39 : i32
      %dma_start3A_363 = arith.constant 0 : i32
      %dma_start3A_364 = tpu.memref_slice %arg5[%dma_start3A_362, %dma_start3A_363] : memref<64x128xi32, #tpu.memory_space<vmem>> -> memref<1x128xi32, #tpu.memory_space<vmem>>
      %dma_start3A_365 = tpu.memref_squeeze %dma_start3A_364 : memref<1x128xi32, #tpu.memory_space<vmem>> -> memref<128xi32, #tpu.memory_space<vmem>>
      %dma_start3A_366 = arith.constant 0 : i32
      %dma_start3A_367 = arith.constant 0 : i32
      %dma_start3A_368 = tpu.memref_slice %arg2[%dma_start3A_366, %dma_start3A_367] : memref<20480x128xf32, #tpu.memory_space<hbm>> -> memref<20480x128xf32, #tpu.memory_space<hbm>>
      tpu.enqueue_indirect_dma source(%dma_start3A_368 : memref<20480x128xf32, #tpu.memory_space<hbm>>) target(%arg7 : memref<128x128xf32, #tpu.memory_space<vmem>>) offsets(%dma_start3A_365 : memref<128xi32, #tpu.memory_space<vmem>>) semaphore(%arg10 : memref<!tpu.dma_semaphore, #tpu.memory_space<semaphore_mem>>)
      %dma_wait3A_369 = arith.constant 38 : i32
      %dma_wait3A_370 = arith.constant 0 : i32
      %dma_wait3A_371 = tpu.memref_slice %arg5[%dma_wait3A_369, %dma_wait3A_370] : memref<64x128xi32, #tpu.memory_space<vmem>> -> memref<1x128xi32, #tpu.memory_space<vmem>>
      %dma_wait3A_372 = tpu.memref_squeeze %dma_wait3A_371 : memref<1x128xi32, #tpu.memory_space<vmem>> -> memref<128xi32, #tpu.memory_space<vmem>>
      %dma_wait3A_373 = arith.constant 0 : i32
      %dma_wait3A_374 = arith.constant 0 : i32
      %dma_wait3A_375 = tpu.memref_slice %arg2[%dma_wait3A_373, %dma_wait3A_374] : memref<20480x128xf32, #tpu.memory_space<hbm>> -> memref<20480x128xf32, #tpu.memory_space<hbm>>
      tpu.wait_indirect_dma semaphore(%arg9 : memref<!tpu.dma_semaphore, #tpu.memory_space<semaphore_mem>>) src(%dma_wait3A_375 : memref<20480x128xf32, #tpu.memory_space<hbm>>) dst(%arg6 : memref<128x128xf32, #tpu.memory_space<vmem>>)
      %run_scoped3A_376 = arith.constant 46 : i32
      "tpu.region"() ({
        %run_scoped3A_505 = tpu.sem_alloc : memref<!tpu.dma_semaphore, #tpu.memory_space<semaphore_mem>>
        %dma_start3A_506 = arith.constant 0 : i32
        %dma_start3A_507 = tpu.memref_slice %arg5[%run_scoped3A_376, %dma_start3A_506] : memref<64x128xi32, #tpu.memory_space<vmem>> -> memref<1x128xi32, #tpu.memory_space<vmem>>
        %dma_start3A_508 = tpu.memref_squeeze %dma_start3A_507 : memref<1x128xi32, #tpu.memory_space<vmem>> -> memref<128xi32, #tpu.memory_space<vmem>>
        %dma_start3A_509 = arith.constant 0 : i32
        %dma_start3A_510 = arith.constant 0 : i32
        %dma_start3A_511 = tpu.memref_slice %arg8[%dma_start3A_509, %dma_start3A_510] : memref<10240x128xf32, #tpu.memory_space<vmem_shared>> -> memref<10240x128xf32, #tpu.memory_space<vmem_shared>>
        tpu.enqueue_indirect_dma source(%arg6 : memref<128x128xf32, #tpu.memory_space<vmem>>) target(%dma_start3A_511 : memref<10240x128xf32, #tpu.memory_space<vmem_shared>>) offsets(%dma_start3A_508 : memref<128xi32, #tpu.memory_space<vmem>>) semaphore(%run_scoped3A_505 : memref<!tpu.dma_semaphore, #tpu.memory_space<semaphore_mem>>) {add = true}
        %dma_wait3A_512 = arith.constant 0 : i32
        %dma_wait3A_513 = tpu.memref_slice %arg5[%run_scoped3A_376, %dma_wait3A_512] : memref<64x128xi32, #tpu.memory_space<vmem>> -> memref<1x128xi32, #tpu.memory_space<vmem>>
        %dma_wait3A_514 = tpu.memref_squeeze %dma_wait3A_513 : memref<1x128xi32, #tpu.memory_space<vmem>> -> memref<128xi32, #tpu.memory_space<vmem>>
        %dma_wait3A_515 = arith.constant 0 : i32
        %dma_wait3A_516 = arith.constant 0 : i32
        %dma_wait3A_517 = tpu.memref_slice %arg8[%dma_wait3A_515, %dma_wait3A_516] : memref<10240x128xf32, #tpu.memory_space<vmem_shared>> -> memref<10240x128xf32, #tpu.memory_space<vmem_shared>>
        tpu.wait_indirect_dma semaphore(%run_scoped3A_505 : memref<!tpu.dma_semaphore, #tpu.memory_space<semaphore_mem>>) src(%arg6 : memref<128x128xf32, #tpu.memory_space<vmem>>) dst(%dma_wait3A_517 : memref<10240x128xf32, #tpu.memory_space<vmem_shared>>)
        tpu.yield
      }) : () -> ()
      %dma_start3A_377 = arith.constant 48 : i32
      %dma_start3A_378 = arith.constant 0 : i32
      %dma_start3A_379 = tpu.memref_slice %arg5[%dma_start3A_377, %dma_start3A_378] : memref<64x128xi32, #tpu.memory_space<vmem>> -> memref<1x128xi32, #tpu.memory_space<vmem>>
      %dma_start3A_380 = tpu.memref_squeeze %dma_start3A_379 : memref<1x128xi32, #tpu.memory_space<vmem>> -> memref<128xi32, #tpu.memory_space<vmem>>
      %dma_start3A_381 = arith.constant 0 : i32
      %dma_start3A_382 = arith.constant 0 : i32
      %dma_start3A_383 = tpu.memref_slice %arg2[%dma_start3A_381, %dma_start3A_382] : memref<20480x128xf32, #tpu.memory_space<hbm>> -> memref<20480x128xf32, #tpu.memory_space<hbm>>
      tpu.enqueue_indirect_dma source(%dma_start3A_383 : memref<20480x128xf32, #tpu.memory_space<hbm>>) target(%arg6 : memref<128x128xf32, #tpu.memory_space<vmem>>) offsets(%dma_start3A_380 : memref<128xi32, #tpu.memory_space<vmem>>) semaphore(%arg9 : memref<!tpu.dma_semaphore, #tpu.memory_space<semaphore_mem>>)
      %dma_wait3A_384 = arith.constant 39 : i32
      %dma_wait3A_385 = arith.constant 0 : i32
      %dma_wait3A_386 = tpu.memref_slice %arg5[%dma_wait3A_384, %dma_wait3A_385] : memref<64x128xi32, #tpu.memory_space<vmem>> -> memref<1x128xi32, #tpu.memory_space<vmem>>
      %dma_wait3A_387 = tpu.memref_squeeze %dma_wait3A_386 : memref<1x128xi32, #tpu.memory_space<vmem>> -> memref<128xi32, #tpu.memory_space<vmem>>
      %dma_wait3A_388 = arith.constant 0 : i32
      %dma_wait3A_389 = arith.constant 0 : i32
      %dma_wait3A_390 = tpu.memref_slice %arg2[%dma_wait3A_388, %dma_wait3A_389] : memref<20480x128xf32, #tpu.memory_space<hbm>> -> memref<20480x128xf32, #tpu.memory_space<hbm>>
      tpu.wait_indirect_dma semaphore(%arg10 : memref<!tpu.dma_semaphore, #tpu.memory_space<semaphore_mem>>) src(%dma_wait3A_390 : memref<20480x128xf32, #tpu.memory_space<hbm>>) dst(%arg7 : memref<128x128xf32, #tpu.memory_space<vmem>>)
      %run_scoped3A_391 = arith.constant 47 : i32
      "tpu.region"() ({
        %run_scoped3A_505 = tpu.sem_alloc : memref<!tpu.dma_semaphore, #tpu.memory_space<semaphore_mem>>
        %dma_start3A_506 = arith.constant 0 : i32
        %dma_start3A_507 = tpu.memref_slice %arg5[%run_scoped3A_391, %dma_start3A_506] : memref<64x128xi32, #tpu.memory_space<vmem>> -> memref<1x128xi32, #tpu.memory_space<vmem>>
        %dma_start3A_508 = tpu.memref_squeeze %dma_start3A_507 : memref<1x128xi32, #tpu.memory_space<vmem>> -> memref<128xi32, #tpu.memory_space<vmem>>
        %dma_start3A_509 = arith.constant 0 : i32
        %dma_start3A_510 = arith.constant 0 : i32
        %dma_start3A_511 = tpu.memref_slice %arg8[%dma_start3A_509, %dma_start3A_510] : memref<10240x128xf32, #tpu.memory_space<vmem_shared>> -> memref<10240x128xf32, #tpu.memory_space<vmem_shared>>
        tpu.enqueue_indirect_dma source(%arg7 : memref<128x128xf32, #tpu.memory_space<vmem>>) target(%dma_start3A_511 : memref<10240x128xf32, #tpu.memory_space<vmem_shared>>) offsets(%dma_start3A_508 : memref<128xi32, #tpu.memory_space<vmem>>) semaphore(%run_scoped3A_505 : memref<!tpu.dma_semaphore, #tpu.memory_space<semaphore_mem>>) {add = true}
        %dma_wait3A_512 = arith.constant 0 : i32
        %dma_wait3A_513 = tpu.memref_slice %arg5[%run_scoped3A_391, %dma_wait3A_512] : memref<64x128xi32, #tpu.memory_space<vmem>> -> memref<1x128xi32, #tpu.memory_space<vmem>>
        %dma_wait3A_514 = tpu.memref_squeeze %dma_wait3A_513 : memref<1x128xi32, #tpu.memory_space<vmem>> -> memref<128xi32, #tpu.memory_space<vmem>>
        %dma_wait3A_515 = arith.constant 0 : i32
        %dma_wait3A_516 = arith.constant 0 : i32
        %dma_wait3A_517 = tpu.memref_slice %arg8[%dma_wait3A_515, %dma_wait3A_516] : memref<10240x128xf32, #tpu.memory_space<vmem_shared>> -> memref<10240x128xf32, #tpu.memory_space<vmem_shared>>
        tpu.wait_indirect_dma semaphore(%run_scoped3A_505 : memref<!tpu.dma_semaphore, #tpu.memory_space<semaphore_mem>>) src(%arg7 : memref<128x128xf32, #tpu.memory_space<vmem>>) dst(%dma_wait3A_517 : memref<10240x128xf32, #tpu.memory_space<vmem_shared>>)
        tpu.yield
      }) : () -> ()
      %dma_start3A_392 = arith.constant 49 : i32
      %dma_start3A_393 = arith.constant 0 : i32
      %dma_start3A_394 = tpu.memref_slice %arg5[%dma_start3A_392, %dma_start3A_393] : memref<64x128xi32, #tpu.memory_space<vmem>> -> memref<1x128xi32, #tpu.memory_space<vmem>>
      %dma_start3A_395 = tpu.memref_squeeze %dma_start3A_394 : memref<1x128xi32, #tpu.memory_space<vmem>> -> memref<128xi32, #tpu.memory_space<vmem>>
      %dma_start3A_396 = arith.constant 0 : i32
      %dma_start3A_397 = arith.constant 0 : i32
      %dma_start3A_398 = tpu.memref_slice %arg2[%dma_start3A_396, %dma_start3A_397] : memref<20480x128xf32, #tpu.memory_space<hbm>> -> memref<20480x128xf32, #tpu.memory_space<hbm>>
      tpu.enqueue_indirect_dma source(%dma_start3A_398 : memref<20480x128xf32, #tpu.memory_space<hbm>>) target(%arg7 : memref<128x128xf32, #tpu.memory_space<vmem>>) offsets(%dma_start3A_395 : memref<128xi32, #tpu.memory_space<vmem>>) semaphore(%arg10 : memref<!tpu.dma_semaphore, #tpu.memory_space<semaphore_mem>>)
      %dma_wait3A_399 = arith.constant 48 : i32
      %dma_wait3A_400 = arith.constant 0 : i32
      %dma_wait3A_401 = tpu.memref_slice %arg5[%dma_wait3A_399, %dma_wait3A_400] : memref<64x128xi32, #tpu.memory_space<vmem>> -> memref<1x128xi32, #tpu.memory_space<vmem>>
      %dma_wait3A_402 = tpu.memref_squeeze %dma_wait3A_401 : memref<1x128xi32, #tpu.memory_space<vmem>> -> memref<128xi32, #tpu.memory_space<vmem>>
      %dma_wait3A_403 = arith.constant 0 : i32
      %dma_wait3A_404 = arith.constant 0 : i32
      %dma_wait3A_405 = tpu.memref_slice %arg2[%dma_wait3A_403, %dma_wait3A_404] : memref<20480x128xf32, #tpu.memory_space<hbm>> -> memref<20480x128xf32, #tpu.memory_space<hbm>>
      tpu.wait_indirect_dma semaphore(%arg9 : memref<!tpu.dma_semaphore, #tpu.memory_space<semaphore_mem>>) src(%dma_wait3A_405 : memref<20480x128xf32, #tpu.memory_space<hbm>>) dst(%arg6 : memref<128x128xf32, #tpu.memory_space<vmem>>)
      %run_scoped3A_406 = arith.constant 56 : i32
      "tpu.region"() ({
        %run_scoped3A_505 = tpu.sem_alloc : memref<!tpu.dma_semaphore, #tpu.memory_space<semaphore_mem>>
        %dma_start3A_506 = arith.constant 0 : i32
        %dma_start3A_507 = tpu.memref_slice %arg5[%run_scoped3A_406, %dma_start3A_506] : memref<64x128xi32, #tpu.memory_space<vmem>> -> memref<1x128xi32, #tpu.memory_space<vmem>>
        %dma_start3A_508 = tpu.memref_squeeze %dma_start3A_507 : memref<1x128xi32, #tpu.memory_space<vmem>> -> memref<128xi32, #tpu.memory_space<vmem>>
        %dma_start3A_509 = arith.constant 0 : i32
        %dma_start3A_510 = arith.constant 0 : i32
        %dma_start3A_511 = tpu.memref_slice %arg8[%dma_start3A_509, %dma_start3A_510] : memref<10240x128xf32, #tpu.memory_space<vmem_shared>> -> memref<10240x128xf32, #tpu.memory_space<vmem_shared>>
        tpu.enqueue_indirect_dma source(%arg6 : memref<128x128xf32, #tpu.memory_space<vmem>>) target(%dma_start3A_511 : memref<10240x128xf32, #tpu.memory_space<vmem_shared>>) offsets(%dma_start3A_508 : memref<128xi32, #tpu.memory_space<vmem>>) semaphore(%run_scoped3A_505 : memref<!tpu.dma_semaphore, #tpu.memory_space<semaphore_mem>>) {add = true}
        %dma_wait3A_512 = arith.constant 0 : i32
        %dma_wait3A_513 = tpu.memref_slice %arg5[%run_scoped3A_406, %dma_wait3A_512] : memref<64x128xi32, #tpu.memory_space<vmem>> -> memref<1x128xi32, #tpu.memory_space<vmem>>
        %dma_wait3A_514 = tpu.memref_squeeze %dma_wait3A_513 : memref<1x128xi32, #tpu.memory_space<vmem>> -> memref<128xi32, #tpu.memory_space<vmem>>
        %dma_wait3A_515 = arith.constant 0 : i32
        %dma_wait3A_516 = arith.constant 0 : i32
        %dma_wait3A_517 = tpu.memref_slice %arg8[%dma_wait3A_515, %dma_wait3A_516] : memref<10240x128xf32, #tpu.memory_space<vmem_shared>> -> memref<10240x128xf32, #tpu.memory_space<vmem_shared>>
        tpu.wait_indirect_dma semaphore(%run_scoped3A_505 : memref<!tpu.dma_semaphore, #tpu.memory_space<semaphore_mem>>) src(%arg6 : memref<128x128xf32, #tpu.memory_space<vmem>>) dst(%dma_wait3A_517 : memref<10240x128xf32, #tpu.memory_space<vmem_shared>>)
        tpu.yield
      }) : () -> ()
      %dma_start3A_407 = arith.constant 50 : i32
      %dma_start3A_408 = arith.constant 0 : i32
      %dma_start3A_409 = tpu.memref_slice %arg5[%dma_start3A_407, %dma_start3A_408] : memref<64x128xi32, #tpu.memory_space<vmem>> -> memref<1x128xi32, #tpu.memory_space<vmem>>
      %dma_start3A_410 = tpu.memref_squeeze %dma_start3A_409 : memref<1x128xi32, #tpu.memory_space<vmem>> -> memref<128xi32, #tpu.memory_space<vmem>>
      %dma_start3A_411 = arith.constant 0 : i32
      %dma_start3A_412 = arith.constant 0 : i32
      %dma_start3A_413 = tpu.memref_slice %arg2[%dma_start3A_411, %dma_start3A_412] : memref<20480x128xf32, #tpu.memory_space<hbm>> -> memref<20480x128xf32, #tpu.memory_space<hbm>>
      tpu.enqueue_indirect_dma source(%dma_start3A_413 : memref<20480x128xf32, #tpu.memory_space<hbm>>) target(%arg6 : memref<128x128xf32, #tpu.memory_space<vmem>>) offsets(%dma_start3A_410 : memref<128xi32, #tpu.memory_space<vmem>>) semaphore(%arg9 : memref<!tpu.dma_semaphore, #tpu.memory_space<semaphore_mem>>)
      %dma_wait3A_414 = arith.constant 49 : i32
      %dma_wait3A_415 = arith.constant 0 : i32
      %dma_wait3A_416 = tpu.memref_slice %arg5[%dma_wait3A_414, %dma_wait3A_415] : memref<64x128xi32, #tpu.memory_space<vmem>> -> memref<1x128xi32, #tpu.memory_space<vmem>>
      %dma_wait3A_417 = tpu.memref_squeeze %dma_wait3A_416 : memref<1x128xi32, #tpu.memory_space<vmem>> -> memref<128xi32, #tpu.memory_space<vmem>>
      %dma_wait3A_418 = arith.constant 0 : i32
      %dma_wait3A_419 = arith.constant 0 : i32
      %dma_wait3A_420 = tpu.memref_slice %arg2[%dma_wait3A_418, %dma_wait3A_419] : memref<20480x128xf32, #tpu.memory_space<hbm>> -> memref<20480x128xf32, #tpu.memory_space<hbm>>
      tpu.wait_indirect_dma semaphore(%arg10 : memref<!tpu.dma_semaphore, #tpu.memory_space<semaphore_mem>>) src(%dma_wait3A_420 : memref<20480x128xf32, #tpu.memory_space<hbm>>) dst(%arg7 : memref<128x128xf32, #tpu.memory_space<vmem>>)
      %run_scoped3A_421 = arith.constant 57 : i32
      "tpu.region"() ({
        %run_scoped3A_505 = tpu.sem_alloc : memref<!tpu.dma_semaphore, #tpu.memory_space<semaphore_mem>>
        %dma_start3A_506 = arith.constant 0 : i32
        %dma_start3A_507 = tpu.memref_slice %arg5[%run_scoped3A_421, %dma_start3A_506] : memref<64x128xi32, #tpu.memory_space<vmem>> -> memref<1x128xi32, #tpu.memory_space<vmem>>
        %dma_start3A_508 = tpu.memref_squeeze %dma_start3A_507 : memref<1x128xi32, #tpu.memory_space<vmem>> -> memref<128xi32, #tpu.memory_space<vmem>>
        %dma_start3A_509 = arith.constant 0 : i32
        %dma_start3A_510 = arith.constant 0 : i32
        %dma_start3A_511 = tpu.memref_slice %arg8[%dma_start3A_509, %dma_start3A_510] : memref<10240x128xf32, #tpu.memory_space<vmem_shared>> -> memref<10240x128xf32, #tpu.memory_space<vmem_shared>>
        tpu.enqueue_indirect_dma source(%arg7 : memref<128x128xf32, #tpu.memory_space<vmem>>) target(%dma_start3A_511 : memref<10240x128xf32, #tpu.memory_space<vmem_shared>>) offsets(%dma_start3A_508 : memref<128xi32, #tpu.memory_space<vmem>>) semaphore(%run_scoped3A_505 : memref<!tpu.dma_semaphore, #tpu.memory_space<semaphore_mem>>) {add = true}
        %dma_wait3A_512 = arith.constant 0 : i32
        %dma_wait3A_513 = tpu.memref_slice %arg5[%run_scoped3A_421, %dma_wait3A_512] : memref<64x128xi32, #tpu.memory_space<vmem>> -> memref<1x128xi32, #tpu.memory_space<vmem>>
        %dma_wait3A_514 = tpu.memref_squeeze %dma_wait3A_513 : memref<1x128xi32, #tpu.memory_space<vmem>> -> memref<128xi32, #tpu.memory_space<vmem>>
        %dma_wait3A_515 = arith.constant 0 : i32
        %dma_wait3A_516 = arith.constant 0 : i32
        %dma_wait3A_517 = tpu.memref_slice %arg8[%dma_wait3A_515, %dma_wait3A_516] : memref<10240x128xf32, #tpu.memory_space<vmem_shared>> -> memref<10240x128xf32, #tpu.memory_space<vmem_shared>>
        tpu.wait_indirect_dma semaphore(%run_scoped3A_505 : memref<!tpu.dma_semaphore, #tpu.memory_space<semaphore_mem>>) src(%arg7 : memref<128x128xf32, #tpu.memory_space<vmem>>) dst(%dma_wait3A_517 : memref<10240x128xf32, #tpu.memory_space<vmem_shared>>)
        tpu.yield
      }) : () -> ()
      %dma_start3A_422 = arith.constant 51 : i32
      %dma_start3A_423 = arith.constant 0 : i32
      %dma_start3A_424 = tpu.memref_slice %arg5[%dma_start3A_422, %dma_start3A_423] : memref<64x128xi32, #tpu.memory_space<vmem>> -> memref<1x128xi32, #tpu.memory_space<vmem>>
      %dma_start3A_425 = tpu.memref_squeeze %dma_start3A_424 : memref<1x128xi32, #tpu.memory_space<vmem>> -> memref<128xi32, #tpu.memory_space<vmem>>
      %dma_start3A_426 = arith.constant 0 : i32
      %dma_start3A_427 = arith.constant 0 : i32
      %dma_start3A_428 = tpu.memref_slice %arg2[%dma_start3A_426, %dma_start3A_427] : memref<20480x128xf32, #tpu.memory_space<hbm>> -> memref<20480x128xf32, #tpu.memory_space<hbm>>
      tpu.enqueue_indirect_dma source(%dma_start3A_428 : memref<20480x128xf32, #tpu.memory_space<hbm>>) target(%arg7 : memref<128x128xf32, #tpu.memory_space<vmem>>) offsets(%dma_start3A_425 : memref<128xi32, #tpu.memory_space<vmem>>) semaphore(%arg10 : memref<!tpu.dma_semaphore, #tpu.memory_space<semaphore_mem>>)
      %dma_wait3A_429 = arith.constant 50 : i32
      %dma_wait3A_430 = arith.constant 0 : i32
      %dma_wait3A_431 = tpu.memref_slice %arg5[%dma_wait3A_429, %dma_wait3A_430] : memref<64x128xi32, #tpu.memory_space<vmem>> -> memref<1x128xi32, #tpu.memory_space<vmem>>
      %dma_wait3A_432 = tpu.memref_squeeze %dma_wait3A_431 : memref<1x128xi32, #tpu.memory_space<vmem>> -> memref<128xi32, #tpu.memory_space<vmem>>
      %dma_wait3A_433 = arith.constant 0 : i32
      %dma_wait3A_434 = arith.constant 0 : i32
      %dma_wait3A_435 = tpu.memref_slice %arg2[%dma_wait3A_433, %dma_wait3A_434] : memref<20480x128xf32, #tpu.memory_space<hbm>> -> memref<20480x128xf32, #tpu.memory_space<hbm>>
      tpu.wait_indirect_dma semaphore(%arg9 : memref<!tpu.dma_semaphore, #tpu.memory_space<semaphore_mem>>) src(%dma_wait3A_435 : memref<20480x128xf32, #tpu.memory_space<hbm>>) dst(%arg6 : memref<128x128xf32, #tpu.memory_space<vmem>>)
      %run_scoped3A_436 = arith.constant 58 : i32
      "tpu.region"() ({
        %run_scoped3A_505 = tpu.sem_alloc : memref<!tpu.dma_semaphore, #tpu.memory_space<semaphore_mem>>
        %dma_start3A_506 = arith.constant 0 : i32
        %dma_start3A_507 = tpu.memref_slice %arg5[%run_scoped3A_436, %dma_start3A_506] : memref<64x128xi32, #tpu.memory_space<vmem>> -> memref<1x128xi32, #tpu.memory_space<vmem>>
        %dma_start3A_508 = tpu.memref_squeeze %dma_start3A_507 : memref<1x128xi32, #tpu.memory_space<vmem>> -> memref<128xi32, #tpu.memory_space<vmem>>
        %dma_start3A_509 = arith.constant 0 : i32
        %dma_start3A_510 = arith.constant 0 : i32
        %dma_start3A_511 = tpu.memref_slice %arg8[%dma_start3A_509, %dma_start3A_510] : memref<10240x128xf32, #tpu.memory_space<vmem_shared>> -> memref<10240x128xf32, #tpu.memory_space<vmem_shared>>
        tpu.enqueue_indirect_dma source(%arg6 : memref<128x128xf32, #tpu.memory_space<vmem>>) target(%dma_start3A_511 : memref<10240x128xf32, #tpu.memory_space<vmem_shared>>) offsets(%dma_start3A_508 : memref<128xi32, #tpu.memory_space<vmem>>) semaphore(%run_scoped3A_505 : memref<!tpu.dma_semaphore, #tpu.memory_space<semaphore_mem>>) {add = true}
        %dma_wait3A_512 = arith.constant 0 : i32
        %dma_wait3A_513 = tpu.memref_slice %arg5[%run_scoped3A_436, %dma_wait3A_512] : memref<64x128xi32, #tpu.memory_space<vmem>> -> memref<1x128xi32, #tpu.memory_space<vmem>>
        %dma_wait3A_514 = tpu.memref_squeeze %dma_wait3A_513 : memref<1x128xi32, #tpu.memory_space<vmem>> -> memref<128xi32, #tpu.memory_space<vmem>>
        %dma_wait3A_515 = arith.constant 0 : i32
        %dma_wait3A_516 = arith.constant 0 : i32
        %dma_wait3A_517 = tpu.memref_slice %arg8[%dma_wait3A_515, %dma_wait3A_516] : memref<10240x128xf32, #tpu.memory_space<vmem_shared>> -> memref<10240x128xf32, #tpu.memory_space<vmem_shared>>
        tpu.wait_indirect_dma semaphore(%run_scoped3A_505 : memref<!tpu.dma_semaphore, #tpu.memory_space<semaphore_mem>>) src(%arg6 : memref<128x128xf32, #tpu.memory_space<vmem>>) dst(%dma_wait3A_517 : memref<10240x128xf32, #tpu.memory_space<vmem_shared>>)
        tpu.yield
      }) : () -> ()
      %dma_start3A_437 = arith.constant 52 : i32
      %dma_start3A_438 = arith.constant 0 : i32
      %dma_start3A_439 = tpu.memref_slice %arg5[%dma_start3A_437, %dma_start3A_438] : memref<64x128xi32, #tpu.memory_space<vmem>> -> memref<1x128xi32, #tpu.memory_space<vmem>>
      %dma_start3A_440 = tpu.memref_squeeze %dma_start3A_439 : memref<1x128xi32, #tpu.memory_space<vmem>> -> memref<128xi32, #tpu.memory_space<vmem>>
      %dma_start3A_441 = arith.constant 0 : i32
      %dma_start3A_442 = arith.constant 0 : i32
      %dma_start3A_443 = tpu.memref_slice %arg2[%dma_start3A_441, %dma_start3A_442] : memref<20480x128xf32, #tpu.memory_space<hbm>> -> memref<20480x128xf32, #tpu.memory_space<hbm>>
      tpu.enqueue_indirect_dma source(%dma_start3A_443 : memref<20480x128xf32, #tpu.memory_space<hbm>>) target(%arg6 : memref<128x128xf32, #tpu.memory_space<vmem>>) offsets(%dma_start3A_440 : memref<128xi32, #tpu.memory_space<vmem>>) semaphore(%arg9 : memref<!tpu.dma_semaphore, #tpu.memory_space<semaphore_mem>>)
      %dma_wait3A_444 = arith.constant 51 : i32
      %dma_wait3A_445 = arith.constant 0 : i32
      %dma_wait3A_446 = tpu.memref_slice %arg5[%dma_wait3A_444, %dma_wait3A_445] : memref<64x128xi32, #tpu.memory_space<vmem>> -> memref<1x128xi32, #tpu.memory_space<vmem>>
      %dma_wait3A_447 = tpu.memref_squeeze %dma_wait3A_446 : memref<1x128xi32, #tpu.memory_space<vmem>> -> memref<128xi32, #tpu.memory_space<vmem>>
      %dma_wait3A_448 = arith.constant 0 : i32
      %dma_wait3A_449 = arith.constant 0 : i32
      %dma_wait3A_450 = tpu.memref_slice %arg2[%dma_wait3A_448, %dma_wait3A_449] : memref<20480x128xf32, #tpu.memory_space<hbm>> -> memref<20480x128xf32, #tpu.memory_space<hbm>>
      tpu.wait_indirect_dma semaphore(%arg10 : memref<!tpu.dma_semaphore, #tpu.memory_space<semaphore_mem>>) src(%dma_wait3A_450 : memref<20480x128xf32, #tpu.memory_space<hbm>>) dst(%arg7 : memref<128x128xf32, #tpu.memory_space<vmem>>)
      %run_scoped3A_451 = arith.constant 59 : i32
      "tpu.region"() ({
        %run_scoped3A_505 = tpu.sem_alloc : memref<!tpu.dma_semaphore, #tpu.memory_space<semaphore_mem>>
        %dma_start3A_506 = arith.constant 0 : i32
        %dma_start3A_507 = tpu.memref_slice %arg5[%run_scoped3A_451, %dma_start3A_506] : memref<64x128xi32, #tpu.memory_space<vmem>> -> memref<1x128xi32, #tpu.memory_space<vmem>>
        %dma_start3A_508 = tpu.memref_squeeze %dma_start3A_507 : memref<1x128xi32, #tpu.memory_space<vmem>> -> memref<128xi32, #tpu.memory_space<vmem>>
        %dma_start3A_509 = arith.constant 0 : i32
        %dma_start3A_510 = arith.constant 0 : i32
        %dma_start3A_511 = tpu.memref_slice %arg8[%dma_start3A_509, %dma_start3A_510] : memref<10240x128xf32, #tpu.memory_space<vmem_shared>> -> memref<10240x128xf32, #tpu.memory_space<vmem_shared>>
        tpu.enqueue_indirect_dma source(%arg7 : memref<128x128xf32, #tpu.memory_space<vmem>>) target(%dma_start3A_511 : memref<10240x128xf32, #tpu.memory_space<vmem_shared>>) offsets(%dma_start3A_508 : memref<128xi32, #tpu.memory_space<vmem>>) semaphore(%run_scoped3A_505 : memref<!tpu.dma_semaphore, #tpu.memory_space<semaphore_mem>>) {add = true}
        %dma_wait3A_512 = arith.constant 0 : i32
        %dma_wait3A_513 = tpu.memref_slice %arg5[%run_scoped3A_451, %dma_wait3A_512] : memref<64x128xi32, #tpu.memory_space<vmem>> -> memref<1x128xi32, #tpu.memory_space<vmem>>
        %dma_wait3A_514 = tpu.memref_squeeze %dma_wait3A_513 : memref<1x128xi32, #tpu.memory_space<vmem>> -> memref<128xi32, #tpu.memory_space<vmem>>
        %dma_wait3A_515 = arith.constant 0 : i32
        %dma_wait3A_516 = arith.constant 0 : i32
        %dma_wait3A_517 = tpu.memref_slice %arg8[%dma_wait3A_515, %dma_wait3A_516] : memref<10240x128xf32, #tpu.memory_space<vmem_shared>> -> memref<10240x128xf32, #tpu.memory_space<vmem_shared>>
        tpu.wait_indirect_dma semaphore(%run_scoped3A_505 : memref<!tpu.dma_semaphore, #tpu.memory_space<semaphore_mem>>) src(%arg7 : memref<128x128xf32, #tpu.memory_space<vmem>>) dst(%dma_wait3A_517 : memref<10240x128xf32, #tpu.memory_space<vmem_shared>>)
        tpu.yield
      }) : () -> ()
      %dma_start3A_452 = arith.constant 53 : i32
      %dma_start3A_453 = arith.constant 0 : i32
      %dma_start3A_454 = tpu.memref_slice %arg5[%dma_start3A_452, %dma_start3A_453] : memref<64x128xi32, #tpu.memory_space<vmem>> -> memref<1x128xi32, #tpu.memory_space<vmem>>
      %dma_start3A_455 = tpu.memref_squeeze %dma_start3A_454 : memref<1x128xi32, #tpu.memory_space<vmem>> -> memref<128xi32, #tpu.memory_space<vmem>>
      %dma_start3A_456 = arith.constant 0 : i32
      %dma_start3A_457 = arith.constant 0 : i32
      %dma_start3A_458 = tpu.memref_slice %arg2[%dma_start3A_456, %dma_start3A_457] : memref<20480x128xf32, #tpu.memory_space<hbm>> -> memref<20480x128xf32, #tpu.memory_space<hbm>>
      tpu.enqueue_indirect_dma source(%dma_start3A_458 : memref<20480x128xf32, #tpu.memory_space<hbm>>) target(%arg7 : memref<128x128xf32, #tpu.memory_space<vmem>>) offsets(%dma_start3A_455 : memref<128xi32, #tpu.memory_space<vmem>>) semaphore(%arg10 : memref<!tpu.dma_semaphore, #tpu.memory_space<semaphore_mem>>)
      %dma_wait3A_459 = arith.constant 52 : i32
      %dma_wait3A_460 = arith.constant 0 : i32
      %dma_wait3A_461 = tpu.memref_slice %arg5[%dma_wait3A_459, %dma_wait3A_460] : memref<64x128xi32, #tpu.memory_space<vmem>> -> memref<1x128xi32, #tpu.memory_space<vmem>>
      %dma_wait3A_462 = tpu.memref_squeeze %dma_wait3A_461 : memref<1x128xi32, #tpu.memory_space<vmem>> -> memref<128xi32, #tpu.memory_space<vmem>>
      %dma_wait3A_463 = arith.constant 0 : i32
      %dma_wait3A_464 = arith.constant 0 : i32
      %dma_wait3A_465 = tpu.memref_slice %arg2[%dma_wait3A_463, %dma_wait3A_464] : memref<20480x128xf32, #tpu.memory_space<hbm>> -> memref<20480x128xf32, #tpu.memory_space<hbm>>
      tpu.wait_indirect_dma semaphore(%arg9 : memref<!tpu.dma_semaphore, #tpu.memory_space<semaphore_mem>>) src(%dma_wait3A_465 : memref<20480x128xf32, #tpu.memory_space<hbm>>) dst(%arg6 : memref<128x128xf32, #tpu.memory_space<vmem>>)
      %run_scoped3A_466 = arith.constant 60 : i32
      "tpu.region"() ({
        %run_scoped3A_505 = tpu.sem_alloc : memref<!tpu.dma_semaphore, #tpu.memory_space<semaphore_mem>>
        %dma_start3A_506 = arith.constant 0 : i32
        %dma_start3A_507 = tpu.memref_slice %arg5[%run_scoped3A_466, %dma_start3A_506] : memref<64x128xi32, #tpu.memory_space<vmem>> -> memref<1x128xi32, #tpu.memory_space<vmem>>
        %dma_start3A_508 = tpu.memref_squeeze %dma_start3A_507 : memref<1x128xi32, #tpu.memory_space<vmem>> -> memref<128xi32, #tpu.memory_space<vmem>>
        %dma_start3A_509 = arith.constant 0 : i32
        %dma_start3A_510 = arith.constant 0 : i32
        %dma_start3A_511 = tpu.memref_slice %arg8[%dma_start3A_509, %dma_start3A_510] : memref<10240x128xf32, #tpu.memory_space<vmem_shared>> -> memref<10240x128xf32, #tpu.memory_space<vmem_shared>>
        tpu.enqueue_indirect_dma source(%arg6 : memref<128x128xf32, #tpu.memory_space<vmem>>) target(%dma_start3A_511 : memref<10240x128xf32, #tpu.memory_space<vmem_shared>>) offsets(%dma_start3A_508 : memref<128xi32, #tpu.memory_space<vmem>>) semaphore(%run_scoped3A_505 : memref<!tpu.dma_semaphore, #tpu.memory_space<semaphore_mem>>) {add = true}
        %dma_wait3A_512 = arith.constant 0 : i32
        %dma_wait3A_513 = tpu.memref_slice %arg5[%run_scoped3A_466, %dma_wait3A_512] : memref<64x128xi32, #tpu.memory_space<vmem>> -> memref<1x128xi32, #tpu.memory_space<vmem>>
        %dma_wait3A_514 = tpu.memref_squeeze %dma_wait3A_513 : memref<1x128xi32, #tpu.memory_space<vmem>> -> memref<128xi32, #tpu.memory_space<vmem>>
        %dma_wait3A_515 = arith.constant 0 : i32
        %dma_wait3A_516 = arith.constant 0 : i32
        %dma_wait3A_517 = tpu.memref_slice %arg8[%dma_wait3A_515, %dma_wait3A_516] : memref<10240x128xf32, #tpu.memory_space<vmem_shared>> -> memref<10240x128xf32, #tpu.memory_space<vmem_shared>>
        tpu.wait_indirect_dma semaphore(%run_scoped3A_505 : memref<!tpu.dma_semaphore, #tpu.memory_space<semaphore_mem>>) src(%arg6 : memref<128x128xf32, #tpu.memory_space<vmem>>) dst(%dma_wait3A_517 : memref<10240x128xf32, #tpu.memory_space<vmem_shared>>)
        tpu.yield
      }) : () -> ()
      %dma_start3A_467 = arith.constant 54 : i32
      %dma_start3A_468 = arith.constant 0 : i32
      %dma_start3A_469 = tpu.memref_slice %arg5[%dma_start3A_467, %dma_start3A_468] : memref<64x128xi32, #tpu.memory_space<vmem>> -> memref<1x128xi32, #tpu.memory_space<vmem>>
      %dma_start3A_470 = tpu.memref_squeeze %dma_start3A_469 : memref<1x128xi32, #tpu.memory_space<vmem>> -> memref<128xi32, #tpu.memory_space<vmem>>
      %dma_start3A_471 = arith.constant 0 : i32
      %dma_start3A_472 = arith.constant 0 : i32
      %dma_start3A_473 = tpu.memref_slice %arg2[%dma_start3A_471, %dma_start3A_472] : memref<20480x128xf32, #tpu.memory_space<hbm>> -> memref<20480x128xf32, #tpu.memory_space<hbm>>
      tpu.enqueue_indirect_dma source(%dma_start3A_473 : memref<20480x128xf32, #tpu.memory_space<hbm>>) target(%arg6 : memref<128x128xf32, #tpu.memory_space<vmem>>) offsets(%dma_start3A_470 : memref<128xi32, #tpu.memory_space<vmem>>) semaphore(%arg9 : memref<!tpu.dma_semaphore, #tpu.memory_space<semaphore_mem>>)
      %dma_wait3A_474 = arith.constant 53 : i32
      %dma_wait3A_475 = arith.constant 0 : i32
      %dma_wait3A_476 = tpu.memref_slice %arg5[%dma_wait3A_474, %dma_wait3A_475] : memref<64x128xi32, #tpu.memory_space<vmem>> -> memref<1x128xi32, #tpu.memory_space<vmem>>
      %dma_wait3A_477 = tpu.memref_squeeze %dma_wait3A_476 : memref<1x128xi32, #tpu.memory_space<vmem>> -> memref<128xi32, #tpu.memory_space<vmem>>
      %dma_wait3A_478 = arith.constant 0 : i32
      %dma_wait3A_479 = arith.constant 0 : i32
      %dma_wait3A_480 = tpu.memref_slice %arg2[%dma_wait3A_478, %dma_wait3A_479] : memref<20480x128xf32, #tpu.memory_space<hbm>> -> memref<20480x128xf32, #tpu.memory_space<hbm>>
      tpu.wait_indirect_dma semaphore(%arg10 : memref<!tpu.dma_semaphore, #tpu.memory_space<semaphore_mem>>) src(%dma_wait3A_480 : memref<20480x128xf32, #tpu.memory_space<hbm>>) dst(%arg7 : memref<128x128xf32, #tpu.memory_space<vmem>>)
      %run_scoped3A_481 = arith.constant 61 : i32
      "tpu.region"() ({
        %run_scoped3A_505 = tpu.sem_alloc : memref<!tpu.dma_semaphore, #tpu.memory_space<semaphore_mem>>
        %dma_start3A_506 = arith.constant 0 : i32
        %dma_start3A_507 = tpu.memref_slice %arg5[%run_scoped3A_481, %dma_start3A_506] : memref<64x128xi32, #tpu.memory_space<vmem>> -> memref<1x128xi32, #tpu.memory_space<vmem>>
        %dma_start3A_508 = tpu.memref_squeeze %dma_start3A_507 : memref<1x128xi32, #tpu.memory_space<vmem>> -> memref<128xi32, #tpu.memory_space<vmem>>
        %dma_start3A_509 = arith.constant 0 : i32
        %dma_start3A_510 = arith.constant 0 : i32
        %dma_start3A_511 = tpu.memref_slice %arg8[%dma_start3A_509, %dma_start3A_510] : memref<10240x128xf32, #tpu.memory_space<vmem_shared>> -> memref<10240x128xf32, #tpu.memory_space<vmem_shared>>
        tpu.enqueue_indirect_dma source(%arg7 : memref<128x128xf32, #tpu.memory_space<vmem>>) target(%dma_start3A_511 : memref<10240x128xf32, #tpu.memory_space<vmem_shared>>) offsets(%dma_start3A_508 : memref<128xi32, #tpu.memory_space<vmem>>) semaphore(%run_scoped3A_505 : memref<!tpu.dma_semaphore, #tpu.memory_space<semaphore_mem>>) {add = true}
        %dma_wait3A_512 = arith.constant 0 : i32
        %dma_wait3A_513 = tpu.memref_slice %arg5[%run_scoped3A_481, %dma_wait3A_512] : memref<64x128xi32, #tpu.memory_space<vmem>> -> memref<1x128xi32, #tpu.memory_space<vmem>>
        %dma_wait3A_514 = tpu.memref_squeeze %dma_wait3A_513 : memref<1x128xi32, #tpu.memory_space<vmem>> -> memref<128xi32, #tpu.memory_space<vmem>>
        %dma_wait3A_515 = arith.constant 0 : i32
        %dma_wait3A_516 = arith.constant 0 : i32
        %dma_wait3A_517 = tpu.memref_slice %arg8[%dma_wait3A_515, %dma_wait3A_516] : memref<10240x128xf32, #tpu.memory_space<vmem_shared>> -> memref<10240x128xf32, #tpu.memory_space<vmem_shared>>
        tpu.wait_indirect_dma semaphore(%run_scoped3A_505 : memref<!tpu.dma_semaphore, #tpu.memory_space<semaphore_mem>>) src(%arg7 : memref<128x128xf32, #tpu.memory_space<vmem>>) dst(%dma_wait3A_517 : memref<10240x128xf32, #tpu.memory_space<vmem_shared>>)
        tpu.yield
      }) : () -> ()
      %dma_start3A_482 = arith.constant 55 : i32
      %dma_start3A_483 = arith.constant 0 : i32
      %dma_start3A_484 = tpu.memref_slice %arg5[%dma_start3A_482, %dma_start3A_483] : memref<64x128xi32, #tpu.memory_space<vmem>> -> memref<1x128xi32, #tpu.memory_space<vmem>>
      %dma_start3A_485 = tpu.memref_squeeze %dma_start3A_484 : memref<1x128xi32, #tpu.memory_space<vmem>> -> memref<128xi32, #tpu.memory_space<vmem>>
      %dma_start3A_486 = arith.constant 0 : i32
      %dma_start3A_487 = arith.constant 0 : i32
      %dma_start3A_488 = tpu.memref_slice %arg2[%dma_start3A_486, %dma_start3A_487] : memref<20480x128xf32, #tpu.memory_space<hbm>> -> memref<20480x128xf32, #tpu.memory_space<hbm>>
      tpu.enqueue_indirect_dma source(%dma_start3A_488 : memref<20480x128xf32, #tpu.memory_space<hbm>>) target(%arg7 : memref<128x128xf32, #tpu.memory_space<vmem>>) offsets(%dma_start3A_485 : memref<128xi32, #tpu.memory_space<vmem>>) semaphore(%arg10 : memref<!tpu.dma_semaphore, #tpu.memory_space<semaphore_mem>>)
      %dma_wait3A_489 = arith.constant 54 : i32
      %dma_wait3A_490 = arith.constant 0 : i32
      %dma_wait3A_491 = tpu.memref_slice %arg5[%dma_wait3A_489, %dma_wait3A_490] : memref<64x128xi32, #tpu.memory_space<vmem>> -> memref<1x128xi32, #tpu.memory_space<vmem>>
      %dma_wait3A_492 = tpu.memref_squeeze %dma_wait3A_491 : memref<1x128xi32, #tpu.memory_space<vmem>> -> memref<128xi32, #tpu.memory_space<vmem>>
      %dma_wait3A_493 = arith.constant 0 : i32
      %dma_wait3A_494 = arith.constant 0 : i32
      %dma_wait3A_495 = tpu.memref_slice %arg2[%dma_wait3A_493, %dma_wait3A_494] : memref<20480x128xf32, #tpu.memory_space<hbm>> -> memref<20480x128xf32, #tpu.memory_space<hbm>>
      tpu.wait_indirect_dma semaphore(%arg9 : memref<!tpu.dma_semaphore, #tpu.memory_space<semaphore_mem>>) src(%dma_wait3A_495 : memref<20480x128xf32, #tpu.memory_space<hbm>>) dst(%arg6 : memref<128x128xf32, #tpu.memory_space<vmem>>)
      %run_scoped3A_496 = arith.constant 62 : i32
      "tpu.region"() ({
        %run_scoped3A_505 = tpu.sem_alloc : memref<!tpu.dma_semaphore, #tpu.memory_space<semaphore_mem>>
        %dma_start3A_506 = arith.constant 0 : i32
        %dma_start3A_507 = tpu.memref_slice %arg5[%run_scoped3A_496, %dma_start3A_506] : memref<64x128xi32, #tpu.memory_space<vmem>> -> memref<1x128xi32, #tpu.memory_space<vmem>>
        %dma_start3A_508 = tpu.memref_squeeze %dma_start3A_507 : memref<1x128xi32, #tpu.memory_space<vmem>> -> memref<128xi32, #tpu.memory_space<vmem>>
        %dma_start3A_509 = arith.constant 0 : i32
        %dma_start3A_510 = arith.constant 0 : i32
        %dma_start3A_511 = tpu.memref_slice %arg8[%dma_start3A_509, %dma_start3A_510] : memref<10240x128xf32, #tpu.memory_space<vmem_shared>> -> memref<10240x128xf32, #tpu.memory_space<vmem_shared>>
        tpu.enqueue_indirect_dma source(%arg6 : memref<128x128xf32, #tpu.memory_space<vmem>>) target(%dma_start3A_511 : memref<10240x128xf32, #tpu.memory_space<vmem_shared>>) offsets(%dma_start3A_508 : memref<128xi32, #tpu.memory_space<vmem>>) semaphore(%run_scoped3A_505 : memref<!tpu.dma_semaphore, #tpu.memory_space<semaphore_mem>>) {add = true}
        %dma_wait3A_512 = arith.constant 0 : i32
        %dma_wait3A_513 = tpu.memref_slice %arg5[%run_scoped3A_496, %dma_wait3A_512] : memref<64x128xi32, #tpu.memory_space<vmem>> -> memref<1x128xi32, #tpu.memory_space<vmem>>
        %dma_wait3A_514 = tpu.memref_squeeze %dma_wait3A_513 : memref<1x128xi32, #tpu.memory_space<vmem>> -> memref<128xi32, #tpu.memory_space<vmem>>
        %dma_wait3A_515 = arith.constant 0 : i32
        %dma_wait3A_516 = arith.constant 0 : i32
        %dma_wait3A_517 = tpu.memref_slice %arg8[%dma_wait3A_515, %dma_wait3A_516] : memref<10240x128xf32, #tpu.memory_space<vmem_shared>> -> memref<10240x128xf32, #tpu.memory_space<vmem_shared>>
        tpu.wait_indirect_dma semaphore(%run_scoped3A_505 : memref<!tpu.dma_semaphore, #tpu.memory_space<semaphore_mem>>) src(%arg6 : memref<128x128xf32, #tpu.memory_space<vmem>>) dst(%dma_wait3A_517 : memref<10240x128xf32, #tpu.memory_space<vmem_shared>>)
        tpu.yield
      }) : () -> ()
      %dma_wait3A_497 = arith.constant 55 : i32
      %dma_wait3A_498 = arith.constant 0 : i32
      %dma_wait3A_499 = tpu.memref_slice %arg5[%dma_wait3A_497, %dma_wait3A_498] : memref<64x128xi32, #tpu.memory_space<vmem>> -> memref<1x128xi32, #tpu.memory_space<vmem>>
      %dma_wait3A_500 = tpu.memref_squeeze %dma_wait3A_499 : memref<1x128xi32, #tpu.memory_space<vmem>> -> memref<128xi32, #tpu.memory_space<vmem>>
      %dma_wait3A_501 = arith.constant 0 : i32
      %dma_wait3A_502 = arith.constant 0 : i32
      %dma_wait3A_503 = tpu.memref_slice %arg2[%dma_wait3A_501, %dma_wait3A_502] : memref<20480x128xf32, #tpu.memory_space<hbm>> -> memref<20480x128xf32, #tpu.memory_space<hbm>>
      tpu.wait_indirect_dma semaphore(%arg10 : memref<!tpu.dma_semaphore, #tpu.memory_space<semaphore_mem>>) src(%dma_wait3A_503 : memref<20480x128xf32, #tpu.memory_space<hbm>>) dst(%arg7 : memref<128x128xf32, #tpu.memory_space<vmem>>)
      %run_scoped3A_504 = arith.constant 63 : i32
      "tpu.region"() ({
        %run_scoped3A_505 = tpu.sem_alloc : memref<!tpu.dma_semaphore, #tpu.memory_space<semaphore_mem>>
        %dma_start3A_506 = arith.constant 0 : i32
        %dma_start3A_507 = tpu.memref_slice %arg5[%run_scoped3A_504, %dma_start3A_506] : memref<64x128xi32, #tpu.memory_space<vmem>> -> memref<1x128xi32, #tpu.memory_space<vmem>>
        %dma_start3A_508 = tpu.memref_squeeze %dma_start3A_507 : memref<1x128xi32, #tpu.memory_space<vmem>> -> memref<128xi32, #tpu.memory_space<vmem>>
        %dma_start3A_509 = arith.constant 0 : i32
        %dma_start3A_510 = arith.constant 0 : i32
        %dma_start3A_511 = tpu.memref_slice %arg8[%dma_start3A_509, %dma_start3A_510] : memref<10240x128xf32, #tpu.memory_space<vmem_shared>> -> memref<10240x128xf32, #tpu.memory_space<vmem_shared>>
        tpu.enqueue_indirect_dma source(%arg7 : memref<128x128xf32, #tpu.memory_space<vmem>>) target(%dma_start3A_511 : memref<10240x128xf32, #tpu.memory_space<vmem_shared>>) offsets(%dma_start3A_508 : memref<128xi32, #tpu.memory_space<vmem>>) semaphore(%run_scoped3A_505 : memref<!tpu.dma_semaphore, #tpu.memory_space<semaphore_mem>>) {add = true}
        %dma_wait3A_512 = arith.constant 0 : i32
        %dma_wait3A_513 = tpu.memref_slice %arg5[%run_scoped3A_504, %dma_wait3A_512] : memref<64x128xi32, #tpu.memory_space<vmem>> -> memref<1x128xi32, #tpu.memory_space<vmem>>
        %dma_wait3A_514 = tpu.memref_squeeze %dma_wait3A_513 : memref<1x128xi32, #tpu.memory_space<vmem>> -> memref<128xi32, #tpu.memory_space<vmem>>
        %dma_wait3A_515 = arith.constant 0 : i32
        %dma_wait3A_516 = arith.constant 0 : i32
        %dma_wait3A_517 = tpu.memref_slice %arg8[%dma_wait3A_515, %dma_wait3A_516] : memref<10240x128xf32, #tpu.memory_space<vmem_shared>> -> memref<10240x128xf32, #tpu.memory_space<vmem_shared>>
        tpu.wait_indirect_dma semaphore(%run_scoped3A_505 : memref<!tpu.dma_semaphore, #tpu.memory_space<semaphore_mem>>) src(%arg7 : memref<128x128xf32, #tpu.memory_space<vmem>>) dst(%dma_wait3A_517 : memref<10240x128xf32, #tpu.memory_space<vmem_shared>>)
        tpu.yield
      }) : () -> ()
    }
    %scan3A_9 = arith.constant 5 : i32
    %barrier3A_10 = arith.constant 0 : index
    tpu.barrier barrier_id(%barrier3A_10)
    %mul3A_11 = arith.constant 640 : i32
    %mul3A_12 = arith.muli %arg1, %mul3A_11 : i32
    %mul3A_13 = arith.constant 10240 : i32
    %mul3A_14 = arith.muli %arg0, %mul3A_13 : i32
    %mul3A_15 = arith.constant 640 : i32
    %mul3A_16 = arith.muli %arg1, %mul3A_15 : i32
    %add3A_17 = arith.addi %mul3A_14, %mul3A_16 : i32
    "tpu.region"() ({
      %run_scoped3A = tpu.sem_alloc : memref<!tpu.dma_semaphore, #tpu.memory_space<semaphore_mem>>
      %dma_start3A = arith.constant 0 : i32
      %dma_start3A_18 = tpu.memref_slice %arg4[%add3A_17, %dma_start3A] : memref<20480x128xf32, #tpu.memory_space<hbm>> -> memref<640x128xf32, #tpu.memory_space<hbm>>
      %dma_start3A_19 = arith.constant 0 : i32
      %dma_start3A_20 = tpu.memref_slice %arg8[%mul3A_12, %dma_start3A_19] : memref<10240x128xf32, #tpu.memory_space<vmem_shared>> -> memref<640x128xf32, #tpu.memory_space<vmem_shared>>
      tpu.enqueue_dma source(%dma_start3A_20 : memref<640x128xf32, #tpu.memory_space<vmem_shared>>) target(%dma_start3A_18 : memref<640x128xf32, #tpu.memory_space<hbm>>) target_semaphore(%run_scoped3A : memref<!tpu.dma_semaphore, #tpu.memory_space<semaphore_mem>>)
      %dma_wait3A = arith.constant 0 : i32
      %dma_wait3A_21 = tpu.memref_slice %arg4[%add3A_17, %dma_wait3A] : memref<20480x128xf32, #tpu.memory_space<hbm>> -> memref<640x128xf32, #tpu.memory_space<hbm>>
      %dma_wait3A_22 = arith.constant 0 : i32
      %dma_wait3A_23 = tpu.memref_slice %arg8[%mul3A_12, %dma_wait3A_22] : memref<10240x128xf32, #tpu.memory_space<vmem_shared>> -> memref<640x128xf32, #tpu.memory_space<vmem_shared>>
      tpu.wait_dma2 semaphore(%run_scoped3A : memref<!tpu.dma_semaphore, #tpu.memory_space<semaphore_mem>>) src(%dma_wait3A_23 : memref<640x128xf32, #tpu.memory_space<vmem_shared>>) dst(%dma_wait3A_21 : memref<640x128xf32, #tpu.memory_space<hbm>>)
      tpu.yield
    }) : () -> ()
    return
  }
}

#map = affine_map<(d0, d1) -> (0, 0)>
#map1 = affine_map<(d0, d1) -> (0, 0, 0)>
module attributes {stable_mosaic.version = 14 : i64} {
  func.func @prop_kernel(%arg0: i32, %arg1: i32, %arg2: memref<10240x128xf32, #tpu.memory_space<hbm>>, %arg3: memref<2x5120x128xi32, #tpu.memory_space<hbm>>, %arg4: memref<20480x128xf32, #tpu.memory_space<hbm>>, %arg5: memref<32x128xi32, #tpu.memory_space<vmem>>, %arg6: memref<128x128xf32, #tpu.memory_space<vmem>>, %arg7: memref<128x128xf32, #tpu.memory_space<vmem>>, %arg8: memref<10240x128xf32, #tpu.memory_space<vmem_shared>>, %arg9: memref<!tpu.dma_semaphore, #tpu.memory_space<semaphore_mem>>, %arg10: memref<!tpu.dma_semaphore, #tpu.memory_space<semaphore_mem>>) attributes {dimension_semantics = [#tpu.dimension_semantics<core_parallel>, #tpu.dimension_semantics<subcore_parallel>], iteration_bounds = array<i64: 2, 16>, scalar_prefetch = 0 : i64, scratch_operands = 6 : i64, tpu.core_type = #tpu.core_type<sc_vector_subcore>, window_params = [{transform_indices = #map}, {transform_indices = #map1}, {transform_indices = #map}]} {
    %mul3A = arith.constant 640 : i32
    %mul3A_0 = arith.muli %arg1, %mul3A : i32
    %add3A = arith.constant 0 : i32
    %add3A_1 = arith.addi %add3A, %mul3A_0 : i32
    %mul3A_2 = arith.constant 640 : i32
    %mul3A_3 = arith.muli %arg1, %mul3A_2 : i32
    "tpu.region"() ({
      %run_scoped3A = tpu.sem_alloc : memref<!tpu.dma_semaphore, #tpu.memory_space<semaphore_mem>>
      %dma_start3A = arith.constant 0 : i32
      %dma_start3A_19 = tpu.memref_slice %arg8[%mul3A_3, %dma_start3A] : memref<10240x128xf32, #tpu.memory_space<vmem_shared>> -> memref<640x128xf32, #tpu.memory_space<vmem_shared>>
      %dma_start3A_20 = arith.constant 0 : i32
      %dma_start3A_21 = tpu.memref_slice %arg2[%add3A_1, %dma_start3A_20] : memref<10240x128xf32, #tpu.memory_space<hbm>> -> memref<640x128xf32, #tpu.memory_space<hbm>>
      tpu.enqueue_dma source(%dma_start3A_21 : memref<640x128xf32, #tpu.memory_space<hbm>>) target(%dma_start3A_19 : memref<640x128xf32, #tpu.memory_space<vmem_shared>>) target_semaphore(%run_scoped3A : memref<!tpu.dma_semaphore, #tpu.memory_space<semaphore_mem>>)
      %dma_wait3A = arith.constant 0 : i32
      %dma_wait3A_22 = tpu.memref_slice %arg8[%mul3A_3, %dma_wait3A] : memref<10240x128xf32, #tpu.memory_space<vmem_shared>> -> memref<640x128xf32, #tpu.memory_space<vmem_shared>>
      %dma_wait3A_23 = arith.constant 0 : i32
      %dma_wait3A_24 = tpu.memref_slice %arg2[%add3A_1, %dma_wait3A_23] : memref<10240x128xf32, #tpu.memory_space<hbm>> -> memref<640x128xf32, #tpu.memory_space<hbm>>
      tpu.wait_dma2 semaphore(%run_scoped3A : memref<!tpu.dma_semaphore, #tpu.memory_space<semaphore_mem>>) src(%dma_wait3A_24 : memref<640x128xf32, #tpu.memory_space<hbm>>) dst(%dma_wait3A_22 : memref<640x128xf32, #tpu.memory_space<vmem_shared>>)
      tpu.yield
    }) : () -> ()
    %mul3A_4 = arith.constant 160 : i32
    %mul3A_5 = arith.muli %arg0, %mul3A_4 : i32
    %barrier3A = arith.constant 0 : index
    tpu.barrier barrier_id(%barrier3A)
    %scan3A = arith.constant 0 : i32
    %scan3A_6 = arith.constant 0 : i32
    %scan3A_7 = arith.constant 5 : i32
    %scan3A_8 = arith.addi %scan3A_6, %scan3A_7 : i32
    %scan3A_9 = arith.constant 1 : i32
    scf.for %scan3A_19 = %scan3A_6 to %scan3A_8 step %scan3A_9  : i32 {
      %mul3A_20 = arith.constant 16 : i32
      %mul3A_21 = arith.muli %scan3A_19, %mul3A_20 : i32
      %add3A_22 = arith.addi %mul3A_21, %arg1 : i32
      %mul3A_23 = arith.constant 2 : i32
      %mul3A_24 = arith.muli %add3A_22, %mul3A_23 : i32
      %add3A_25 = arith.addi %mul3A_5, %mul3A_24 : i32
      %mul3A_26 = arith.constant 16 : i32
      %mul3A_27 = arith.muli %add3A_25, %mul3A_26 : i32
      "tpu.region"() ({
        %run_scoped3A_265 = tpu.sem_alloc : memref<!tpu.dma_semaphore, #tpu.memory_space<semaphore_mem>>
        %dma_start3A_266 = arith.constant 0 : i32
        %dma_start3A_267 = tpu.memref_slice %arg3[%arg0, %mul3A_27, %dma_start3A_266] : memref<2x5120x128xi32, #tpu.memory_space<hbm>> -> memref<1x32x128xi32, #tpu.memory_space<hbm>>
        %dma_start3A_268 = tpu.memref_squeeze %dma_start3A_267 : memref<1x32x128xi32, #tpu.memory_space<hbm>> -> memref<32x128xi32, #tpu.memory_space<hbm>>
        %dma_start3A_269 = arith.constant 0 : i32
        %dma_start3A_270 = tpu.memref_slice %arg3[%arg0, %mul3A_27, %dma_start3A_269] : memref<2x5120x128xi32, #tpu.memory_space<hbm>> -> memref<1x32x128xi32, #tpu.memory_space<hbm>>
        %dma_start3A_271 = tpu.memref_squeeze %dma_start3A_270 : memref<1x32x128xi32, #tpu.memory_space<hbm>> -> memref<32x128xi32, #tpu.memory_space<hbm>>
        tpu.enqueue_dma source(%dma_start3A_271 : memref<32x128xi32, #tpu.memory_space<hbm>>) target(%arg5 : memref<32x128xi32, #tpu.memory_space<vmem>>) target_semaphore(%run_scoped3A_265 : memref<!tpu.dma_semaphore, #tpu.memory_space<semaphore_mem>>)
        %dma_wait3A_272 = arith.constant 0 : i32
        %dma_wait3A_273 = tpu.memref_slice %arg3[%arg0, %mul3A_27, %dma_wait3A_272] : memref<2x5120x128xi32, #tpu.memory_space<hbm>> -> memref<1x32x128xi32, #tpu.memory_space<hbm>>
        %dma_wait3A_274 = tpu.memref_squeeze %dma_wait3A_273 : memref<1x32x128xi32, #tpu.memory_space<hbm>> -> memref<32x128xi32, #tpu.memory_space<hbm>>
        %dma_wait3A_275 = arith.constant 0 : i32
        %dma_wait3A_276 = tpu.memref_slice %arg3[%arg0, %mul3A_27, %dma_wait3A_275] : memref<2x5120x128xi32, #tpu.memory_space<hbm>> -> memref<1x32x128xi32, #tpu.memory_space<hbm>>
        %dma_wait3A_277 = tpu.memref_squeeze %dma_wait3A_276 : memref<1x32x128xi32, #tpu.memory_space<hbm>> -> memref<32x128xi32, #tpu.memory_space<hbm>>
        tpu.wait_dma2 semaphore(%run_scoped3A_265 : memref<!tpu.dma_semaphore, #tpu.memory_space<semaphore_mem>>) src(%dma_wait3A_277 : memref<32x128xi32, #tpu.memory_space<hbm>>) dst(%arg5 : memref<32x128xi32, #tpu.memory_space<vmem>>)
        tpu.yield
      }) : () -> ()
      %dma_start3A = arith.constant 0 : i32
      %dma_start3A_28 = arith.constant 0 : i32
      %dma_start3A_29 = tpu.memref_slice %arg5[%dma_start3A, %dma_start3A_28] : memref<32x128xi32, #tpu.memory_space<vmem>> -> memref<1x128xi32, #tpu.memory_space<vmem>>
      %dma_start3A_30 = tpu.memref_squeeze %dma_start3A_29 : memref<1x128xi32, #tpu.memory_space<vmem>> -> memref<128xi32, #tpu.memory_space<vmem>>
      %dma_start3A_31 = arith.constant 0 : i32
      %dma_start3A_32 = arith.constant 0 : i32
      %dma_start3A_33 = tpu.memref_slice %arg2[%dma_start3A_31, %dma_start3A_32] : memref<10240x128xf32, #tpu.memory_space<hbm>> -> memref<10240x128xf32, #tpu.memory_space<hbm>>
      tpu.enqueue_indirect_dma source(%dma_start3A_33 : memref<10240x128xf32, #tpu.memory_space<hbm>>) target(%arg6 : memref<128x128xf32, #tpu.memory_space<vmem>>) offsets(%dma_start3A_30 : memref<128xi32, #tpu.memory_space<vmem>>) semaphore(%arg9 : memref<!tpu.dma_semaphore, #tpu.memory_space<semaphore_mem>>)
      %dma_start3A_34 = arith.constant 1 : i32
      %dma_start3A_35 = arith.constant 0 : i32
      %dma_start3A_36 = tpu.memref_slice %arg5[%dma_start3A_34, %dma_start3A_35] : memref<32x128xi32, #tpu.memory_space<vmem>> -> memref<1x128xi32, #tpu.memory_space<vmem>>
      %dma_start3A_37 = tpu.memref_squeeze %dma_start3A_36 : memref<1x128xi32, #tpu.memory_space<vmem>> -> memref<128xi32, #tpu.memory_space<vmem>>
      %dma_start3A_38 = arith.constant 0 : i32
      %dma_start3A_39 = arith.constant 0 : i32
      %dma_start3A_40 = tpu.memref_slice %arg2[%dma_start3A_38, %dma_start3A_39] : memref<10240x128xf32, #tpu.memory_space<hbm>> -> memref<10240x128xf32, #tpu.memory_space<hbm>>
      tpu.enqueue_indirect_dma source(%dma_start3A_40 : memref<10240x128xf32, #tpu.memory_space<hbm>>) target(%arg7 : memref<128x128xf32, #tpu.memory_space<vmem>>) offsets(%dma_start3A_37 : memref<128xi32, #tpu.memory_space<vmem>>) semaphore(%arg10 : memref<!tpu.dma_semaphore, #tpu.memory_space<semaphore_mem>>)
      %dma_wait3A = arith.constant 0 : i32
      %dma_wait3A_41 = arith.constant 0 : i32
      %dma_wait3A_42 = tpu.memref_slice %arg5[%dma_wait3A, %dma_wait3A_41] : memref<32x128xi32, #tpu.memory_space<vmem>> -> memref<1x128xi32, #tpu.memory_space<vmem>>
      %dma_wait3A_43 = tpu.memref_squeeze %dma_wait3A_42 : memref<1x128xi32, #tpu.memory_space<vmem>> -> memref<128xi32, #tpu.memory_space<vmem>>
      %dma_wait3A_44 = arith.constant 0 : i32
      %dma_wait3A_45 = arith.constant 0 : i32
      %dma_wait3A_46 = tpu.memref_slice %arg2[%dma_wait3A_44, %dma_wait3A_45] : memref<10240x128xf32, #tpu.memory_space<hbm>> -> memref<10240x128xf32, #tpu.memory_space<hbm>>
      tpu.wait_indirect_dma semaphore(%arg9 : memref<!tpu.dma_semaphore, #tpu.memory_space<semaphore_mem>>) src(%dma_wait3A_46 : memref<10240x128xf32, #tpu.memory_space<hbm>>) dst(%arg6 : memref<128x128xf32, #tpu.memory_space<vmem>>)
      %run_scoped3A = arith.constant 8 : i32
      "tpu.region"() ({
        %run_scoped3A_265 = tpu.sem_alloc : memref<!tpu.dma_semaphore, #tpu.memory_space<semaphore_mem>>
        %dma_start3A_266 = arith.constant 0 : i32
        %dma_start3A_267 = tpu.memref_slice %arg5[%run_scoped3A, %dma_start3A_266] : memref<32x128xi32, #tpu.memory_space<vmem>> -> memref<1x128xi32, #tpu.memory_space<vmem>>
        %dma_start3A_268 = tpu.memref_squeeze %dma_start3A_267 : memref<1x128xi32, #tpu.memory_space<vmem>> -> memref<128xi32, #tpu.memory_space<vmem>>
        %dma_start3A_269 = arith.constant 0 : i32
        %dma_start3A_270 = arith.constant 0 : i32
        %dma_start3A_271 = tpu.memref_slice %arg8[%dma_start3A_269, %dma_start3A_270] : memref<10240x128xf32, #tpu.memory_space<vmem_shared>> -> memref<10240x128xf32, #tpu.memory_space<vmem_shared>>
        tpu.enqueue_indirect_dma source(%arg6 : memref<128x128xf32, #tpu.memory_space<vmem>>) target(%dma_start3A_271 : memref<10240x128xf32, #tpu.memory_space<vmem_shared>>) offsets(%dma_start3A_268 : memref<128xi32, #tpu.memory_space<vmem>>) semaphore(%run_scoped3A_265 : memref<!tpu.dma_semaphore, #tpu.memory_space<semaphore_mem>>) {add = true}
        %dma_wait3A_272 = arith.constant 0 : i32
        %dma_wait3A_273 = tpu.memref_slice %arg5[%run_scoped3A, %dma_wait3A_272] : memref<32x128xi32, #tpu.memory_space<vmem>> -> memref<1x128xi32, #tpu.memory_space<vmem>>
        %dma_wait3A_274 = tpu.memref_squeeze %dma_wait3A_273 : memref<1x128xi32, #tpu.memory_space<vmem>> -> memref<128xi32, #tpu.memory_space<vmem>>
        %dma_wait3A_275 = arith.constant 0 : i32
        %dma_wait3A_276 = arith.constant 0 : i32
        %dma_wait3A_277 = tpu.memref_slice %arg8[%dma_wait3A_275, %dma_wait3A_276] : memref<10240x128xf32, #tpu.memory_space<vmem_shared>> -> memref<10240x128xf32, #tpu.memory_space<vmem_shared>>
        tpu.wait_indirect_dma semaphore(%run_scoped3A_265 : memref<!tpu.dma_semaphore, #tpu.memory_space<semaphore_mem>>) src(%arg6 : memref<128x128xf32, #tpu.memory_space<vmem>>) dst(%dma_wait3A_277 : memref<10240x128xf32, #tpu.memory_space<vmem_shared>>)
        tpu.yield
      }) : () -> ()
      %dma_start3A_47 = arith.constant 2 : i32
      %dma_start3A_48 = arith.constant 0 : i32
      %dma_start3A_49 = tpu.memref_slice %arg5[%dma_start3A_47, %dma_start3A_48] : memref<32x128xi32, #tpu.memory_space<vmem>> -> memref<1x128xi32, #tpu.memory_space<vmem>>
      %dma_start3A_50 = tpu.memref_squeeze %dma_start3A_49 : memref<1x128xi32, #tpu.memory_space<vmem>> -> memref<128xi32, #tpu.memory_space<vmem>>
      %dma_start3A_51 = arith.constant 0 : i32
      %dma_start3A_52 = arith.constant 0 : i32
      %dma_start3A_53 = tpu.memref_slice %arg2[%dma_start3A_51, %dma_start3A_52] : memref<10240x128xf32, #tpu.memory_space<hbm>> -> memref<10240x128xf32, #tpu.memory_space<hbm>>
      tpu.enqueue_indirect_dma source(%dma_start3A_53 : memref<10240x128xf32, #tpu.memory_space<hbm>>) target(%arg6 : memref<128x128xf32, #tpu.memory_space<vmem>>) offsets(%dma_start3A_50 : memref<128xi32, #tpu.memory_space<vmem>>) semaphore(%arg9 : memref<!tpu.dma_semaphore, #tpu.memory_space<semaphore_mem>>)
      %dma_wait3A_54 = arith.constant 1 : i32
      %dma_wait3A_55 = arith.constant 0 : i32
      %dma_wait3A_56 = tpu.memref_slice %arg5[%dma_wait3A_54, %dma_wait3A_55] : memref<32x128xi32, #tpu.memory_space<vmem>> -> memref<1x128xi32, #tpu.memory_space<vmem>>
      %dma_wait3A_57 = tpu.memref_squeeze %dma_wait3A_56 : memref<1x128xi32, #tpu.memory_space<vmem>> -> memref<128xi32, #tpu.memory_space<vmem>>
      %dma_wait3A_58 = arith.constant 0 : i32
      %dma_wait3A_59 = arith.constant 0 : i32
      %dma_wait3A_60 = tpu.memref_slice %arg2[%dma_wait3A_58, %dma_wait3A_59] : memref<10240x128xf32, #tpu.memory_space<hbm>> -> memref<10240x128xf32, #tpu.memory_space<hbm>>
      tpu.wait_indirect_dma semaphore(%arg10 : memref<!tpu.dma_semaphore, #tpu.memory_space<semaphore_mem>>) src(%dma_wait3A_60 : memref<10240x128xf32, #tpu.memory_space<hbm>>) dst(%arg7 : memref<128x128xf32, #tpu.memory_space<vmem>>)
      %run_scoped3A_61 = arith.constant 9 : i32
      "tpu.region"() ({
        %run_scoped3A_265 = tpu.sem_alloc : memref<!tpu.dma_semaphore, #tpu.memory_space<semaphore_mem>>
        %dma_start3A_266 = arith.constant 0 : i32
        %dma_start3A_267 = tpu.memref_slice %arg5[%run_scoped3A_61, %dma_start3A_266] : memref<32x128xi32, #tpu.memory_space<vmem>> -> memref<1x128xi32, #tpu.memory_space<vmem>>
        %dma_start3A_268 = tpu.memref_squeeze %dma_start3A_267 : memref<1x128xi32, #tpu.memory_space<vmem>> -> memref<128xi32, #tpu.memory_space<vmem>>
        %dma_start3A_269 = arith.constant 0 : i32
        %dma_start3A_270 = arith.constant 0 : i32
        %dma_start3A_271 = tpu.memref_slice %arg8[%dma_start3A_269, %dma_start3A_270] : memref<10240x128xf32, #tpu.memory_space<vmem_shared>> -> memref<10240x128xf32, #tpu.memory_space<vmem_shared>>
        tpu.enqueue_indirect_dma source(%arg7 : memref<128x128xf32, #tpu.memory_space<vmem>>) target(%dma_start3A_271 : memref<10240x128xf32, #tpu.memory_space<vmem_shared>>) offsets(%dma_start3A_268 : memref<128xi32, #tpu.memory_space<vmem>>) semaphore(%run_scoped3A_265 : memref<!tpu.dma_semaphore, #tpu.memory_space<semaphore_mem>>) {add = true}
        %dma_wait3A_272 = arith.constant 0 : i32
        %dma_wait3A_273 = tpu.memref_slice %arg5[%run_scoped3A_61, %dma_wait3A_272] : memref<32x128xi32, #tpu.memory_space<vmem>> -> memref<1x128xi32, #tpu.memory_space<vmem>>
        %dma_wait3A_274 = tpu.memref_squeeze %dma_wait3A_273 : memref<1x128xi32, #tpu.memory_space<vmem>> -> memref<128xi32, #tpu.memory_space<vmem>>
        %dma_wait3A_275 = arith.constant 0 : i32
        %dma_wait3A_276 = arith.constant 0 : i32
        %dma_wait3A_277 = tpu.memref_slice %arg8[%dma_wait3A_275, %dma_wait3A_276] : memref<10240x128xf32, #tpu.memory_space<vmem_shared>> -> memref<10240x128xf32, #tpu.memory_space<vmem_shared>>
        tpu.wait_indirect_dma semaphore(%run_scoped3A_265 : memref<!tpu.dma_semaphore, #tpu.memory_space<semaphore_mem>>) src(%arg7 : memref<128x128xf32, #tpu.memory_space<vmem>>) dst(%dma_wait3A_277 : memref<10240x128xf32, #tpu.memory_space<vmem_shared>>)
        tpu.yield
      }) : () -> ()
      %dma_start3A_62 = arith.constant 3 : i32
      %dma_start3A_63 = arith.constant 0 : i32
      %dma_start3A_64 = tpu.memref_slice %arg5[%dma_start3A_62, %dma_start3A_63] : memref<32x128xi32, #tpu.memory_space<vmem>> -> memref<1x128xi32, #tpu.memory_space<vmem>>
      %dma_start3A_65 = tpu.memref_squeeze %dma_start3A_64 : memref<1x128xi32, #tpu.memory_space<vmem>> -> memref<128xi32, #tpu.memory_space<vmem>>
      %dma_start3A_66 = arith.constant 0 : i32
      %dma_start3A_67 = arith.constant 0 : i32
      %dma_start3A_68 = tpu.memref_slice %arg2[%dma_start3A_66, %dma_start3A_67] : memref<10240x128xf32, #tpu.memory_space<hbm>> -> memref<10240x128xf32, #tpu.memory_space<hbm>>
      tpu.enqueue_indirect_dma source(%dma_start3A_68 : memref<10240x128xf32, #tpu.memory_space<hbm>>) target(%arg7 : memref<128x128xf32, #tpu.memory_space<vmem>>) offsets(%dma_start3A_65 : memref<128xi32, #tpu.memory_space<vmem>>) semaphore(%arg10 : memref<!tpu.dma_semaphore, #tpu.memory_space<semaphore_mem>>)
      %dma_wait3A_69 = arith.constant 2 : i32
      %dma_wait3A_70 = arith.constant 0 : i32
      %dma_wait3A_71 = tpu.memref_slice %arg5[%dma_wait3A_69, %dma_wait3A_70] : memref<32x128xi32, #tpu.memory_space<vmem>> -> memref<1x128xi32, #tpu.memory_space<vmem>>
      %dma_wait3A_72 = tpu.memref_squeeze %dma_wait3A_71 : memref<1x128xi32, #tpu.memory_space<vmem>> -> memref<128xi32, #tpu.memory_space<vmem>>
      %dma_wait3A_73 = arith.constant 0 : i32
      %dma_wait3A_74 = arith.constant 0 : i32
      %dma_wait3A_75 = tpu.memref_slice %arg2[%dma_wait3A_73, %dma_wait3A_74] : memref<10240x128xf32, #tpu.memory_space<hbm>> -> memref<10240x128xf32, #tpu.memory_space<hbm>>
      tpu.wait_indirect_dma semaphore(%arg9 : memref<!tpu.dma_semaphore, #tpu.memory_space<semaphore_mem>>) src(%dma_wait3A_75 : memref<10240x128xf32, #tpu.memory_space<hbm>>) dst(%arg6 : memref<128x128xf32, #tpu.memory_space<vmem>>)
      %run_scoped3A_76 = arith.constant 10 : i32
      "tpu.region"() ({
        %run_scoped3A_265 = tpu.sem_alloc : memref<!tpu.dma_semaphore, #tpu.memory_space<semaphore_mem>>
        %dma_start3A_266 = arith.constant 0 : i32
        %dma_start3A_267 = tpu.memref_slice %arg5[%run_scoped3A_76, %dma_start3A_266] : memref<32x128xi32, #tpu.memory_space<vmem>> -> memref<1x128xi32, #tpu.memory_space<vmem>>
        %dma_start3A_268 = tpu.memref_squeeze %dma_start3A_267 : memref<1x128xi32, #tpu.memory_space<vmem>> -> memref<128xi32, #tpu.memory_space<vmem>>
        %dma_start3A_269 = arith.constant 0 : i32
        %dma_start3A_270 = arith.constant 0 : i32
        %dma_start3A_271 = tpu.memref_slice %arg8[%dma_start3A_269, %dma_start3A_270] : memref<10240x128xf32, #tpu.memory_space<vmem_shared>> -> memref<10240x128xf32, #tpu.memory_space<vmem_shared>>
        tpu.enqueue_indirect_dma source(%arg6 : memref<128x128xf32, #tpu.memory_space<vmem>>) target(%dma_start3A_271 : memref<10240x128xf32, #tpu.memory_space<vmem_shared>>) offsets(%dma_start3A_268 : memref<128xi32, #tpu.memory_space<vmem>>) semaphore(%run_scoped3A_265 : memref<!tpu.dma_semaphore, #tpu.memory_space<semaphore_mem>>) {add = true}
        %dma_wait3A_272 = arith.constant 0 : i32
        %dma_wait3A_273 = tpu.memref_slice %arg5[%run_scoped3A_76, %dma_wait3A_272] : memref<32x128xi32, #tpu.memory_space<vmem>> -> memref<1x128xi32, #tpu.memory_space<vmem>>
        %dma_wait3A_274 = tpu.memref_squeeze %dma_wait3A_273 : memref<1x128xi32, #tpu.memory_space<vmem>> -> memref<128xi32, #tpu.memory_space<vmem>>
        %dma_wait3A_275 = arith.constant 0 : i32
        %dma_wait3A_276 = arith.constant 0 : i32
        %dma_wait3A_277 = tpu.memref_slice %arg8[%dma_wait3A_275, %dma_wait3A_276] : memref<10240x128xf32, #tpu.memory_space<vmem_shared>> -> memref<10240x128xf32, #tpu.memory_space<vmem_shared>>
        tpu.wait_indirect_dma semaphore(%run_scoped3A_265 : memref<!tpu.dma_semaphore, #tpu.memory_space<semaphore_mem>>) src(%arg6 : memref<128x128xf32, #tpu.memory_space<vmem>>) dst(%dma_wait3A_277 : memref<10240x128xf32, #tpu.memory_space<vmem_shared>>)
        tpu.yield
      }) : () -> ()
      %dma_start3A_77 = arith.constant 4 : i32
      %dma_start3A_78 = arith.constant 0 : i32
      %dma_start3A_79 = tpu.memref_slice %arg5[%dma_start3A_77, %dma_start3A_78] : memref<32x128xi32, #tpu.memory_space<vmem>> -> memref<1x128xi32, #tpu.memory_space<vmem>>
      %dma_start3A_80 = tpu.memref_squeeze %dma_start3A_79 : memref<1x128xi32, #tpu.memory_space<vmem>> -> memref<128xi32, #tpu.memory_space<vmem>>
      %dma_start3A_81 = arith.constant 0 : i32
      %dma_start3A_82 = arith.constant 0 : i32
      %dma_start3A_83 = tpu.memref_slice %arg2[%dma_start3A_81, %dma_start3A_82] : memref<10240x128xf32, #tpu.memory_space<hbm>> -> memref<10240x128xf32, #tpu.memory_space<hbm>>
      tpu.enqueue_indirect_dma source(%dma_start3A_83 : memref<10240x128xf32, #tpu.memory_space<hbm>>) target(%arg6 : memref<128x128xf32, #tpu.memory_space<vmem>>) offsets(%dma_start3A_80 : memref<128xi32, #tpu.memory_space<vmem>>) semaphore(%arg9 : memref<!tpu.dma_semaphore, #tpu.memory_space<semaphore_mem>>)
      %dma_wait3A_84 = arith.constant 3 : i32
      %dma_wait3A_85 = arith.constant 0 : i32
      %dma_wait3A_86 = tpu.memref_slice %arg5[%dma_wait3A_84, %dma_wait3A_85] : memref<32x128xi32, #tpu.memory_space<vmem>> -> memref<1x128xi32, #tpu.memory_space<vmem>>
      %dma_wait3A_87 = tpu.memref_squeeze %dma_wait3A_86 : memref<1x128xi32, #tpu.memory_space<vmem>> -> memref<128xi32, #tpu.memory_space<vmem>>
      %dma_wait3A_88 = arith.constant 0 : i32
      %dma_wait3A_89 = arith.constant 0 : i32
      %dma_wait3A_90 = tpu.memref_slice %arg2[%dma_wait3A_88, %dma_wait3A_89] : memref<10240x128xf32, #tpu.memory_space<hbm>> -> memref<10240x128xf32, #tpu.memory_space<hbm>>
      tpu.wait_indirect_dma semaphore(%arg10 : memref<!tpu.dma_semaphore, #tpu.memory_space<semaphore_mem>>) src(%dma_wait3A_90 : memref<10240x128xf32, #tpu.memory_space<hbm>>) dst(%arg7 : memref<128x128xf32, #tpu.memory_space<vmem>>)
      %run_scoped3A_91 = arith.constant 11 : i32
      "tpu.region"() ({
        %run_scoped3A_265 = tpu.sem_alloc : memref<!tpu.dma_semaphore, #tpu.memory_space<semaphore_mem>>
        %dma_start3A_266 = arith.constant 0 : i32
        %dma_start3A_267 = tpu.memref_slice %arg5[%run_scoped3A_91, %dma_start3A_266] : memref<32x128xi32, #tpu.memory_space<vmem>> -> memref<1x128xi32, #tpu.memory_space<vmem>>
        %dma_start3A_268 = tpu.memref_squeeze %dma_start3A_267 : memref<1x128xi32, #tpu.memory_space<vmem>> -> memref<128xi32, #tpu.memory_space<vmem>>
        %dma_start3A_269 = arith.constant 0 : i32
        %dma_start3A_270 = arith.constant 0 : i32
        %dma_start3A_271 = tpu.memref_slice %arg8[%dma_start3A_269, %dma_start3A_270] : memref<10240x128xf32, #tpu.memory_space<vmem_shared>> -> memref<10240x128xf32, #tpu.memory_space<vmem_shared>>
        tpu.enqueue_indirect_dma source(%arg7 : memref<128x128xf32, #tpu.memory_space<vmem>>) target(%dma_start3A_271 : memref<10240x128xf32, #tpu.memory_space<vmem_shared>>) offsets(%dma_start3A_268 : memref<128xi32, #tpu.memory_space<vmem>>) semaphore(%run_scoped3A_265 : memref<!tpu.dma_semaphore, #tpu.memory_space<semaphore_mem>>) {add = true}
        %dma_wait3A_272 = arith.constant 0 : i32
        %dma_wait3A_273 = tpu.memref_slice %arg5[%run_scoped3A_91, %dma_wait3A_272] : memref<32x128xi32, #tpu.memory_space<vmem>> -> memref<1x128xi32, #tpu.memory_space<vmem>>
        %dma_wait3A_274 = tpu.memref_squeeze %dma_wait3A_273 : memref<1x128xi32, #tpu.memory_space<vmem>> -> memref<128xi32, #tpu.memory_space<vmem>>
        %dma_wait3A_275 = arith.constant 0 : i32
        %dma_wait3A_276 = arith.constant 0 : i32
        %dma_wait3A_277 = tpu.memref_slice %arg8[%dma_wait3A_275, %dma_wait3A_276] : memref<10240x128xf32, #tpu.memory_space<vmem_shared>> -> memref<10240x128xf32, #tpu.memory_space<vmem_shared>>
        tpu.wait_indirect_dma semaphore(%run_scoped3A_265 : memref<!tpu.dma_semaphore, #tpu.memory_space<semaphore_mem>>) src(%arg7 : memref<128x128xf32, #tpu.memory_space<vmem>>) dst(%dma_wait3A_277 : memref<10240x128xf32, #tpu.memory_space<vmem_shared>>)
        tpu.yield
      }) : () -> ()
      %dma_start3A_92 = arith.constant 5 : i32
      %dma_start3A_93 = arith.constant 0 : i32
      %dma_start3A_94 = tpu.memref_slice %arg5[%dma_start3A_92, %dma_start3A_93] : memref<32x128xi32, #tpu.memory_space<vmem>> -> memref<1x128xi32, #tpu.memory_space<vmem>>
      %dma_start3A_95 = tpu.memref_squeeze %dma_start3A_94 : memref<1x128xi32, #tpu.memory_space<vmem>> -> memref<128xi32, #tpu.memory_space<vmem>>
      %dma_start3A_96 = arith.constant 0 : i32
      %dma_start3A_97 = arith.constant 0 : i32
      %dma_start3A_98 = tpu.memref_slice %arg2[%dma_start3A_96, %dma_start3A_97] : memref<10240x128xf32, #tpu.memory_space<hbm>> -> memref<10240x128xf32, #tpu.memory_space<hbm>>
      tpu.enqueue_indirect_dma source(%dma_start3A_98 : memref<10240x128xf32, #tpu.memory_space<hbm>>) target(%arg7 : memref<128x128xf32, #tpu.memory_space<vmem>>) offsets(%dma_start3A_95 : memref<128xi32, #tpu.memory_space<vmem>>) semaphore(%arg10 : memref<!tpu.dma_semaphore, #tpu.memory_space<semaphore_mem>>)
      %dma_wait3A_99 = arith.constant 4 : i32
      %dma_wait3A_100 = arith.constant 0 : i32
      %dma_wait3A_101 = tpu.memref_slice %arg5[%dma_wait3A_99, %dma_wait3A_100] : memref<32x128xi32, #tpu.memory_space<vmem>> -> memref<1x128xi32, #tpu.memory_space<vmem>>
      %dma_wait3A_102 = tpu.memref_squeeze %dma_wait3A_101 : memref<1x128xi32, #tpu.memory_space<vmem>> -> memref<128xi32, #tpu.memory_space<vmem>>
      %dma_wait3A_103 = arith.constant 0 : i32
      %dma_wait3A_104 = arith.constant 0 : i32
      %dma_wait3A_105 = tpu.memref_slice %arg2[%dma_wait3A_103, %dma_wait3A_104] : memref<10240x128xf32, #tpu.memory_space<hbm>> -> memref<10240x128xf32, #tpu.memory_space<hbm>>
      tpu.wait_indirect_dma semaphore(%arg9 : memref<!tpu.dma_semaphore, #tpu.memory_space<semaphore_mem>>) src(%dma_wait3A_105 : memref<10240x128xf32, #tpu.memory_space<hbm>>) dst(%arg6 : memref<128x128xf32, #tpu.memory_space<vmem>>)
      %run_scoped3A_106 = arith.constant 12 : i32
      "tpu.region"() ({
        %run_scoped3A_265 = tpu.sem_alloc : memref<!tpu.dma_semaphore, #tpu.memory_space<semaphore_mem>>
        %dma_start3A_266 = arith.constant 0 : i32
        %dma_start3A_267 = tpu.memref_slice %arg5[%run_scoped3A_106, %dma_start3A_266] : memref<32x128xi32, #tpu.memory_space<vmem>> -> memref<1x128xi32, #tpu.memory_space<vmem>>
        %dma_start3A_268 = tpu.memref_squeeze %dma_start3A_267 : memref<1x128xi32, #tpu.memory_space<vmem>> -> memref<128xi32, #tpu.memory_space<vmem>>
        %dma_start3A_269 = arith.constant 0 : i32
        %dma_start3A_270 = arith.constant 0 : i32
        %dma_start3A_271 = tpu.memref_slice %arg8[%dma_start3A_269, %dma_start3A_270] : memref<10240x128xf32, #tpu.memory_space<vmem_shared>> -> memref<10240x128xf32, #tpu.memory_space<vmem_shared>>
        tpu.enqueue_indirect_dma source(%arg6 : memref<128x128xf32, #tpu.memory_space<vmem>>) target(%dma_start3A_271 : memref<10240x128xf32, #tpu.memory_space<vmem_shared>>) offsets(%dma_start3A_268 : memref<128xi32, #tpu.memory_space<vmem>>) semaphore(%run_scoped3A_265 : memref<!tpu.dma_semaphore, #tpu.memory_space<semaphore_mem>>) {add = true}
        %dma_wait3A_272 = arith.constant 0 : i32
        %dma_wait3A_273 = tpu.memref_slice %arg5[%run_scoped3A_106, %dma_wait3A_272] : memref<32x128xi32, #tpu.memory_space<vmem>> -> memref<1x128xi32, #tpu.memory_space<vmem>>
        %dma_wait3A_274 = tpu.memref_squeeze %dma_wait3A_273 : memref<1x128xi32, #tpu.memory_space<vmem>> -> memref<128xi32, #tpu.memory_space<vmem>>
        %dma_wait3A_275 = arith.constant 0 : i32
        %dma_wait3A_276 = arith.constant 0 : i32
        %dma_wait3A_277 = tpu.memref_slice %arg8[%dma_wait3A_275, %dma_wait3A_276] : memref<10240x128xf32, #tpu.memory_space<vmem_shared>> -> memref<10240x128xf32, #tpu.memory_space<vmem_shared>>
        tpu.wait_indirect_dma semaphore(%run_scoped3A_265 : memref<!tpu.dma_semaphore, #tpu.memory_space<semaphore_mem>>) src(%arg6 : memref<128x128xf32, #tpu.memory_space<vmem>>) dst(%dma_wait3A_277 : memref<10240x128xf32, #tpu.memory_space<vmem_shared>>)
        tpu.yield
      }) : () -> ()
      %dma_start3A_107 = arith.constant 6 : i32
      %dma_start3A_108 = arith.constant 0 : i32
      %dma_start3A_109 = tpu.memref_slice %arg5[%dma_start3A_107, %dma_start3A_108] : memref<32x128xi32, #tpu.memory_space<vmem>> -> memref<1x128xi32, #tpu.memory_space<vmem>>
      %dma_start3A_110 = tpu.memref_squeeze %dma_start3A_109 : memref<1x128xi32, #tpu.memory_space<vmem>> -> memref<128xi32, #tpu.memory_space<vmem>>
      %dma_start3A_111 = arith.constant 0 : i32
      %dma_start3A_112 = arith.constant 0 : i32
      %dma_start3A_113 = tpu.memref_slice %arg2[%dma_start3A_111, %dma_start3A_112] : memref<10240x128xf32, #tpu.memory_space<hbm>> -> memref<10240x128xf32, #tpu.memory_space<hbm>>
      tpu.enqueue_indirect_dma source(%dma_start3A_113 : memref<10240x128xf32, #tpu.memory_space<hbm>>) target(%arg6 : memref<128x128xf32, #tpu.memory_space<vmem>>) offsets(%dma_start3A_110 : memref<128xi32, #tpu.memory_space<vmem>>) semaphore(%arg9 : memref<!tpu.dma_semaphore, #tpu.memory_space<semaphore_mem>>)
      %dma_wait3A_114 = arith.constant 5 : i32
      %dma_wait3A_115 = arith.constant 0 : i32
      %dma_wait3A_116 = tpu.memref_slice %arg5[%dma_wait3A_114, %dma_wait3A_115] : memref<32x128xi32, #tpu.memory_space<vmem>> -> memref<1x128xi32, #tpu.memory_space<vmem>>
      %dma_wait3A_117 = tpu.memref_squeeze %dma_wait3A_116 : memref<1x128xi32, #tpu.memory_space<vmem>> -> memref<128xi32, #tpu.memory_space<vmem>>
      %dma_wait3A_118 = arith.constant 0 : i32
      %dma_wait3A_119 = arith.constant 0 : i32
      %dma_wait3A_120 = tpu.memref_slice %arg2[%dma_wait3A_118, %dma_wait3A_119] : memref<10240x128xf32, #tpu.memory_space<hbm>> -> memref<10240x128xf32, #tpu.memory_space<hbm>>
      tpu.wait_indirect_dma semaphore(%arg10 : memref<!tpu.dma_semaphore, #tpu.memory_space<semaphore_mem>>) src(%dma_wait3A_120 : memref<10240x128xf32, #tpu.memory_space<hbm>>) dst(%arg7 : memref<128x128xf32, #tpu.memory_space<vmem>>)
      %run_scoped3A_121 = arith.constant 13 : i32
      "tpu.region"() ({
        %run_scoped3A_265 = tpu.sem_alloc : memref<!tpu.dma_semaphore, #tpu.memory_space<semaphore_mem>>
        %dma_start3A_266 = arith.constant 0 : i32
        %dma_start3A_267 = tpu.memref_slice %arg5[%run_scoped3A_121, %dma_start3A_266] : memref<32x128xi32, #tpu.memory_space<vmem>> -> memref<1x128xi32, #tpu.memory_space<vmem>>
        %dma_start3A_268 = tpu.memref_squeeze %dma_start3A_267 : memref<1x128xi32, #tpu.memory_space<vmem>> -> memref<128xi32, #tpu.memory_space<vmem>>
        %dma_start3A_269 = arith.constant 0 : i32
        %dma_start3A_270 = arith.constant 0 : i32
        %dma_start3A_271 = tpu.memref_slice %arg8[%dma_start3A_269, %dma_start3A_270] : memref<10240x128xf32, #tpu.memory_space<vmem_shared>> -> memref<10240x128xf32, #tpu.memory_space<vmem_shared>>
        tpu.enqueue_indirect_dma source(%arg7 : memref<128x128xf32, #tpu.memory_space<vmem>>) target(%dma_start3A_271 : memref<10240x128xf32, #tpu.memory_space<vmem_shared>>) offsets(%dma_start3A_268 : memref<128xi32, #tpu.memory_space<vmem>>) semaphore(%run_scoped3A_265 : memref<!tpu.dma_semaphore, #tpu.memory_space<semaphore_mem>>) {add = true}
        %dma_wait3A_272 = arith.constant 0 : i32
        %dma_wait3A_273 = tpu.memref_slice %arg5[%run_scoped3A_121, %dma_wait3A_272] : memref<32x128xi32, #tpu.memory_space<vmem>> -> memref<1x128xi32, #tpu.memory_space<vmem>>
        %dma_wait3A_274 = tpu.memref_squeeze %dma_wait3A_273 : memref<1x128xi32, #tpu.memory_space<vmem>> -> memref<128xi32, #tpu.memory_space<vmem>>
        %dma_wait3A_275 = arith.constant 0 : i32
        %dma_wait3A_276 = arith.constant 0 : i32
        %dma_wait3A_277 = tpu.memref_slice %arg8[%dma_wait3A_275, %dma_wait3A_276] : memref<10240x128xf32, #tpu.memory_space<vmem_shared>> -> memref<10240x128xf32, #tpu.memory_space<vmem_shared>>
        tpu.wait_indirect_dma semaphore(%run_scoped3A_265 : memref<!tpu.dma_semaphore, #tpu.memory_space<semaphore_mem>>) src(%arg7 : memref<128x128xf32, #tpu.memory_space<vmem>>) dst(%dma_wait3A_277 : memref<10240x128xf32, #tpu.memory_space<vmem_shared>>)
        tpu.yield
      }) : () -> ()
      %dma_start3A_122 = arith.constant 7 : i32
      %dma_start3A_123 = arith.constant 0 : i32
      %dma_start3A_124 = tpu.memref_slice %arg5[%dma_start3A_122, %dma_start3A_123] : memref<32x128xi32, #tpu.memory_space<vmem>> -> memref<1x128xi32, #tpu.memory_space<vmem>>
      %dma_start3A_125 = tpu.memref_squeeze %dma_start3A_124 : memref<1x128xi32, #tpu.memory_space<vmem>> -> memref<128xi32, #tpu.memory_space<vmem>>
      %dma_start3A_126 = arith.constant 0 : i32
      %dma_start3A_127 = arith.constant 0 : i32
      %dma_start3A_128 = tpu.memref_slice %arg2[%dma_start3A_126, %dma_start3A_127] : memref<10240x128xf32, #tpu.memory_space<hbm>> -> memref<10240x128xf32, #tpu.memory_space<hbm>>
      tpu.enqueue_indirect_dma source(%dma_start3A_128 : memref<10240x128xf32, #tpu.memory_space<hbm>>) target(%arg7 : memref<128x128xf32, #tpu.memory_space<vmem>>) offsets(%dma_start3A_125 : memref<128xi32, #tpu.memory_space<vmem>>) semaphore(%arg10 : memref<!tpu.dma_semaphore, #tpu.memory_space<semaphore_mem>>)
      %dma_wait3A_129 = arith.constant 6 : i32
      %dma_wait3A_130 = arith.constant 0 : i32
      %dma_wait3A_131 = tpu.memref_slice %arg5[%dma_wait3A_129, %dma_wait3A_130] : memref<32x128xi32, #tpu.memory_space<vmem>> -> memref<1x128xi32, #tpu.memory_space<vmem>>
      %dma_wait3A_132 = tpu.memref_squeeze %dma_wait3A_131 : memref<1x128xi32, #tpu.memory_space<vmem>> -> memref<128xi32, #tpu.memory_space<vmem>>
      %dma_wait3A_133 = arith.constant 0 : i32
      %dma_wait3A_134 = arith.constant 0 : i32
      %dma_wait3A_135 = tpu.memref_slice %arg2[%dma_wait3A_133, %dma_wait3A_134] : memref<10240x128xf32, #tpu.memory_space<hbm>> -> memref<10240x128xf32, #tpu.memory_space<hbm>>
      tpu.wait_indirect_dma semaphore(%arg9 : memref<!tpu.dma_semaphore, #tpu.memory_space<semaphore_mem>>) src(%dma_wait3A_135 : memref<10240x128xf32, #tpu.memory_space<hbm>>) dst(%arg6 : memref<128x128xf32, #tpu.memory_space<vmem>>)
      %run_scoped3A_136 = arith.constant 14 : i32
      "tpu.region"() ({
        %run_scoped3A_265 = tpu.sem_alloc : memref<!tpu.dma_semaphore, #tpu.memory_space<semaphore_mem>>
        %dma_start3A_266 = arith.constant 0 : i32
        %dma_start3A_267 = tpu.memref_slice %arg5[%run_scoped3A_136, %dma_start3A_266] : memref<32x128xi32, #tpu.memory_space<vmem>> -> memref<1x128xi32, #tpu.memory_space<vmem>>
        %dma_start3A_268 = tpu.memref_squeeze %dma_start3A_267 : memref<1x128xi32, #tpu.memory_space<vmem>> -> memref<128xi32, #tpu.memory_space<vmem>>
        %dma_start3A_269 = arith.constant 0 : i32
        %dma_start3A_270 = arith.constant 0 : i32
        %dma_start3A_271 = tpu.memref_slice %arg8[%dma_start3A_269, %dma_start3A_270] : memref<10240x128xf32, #tpu.memory_space<vmem_shared>> -> memref<10240x128xf32, #tpu.memory_space<vmem_shared>>
        tpu.enqueue_indirect_dma source(%arg6 : memref<128x128xf32, #tpu.memory_space<vmem>>) target(%dma_start3A_271 : memref<10240x128xf32, #tpu.memory_space<vmem_shared>>) offsets(%dma_start3A_268 : memref<128xi32, #tpu.memory_space<vmem>>) semaphore(%run_scoped3A_265 : memref<!tpu.dma_semaphore, #tpu.memory_space<semaphore_mem>>) {add = true}
        %dma_wait3A_272 = arith.constant 0 : i32
        %dma_wait3A_273 = tpu.memref_slice %arg5[%run_scoped3A_136, %dma_wait3A_272] : memref<32x128xi32, #tpu.memory_space<vmem>> -> memref<1x128xi32, #tpu.memory_space<vmem>>
        %dma_wait3A_274 = tpu.memref_squeeze %dma_wait3A_273 : memref<1x128xi32, #tpu.memory_space<vmem>> -> memref<128xi32, #tpu.memory_space<vmem>>
        %dma_wait3A_275 = arith.constant 0 : i32
        %dma_wait3A_276 = arith.constant 0 : i32
        %dma_wait3A_277 = tpu.memref_slice %arg8[%dma_wait3A_275, %dma_wait3A_276] : memref<10240x128xf32, #tpu.memory_space<vmem_shared>> -> memref<10240x128xf32, #tpu.memory_space<vmem_shared>>
        tpu.wait_indirect_dma semaphore(%run_scoped3A_265 : memref<!tpu.dma_semaphore, #tpu.memory_space<semaphore_mem>>) src(%arg6 : memref<128x128xf32, #tpu.memory_space<vmem>>) dst(%dma_wait3A_277 : memref<10240x128xf32, #tpu.memory_space<vmem_shared>>)
        tpu.yield
      }) : () -> ()
      %dma_start3A_137 = arith.constant 16 : i32
      %dma_start3A_138 = arith.constant 0 : i32
      %dma_start3A_139 = tpu.memref_slice %arg5[%dma_start3A_137, %dma_start3A_138] : memref<32x128xi32, #tpu.memory_space<vmem>> -> memref<1x128xi32, #tpu.memory_space<vmem>>
      %dma_start3A_140 = tpu.memref_squeeze %dma_start3A_139 : memref<1x128xi32, #tpu.memory_space<vmem>> -> memref<128xi32, #tpu.memory_space<vmem>>
      %dma_start3A_141 = arith.constant 0 : i32
      %dma_start3A_142 = arith.constant 0 : i32
      %dma_start3A_143 = tpu.memref_slice %arg2[%dma_start3A_141, %dma_start3A_142] : memref<10240x128xf32, #tpu.memory_space<hbm>> -> memref<10240x128xf32, #tpu.memory_space<hbm>>
      tpu.enqueue_indirect_dma source(%dma_start3A_143 : memref<10240x128xf32, #tpu.memory_space<hbm>>) target(%arg6 : memref<128x128xf32, #tpu.memory_space<vmem>>) offsets(%dma_start3A_140 : memref<128xi32, #tpu.memory_space<vmem>>) semaphore(%arg9 : memref<!tpu.dma_semaphore, #tpu.memory_space<semaphore_mem>>)
      %dma_wait3A_144 = arith.constant 7 : i32
      %dma_wait3A_145 = arith.constant 0 : i32
      %dma_wait3A_146 = tpu.memref_slice %arg5[%dma_wait3A_144, %dma_wait3A_145] : memref<32x128xi32, #tpu.memory_space<vmem>> -> memref<1x128xi32, #tpu.memory_space<vmem>>
      %dma_wait3A_147 = tpu.memref_squeeze %dma_wait3A_146 : memref<1x128xi32, #tpu.memory_space<vmem>> -> memref<128xi32, #tpu.memory_space<vmem>>
      %dma_wait3A_148 = arith.constant 0 : i32
      %dma_wait3A_149 = arith.constant 0 : i32
      %dma_wait3A_150 = tpu.memref_slice %arg2[%dma_wait3A_148, %dma_wait3A_149] : memref<10240x128xf32, #tpu.memory_space<hbm>> -> memref<10240x128xf32, #tpu.memory_space<hbm>>
      tpu.wait_indirect_dma semaphore(%arg10 : memref<!tpu.dma_semaphore, #tpu.memory_space<semaphore_mem>>) src(%dma_wait3A_150 : memref<10240x128xf32, #tpu.memory_space<hbm>>) dst(%arg7 : memref<128x128xf32, #tpu.memory_space<vmem>>)
      %run_scoped3A_151 = arith.constant 15 : i32
      "tpu.region"() ({
        %run_scoped3A_265 = tpu.sem_alloc : memref<!tpu.dma_semaphore, #tpu.memory_space<semaphore_mem>>
        %dma_start3A_266 = arith.constant 0 : i32
        %dma_start3A_267 = tpu.memref_slice %arg5[%run_scoped3A_151, %dma_start3A_266] : memref<32x128xi32, #tpu.memory_space<vmem>> -> memref<1x128xi32, #tpu.memory_space<vmem>>
        %dma_start3A_268 = tpu.memref_squeeze %dma_start3A_267 : memref<1x128xi32, #tpu.memory_space<vmem>> -> memref<128xi32, #tpu.memory_space<vmem>>
        %dma_start3A_269 = arith.constant 0 : i32
        %dma_start3A_270 = arith.constant 0 : i32
        %dma_start3A_271 = tpu.memref_slice %arg8[%dma_start3A_269, %dma_start3A_270] : memref<10240x128xf32, #tpu.memory_space<vmem_shared>> -> memref<10240x128xf32, #tpu.memory_space<vmem_shared>>
        tpu.enqueue_indirect_dma source(%arg7 : memref<128x128xf32, #tpu.memory_space<vmem>>) target(%dma_start3A_271 : memref<10240x128xf32, #tpu.memory_space<vmem_shared>>) offsets(%dma_start3A_268 : memref<128xi32, #tpu.memory_space<vmem>>) semaphore(%run_scoped3A_265 : memref<!tpu.dma_semaphore, #tpu.memory_space<semaphore_mem>>) {add = true}
        %dma_wait3A_272 = arith.constant 0 : i32
        %dma_wait3A_273 = tpu.memref_slice %arg5[%run_scoped3A_151, %dma_wait3A_272] : memref<32x128xi32, #tpu.memory_space<vmem>> -> memref<1x128xi32, #tpu.memory_space<vmem>>
        %dma_wait3A_274 = tpu.memref_squeeze %dma_wait3A_273 : memref<1x128xi32, #tpu.memory_space<vmem>> -> memref<128xi32, #tpu.memory_space<vmem>>
        %dma_wait3A_275 = arith.constant 0 : i32
        %dma_wait3A_276 = arith.constant 0 : i32
        %dma_wait3A_277 = tpu.memref_slice %arg8[%dma_wait3A_275, %dma_wait3A_276] : memref<10240x128xf32, #tpu.memory_space<vmem_shared>> -> memref<10240x128xf32, #tpu.memory_space<vmem_shared>>
        tpu.wait_indirect_dma semaphore(%run_scoped3A_265 : memref<!tpu.dma_semaphore, #tpu.memory_space<semaphore_mem>>) src(%arg7 : memref<128x128xf32, #tpu.memory_space<vmem>>) dst(%dma_wait3A_277 : memref<10240x128xf32, #tpu.memory_space<vmem_shared>>)
        tpu.yield
      }) : () -> ()
      %dma_start3A_152 = arith.constant 17 : i32
      %dma_start3A_153 = arith.constant 0 : i32
      %dma_start3A_154 = tpu.memref_slice %arg5[%dma_start3A_152, %dma_start3A_153] : memref<32x128xi32, #tpu.memory_space<vmem>> -> memref<1x128xi32, #tpu.memory_space<vmem>>
      %dma_start3A_155 = tpu.memref_squeeze %dma_start3A_154 : memref<1x128xi32, #tpu.memory_space<vmem>> -> memref<128xi32, #tpu.memory_space<vmem>>
      %dma_start3A_156 = arith.constant 0 : i32
      %dma_start3A_157 = arith.constant 0 : i32
      %dma_start3A_158 = tpu.memref_slice %arg2[%dma_start3A_156, %dma_start3A_157] : memref<10240x128xf32, #tpu.memory_space<hbm>> -> memref<10240x128xf32, #tpu.memory_space<hbm>>
      tpu.enqueue_indirect_dma source(%dma_start3A_158 : memref<10240x128xf32, #tpu.memory_space<hbm>>) target(%arg7 : memref<128x128xf32, #tpu.memory_space<vmem>>) offsets(%dma_start3A_155 : memref<128xi32, #tpu.memory_space<vmem>>) semaphore(%arg10 : memref<!tpu.dma_semaphore, #tpu.memory_space<semaphore_mem>>)
      %dma_wait3A_159 = arith.constant 16 : i32
      %dma_wait3A_160 = arith.constant 0 : i32
      %dma_wait3A_161 = tpu.memref_slice %arg5[%dma_wait3A_159, %dma_wait3A_160] : memref<32x128xi32, #tpu.memory_space<vmem>> -> memref<1x128xi32, #tpu.memory_space<vmem>>
      %dma_wait3A_162 = tpu.memref_squeeze %dma_wait3A_161 : memref<1x128xi32, #tpu.memory_space<vmem>> -> memref<128xi32, #tpu.memory_space<vmem>>
      %dma_wait3A_163 = arith.constant 0 : i32
      %dma_wait3A_164 = arith.constant 0 : i32
      %dma_wait3A_165 = tpu.memref_slice %arg2[%dma_wait3A_163, %dma_wait3A_164] : memref<10240x128xf32, #tpu.memory_space<hbm>> -> memref<10240x128xf32, #tpu.memory_space<hbm>>
      tpu.wait_indirect_dma semaphore(%arg9 : memref<!tpu.dma_semaphore, #tpu.memory_space<semaphore_mem>>) src(%dma_wait3A_165 : memref<10240x128xf32, #tpu.memory_space<hbm>>) dst(%arg6 : memref<128x128xf32, #tpu.memory_space<vmem>>)
      %run_scoped3A_166 = arith.constant 24 : i32
      "tpu.region"() ({
        %run_scoped3A_265 = tpu.sem_alloc : memref<!tpu.dma_semaphore, #tpu.memory_space<semaphore_mem>>
        %dma_start3A_266 = arith.constant 0 : i32
        %dma_start3A_267 = tpu.memref_slice %arg5[%run_scoped3A_166, %dma_start3A_266] : memref<32x128xi32, #tpu.memory_space<vmem>> -> memref<1x128xi32, #tpu.memory_space<vmem>>
        %dma_start3A_268 = tpu.memref_squeeze %dma_start3A_267 : memref<1x128xi32, #tpu.memory_space<vmem>> -> memref<128xi32, #tpu.memory_space<vmem>>
        %dma_start3A_269 = arith.constant 0 : i32
        %dma_start3A_270 = arith.constant 0 : i32
        %dma_start3A_271 = tpu.memref_slice %arg8[%dma_start3A_269, %dma_start3A_270] : memref<10240x128xf32, #tpu.memory_space<vmem_shared>> -> memref<10240x128xf32, #tpu.memory_space<vmem_shared>>
        tpu.enqueue_indirect_dma source(%arg6 : memref<128x128xf32, #tpu.memory_space<vmem>>) target(%dma_start3A_271 : memref<10240x128xf32, #tpu.memory_space<vmem_shared>>) offsets(%dma_start3A_268 : memref<128xi32, #tpu.memory_space<vmem>>) semaphore(%run_scoped3A_265 : memref<!tpu.dma_semaphore, #tpu.memory_space<semaphore_mem>>) {add = true}
        %dma_wait3A_272 = arith.constant 0 : i32
        %dma_wait3A_273 = tpu.memref_slice %arg5[%run_scoped3A_166, %dma_wait3A_272] : memref<32x128xi32, #tpu.memory_space<vmem>> -> memref<1x128xi32, #tpu.memory_space<vmem>>
        %dma_wait3A_274 = tpu.memref_squeeze %dma_wait3A_273 : memref<1x128xi32, #tpu.memory_space<vmem>> -> memref<128xi32, #tpu.memory_space<vmem>>
        %dma_wait3A_275 = arith.constant 0 : i32
        %dma_wait3A_276 = arith.constant 0 : i32
        %dma_wait3A_277 = tpu.memref_slice %arg8[%dma_wait3A_275, %dma_wait3A_276] : memref<10240x128xf32, #tpu.memory_space<vmem_shared>> -> memref<10240x128xf32, #tpu.memory_space<vmem_shared>>
        tpu.wait_indirect_dma semaphore(%run_scoped3A_265 : memref<!tpu.dma_semaphore, #tpu.memory_space<semaphore_mem>>) src(%arg6 : memref<128x128xf32, #tpu.memory_space<vmem>>) dst(%dma_wait3A_277 : memref<10240x128xf32, #tpu.memory_space<vmem_shared>>)
        tpu.yield
      }) : () -> ()
      %dma_start3A_167 = arith.constant 18 : i32
      %dma_start3A_168 = arith.constant 0 : i32
      %dma_start3A_169 = tpu.memref_slice %arg5[%dma_start3A_167, %dma_start3A_168] : memref<32x128xi32, #tpu.memory_space<vmem>> -> memref<1x128xi32, #tpu.memory_space<vmem>>
      %dma_start3A_170 = tpu.memref_squeeze %dma_start3A_169 : memref<1x128xi32, #tpu.memory_space<vmem>> -> memref<128xi32, #tpu.memory_space<vmem>>
      %dma_start3A_171 = arith.constant 0 : i32
      %dma_start3A_172 = arith.constant 0 : i32
      %dma_start3A_173 = tpu.memref_slice %arg2[%dma_start3A_171, %dma_start3A_172] : memref<10240x128xf32, #tpu.memory_space<hbm>> -> memref<10240x128xf32, #tpu.memory_space<hbm>>
      tpu.enqueue_indirect_dma source(%dma_start3A_173 : memref<10240x128xf32, #tpu.memory_space<hbm>>) target(%arg6 : memref<128x128xf32, #tpu.memory_space<vmem>>) offsets(%dma_start3A_170 : memref<128xi32, #tpu.memory_space<vmem>>) semaphore(%arg9 : memref<!tpu.dma_semaphore, #tpu.memory_space<semaphore_mem>>)
      %dma_wait3A_174 = arith.constant 17 : i32
      %dma_wait3A_175 = arith.constant 0 : i32
      %dma_wait3A_176 = tpu.memref_slice %arg5[%dma_wait3A_174, %dma_wait3A_175] : memref<32x128xi32, #tpu.memory_space<vmem>> -> memref<1x128xi32, #tpu.memory_space<vmem>>
      %dma_wait3A_177 = tpu.memref_squeeze %dma_wait3A_176 : memref<1x128xi32, #tpu.memory_space<vmem>> -> memref<128xi32, #tpu.memory_space<vmem>>
      %dma_wait3A_178 = arith.constant 0 : i32
      %dma_wait3A_179 = arith.constant 0 : i32
      %dma_wait3A_180 = tpu.memref_slice %arg2[%dma_wait3A_178, %dma_wait3A_179] : memref<10240x128xf32, #tpu.memory_space<hbm>> -> memref<10240x128xf32, #tpu.memory_space<hbm>>
      tpu.wait_indirect_dma semaphore(%arg10 : memref<!tpu.dma_semaphore, #tpu.memory_space<semaphore_mem>>) src(%dma_wait3A_180 : memref<10240x128xf32, #tpu.memory_space<hbm>>) dst(%arg7 : memref<128x128xf32, #tpu.memory_space<vmem>>)
      %run_scoped3A_181 = arith.constant 25 : i32
      "tpu.region"() ({
        %run_scoped3A_265 = tpu.sem_alloc : memref<!tpu.dma_semaphore, #tpu.memory_space<semaphore_mem>>
        %dma_start3A_266 = arith.constant 0 : i32
        %dma_start3A_267 = tpu.memref_slice %arg5[%run_scoped3A_181, %dma_start3A_266] : memref<32x128xi32, #tpu.memory_space<vmem>> -> memref<1x128xi32, #tpu.memory_space<vmem>>
        %dma_start3A_268 = tpu.memref_squeeze %dma_start3A_267 : memref<1x128xi32, #tpu.memory_space<vmem>> -> memref<128xi32, #tpu.memory_space<vmem>>
        %dma_start3A_269 = arith.constant 0 : i32
        %dma_start3A_270 = arith.constant 0 : i32
        %dma_start3A_271 = tpu.memref_slice %arg8[%dma_start3A_269, %dma_start3A_270] : memref<10240x128xf32, #tpu.memory_space<vmem_shared>> -> memref<10240x128xf32, #tpu.memory_space<vmem_shared>>
        tpu.enqueue_indirect_dma source(%arg7 : memref<128x128xf32, #tpu.memory_space<vmem>>) target(%dma_start3A_271 : memref<10240x128xf32, #tpu.memory_space<vmem_shared>>) offsets(%dma_start3A_268 : memref<128xi32, #tpu.memory_space<vmem>>) semaphore(%run_scoped3A_265 : memref<!tpu.dma_semaphore, #tpu.memory_space<semaphore_mem>>) {add = true}
        %dma_wait3A_272 = arith.constant 0 : i32
        %dma_wait3A_273 = tpu.memref_slice %arg5[%run_scoped3A_181, %dma_wait3A_272] : memref<32x128xi32, #tpu.memory_space<vmem>> -> memref<1x128xi32, #tpu.memory_space<vmem>>
        %dma_wait3A_274 = tpu.memref_squeeze %dma_wait3A_273 : memref<1x128xi32, #tpu.memory_space<vmem>> -> memref<128xi32, #tpu.memory_space<vmem>>
        %dma_wait3A_275 = arith.constant 0 : i32
        %dma_wait3A_276 = arith.constant 0 : i32
        %dma_wait3A_277 = tpu.memref_slice %arg8[%dma_wait3A_275, %dma_wait3A_276] : memref<10240x128xf32, #tpu.memory_space<vmem_shared>> -> memref<10240x128xf32, #tpu.memory_space<vmem_shared>>
        tpu.wait_indirect_dma semaphore(%run_scoped3A_265 : memref<!tpu.dma_semaphore, #tpu.memory_space<semaphore_mem>>) src(%arg7 : memref<128x128xf32, #tpu.memory_space<vmem>>) dst(%dma_wait3A_277 : memref<10240x128xf32, #tpu.memory_space<vmem_shared>>)
        tpu.yield
      }) : () -> ()
      %dma_start3A_182 = arith.constant 19 : i32
      %dma_start3A_183 = arith.constant 0 : i32
      %dma_start3A_184 = tpu.memref_slice %arg5[%dma_start3A_182, %dma_start3A_183] : memref<32x128xi32, #tpu.memory_space<vmem>> -> memref<1x128xi32, #tpu.memory_space<vmem>>
      %dma_start3A_185 = tpu.memref_squeeze %dma_start3A_184 : memref<1x128xi32, #tpu.memory_space<vmem>> -> memref<128xi32, #tpu.memory_space<vmem>>
      %dma_start3A_186 = arith.constant 0 : i32
      %dma_start3A_187 = arith.constant 0 : i32
      %dma_start3A_188 = tpu.memref_slice %arg2[%dma_start3A_186, %dma_start3A_187] : memref<10240x128xf32, #tpu.memory_space<hbm>> -> memref<10240x128xf32, #tpu.memory_space<hbm>>
      tpu.enqueue_indirect_dma source(%dma_start3A_188 : memref<10240x128xf32, #tpu.memory_space<hbm>>) target(%arg7 : memref<128x128xf32, #tpu.memory_space<vmem>>) offsets(%dma_start3A_185 : memref<128xi32, #tpu.memory_space<vmem>>) semaphore(%arg10 : memref<!tpu.dma_semaphore, #tpu.memory_space<semaphore_mem>>)
      %dma_wait3A_189 = arith.constant 18 : i32
      %dma_wait3A_190 = arith.constant 0 : i32
      %dma_wait3A_191 = tpu.memref_slice %arg5[%dma_wait3A_189, %dma_wait3A_190] : memref<32x128xi32, #tpu.memory_space<vmem>> -> memref<1x128xi32, #tpu.memory_space<vmem>>
      %dma_wait3A_192 = tpu.memref_squeeze %dma_wait3A_191 : memref<1x128xi32, #tpu.memory_space<vmem>> -> memref<128xi32, #tpu.memory_space<vmem>>
      %dma_wait3A_193 = arith.constant 0 : i32
      %dma_wait3A_194 = arith.constant 0 : i32
      %dma_wait3A_195 = tpu.memref_slice %arg2[%dma_wait3A_193, %dma_wait3A_194] : memref<10240x128xf32, #tpu.memory_space<hbm>> -> memref<10240x128xf32, #tpu.memory_space<hbm>>
      tpu.wait_indirect_dma semaphore(%arg9 : memref<!tpu.dma_semaphore, #tpu.memory_space<semaphore_mem>>) src(%dma_wait3A_195 : memref<10240x128xf32, #tpu.memory_space<hbm>>) dst(%arg6 : memref<128x128xf32, #tpu.memory_space<vmem>>)
      %run_scoped3A_196 = arith.constant 26 : i32
      "tpu.region"() ({
        %run_scoped3A_265 = tpu.sem_alloc : memref<!tpu.dma_semaphore, #tpu.memory_space<semaphore_mem>>
        %dma_start3A_266 = arith.constant 0 : i32
        %dma_start3A_267 = tpu.memref_slice %arg5[%run_scoped3A_196, %dma_start3A_266] : memref<32x128xi32, #tpu.memory_space<vmem>> -> memref<1x128xi32, #tpu.memory_space<vmem>>
        %dma_start3A_268 = tpu.memref_squeeze %dma_start3A_267 : memref<1x128xi32, #tpu.memory_space<vmem>> -> memref<128xi32, #tpu.memory_space<vmem>>
        %dma_start3A_269 = arith.constant 0 : i32
        %dma_start3A_270 = arith.constant 0 : i32
        %dma_start3A_271 = tpu.memref_slice %arg8[%dma_start3A_269, %dma_start3A_270] : memref<10240x128xf32, #tpu.memory_space<vmem_shared>> -> memref<10240x128xf32, #tpu.memory_space<vmem_shared>>
        tpu.enqueue_indirect_dma source(%arg6 : memref<128x128xf32, #tpu.memory_space<vmem>>) target(%dma_start3A_271 : memref<10240x128xf32, #tpu.memory_space<vmem_shared>>) offsets(%dma_start3A_268 : memref<128xi32, #tpu.memory_space<vmem>>) semaphore(%run_scoped3A_265 : memref<!tpu.dma_semaphore, #tpu.memory_space<semaphore_mem>>) {add = true}
        %dma_wait3A_272 = arith.constant 0 : i32
        %dma_wait3A_273 = tpu.memref_slice %arg5[%run_scoped3A_196, %dma_wait3A_272] : memref<32x128xi32, #tpu.memory_space<vmem>> -> memref<1x128xi32, #tpu.memory_space<vmem>>
        %dma_wait3A_274 = tpu.memref_squeeze %dma_wait3A_273 : memref<1x128xi32, #tpu.memory_space<vmem>> -> memref<128xi32, #tpu.memory_space<vmem>>
        %dma_wait3A_275 = arith.constant 0 : i32
        %dma_wait3A_276 = arith.constant 0 : i32
        %dma_wait3A_277 = tpu.memref_slice %arg8[%dma_wait3A_275, %dma_wait3A_276] : memref<10240x128xf32, #tpu.memory_space<vmem_shared>> -> memref<10240x128xf32, #tpu.memory_space<vmem_shared>>
        tpu.wait_indirect_dma semaphore(%run_scoped3A_265 : memref<!tpu.dma_semaphore, #tpu.memory_space<semaphore_mem>>) src(%arg6 : memref<128x128xf32, #tpu.memory_space<vmem>>) dst(%dma_wait3A_277 : memref<10240x128xf32, #tpu.memory_space<vmem_shared>>)
        tpu.yield
      }) : () -> ()
      %dma_start3A_197 = arith.constant 20 : i32
      %dma_start3A_198 = arith.constant 0 : i32
      %dma_start3A_199 = tpu.memref_slice %arg5[%dma_start3A_197, %dma_start3A_198] : memref<32x128xi32, #tpu.memory_space<vmem>> -> memref<1x128xi32, #tpu.memory_space<vmem>>
      %dma_start3A_200 = tpu.memref_squeeze %dma_start3A_199 : memref<1x128xi32, #tpu.memory_space<vmem>> -> memref<128xi32, #tpu.memory_space<vmem>>
      %dma_start3A_201 = arith.constant 0 : i32
      %dma_start3A_202 = arith.constant 0 : i32
      %dma_start3A_203 = tpu.memref_slice %arg2[%dma_start3A_201, %dma_start3A_202] : memref<10240x128xf32, #tpu.memory_space<hbm>> -> memref<10240x128xf32, #tpu.memory_space<hbm>>
      tpu.enqueue_indirect_dma source(%dma_start3A_203 : memref<10240x128xf32, #tpu.memory_space<hbm>>) target(%arg6 : memref<128x128xf32, #tpu.memory_space<vmem>>) offsets(%dma_start3A_200 : memref<128xi32, #tpu.memory_space<vmem>>) semaphore(%arg9 : memref<!tpu.dma_semaphore, #tpu.memory_space<semaphore_mem>>)
      %dma_wait3A_204 = arith.constant 19 : i32
      %dma_wait3A_205 = arith.constant 0 : i32
      %dma_wait3A_206 = tpu.memref_slice %arg5[%dma_wait3A_204, %dma_wait3A_205] : memref<32x128xi32, #tpu.memory_space<vmem>> -> memref<1x128xi32, #tpu.memory_space<vmem>>
      %dma_wait3A_207 = tpu.memref_squeeze %dma_wait3A_206 : memref<1x128xi32, #tpu.memory_space<vmem>> -> memref<128xi32, #tpu.memory_space<vmem>>
      %dma_wait3A_208 = arith.constant 0 : i32
      %dma_wait3A_209 = arith.constant 0 : i32
      %dma_wait3A_210 = tpu.memref_slice %arg2[%dma_wait3A_208, %dma_wait3A_209] : memref<10240x128xf32, #tpu.memory_space<hbm>> -> memref<10240x128xf32, #tpu.memory_space<hbm>>
      tpu.wait_indirect_dma semaphore(%arg10 : memref<!tpu.dma_semaphore, #tpu.memory_space<semaphore_mem>>) src(%dma_wait3A_210 : memref<10240x128xf32, #tpu.memory_space<hbm>>) dst(%arg7 : memref<128x128xf32, #tpu.memory_space<vmem>>)
      %run_scoped3A_211 = arith.constant 27 : i32
      "tpu.region"() ({
        %run_scoped3A_265 = tpu.sem_alloc : memref<!tpu.dma_semaphore, #tpu.memory_space<semaphore_mem>>
        %dma_start3A_266 = arith.constant 0 : i32
        %dma_start3A_267 = tpu.memref_slice %arg5[%run_scoped3A_211, %dma_start3A_266] : memref<32x128xi32, #tpu.memory_space<vmem>> -> memref<1x128xi32, #tpu.memory_space<vmem>>
        %dma_start3A_268 = tpu.memref_squeeze %dma_start3A_267 : memref<1x128xi32, #tpu.memory_space<vmem>> -> memref<128xi32, #tpu.memory_space<vmem>>
        %dma_start3A_269 = arith.constant 0 : i32
        %dma_start3A_270 = arith.constant 0 : i32
        %dma_start3A_271 = tpu.memref_slice %arg8[%dma_start3A_269, %dma_start3A_270] : memref<10240x128xf32, #tpu.memory_space<vmem_shared>> -> memref<10240x128xf32, #tpu.memory_space<vmem_shared>>
        tpu.enqueue_indirect_dma source(%arg7 : memref<128x128xf32, #tpu.memory_space<vmem>>) target(%dma_start3A_271 : memref<10240x128xf32, #tpu.memory_space<vmem_shared>>) offsets(%dma_start3A_268 : memref<128xi32, #tpu.memory_space<vmem>>) semaphore(%run_scoped3A_265 : memref<!tpu.dma_semaphore, #tpu.memory_space<semaphore_mem>>) {add = true}
        %dma_wait3A_272 = arith.constant 0 : i32
        %dma_wait3A_273 = tpu.memref_slice %arg5[%run_scoped3A_211, %dma_wait3A_272] : memref<32x128xi32, #tpu.memory_space<vmem>> -> memref<1x128xi32, #tpu.memory_space<vmem>>
        %dma_wait3A_274 = tpu.memref_squeeze %dma_wait3A_273 : memref<1x128xi32, #tpu.memory_space<vmem>> -> memref<128xi32, #tpu.memory_space<vmem>>
        %dma_wait3A_275 = arith.constant 0 : i32
        %dma_wait3A_276 = arith.constant 0 : i32
        %dma_wait3A_277 = tpu.memref_slice %arg8[%dma_wait3A_275, %dma_wait3A_276] : memref<10240x128xf32, #tpu.memory_space<vmem_shared>> -> memref<10240x128xf32, #tpu.memory_space<vmem_shared>>
        tpu.wait_indirect_dma semaphore(%run_scoped3A_265 : memref<!tpu.dma_semaphore, #tpu.memory_space<semaphore_mem>>) src(%arg7 : memref<128x128xf32, #tpu.memory_space<vmem>>) dst(%dma_wait3A_277 : memref<10240x128xf32, #tpu.memory_space<vmem_shared>>)
        tpu.yield
      }) : () -> ()
      %dma_start3A_212 = arith.constant 21 : i32
      %dma_start3A_213 = arith.constant 0 : i32
      %dma_start3A_214 = tpu.memref_slice %arg5[%dma_start3A_212, %dma_start3A_213] : memref<32x128xi32, #tpu.memory_space<vmem>> -> memref<1x128xi32, #tpu.memory_space<vmem>>
      %dma_start3A_215 = tpu.memref_squeeze %dma_start3A_214 : memref<1x128xi32, #tpu.memory_space<vmem>> -> memref<128xi32, #tpu.memory_space<vmem>>
      %dma_start3A_216 = arith.constant 0 : i32
      %dma_start3A_217 = arith.constant 0 : i32
      %dma_start3A_218 = tpu.memref_slice %arg2[%dma_start3A_216, %dma_start3A_217] : memref<10240x128xf32, #tpu.memory_space<hbm>> -> memref<10240x128xf32, #tpu.memory_space<hbm>>
      tpu.enqueue_indirect_dma source(%dma_start3A_218 : memref<10240x128xf32, #tpu.memory_space<hbm>>) target(%arg7 : memref<128x128xf32, #tpu.memory_space<vmem>>) offsets(%dma_start3A_215 : memref<128xi32, #tpu.memory_space<vmem>>) semaphore(%arg10 : memref<!tpu.dma_semaphore, #tpu.memory_space<semaphore_mem>>)
      %dma_wait3A_219 = arith.constant 20 : i32
      %dma_wait3A_220 = arith.constant 0 : i32
      %dma_wait3A_221 = tpu.memref_slice %arg5[%dma_wait3A_219, %dma_wait3A_220] : memref<32x128xi32, #tpu.memory_space<vmem>> -> memref<1x128xi32, #tpu.memory_space<vmem>>
      %dma_wait3A_222 = tpu.memref_squeeze %dma_wait3A_221 : memref<1x128xi32, #tpu.memory_space<vmem>> -> memref<128xi32, #tpu.memory_space<vmem>>
      %dma_wait3A_223 = arith.constant 0 : i32
      %dma_wait3A_224 = arith.constant 0 : i32
      %dma_wait3A_225 = tpu.memref_slice %arg2[%dma_wait3A_223, %dma_wait3A_224] : memref<10240x128xf32, #tpu.memory_space<hbm>> -> memref<10240x128xf32, #tpu.memory_space<hbm>>
      tpu.wait_indirect_dma semaphore(%arg9 : memref<!tpu.dma_semaphore, #tpu.memory_space<semaphore_mem>>) src(%dma_wait3A_225 : memref<10240x128xf32, #tpu.memory_space<hbm>>) dst(%arg6 : memref<128x128xf32, #tpu.memory_space<vmem>>)
      %run_scoped3A_226 = arith.constant 28 : i32
      "tpu.region"() ({
        %run_scoped3A_265 = tpu.sem_alloc : memref<!tpu.dma_semaphore, #tpu.memory_space<semaphore_mem>>
        %dma_start3A_266 = arith.constant 0 : i32
        %dma_start3A_267 = tpu.memref_slice %arg5[%run_scoped3A_226, %dma_start3A_266] : memref<32x128xi32, #tpu.memory_space<vmem>> -> memref<1x128xi32, #tpu.memory_space<vmem>>
        %dma_start3A_268 = tpu.memref_squeeze %dma_start3A_267 : memref<1x128xi32, #tpu.memory_space<vmem>> -> memref<128xi32, #tpu.memory_space<vmem>>
        %dma_start3A_269 = arith.constant 0 : i32
        %dma_start3A_270 = arith.constant 0 : i32
        %dma_start3A_271 = tpu.memref_slice %arg8[%dma_start3A_269, %dma_start3A_270] : memref<10240x128xf32, #tpu.memory_space<vmem_shared>> -> memref<10240x128xf32, #tpu.memory_space<vmem_shared>>
        tpu.enqueue_indirect_dma source(%arg6 : memref<128x128xf32, #tpu.memory_space<vmem>>) target(%dma_start3A_271 : memref<10240x128xf32, #tpu.memory_space<vmem_shared>>) offsets(%dma_start3A_268 : memref<128xi32, #tpu.memory_space<vmem>>) semaphore(%run_scoped3A_265 : memref<!tpu.dma_semaphore, #tpu.memory_space<semaphore_mem>>) {add = true}
        %dma_wait3A_272 = arith.constant 0 : i32
        %dma_wait3A_273 = tpu.memref_slice %arg5[%run_scoped3A_226, %dma_wait3A_272] : memref<32x128xi32, #tpu.memory_space<vmem>> -> memref<1x128xi32, #tpu.memory_space<vmem>>
        %dma_wait3A_274 = tpu.memref_squeeze %dma_wait3A_273 : memref<1x128xi32, #tpu.memory_space<vmem>> -> memref<128xi32, #tpu.memory_space<vmem>>
        %dma_wait3A_275 = arith.constant 0 : i32
        %dma_wait3A_276 = arith.constant 0 : i32
        %dma_wait3A_277 = tpu.memref_slice %arg8[%dma_wait3A_275, %dma_wait3A_276] : memref<10240x128xf32, #tpu.memory_space<vmem_shared>> -> memref<10240x128xf32, #tpu.memory_space<vmem_shared>>
        tpu.wait_indirect_dma semaphore(%run_scoped3A_265 : memref<!tpu.dma_semaphore, #tpu.memory_space<semaphore_mem>>) src(%arg6 : memref<128x128xf32, #tpu.memory_space<vmem>>) dst(%dma_wait3A_277 : memref<10240x128xf32, #tpu.memory_space<vmem_shared>>)
        tpu.yield
      }) : () -> ()
      %dma_start3A_227 = arith.constant 22 : i32
      %dma_start3A_228 = arith.constant 0 : i32
      %dma_start3A_229 = tpu.memref_slice %arg5[%dma_start3A_227, %dma_start3A_228] : memref<32x128xi32, #tpu.memory_space<vmem>> -> memref<1x128xi32, #tpu.memory_space<vmem>>
      %dma_start3A_230 = tpu.memref_squeeze %dma_start3A_229 : memref<1x128xi32, #tpu.memory_space<vmem>> -> memref<128xi32, #tpu.memory_space<vmem>>
      %dma_start3A_231 = arith.constant 0 : i32
      %dma_start3A_232 = arith.constant 0 : i32
      %dma_start3A_233 = tpu.memref_slice %arg2[%dma_start3A_231, %dma_start3A_232] : memref<10240x128xf32, #tpu.memory_space<hbm>> -> memref<10240x128xf32, #tpu.memory_space<hbm>>
      tpu.enqueue_indirect_dma source(%dma_start3A_233 : memref<10240x128xf32, #tpu.memory_space<hbm>>) target(%arg6 : memref<128x128xf32, #tpu.memory_space<vmem>>) offsets(%dma_start3A_230 : memref<128xi32, #tpu.memory_space<vmem>>) semaphore(%arg9 : memref<!tpu.dma_semaphore, #tpu.memory_space<semaphore_mem>>)
      %dma_wait3A_234 = arith.constant 21 : i32
      %dma_wait3A_235 = arith.constant 0 : i32
      %dma_wait3A_236 = tpu.memref_slice %arg5[%dma_wait3A_234, %dma_wait3A_235] : memref<32x128xi32, #tpu.memory_space<vmem>> -> memref<1x128xi32, #tpu.memory_space<vmem>>
      %dma_wait3A_237 = tpu.memref_squeeze %dma_wait3A_236 : memref<1x128xi32, #tpu.memory_space<vmem>> -> memref<128xi32, #tpu.memory_space<vmem>>
      %dma_wait3A_238 = arith.constant 0 : i32
      %dma_wait3A_239 = arith.constant 0 : i32
      %dma_wait3A_240 = tpu.memref_slice %arg2[%dma_wait3A_238, %dma_wait3A_239] : memref<10240x128xf32, #tpu.memory_space<hbm>> -> memref<10240x128xf32, #tpu.memory_space<hbm>>
      tpu.wait_indirect_dma semaphore(%arg10 : memref<!tpu.dma_semaphore, #tpu.memory_space<semaphore_mem>>) src(%dma_wait3A_240 : memref<10240x128xf32, #tpu.memory_space<hbm>>) dst(%arg7 : memref<128x128xf32, #tpu.memory_space<vmem>>)
      %run_scoped3A_241 = arith.constant 29 : i32
      "tpu.region"() ({
        %run_scoped3A_265 = tpu.sem_alloc : memref<!tpu.dma_semaphore, #tpu.memory_space<semaphore_mem>>
        %dma_start3A_266 = arith.constant 0 : i32
        %dma_start3A_267 = tpu.memref_slice %arg5[%run_scoped3A_241, %dma_start3A_266] : memref<32x128xi32, #tpu.memory_space<vmem>> -> memref<1x128xi32, #tpu.memory_space<vmem>>
        %dma_start3A_268 = tpu.memref_squeeze %dma_start3A_267 : memref<1x128xi32, #tpu.memory_space<vmem>> -> memref<128xi32, #tpu.memory_space<vmem>>
        %dma_start3A_269 = arith.constant 0 : i32
        %dma_start3A_270 = arith.constant 0 : i32
        %dma_start3A_271 = tpu.memref_slice %arg8[%dma_start3A_269, %dma_start3A_270] : memref<10240x128xf32, #tpu.memory_space<vmem_shared>> -> memref<10240x128xf32, #tpu.memory_space<vmem_shared>>
        tpu.enqueue_indirect_dma source(%arg7 : memref<128x128xf32, #tpu.memory_space<vmem>>) target(%dma_start3A_271 : memref<10240x128xf32, #tpu.memory_space<vmem_shared>>) offsets(%dma_start3A_268 : memref<128xi32, #tpu.memory_space<vmem>>) semaphore(%run_scoped3A_265 : memref<!tpu.dma_semaphore, #tpu.memory_space<semaphore_mem>>) {add = true}
        %dma_wait3A_272 = arith.constant 0 : i32
        %dma_wait3A_273 = tpu.memref_slice %arg5[%run_scoped3A_241, %dma_wait3A_272] : memref<32x128xi32, #tpu.memory_space<vmem>> -> memref<1x128xi32, #tpu.memory_space<vmem>>
        %dma_wait3A_274 = tpu.memref_squeeze %dma_wait3A_273 : memref<1x128xi32, #tpu.memory_space<vmem>> -> memref<128xi32, #tpu.memory_space<vmem>>
        %dma_wait3A_275 = arith.constant 0 : i32
        %dma_wait3A_276 = arith.constant 0 : i32
        %dma_wait3A_277 = tpu.memref_slice %arg8[%dma_wait3A_275, %dma_wait3A_276] : memref<10240x128xf32, #tpu.memory_space<vmem_shared>> -> memref<10240x128xf32, #tpu.memory_space<vmem_shared>>
        tpu.wait_indirect_dma semaphore(%run_scoped3A_265 : memref<!tpu.dma_semaphore, #tpu.memory_space<semaphore_mem>>) src(%arg7 : memref<128x128xf32, #tpu.memory_space<vmem>>) dst(%dma_wait3A_277 : memref<10240x128xf32, #tpu.memory_space<vmem_shared>>)
        tpu.yield
      }) : () -> ()
      %dma_start3A_242 = arith.constant 23 : i32
      %dma_start3A_243 = arith.constant 0 : i32
      %dma_start3A_244 = tpu.memref_slice %arg5[%dma_start3A_242, %dma_start3A_243] : memref<32x128xi32, #tpu.memory_space<vmem>> -> memref<1x128xi32, #tpu.memory_space<vmem>>
      %dma_start3A_245 = tpu.memref_squeeze %dma_start3A_244 : memref<1x128xi32, #tpu.memory_space<vmem>> -> memref<128xi32, #tpu.memory_space<vmem>>
      %dma_start3A_246 = arith.constant 0 : i32
      %dma_start3A_247 = arith.constant 0 : i32
      %dma_start3A_248 = tpu.memref_slice %arg2[%dma_start3A_246, %dma_start3A_247] : memref<10240x128xf32, #tpu.memory_space<hbm>> -> memref<10240x128xf32, #tpu.memory_space<hbm>>
      tpu.enqueue_indirect_dma source(%dma_start3A_248 : memref<10240x128xf32, #tpu.memory_space<hbm>>) target(%arg7 : memref<128x128xf32, #tpu.memory_space<vmem>>) offsets(%dma_start3A_245 : memref<128xi32, #tpu.memory_space<vmem>>) semaphore(%arg10 : memref<!tpu.dma_semaphore, #tpu.memory_space<semaphore_mem>>)
      %dma_wait3A_249 = arith.constant 22 : i32
      %dma_wait3A_250 = arith.constant 0 : i32
      %dma_wait3A_251 = tpu.memref_slice %arg5[%dma_wait3A_249, %dma_wait3A_250] : memref<32x128xi32, #tpu.memory_space<vmem>> -> memref<1x128xi32, #tpu.memory_space<vmem>>
      %dma_wait3A_252 = tpu.memref_squeeze %dma_wait3A_251 : memref<1x128xi32, #tpu.memory_space<vmem>> -> memref<128xi32, #tpu.memory_space<vmem>>
      %dma_wait3A_253 = arith.constant 0 : i32
      %dma_wait3A_254 = arith.constant 0 : i32
      %dma_wait3A_255 = tpu.memref_slice %arg2[%dma_wait3A_253, %dma_wait3A_254] : memref<10240x128xf32, #tpu.memory_space<hbm>> -> memref<10240x128xf32, #tpu.memory_space<hbm>>
      tpu.wait_indirect_dma semaphore(%arg9 : memref<!tpu.dma_semaphore, #tpu.memory_space<semaphore_mem>>) src(%dma_wait3A_255 : memref<10240x128xf32, #tpu.memory_space<hbm>>) dst(%arg6 : memref<128x128xf32, #tpu.memory_space<vmem>>)
      %run_scoped3A_256 = arith.constant 30 : i32
      "tpu.region"() ({
        %run_scoped3A_265 = tpu.sem_alloc : memref<!tpu.dma_semaphore, #tpu.memory_space<semaphore_mem>>
        %dma_start3A_266 = arith.constant 0 : i32
        %dma_start3A_267 = tpu.memref_slice %arg5[%run_scoped3A_256, %dma_start3A_266] : memref<32x128xi32, #tpu.memory_space<vmem>> -> memref<1x128xi32, #tpu.memory_space<vmem>>
        %dma_start3A_268 = tpu.memref_squeeze %dma_start3A_267 : memref<1x128xi32, #tpu.memory_space<vmem>> -> memref<128xi32, #tpu.memory_space<vmem>>
        %dma_start3A_269 = arith.constant 0 : i32
        %dma_start3A_270 = arith.constant 0 : i32
        %dma_start3A_271 = tpu.memref_slice %arg8[%dma_start3A_269, %dma_start3A_270] : memref<10240x128xf32, #tpu.memory_space<vmem_shared>> -> memref<10240x128xf32, #tpu.memory_space<vmem_shared>>
        tpu.enqueue_indirect_dma source(%arg6 : memref<128x128xf32, #tpu.memory_space<vmem>>) target(%dma_start3A_271 : memref<10240x128xf32, #tpu.memory_space<vmem_shared>>) offsets(%dma_start3A_268 : memref<128xi32, #tpu.memory_space<vmem>>) semaphore(%run_scoped3A_265 : memref<!tpu.dma_semaphore, #tpu.memory_space<semaphore_mem>>) {add = true}
        %dma_wait3A_272 = arith.constant 0 : i32
        %dma_wait3A_273 = tpu.memref_slice %arg5[%run_scoped3A_256, %dma_wait3A_272] : memref<32x128xi32, #tpu.memory_space<vmem>> -> memref<1x128xi32, #tpu.memory_space<vmem>>
        %dma_wait3A_274 = tpu.memref_squeeze %dma_wait3A_273 : memref<1x128xi32, #tpu.memory_space<vmem>> -> memref<128xi32, #tpu.memory_space<vmem>>
        %dma_wait3A_275 = arith.constant 0 : i32
        %dma_wait3A_276 = arith.constant 0 : i32
        %dma_wait3A_277 = tpu.memref_slice %arg8[%dma_wait3A_275, %dma_wait3A_276] : memref<10240x128xf32, #tpu.memory_space<vmem_shared>> -> memref<10240x128xf32, #tpu.memory_space<vmem_shared>>
        tpu.wait_indirect_dma semaphore(%run_scoped3A_265 : memref<!tpu.dma_semaphore, #tpu.memory_space<semaphore_mem>>) src(%arg6 : memref<128x128xf32, #tpu.memory_space<vmem>>) dst(%dma_wait3A_277 : memref<10240x128xf32, #tpu.memory_space<vmem_shared>>)
        tpu.yield
      }) : () -> ()
      %dma_wait3A_257 = arith.constant 23 : i32
      %dma_wait3A_258 = arith.constant 0 : i32
      %dma_wait3A_259 = tpu.memref_slice %arg5[%dma_wait3A_257, %dma_wait3A_258] : memref<32x128xi32, #tpu.memory_space<vmem>> -> memref<1x128xi32, #tpu.memory_space<vmem>>
      %dma_wait3A_260 = tpu.memref_squeeze %dma_wait3A_259 : memref<1x128xi32, #tpu.memory_space<vmem>> -> memref<128xi32, #tpu.memory_space<vmem>>
      %dma_wait3A_261 = arith.constant 0 : i32
      %dma_wait3A_262 = arith.constant 0 : i32
      %dma_wait3A_263 = tpu.memref_slice %arg2[%dma_wait3A_261, %dma_wait3A_262] : memref<10240x128xf32, #tpu.memory_space<hbm>> -> memref<10240x128xf32, #tpu.memory_space<hbm>>
      tpu.wait_indirect_dma semaphore(%arg10 : memref<!tpu.dma_semaphore, #tpu.memory_space<semaphore_mem>>) src(%dma_wait3A_263 : memref<10240x128xf32, #tpu.memory_space<hbm>>) dst(%arg7 : memref<128x128xf32, #tpu.memory_space<vmem>>)
      %run_scoped3A_264 = arith.constant 31 : i32
      "tpu.region"() ({
        %run_scoped3A_265 = tpu.sem_alloc : memref<!tpu.dma_semaphore, #tpu.memory_space<semaphore_mem>>
        %dma_start3A_266 = arith.constant 0 : i32
        %dma_start3A_267 = tpu.memref_slice %arg5[%run_scoped3A_264, %dma_start3A_266] : memref<32x128xi32, #tpu.memory_space<vmem>> -> memref<1x128xi32, #tpu.memory_space<vmem>>
        %dma_start3A_268 = tpu.memref_squeeze %dma_start3A_267 : memref<1x128xi32, #tpu.memory_space<vmem>> -> memref<128xi32, #tpu.memory_space<vmem>>
        %dma_start3A_269 = arith.constant 0 : i32
        %dma_start3A_270 = arith.constant 0 : i32
        %dma_start3A_271 = tpu.memref_slice %arg8[%dma_start3A_269, %dma_start3A_270] : memref<10240x128xf32, #tpu.memory_space<vmem_shared>> -> memref<10240x128xf32, #tpu.memory_space<vmem_shared>>
        tpu.enqueue_indirect_dma source(%arg7 : memref<128x128xf32, #tpu.memory_space<vmem>>) target(%dma_start3A_271 : memref<10240x128xf32, #tpu.memory_space<vmem_shared>>) offsets(%dma_start3A_268 : memref<128xi32, #tpu.memory_space<vmem>>) semaphore(%run_scoped3A_265 : memref<!tpu.dma_semaphore, #tpu.memory_space<semaphore_mem>>) {add = true}
        %dma_wait3A_272 = arith.constant 0 : i32
        %dma_wait3A_273 = tpu.memref_slice %arg5[%run_scoped3A_264, %dma_wait3A_272] : memref<32x128xi32, #tpu.memory_space<vmem>> -> memref<1x128xi32, #tpu.memory_space<vmem>>
        %dma_wait3A_274 = tpu.memref_squeeze %dma_wait3A_273 : memref<1x128xi32, #tpu.memory_space<vmem>> -> memref<128xi32, #tpu.memory_space<vmem>>
        %dma_wait3A_275 = arith.constant 0 : i32
        %dma_wait3A_276 = arith.constant 0 : i32
        %dma_wait3A_277 = tpu.memref_slice %arg8[%dma_wait3A_275, %dma_wait3A_276] : memref<10240x128xf32, #tpu.memory_space<vmem_shared>> -> memref<10240x128xf32, #tpu.memory_space<vmem_shared>>
        tpu.wait_indirect_dma semaphore(%run_scoped3A_265 : memref<!tpu.dma_semaphore, #tpu.memory_space<semaphore_mem>>) src(%arg7 : memref<128x128xf32, #tpu.memory_space<vmem>>) dst(%dma_wait3A_277 : memref<10240x128xf32, #tpu.memory_space<vmem_shared>>)
        tpu.yield
      }) : () -> ()
    }
    %scan3A_10 = arith.constant 5 : i32
    %barrier3A_11 = arith.constant 0 : index
    tpu.barrier barrier_id(%barrier3A_11)
    %mul3A_12 = arith.constant 640 : i32
    %mul3A_13 = arith.muli %arg1, %mul3A_12 : i32
    %mul3A_14 = arith.constant 10240 : i32
    %mul3A_15 = arith.muli %arg0, %mul3A_14 : i32
    %mul3A_16 = arith.constant 640 : i32
    %mul3A_17 = arith.muli %arg1, %mul3A_16 : i32
    %add3A_18 = arith.addi %mul3A_15, %mul3A_17 : i32
    "tpu.region"() ({
      %run_scoped3A = tpu.sem_alloc : memref<!tpu.dma_semaphore, #tpu.memory_space<semaphore_mem>>
      %dma_start3A = arith.constant 0 : i32
      %dma_start3A_19 = tpu.memref_slice %arg4[%add3A_18, %dma_start3A] : memref<20480x128xf32, #tpu.memory_space<hbm>> -> memref<640x128xf32, #tpu.memory_space<hbm>>
      %dma_start3A_20 = arith.constant 0 : i32
      %dma_start3A_21 = tpu.memref_slice %arg8[%mul3A_13, %dma_start3A_20] : memref<10240x128xf32, #tpu.memory_space<vmem_shared>> -> memref<640x128xf32, #tpu.memory_space<vmem_shared>>
      tpu.enqueue_dma source(%dma_start3A_21 : memref<640x128xf32, #tpu.memory_space<vmem_shared>>) target(%dma_start3A_19 : memref<640x128xf32, #tpu.memory_space<hbm>>) target_semaphore(%run_scoped3A : memref<!tpu.dma_semaphore, #tpu.memory_space<semaphore_mem>>)
      %dma_wait3A = arith.constant 0 : i32
      %dma_wait3A_22 = tpu.memref_slice %arg4[%add3A_18, %dma_wait3A] : memref<20480x128xf32, #tpu.memory_space<hbm>> -> memref<640x128xf32, #tpu.memory_space<hbm>>
      %dma_wait3A_23 = arith.constant 0 : i32
      %dma_wait3A_24 = tpu.memref_slice %arg8[%mul3A_13, %dma_wait3A_23] : memref<10240x128xf32, #tpu.memory_space<vmem_shared>> -> memref<640x128xf32, #tpu.memory_space<vmem_shared>>
      tpu.wait_dma2 semaphore(%run_scoped3A : memref<!tpu.dma_semaphore, #tpu.memory_space<semaphore_mem>>) src(%dma_wait3A_24 : memref<640x128xf32, #tpu.memory_space<vmem_shared>>) dst(%dma_wait3A_22 : memref<640x128xf32, #tpu.memory_space<hbm>>)
      tpu.yield
    }) : () -> ()
    return
  }
}

module attributes {stable_mosaic.version = 14 : i64} {
  func.func @body(%arg0: i32, %arg1: memref<2048x128xf32, #tpu.memory_space<vmem>>, %arg2: memref<2048x1xf32, #tpu.memory_space<vmem>>, %arg3: memref<2048x128xf32, #tpu.memory_space<vmem>>) attributes {dimension_semantics = [#tpu.dimension_semantics<arbitrary>], iteration_bounds = array<i64: 5>, scalar_prefetch = 0 : i64, scratch_operands = 0 : i64, tpu.core_type = #tpu.core_type<tc>, window_params = [{transform_indices = @transform_0, window_bounds = array<i64: 2048, 128>}, {transform_indices = @transform_1, window_bounds = array<i64: 2048, 1>}, {transform_indices = @transform_2, window_bounds = array<i64: 2048, 128>}]} {
    %get3A = arith.constant 0 : index
    %get3A_0 = arith.constant 0 : index
    %get3A_1 = vector.load %arg1[%get3A, %get3A_0] : memref<2048x128xf32, #tpu.memory_space<vmem>>, vector<2048x128xf32>
    %get3A_2 = arith.constant 0 : index
    %get3A_3 = arith.constant 0 : index
    %get3A_4 = vector.load %arg2[%get3A_2, %get3A_3] : memref<2048x1xf32, #tpu.memory_space<vmem>>, vector<2048x1xf32>
    %mul3A = vector.broadcast %get3A_4 : vector<2048x1xf32> to vector<2048x128xf32>
    %mul3A_5 = arith.mulf %get3A_1, %mul3A : vector<2048x128xf32>
    %swap3A = arith.constant 0 : index
    %swap3A_6 = arith.constant 0 : index
    %swap3A_7 = vector.load %arg3[%swap3A, %swap3A_6] : memref<2048x128xf32, #tpu.memory_space<vmem>>, vector<2048x128xf32>
    tpu.vector_store %arg3[%swap3A, %swap3A_6], %mul3A_5 {strides = array<i32>} : memref<2048x128xf32, #tpu.memory_space<vmem>>, vector<2048x128xf32>,
    return
  }
  func.func @transform_0(%arg0: i32) -> (i32, i32) {
    %c0_i32 = arith.constant 0 : i32
    %c0_i32_0 = arith.constant 0 : i32
    return %arg0, %c0_i32 : i32, i32
  }
  func.func @transform_1(%arg0: i32) -> (i32, i32) {
    %c0_i32 = arith.constant 0 : i32
    %c0_i32_0 = arith.constant 0 : i32
    return %arg0, %c0_i32 : i32, i32
  }
  func.func @transform_2(%arg0: i32) -> (i32, i32) {
    %c0_i32 = arith.constant 0 : i32
    %c0_i32_0 = arith.constant 0 : i32
    return %arg0, %c0_i32 : i32, i32
  }
}

module attributes {stable_mosaic.version = 14 : i64} {
  func.func @body(%arg0: i32, %arg1: memref<2x2048x128xf32, #tpu.memory_space<vmem>>, %arg2: memref<2048x128xf32, #tpu.memory_space<vmem>>, %arg3: memref<2048x1xf32, #tpu.memory_space<vmem>>, %arg4: memref<128x256xf32, #tpu.memory_space<vmem>>, %arg5: memref<1x256xf32, #tpu.memory_space<vmem>>, %arg6: memref<2x2048x128xf32, #tpu.memory_space<vmem>>) attributes {dimension_semantics = [#tpu.dimension_semantics<arbitrary>], iteration_bounds = array<i64: 5>, scalar_prefetch = 0 : i64, scratch_operands = 0 : i64, tpu.core_type = #tpu.core_type<tc>, window_params = [{transform_indices = @transform_0, window_bounds = array<i64: 2, 2048, 128>}, {transform_indices = @transform_1, window_bounds = array<i64: 2048, 128>}, {transform_indices = @transform_2, window_bounds = array<i64: 2048, 1>}, {pipeline_mode = #tpu.pipeline_mode<synchronous>, transform_indices = @transform_3, window_bounds = array<i64: 128, 256>}, {pipeline_mode = #tpu.pipeline_mode<synchronous>, transform_indices = @transform_4, window_bounds = array<i64: 1, 256>}, {transform_indices = @transform_5, window_bounds = array<i64: 2, 2048, 128>}]} {
    %get3A = arith.constant 0 : index
    %get3A_0 = arith.constant 0 : index
    %get3A_1 = arith.constant 0 : index
    %get3A_2 = vector.load %arg1[%get3A, %get3A_0, %get3A_1] : memref<2x2048x128xf32, #tpu.memory_space<vmem>>, vector<1x2048x128xf32>
    %get3A_3 = vector.shape_cast %get3A_2 : vector<1x2048x128xf32> to vector<2048x128xf32>
    %get3A_4 = arith.constant 1 : index
    %get3A_5 = arith.constant 0 : index
    %get3A_6 = arith.constant 0 : index
    %get3A_7 = vector.load %arg1[%get3A_4, %get3A_5, %get3A_6] : memref<2x2048x128xf32, #tpu.memory_space<vmem>>, vector<1x2048x128xf32>
    %get3A_8 = vector.shape_cast %get3A_7 : vector<1x2048x128xf32> to vector<2048x128xf32>
    %add3A = arith.addf %get3A_3, %get3A_8 : vector<2048x128xf32>
    %get3A_9 = arith.constant 0 : index
    %get3A_10 = arith.constant 0 : index
    %get3A_11 = vector.load %arg2[%get3A_9, %get3A_10] : memref<2048x128xf32, #tpu.memory_space<vmem>>, vector<2048x128xf32>
    %sub3A = arith.subf %add3A, %get3A_11 : vector<2048x128xf32>
    %get3A_12 = arith.constant 0 : index
    %get3A_13 = arith.constant 0 : index
    %get3A_14 = vector.load %arg3[%get3A_12, %get3A_13] : memref<2048x1xf32, #tpu.memory_space<vmem>>, vector<2048x1xf32>
    %mul3A = vector.broadcast %get3A_14 : vector<2048x1xf32> to vector<2048x128xf32>
    %mul3A_15 = arith.mulf %sub3A, %mul3A : vector<2048x128xf32>
    %get3A_16 = arith.constant 0 : index
    %get3A_17 = arith.constant 0 : index
    %get3A_18 = vector.load %arg4[%get3A_16, %get3A_17] : memref<128x256xf32, #tpu.memory_space<vmem>>, vector<128x256xf32>
    %dot_general3A = arith.constant dense<0.000000e+00> : vector<2048x256xf32>
    %dot_general3A_19 = tpu.matmul %mul3A_15, %get3A_18, %dot_general3A {dimension_numbers = #tpu.dot_dimension_numbers<[1], [0], [0], [1], [0, 0, 1, 1], [], []>, transpose_lhs_hint = false} : vector<2048x128xf32>, vector<128x256xf32>, vector<2048x256xf32> -> vector<2048x256xf32>
    %get3A_20 = arith.constant 0 : index
    %get3A_21 = arith.constant 0 : index
    %get3A_22 = vector.load %arg5[%get3A_20, %get3A_21] : memref<1x256xf32, #tpu.memory_space<vmem>>, vector<1x256xf32>
    %add3A_23 = vector.broadcast %get3A_22 : vector<1x256xf32> to vector<2048x256xf32>
    %add3A_24 = arith.addf %dot_general3A_19, %add3A_23 : vector<2048x256xf32>
    %max3A = arith.constant 0.000000e+00 : f32
    %max3A_25 = vector.broadcast %max3A : f32 to vector<2048x256xf32>
    %max3A_26 = arith.maximumf %add3A_24, %max3A_25 : vector<2048x256xf32>
    %get3A_27 = arith.constant 0 : index
    %get3A_28 = arith.constant 0 : index
    %get3A_29 = vector.load %arg3[%get3A_27, %get3A_28] : memref<2048x1xf32, #tpu.memory_space<vmem>>, vector<2048x1xf32>
    %mul3A_30 = vector.broadcast %get3A_29 : vector<2048x1xf32> to vector<2048x256xf32>
    %mul3A_31 = arith.mulf %max3A_26, %mul3A_30 : vector<2048x256xf32>
    %slice3A = vector.extract_strided_slice %mul3A_31 {offsets = [0, 0], sizes = [2048, 128], strides = [1, 1]} : vector<2048x256xf32> to vector<2048x128xf32>
    %swap3A = arith.constant 0 : index
    %swap3A_32 = arith.constant 0 : index
    %swap3A_33 = arith.constant 0 : index
    %swap3A_34 = vector.load %arg6[%swap3A, %swap3A_32, %swap3A_33] : memref<2x2048x128xf32, #tpu.memory_space<vmem>>, vector<1x2048x128xf32>
    %swap3A_35 = vector.shape_cast %swap3A_34 : vector<1x2048x128xf32> to vector<2048x128xf32>
    %swap3A_36 = vector.shape_cast %slice3A : vector<2048x128xf32> to vector<1x2048x128xf32>
    tpu.vector_store %arg6[%swap3A, %swap3A_32, %swap3A_33], %swap3A_36 {strides = array<i32>} : memref<2x2048x128xf32, #tpu.memory_space<vmem>>, vector<1x2048x128xf32>,
    %slice3A_37 = vector.extract_strided_slice %mul3A_31 {offsets = [0, 128], sizes = [2048, 128], strides = [1, 1]} : vector<2048x256xf32> to vector<2048x128xf32>
    %swap3A_38 = arith.constant 1 : index
    %swap3A_39 = arith.constant 0 : index
    %swap3A_40 = arith.constant 0 : index
    %swap3A_41 = vector.load %arg6[%swap3A_38, %swap3A_39, %swap3A_40] : memref<2x2048x128xf32, #tpu.memory_space<vmem>>, vector<1x2048x128xf32>
    %swap3A_42 = vector.shape_cast %swap3A_41 : vector<1x2048x128xf32> to vector<2048x128xf32>
    %swap3A_43 = vector.shape_cast %slice3A_37 : vector<2048x128xf32> to vector<1x2048x128xf32>
    tpu.vector_store %arg6[%swap3A_38, %swap3A_39, %swap3A_40], %swap3A_43 {strides = array<i32>} : memref<2x2048x128xf32, #tpu.memory_space<vmem>>, vector<1x2048x128xf32>,
    return
  }
  func.func @transform_0(%arg0: i32) -> (i32, i32, i32) {
    %c0_i32 = arith.constant 0 : i32
    %c0_i32_0 = arith.constant 0 : i32
    %c0_i32_1 = arith.constant 0 : i32
    return %c0_i32, %arg0, %c0_i32_0 : i32, i32, i32
  }
  func.func @transform_1(%arg0: i32) -> (i32, i32) {
    %c0_i32 = arith.constant 0 : i32
    %c0_i32_0 = arith.constant 0 : i32
    return %arg0, %c0_i32 : i32, i32
  }
  func.func @transform_2(%arg0: i32) -> (i32, i32) {
    %c0_i32 = arith.constant 0 : i32
    %c0_i32_0 = arith.constant 0 : i32
    return %arg0, %c0_i32 : i32, i32
  }
  func.func @transform_3(%arg0: i32) -> (i32, i32) {
    %c0_i32 = arith.constant 0 : i32
    %c0_i32_0 = arith.constant 0 : i32
    %c0_i32_1 = arith.constant 0 : i32
    return %c0_i32, %c0_i32_0 : i32, i32
  }
  func.func @transform_4(%arg0: i32) -> (i32, i32) {
    %c0_i32 = arith.constant 0 : i32
    %c0_i32_0 = arith.constant 0 : i32
    %c0_i32_1 = arith.constant 0 : i32
    return %c0_i32, %c0_i32_0 : i32, i32
  }
  func.func @transform_5(%arg0: i32) -> (i32, i32, i32) {
    %c0_i32 = arith.constant 0 : i32
    %c0_i32_0 = arith.constant 0 : i32
    %c0_i32_1 = arith.constant 0 : i32
    return %c0_i32, %arg0, %c0_i32_0 : i32, i32, i32
  }
}

module attributes {stable_mosaic.version = 14 : i64} {
  func.func @body(%arg0: i32, %arg1: memref<2x2048x128xf32, #tpu.memory_space<vmem>>, %arg2: memref<2048x1xf32, #tpu.memory_space<vmem>>, %arg3: memref<256x512xf32, #tpu.memory_space<vmem>>, %arg4: memref<1x512xf32, #tpu.memory_space<vmem>>, %arg5: memref<512x128xf32, #tpu.memory_space<vmem>>, %arg6: memref<2048x128xf32, #tpu.memory_space<vmem>>) attributes {dimension_semantics = [#tpu.dimension_semantics<arbitrary>], iteration_bounds = array<i64: 5>, scalar_prefetch = 0 : i64, scratch_operands = 0 : i64, tpu.core_type = #tpu.core_type<tc>, window_params = [{transform_indices = @transform_0, window_bounds = array<i64: 2, 2048, 128>}, {transform_indices = @transform_1, window_bounds = array<i64: 2048, 1>}, {pipeline_mode = #tpu.pipeline_mode<synchronous>, transform_indices = @transform_2, window_bounds = array<i64: 256, 512>}, {pipeline_mode = #tpu.pipeline_mode<synchronous>, transform_indices = @transform_3, window_bounds = array<i64: 1, 512>}, {pipeline_mode = #tpu.pipeline_mode<synchronous>, transform_indices = @transform_4, window_bounds = array<i64: 512, 128>}, {transform_indices = @transform_5, window_bounds = array<i64: 2048, 128>}]} {
    %get3A = arith.constant 0 : index
    %get3A_0 = arith.constant 0 : index
    %get3A_1 = arith.constant 0 : index
    %get3A_2 = vector.load %arg1[%get3A, %get3A_0, %get3A_1] : memref<2x2048x128xf32, #tpu.memory_space<vmem>>, vector<1x2048x128xf32>
    %get3A_3 = vector.shape_cast %get3A_2 : vector<1x2048x128xf32> to vector<2048x128xf32>
    %get3A_4 = arith.constant 1 : index
    %get3A_5 = arith.constant 0 : index
    %get3A_6 = arith.constant 0 : index
    %get3A_7 = vector.load %arg1[%get3A_4, %get3A_5, %get3A_6] : memref<2x2048x128xf32, #tpu.memory_space<vmem>>, vector<1x2048x128xf32>
    %get3A_8 = vector.shape_cast %get3A_7 : vector<1x2048x128xf32> to vector<2048x128xf32>
    %concatenate3A = tpu.concatenate %get3A_3, %get3A_8 in 1 : vector<2048x128xf32>, vector<2048x128xf32> -> vector<2048x256xf32>
    %get3A_9 = arith.constant 0 : index
    %get3A_10 = arith.constant 0 : index
    %get3A_11 = vector.load %arg2[%get3A_9, %get3A_10] : memref<2048x1xf32, #tpu.memory_space<vmem>>, vector<2048x1xf32>
    %mul3A = vector.broadcast %get3A_11 : vector<2048x1xf32> to vector<2048x256xf32>
    %mul3A_12 = arith.mulf %concatenate3A, %mul3A : vector<2048x256xf32>
    %get3A_13 = arith.constant 0 : index
    %get3A_14 = arith.constant 0 : index
    %get3A_15 = vector.load %arg3[%get3A_13, %get3A_14] : memref<256x512xf32, #tpu.memory_space<vmem>>, vector<256x512xf32>
    %dot_general3A = arith.constant dense<0.000000e+00> : vector<2048x512xf32>
    %dot_general3A_16 = tpu.matmul %mul3A_12, %get3A_15, %dot_general3A {dimension_numbers = #tpu.dot_dimension_numbers<[1], [0], [0], [1], [0, 0, 1, 1], [], []>, transpose_lhs_hint = false} : vector<2048x256xf32>, vector<256x512xf32>, vector<2048x512xf32> -> vector<2048x512xf32>
    %get3A_17 = arith.constant 0 : index
    %get3A_18 = arith.constant 0 : index
    %get3A_19 = vector.load %arg4[%get3A_17, %get3A_18] : memref<1x512xf32, #tpu.memory_space<vmem>>, vector<1x512xf32>
    %add3A = vector.broadcast %get3A_19 : vector<1x512xf32> to vector<2048x512xf32>
    %add3A_20 = arith.addf %dot_general3A_16, %add3A : vector<2048x512xf32>
    %max3A = arith.constant 0.000000e+00 : f32
    %max3A_21 = vector.broadcast %max3A : f32 to vector<2048x512xf32>
    %max3A_22 = arith.maximumf %add3A_20, %max3A_21 : vector<2048x512xf32>
    %get3A_23 = arith.constant 0 : index
    %get3A_24 = arith.constant 0 : index
    %get3A_25 = vector.load %arg5[%get3A_23, %get3A_24] : memref<512x128xf32, #tpu.memory_space<vmem>>, vector<512x128xf32>
    %dot_general3A_26 = arith.constant dense<0.000000e+00> : vector<2048x128xf32>
    %dot_general3A_27 = tpu.matmul %max3A_22, %get3A_25, %dot_general3A_26 {dimension_numbers = #tpu.dot_dimension_numbers<[1], [0], [0], [1], [0, 0, 1, 1], [], []>, transpose_lhs_hint = false} : vector<2048x512xf32>, vector<512x128xf32>, vector<2048x128xf32> -> vector<2048x128xf32>
    %get3A_28 = arith.constant 0 : index
    %get3A_29 = arith.constant 0 : index
    %get3A_30 = vector.load %arg2[%get3A_28, %get3A_29] : memref<2048x1xf32, #tpu.memory_space<vmem>>, vector<2048x1xf32>
    %mul3A_31 = vector.broadcast %get3A_30 : vector<2048x1xf32> to vector<2048x128xf32>
    %mul3A_32 = arith.mulf %dot_general3A_27, %mul3A_31 : vector<2048x128xf32>
    %swap3A = arith.constant 0 : index
    %swap3A_33 = arith.constant 0 : index
    %swap3A_34 = vector.load %arg6[%swap3A, %swap3A_33] : memref<2048x128xf32, #tpu.memory_space<vmem>>, vector<2048x128xf32>
    tpu.vector_store %arg6[%swap3A, %swap3A_33], %mul3A_32 {strides = array<i32>} : memref<2048x128xf32, #tpu.memory_space<vmem>>, vector<2048x128xf32>,
    return
  }
  func.func @transform_0(%arg0: i32) -> (i32, i32, i32) {
    %c0_i32 = arith.constant 0 : i32
    %c0_i32_0 = arith.constant 0 : i32
    %c0_i32_1 = arith.constant 0 : i32
    return %c0_i32, %arg0, %c0_i32_0 : i32, i32, i32
  }
  func.func @transform_1(%arg0: i32) -> (i32, i32) {
    %c0_i32 = arith.constant 0 : i32
    %c0_i32_0 = arith.constant 0 : i32
    return %arg0, %c0_i32 : i32, i32
  }
  func.func @transform_2(%arg0: i32) -> (i32, i32) {
    %c0_i32 = arith.constant 0 : i32
    %c0_i32_0 = arith.constant 0 : i32
    %c0_i32_1 = arith.constant 0 : i32
    return %c0_i32, %c0_i32_0 : i32, i32
  }
  func.func @transform_3(%arg0: i32) -> (i32, i32) {
    %c0_i32 = arith.constant 0 : i32
    %c0_i32_0 = arith.constant 0 : i32
    %c0_i32_1 = arith.constant 0 : i32
    return %c0_i32, %c0_i32_0 : i32, i32
  }
  func.func @transform_4(%arg0: i32) -> (i32, i32) {
    %c0_i32 = arith.constant 0 : i32
    %c0_i32_0 = arith.constant 0 : i32
    %c0_i32_1 = arith.constant 0 : i32
    return %c0_i32, %c0_i32_0 : i32, i32
  }
  func.func @transform_5(%arg0: i32) -> (i32, i32) {
    %c0_i32 = arith.constant 0 : i32
    %c0_i32_0 = arith.constant 0 : i32
    return %arg0, %c0_i32 : i32, i32
  }
}

module attributes {stable_mosaic.version = 14 : i64} {
  func.func @body(%arg0: i32, %arg1: memref<2x2000x128xf32, #tpu.memory_space<vmem>>, %arg2: memref<2000x128xf32, #tpu.memory_space<vmem>>, %arg3: memref<2000x1xf32, #tpu.memory_space<vmem>>, %arg4: memref<1x128xf32, #tpu.memory_space<vmem>>, %arg5: memref<2000x128xf32, #tpu.memory_space<vmem>>) attributes {dimension_semantics = [#tpu.dimension_semantics<arbitrary>], iteration_bounds = array<i64: 5>, scalar_prefetch = 0 : i64, scratch_operands = 0 : i64, tpu.core_type = #tpu.core_type<tc>, window_params = [{transform_indices = @transform_0, window_bounds = array<i64: 2, 2000, 128>}, {transform_indices = @transform_1, window_bounds = array<i64: 2000, 128>}, {transform_indices = @transform_2, window_bounds = array<i64: 2000, 1>}, {pipeline_mode = #tpu.pipeline_mode<synchronous>, transform_indices = @transform_3, window_bounds = array<i64: 1, 128>}, {transform_indices = @transform_4, window_bounds = array<i64: 2000, 128>}]} {
    %get3A = arith.constant 0 : index
    %get3A_0 = arith.constant 0 : index
    %get3A_1 = arith.constant 0 : index
    %get3A_2 = vector.load %arg1[%get3A, %get3A_0, %get3A_1] : memref<2x2000x128xf32, #tpu.memory_space<vmem>>, vector<1x2000x128xf32>
    %get3A_3 = vector.shape_cast %get3A_2 : vector<1x2000x128xf32> to vector<2000x128xf32>
    %get3A_4 = arith.constant 1 : index
    %get3A_5 = arith.constant 0 : index
    %get3A_6 = arith.constant 0 : index
    %get3A_7 = vector.load %arg1[%get3A_4, %get3A_5, %get3A_6] : memref<2x2000x128xf32, #tpu.memory_space<vmem>>, vector<1x2000x128xf32>
    %get3A_8 = vector.shape_cast %get3A_7 : vector<1x2000x128xf32> to vector<2000x128xf32>
    %add3A = arith.addf %get3A_3, %get3A_8 : vector<2000x128xf32>
    %get3A_9 = arith.constant 0 : index
    %get3A_10 = arith.constant 0 : index
    %get3A_11 = vector.load %arg2[%get3A_9, %get3A_10] : memref<2000x128xf32, #tpu.memory_space<vmem>>, vector<2000x128xf32>
    %sub3A = arith.subf %add3A, %get3A_11 : vector<2000x128xf32>
    %get3A_12 = arith.constant 0 : index
    %get3A_13 = arith.constant 0 : index
    %get3A_14 = vector.load %arg3[%get3A_12, %get3A_13] : memref<2000x1xf32, #tpu.memory_space<vmem>>, vector<2000x1xf32>
    %mul3A = vector.broadcast %get3A_14 : vector<2000x1xf32> to vector<2000x128xf32>
    %mul3A_15 = arith.mulf %sub3A, %mul3A : vector<2000x128xf32>
    %get3A_16 = arith.constant 0 : index
    %get3A_17 = arith.constant 0 : index
    %get3A_18 = vector.load %arg4[%get3A_16, %get3A_17] : memref<1x128xf32, #tpu.memory_space<vmem>>, vector<1x128xf32>
    %add3A_19 = vector.broadcast %get3A_18 : vector<1x128xf32> to vector<2000x128xf32>
    %add3A_20 = arith.addf %mul3A_15, %add3A_19 : vector<2000x128xf32>
    %swap3A = arith.constant 0 : index
    %swap3A_21 = arith.constant 0 : index
    %swap3A_22 = vector.load %arg5[%swap3A, %swap3A_21] : memref<2000x128xf32, #tpu.memory_space<vmem>>, vector<2000x128xf32>
    tpu.vector_store %arg5[%swap3A, %swap3A_21], %add3A_20 {strides = array<i32>} : memref<2000x128xf32, #tpu.memory_space<vmem>>, vector<2000x128xf32>,
    return
  }
  func.func @transform_0(%arg0: i32) -> (i32, i32, i32) {
    %c0_i32 = arith.constant 0 : i32
    %c0_i32_0 = arith.constant 0 : i32
    %c0_i32_1 = arith.constant 0 : i32
    return %c0_i32, %arg0, %c0_i32_0 : i32, i32, i32
  }
  func.func @transform_1(%arg0: i32) -> (i32, i32) {
    %c0_i32 = arith.constant 0 : i32
    %c0_i32_0 = arith.constant 0 : i32
    return %arg0, %c0_i32 : i32, i32
  }
  func.func @transform_2(%arg0: i32) -> (i32, i32) {
    %c0_i32 = arith.constant 0 : i32
    %c0_i32_0 = arith.constant 0 : i32
    return %arg0, %c0_i32 : i32, i32
  }
  func.func @transform_3(%arg0: i32) -> (i32, i32) {
    %c0_i32 = arith.constant 0 : i32
    %c0_i32_0 = arith.constant 0 : i32
    %c0_i32_1 = arith.constant 0 : i32
    return %c0_i32, %c0_i32_0 : i32, i32
  }
  func.func @transform_4(%arg0: i32) -> (i32, i32) {
    %c0_i32 = arith.constant 0 : i32
    %c0_i32_0 = arith.constant 0 : i32
    return %arg0, %c0_i32 : i32, i32
  }
}

</mosaic_0001>

<sc_bundles>
// kernel: kernel.10.cloned.1.call-start
scs
__scs_entry_jumppad:
0x0: {  	(pc) =	sbr.rel $0x88, $3  }
0x1: {  	(tag) =	ssettag $0x0;
	lr =	simm.s32 $0x1  }
0x2: {  	[smem:$0x3F99] =	sst lr;
	_ =	strace $0xD0000000  }
0x3: {  	_ = 	snop  }
0x4: {  	_ = 	snop  }
0x5: {  	_ = 	snop  }
0x6: {  	_ = 	snop  }
0x7: {  	_ = 	snop  }
__scs_overlays_trampoline_lowered:
0x8: {  	[smem:$0x3FA8] =	sst s0  }
0x9: {  	[smem:$0x3FA9] =	sst s1  }
0xa: {  	[smem:$0x3FAA] =	sst s2  }
0xb: {  	[smem:$0x3FAB] =	sst s3  }
0xc: {  	[smem:$0x3FAC] =	sst s4  }
0xd: {  	[smem:$0x3FAD] =	sst s5  }
0xe: {  	[smem:$0x3FAE] =	sst s6  }
0xf: {  	[smem:$0x3FAF] =	sst s7  }
0x10: {  	[smem:$0x3FB0] =	sst s8  }
0x11: {  	[smem:$0x3FB1] =	sst s9;
	s0 =	simm.s32 @!p0 $0x0  }
0x12: {  	s1 =	sld [smem:$0x3F97];
	s0 =	simm.s32 @p0 $0x1  }
0x13: {  	[smem:$0x3FB2] =	sst s0;
	s0 =	simm.s32 @!p1 $0x0  }
0x14: {  	s2 =	sld [smem:$0x3F96];
	s0 =	simm.s32 @p1 $0x1  }
0x15: {  	[smem:$0x3FB3] =	sst s0;
	s0 =	simm.s32 @!p2 $0x0  }
0x16: {  	s3 =	sld [smem:$0x3FDB];
	s0 =	simm.s32 @p2 $0x1  }
0x17: {  	s4 =	simm.s32 $0x1BF5;
	[smem:$0x3FB5] =	sst s0  }
0x18: {  	s0 =	sld [smem:$0x3F98];
	_ =	swait.ge [sflag:s4], $0x0  }
0x19: {  	s7 =	sld [smem:$0x3F99]  }
0x1a: {  	s8 =	sadd.s32 $0xFFFFE003, lr  }
0x1b: {  	s9 =	sadd.s32 $0xFFFFFEF7, lr;
	s5 =	simm.s32 $0xFFFFFFFF;
	p2 =	slt.u32 s8, $0xFFFFF086  }
0x1c: {  	p1 =	slt.u32 s9, $0xF7A;
	s5 =	simm.s32 @!p2 $0x0  }
0x1d: {  	s5 =	simm.s32 @p1 $0x1;
	p0 =	seq.s32 s7, s2  }
0x1e: {  	s7 =	smul.u32 @!p0 $0xF7A, s2;
	p2 =	seq.s32 @!p0 s5, $0x0  }
0x1f: {  	s9 =	smul.u32 $0xF7A, s1;
	s8 =	simm.s32 @!p0 $0x1BF5;
	p2 =	por !p2, p0  }
0x20: {  	[sflag:s8] =	ssyncset.s32 @!p0 $0xFFFFF086;
	s6 =	sadd.s32 @!p0 s3, s7;
	s7 =	simm.s32 @!p0 $0x108  }
0x21: {  	s3 =	sadd.s32 s3, s9;
	s6 =	sadd.s32 @!p0 $0x88, s6;
	s7 =	simm.s32 @p2 $0x1082  }
0x22: {  	[simem:s7], [sflag:s8] =	dma.local @!p0 [hbm:s6], $0xF7A  }
0x23: {  	s9 =	sor.u32 $0xD0000000, s2;
	s6 =	simm.s32 $0x108;
	_ =	swait.ge @!p0 [sflag:s8], $0x0  }
0x24: {  	s3 =	sadd.s32 $0x88, s3;
	s6 =	simm.s32 @!p1 $0x1082;
	[sflag:s4] =	ssyncset.s32 $0xFFFFF086  }
0x25: {  	[simem:s6], [sflag:s4] =	dma.local [hbm:s3], $0xF7A  }
0x26: {  	[smem:$0x3F99] =	sst s1;
	(tag) =	ssettag s2;
	_ =	strace s9  }
0x27: {  	s1 =	sld [smem:$0x3FA9]  }
0x28: {  	s2 =	sld [smem:$0x3FAA]  }
0x29: {  	s4 =	sld [smem:$0x3FAC]  }
0x2a: {  	p0 =	seq.s32 s5, $0x0;
	s5 =	sld [smem:$0x3FAD]  }
0x2b: {  	s6 =	sld [smem:$0x3FAE]  }
0x2c: {  	s7 =	sld [smem:$0x3FAF]  }
0x2d: {  	s3 =	simm.s32 $0x108;
	s8 =	sld [smem:$0x3FB0]  }
0x2e: {  	s3 =	simm.s32 @!p0 $0x1082;
	s9 =	sld [smem:$0x3FB1]  }
0x2f: {  	lr =	sadd.s32 s0, s3;
	s0 =	sld [smem:$0x3FA8]  }
0x30: {  	s3 =	sld [smem:$0x3FAB]  }
0x31: {  	[smem:$0x3FB4] =	sst s10  }
0x32: {  	s10 =	sld [smem:$0x3FB2];
	_ =	sdelay $0x3  }
0x33: {  	p0 =	seq.s32 s10, $0x1;
	s10 =	sld [smem:$0x3FB4];
	_ =	sdelay $0x3  }
0x34: {  	[smem:$0x3FB4] =	sst s10  }
0x35: {  	s10 =	sld [smem:$0x3FB3];
	_ =	sdelay $0x3  }
0x36: {  	p1 =	seq.s32 s10, $0x1;
	s10 =	sld [smem:$0x3FB4];
	_ =	sdelay $0x3  }
0x37: {  	[smem:$0x3FB4] =	sst s10  }
0x38: {  	s10 =	sld [smem:$0x3FB5]  }
0x39: {  	_ = 	snop;
	(pc) =	sbr.ind lr, $3  }
0x3a: {  	_ = 	snop  }
0x3b: {  	_ = 	snop  }
0x3c: {  	p2 =	seq.s32 s10, $0x1;
	s10 =	sld [smem:$0x3FB4]  }
0x3d: {  	_ =	shalt  }
0x3e: {  	_ =	shalt  }
0x3f: {  	_ =	shalt  }
0x40: {  	_ =	shalt  }
0x41: {  	_ =	shalt  }
0x42: {  	_ =	shalt  }
0x43: {  	_ =	shalt  }
0x44: {  	_ =	shalt  }
0x45: {  	_ =	shalt  }
0x46: {  	_ =	shalt  }
0x47: {  	_ =	shalt  }
0x48: {  	_ =	shalt  }
0x49: {  	_ =	shalt  }
0x4a: {  	_ =	shalt  }
0x4b: {  	_ =	shalt  }
0x4c: {  	_ =	shalt  }
0x4d: {  	_ =	shalt  }
0x4e: {  	_ =	shalt  }
0x4f: {  	_ =	shalt  }
0x50: {  	_ =	shalt  }
0x51: {  	_ =	shalt  }
0x52: {  	_ =	shalt  }
0x53: {  	_ =	shalt  }
0x54: {  	_ =	shalt  }
0x55: {  	_ =	shalt  }
0x56: {  	_ =	shalt  }
0x57: {  	_ =	shalt  }
0x58: {  	_ =	shalt  }
0x59: {  	_ =	shalt  }
0x5a: {  	_ =	shalt  }
0x5b: {  	_ =	shalt  }
0x5c: {  	_ =	shalt  }
0x5d: {  	_ =	shalt  }
0x5e: {  	_ =	shalt  }
0x5f: {  	_ =	shalt  }
0x60: {  	_ =	shalt  }
0x61: {  	_ =	shalt  }
0x62: {  	_ =	shalt  }
0x63: {  	_ =	shalt  }
0x64: {  	_ =	shalt  }
0x65: {  	_ =	shalt  }
0x66: {  	_ =	shalt  }
0x67: {  	_ =	shalt  }
0x68: {  	_ =	shalt  }
0x69: {  	_ =	shalt  }
0x6a: {  	_ =	shalt  }
0x6b: {  	_ =	shalt  }
0x6c: {  	_ =	shalt  }
0x6d: {  	_ =	shalt  }
0x6e: {  	_ =	shalt  }
0x6f: {  	_ =	shalt  }
0x70: {  	_ =	shalt  }
0x71: {  	_ =	shalt  }
0x72: {  	_ =	shalt  }
0x73: {  	_ =	shalt  }
0x74: {  	_ =	shalt  }
0x75: {  	_ =	shalt  }
0x76: {  	_ =	shalt  }
0x77: {  	_ =	shalt  }
0x78: {  	_ =	shalt  }
0x79: {  	_ =	shalt  }
0x7a: {  	_ =	shalt  }
0x7b: {  	_ =	shalt  }
0x7c: {  	_ =	shalt  }
0x7d: {  	_ =	shalt  }
0x7e: {  	_ =	shalt  }
0x7f: {  	_ =	shalt  }
0x80: {  	_ =	shalt  }
0x81: {  	_ =	shalt  }
0x82: {  	_ =	shalt  }
0x83: {  	_ =	shalt  }
0x84: {  	_ =	shalt  }
0x85: {  	_ =	shalt  }
0x86: {  	_ =	shalt  }
0x87: {  	_ =	shalt  }
.Lfunc_end0:
.L_simem_size_0:
called_computation_lowered:
.L_overlay_start_0:
0x88: {  	s2 =	sld [smem:$0x3FD9]  }
0x89: {  	s3 =	sld [smem:$0x3FFE];
	_ =	sdelay $0x1  }
0x8a: {  	s1 =	srdreg.scid  }
0x8b: {  	s0 =	sand.u32 $0x1, s1  }
0x8c: {  	s17 =	sshll.u32 s0, $0xA;
	s2 =	sadd.s32 s3, s2  }
0x8d: {  	s2 =	sadd.s32 s2, s17  }
0x8e: {  	[smem:$0x3FC0] =	sst s2  }
0x8f: {  	_ = 	snop  }
0x90: {  	s2 =	sld [smem:$0x3FD0];
	(tm) =	ssettm $0x1  }
0x91: {  	s18 =	sld [smem:$0x3FFB];
	_ =	sdelay $0x3  }
0x92: {  	_ =	strace s18  }
0x93: {  	s3 =	sld [smem:$0x3FFC];
	_ =	sdelay $0x3  }
0x94: {  	_ =	strace s3  }
0x95: {  	s3 =	sld [smem:$0x3FFD];
	_ =	sdelay $0x3  }
0x96: {  	_ =	strace s3  }
0x97: {  	_ =	strace $0x8FFFFFFF  }
0x98: {  	s19 =	sld [smem:$0x3FDB];
	_ =	sdelay $0x1  }
0x99: {  	s4 =	simm.s32 $_scs_section_size  }
0x9a: {  	s5 =	simm.s32 $_size__tile_overlayer_lowered;
	s6 =	simm.s32 $_tile_overlayer_lowered  }
0x9b: {  	s22 =	simm.s32 $0x1BFF;
	s21 =	sshll.u32 s6, $0x1;
	s3 =	sadd.s32 s4, s19  }
0x9c: {  	s7 =	simm.s32 $0x0;
	s20 =	sshll.u32 s5, $0x1;
	s5 =	sadd.s32 s21, s3  }
0x9d: {  	[timem:s7], [sflag:s22] =	dma.local [hbm:s5], s20  }
0x9e: {  	_ =	swait.ge [sflag:s22], s20  }
0x9f: {  	s4 =	ssub.s32 $0x0, s20;
	[sflag:s22] =	ssyncset.done $0x0  }
0xa0: {  	[sflag:s22] =	ssyncadd.s32 s4;
	_ =	sdelay $0x1  }
0xa1: {  	s23 =	simm.s32 $0x1B8B  }
0xa2: {  	_ =	swait.ge [sflag:s23], $0x1  }
0xa3: {  	[sflag:s23] =	ssyncset.done $0x0  }
0xa4: {  	s25 =	simm.s32 $0x1B8E;
	s24 =	sld [smem:$0x3FFE];
	[sflag:s23] =	ssyncadd.s32 $0xFFFFFFFF  }
0xa5: {  	s26 =	simm.s32 $execute0_lowered;
	[smem:$0x3FD2] =	sst s25  }
0xa6: {  	s5 =	sshll.u32 s26, $0x1;
	_ =	strace $0x80000046;
	[dreg:$0x1] =	wrdreg $0xFFFFFFFF  }
0xa7: {  	s28 =	simm.s32 $_size_execute0_lowered;
	s3 =	sadd.s32 s3, s5;
	[dreg:$0x0] =	wrdreg $0x0  }
0xa8: {  	s5 =	sshll.u32 s28, $0x1;
	[dreg:$0x2] =	wrdreg s3  }
0xa9: {  	[dreg:$0x3] =	wrdreg s5  }
0xaa: {  	[dreg:$0x4] =	wrdreg $0xC0  }
0xab: {  	_ =	task [dreg:s7], $0x5FFFF  }
0xac: {  	[dreg:$0x1] =	wrdreg $0xFFFFFFFF  }
0xad: {  	[dreg:$0x0] =	wrdreg $0x60  }
0xae: {  	[dreg:$0x2] =	wrdreg s2  }
0xaf: {  	[dreg:$0x3] =	wrdreg s24  }
0xb0: {  	[dreg:$0x4] =	wrdreg $0x9  }
0xb1: {  	_ =	task.clear_ibuf [dreg:s7], $0x5FFFF;
	_ =	strace $0x90000046  }
0xb2: {  	s29 =	simm.s32 $0x9;
	_ =	strace $0x80000048  }
0xb3: {  	_ =	swait.ge [sflag:s29], $0x1  }
0xb4: {  	[sflag:s29] =	ssyncadd.s32 $0xFFFFFFFF  }
0xb5: {  	_ =	strace $0x90000048  }
0xb6: {  	_ =	sfence  }
0xb7: {  	s30 =	sld [smem:$0x0];
	_ =	sdelay $0x2  }
0xb8: {  	s31 =	sshll.u32 s1, $0xD;
	s1 =	sshrl.u32 s1, $0x2  }
0xb9: {  	s3 =	sand.u32 $0x4000, s31;
	s1 =	sadd.s32 s1, s30  }
0xba: {  	s0 =	sor.u32 s3, s0;
	s1 =	sshll.u32 s1, $0x11  }
0xbb: {  	s0 =	sor.u32 s1, s0  }
0xbc: {  	s0 =	sadd.s32 $0x8F2B, s0  }
0xbd: {  	[sflag:s0] =	ssyncadd.remote.s32 $0x1  }
0xbe: {  	_ =	sfence.sel $0xFFFF  }
0xbf: {  	[dreg:$0x0] =	wrdreg $0xFFFFFFFF;
	(pc) =	sbr.abs _section_cstart, $3  }
0xc0: {  	[dreg:$0x1] =	wrdreg $0xFFFFFFFF  }
0xc1: {  	_ =	task.clear_ibuf [dreg:s7], $0x2FFFF;
	_ =	strace $0x9FFFFFFF  }
0xc2: {  	(tm) =	ssettm $0x7FFFFFFF  }
0xc3: {  	_ =	shalt  }
tec
execute0_lowered:
.L_overlay_start_1:
0x0: {  	(tag) =	ssettag $0x1  }
0x1: {  	s3 =	rddreg [dreg:$0x0];
	s1 =	srdreg.scid  }
0x2: {  	s0 =	stileid.u32;
	s4 =	rddreg [dreg:$0x1]  }
0x3: {  	s8 =	simm.s32 $0x0;
	s5 =	sand.u32 $0x1, s1;
	s2 =	sshll.u32 s0, $0x1  }
0x4: {  	s6 =	sor.u32 s5, s2;
	s2 =	simm.s32 $0x0;
	s5 =	ssub.s32 $0x2, s5  }
0x5: {  	s6 =	smul.u32 $0x4E2, s6;
	[smem:$0x7FF] =	sst s2;
	s7 =	sshrl.u32 s5, $0x1  }
0x6: {  	s1 =	rddreg [dreg:$0x2];
	_ =	strace $0x80000047;
	s5 =	ssub.s32 s5, s7  }
0x7: {  	s7 =	simm.s32 $0x2780;
	s4 =	sadd.s32 s6, s4;
	s3 =	sadd.s32 s3, s6  }
0x8: {  	v0 =	vimm.f32 $0.0e+00;
	v1 =	vimm.f32 $1.000000000e+00;
	s5 =	smax.u32 s5, $0x1;
	s6 =	simm.s32 $0x1;
	s4 =	sadd.s32 $0x3200, s4  }
.LBB2_1:
0x9: {  	s9 =	simm.s32 $0x40;
	s10 =	simm.s32 $0x0  }
.LBB2_2:
0xa: {  	p0 =	sne.s32 s9, $0x9C00;
	[tilespmem:s10+$0x2780] =	vst v0;
	s10 =	smov.u32 s9;
	s9 =	sadd.s32 $0x40, s9  }
.Ltmp0:
0xb: {  	(pc) =	sbr.rel @p0 .LBB2_2-.Ltmp0, $2  }
0xc: {  	_ =	sdelay $0x2  }
0xd: {  	s10 =	sshra.s32 s10, $0x2  }
0xe: {  	[tilespmem:s10+$0x2780] =	vst v0;
	s9 =	simm.s32 $0x0  }
0xf: {  	[tilespmem:s9], [sflag:$0x1] =	stream.linear.gather [hbm4b:s3+s9], $0x2710, $0x38;
	[tilespmem:$0x4F00] =	vst v63  }
0x10: {  	_ =	swait.ge [sflag:s6], $0x2710  }
0x11: {  	[sflag:s6] =	ssyncset.done $0x0  }
0x12: {  	s10 =	simm.s32 $0x0;
	s9 =	simm.s32 $0x40;
	[sflag:s6] =	ssyncadd.s32 $0xFFFFD8F0  }
.LBB2_4:
0x13: {  	p0 =	sne.s32 s9, $0x9C00;
	v2 =	vld [tilespmem:s10+$0x0];
	_ =	sdelay $0x3  }
.Ltmp1:
0x14: {  	(pc) =	sbr.rel @p0 .LBB2_4-.Ltmp1, $2  }
0x15: {  	_ =	sdelay $0x2  }
0x16: {  	s10 =	sshra.s32 s9, $0x2;
	s9 =	sadd.s32 $0x40, s9;
	[tilespmem:v2+s7+$0x0] =	vst.idx.add.f32.msk $0xffff, v1  }
0x17: {  	v2 =	vld [tilespmem:s10+$0x0];
	_ =	sdelay $0x5  }
0x18: {  	s8 =	sadd.s32 $0x1, s8  }
0x19: {  	p0 =	sne.s32 s8, s5  }
.Ltmp2:
0x1a: {  	[tilespmem:v2+s7+$0x0] =	vst.idx.add.f32.msk $0xffff, v1;
	(pc) =	sbr.rel @p0 .LBB2_1-.Ltmp2, $4  }
0x1b: {  	[hbm4b:s4+s2] =	stream.linear.scatter [tilespmem:s7], [sflag:$0x1], $0x2710, $0x38;
	[tilespmem:$0x4F00] =	vst v63  }
0x1c: {  	_ =	swait.ge [sflag:s6], $0x2710  }
0x1d: {  	[sflag:s6] =	ssyncset.done $0x0  }
0x1e: {  	[sflag:s6] =	ssyncadd.s32 $0xFFFFD8F0  }
0x1f: {  	_ =	sfence.sel $0x180000  }
0x20: {  	[bflag:$0x0] =	sbarrier.arrive $0xFFFF  }
0x21: {  	p0 =	sne.s32 s0, $0x0;
	_ =	strace $0x90000047  }
0x22: {  	s0 =	sadd.s32 @!p0 $0x100000, s1;
	[bflag:$0x2] =	sbarrier.arrive $0xFFFF  }
0x23: {  	[sflag:s0] =	ssyncadd.tile.s32 @!p0 $0x1;
	_ =	shalt  }
.Lfunc_end2:
_tile_overlayer_lowered:
.L_overlay_start_2:
0x24: {  	(tag) =	ssettag $0x2  }
0x25: {  	s0 =	rddreg [dreg:$0x0];
	s2 =	stileid.u32  }
0x26: {  	s1 =	rddreg [dreg:$0x1];
	p0 =	sne.s32 s2, $0x0  }
0x27: {  	s3 =	rddreg [dreg:$0x2];
	[bflag:$0x3] =	sbarrier.arrive $0xFFFF;
	s2 =	simm.s32 @!p0 $0x1C01  }
0x28: {  	[timem:s3], [sflag:s2] =	dma.local @!p0 [hbm:s0], s1  }
0x29: {  	s0 =	simm.s32 @!p0 $0x1  }
0x2a: {  	_ =	swait.ge @!p0 [sflag:s0], s1  }
0x2b: {  	s1 =	ssub.s32 @!p0 $0x0, s1;
	[sflag:s0] =	ssyncset.done @!p0 $0x0  }
0x2c: {  	[sflag:s0] =	ssyncadd.s32 @!p0 s1  }
0x2d: {  	[bflag:$0x3] =	sbarrier.arrive $0xFFFF  }
0x2e: {  	_ =	shalt  }

// kernel: kernel.13.cloned.1.call-start
scs
__scs_entry_jumppad:
0x0: {  	(pc) =	sbr.rel $0x88, $3  }
0x1: {  	(tag) =	ssettag $0x0;
	lr =	simm.s32 $0x1  }
0x2: {  	[smem:$0x3F99] =	sst lr;
	_ =	strace $0xD0000000  }
0x3: {  	_ = 	snop  }
0x4: {  	_ = 	snop  }
0x5: {  	_ = 	snop  }
0x6: {  	_ = 	snop  }
0x7: {  	_ = 	snop  }
__scs_overlays_trampoline_lowered:
0x8: {  	[smem:$0x3FA8] =	sst s0  }
0x9: {  	[smem:$0x3FA9] =	sst s1  }
0xa: {  	[smem:$0x3FAA] =	sst s2  }
0xb: {  	[smem:$0x3FAB] =	sst s3  }
0xc: {  	[smem:$0x3FAC] =	sst s4  }
0xd: {  	[smem:$0x3FAD] =	sst s5  }
0xe: {  	[smem:$0x3FAE] =	sst s6  }
0xf: {  	[smem:$0x3FAF] =	sst s7  }
0x10: {  	[smem:$0x3FB0] =	sst s8  }
0x11: {  	[smem:$0x3FB1] =	sst s9;
	s0 =	simm.s32 @!p0 $0x0  }
0x12: {  	s1 =	sld [smem:$0x3F97];
	s0 =	simm.s32 @p0 $0x1  }
0x13: {  	[smem:$0x3FB2] =	sst s0;
	s0 =	simm.s32 @!p1 $0x0  }
0x14: {  	s2 =	sld [smem:$0x3F96];
	s0 =	simm.s32 @p1 $0x1  }
0x15: {  	[smem:$0x3FB3] =	sst s0;
	s0 =	simm.s32 @!p2 $0x0  }
0x16: {  	s3 =	sld [smem:$0x3FDB];
	s0 =	simm.s32 @p2 $0x1  }
0x17: {  	s4 =	simm.s32 $0x1BF5;
	[smem:$0x3FB5] =	sst s0  }
0x18: {  	s0 =	sld [smem:$0x3F98];
	_ =	swait.ge [sflag:s4], $0x0  }
0x19: {  	s7 =	sld [smem:$0x3F99]  }
0x1a: {  	s8 =	sadd.s32 $0xFFFFE003, lr  }
0x1b: {  	s9 =	sadd.s32 $0xFFFFFEF7, lr;
	s5 =	simm.s32 $0xFFFFFFFF;
	p2 =	slt.u32 s8, $0xFFFFF086  }
0x1c: {  	p1 =	slt.u32 s9, $0xF7A;
	s5 =	simm.s32 @!p2 $0x0  }
0x1d: {  	s5 =	simm.s32 @p1 $0x1;
	p0 =	seq.s32 s7, s2  }
0x1e: {  	s7 =	smul.u32 @!p0 $0xF7A, s2;
	p2 =	seq.s32 @!p0 s5, $0x0  }
0x1f: {  	s9 =	smul.u32 $0xF7A, s1;
	s8 =	simm.s32 @!p0 $0x1BF5;
	p2 =	por !p2, p0  }
0x20: {  	[sflag:s8] =	ssyncset.s32 @!p0 $0xFFFFF086;
	s6 =	sadd.s32 @!p0 s3, s7;
	s7 =	simm.s32 @!p0 $0x108  }
0x21: {  	s3 =	sadd.s32 s3, s9;
	s6 =	sadd.s32 @!p0 $0x88, s6;
	s7 =	simm.s32 @p2 $0x1082  }
0x22: {  	[simem:s7], [sflag:s8] =	dma.local @!p0 [hbm:s6], $0xF7A  }
0x23: {  	s9 =	sor.u32 $0xD0000000, s2;
	s6 =	simm.s32 $0x108;
	_ =	swait.ge @!p0 [sflag:s8], $0x0  }
0x24: {  	s3 =	sadd.s32 $0x88, s3;
	s6 =	simm.s32 @!p1 $0x1082;
	[sflag:s4] =	ssyncset.s32 $0xFFFFF086  }
0x25: {  	[simem:s6], [sflag:s4] =	dma.local [hbm:s3], $0xF7A  }
0x26: {  	[smem:$0x3F99] =	sst s1;
	(tag) =	ssettag s2;
	_ =	strace s9  }
0x27: {  	s1 =	sld [smem:$0x3FA9]  }
0x28: {  	s2 =	sld [smem:$0x3FAA]  }
0x29: {  	s4 =	sld [smem:$0x3FAC]  }
0x2a: {  	p0 =	seq.s32 s5, $0x0;
	s5 =	sld [smem:$0x3FAD]  }
0x2b: {  	s6 =	sld [smem:$0x3FAE]  }
0x2c: {  	s7 =	sld [smem:$0x3FAF]  }
0x2d: {  	s3 =	simm.s32 $0x108;
	s8 =	sld [smem:$0x3FB0]  }
0x2e: {  	s3 =	simm.s32 @!p0 $0x1082;
	s9 =	sld [smem:$0x3FB1]  }
0x2f: {  	lr =	sadd.s32 s0, s3;
	s0 =	sld [smem:$0x3FA8]  }
0x30: {  	s3 =	sld [smem:$0x3FAB]  }
0x31: {  	[smem:$0x3FB4] =	sst s10  }
0x32: {  	s10 =	sld [smem:$0x3FB2];
	_ =	sdelay $0x3  }
0x33: {  	p0 =	seq.s32 s10, $0x1;
	s10 =	sld [smem:$0x3FB4];
	_ =	sdelay $0x3  }
0x34: {  	[smem:$0x3FB4] =	sst s10  }
0x35: {  	s10 =	sld [smem:$0x3FB3];
	_ =	sdelay $0x3  }
0x36: {  	p1 =	seq.s32 s10, $0x1;
	s10 =	sld [smem:$0x3FB4];
	_ =	sdelay $0x3  }
0x37: {  	[smem:$0x3FB4] =	sst s10  }
0x38: {  	s10 =	sld [smem:$0x3FB5]  }
0x39: {  	_ = 	snop;
	(pc) =	sbr.ind lr, $3  }
0x3a: {  	_ = 	snop  }
0x3b: {  	_ = 	snop  }
0x3c: {  	p2 =	seq.s32 s10, $0x1;
	s10 =	sld [smem:$0x3FB4]  }
0x3d: {  	_ =	shalt  }
0x3e: {  	_ =	shalt  }
0x3f: {  	_ =	shalt  }
0x40: {  	_ =	shalt  }
0x41: {  	_ =	shalt  }
0x42: {  	_ =	shalt  }
0x43: {  	_ =	shalt  }
0x44: {  	_ =	shalt  }
0x45: {  	_ =	shalt  }
0x46: {  	_ =	shalt  }
0x47: {  	_ =	shalt  }
0x48: {  	_ =	shalt  }
0x49: {  	_ =	shalt  }
0x4a: {  	_ =	shalt  }
0x4b: {  	_ =	shalt  }
0x4c: {  	_ =	shalt  }
0x4d: {  	_ =	shalt  }
0x4e: {  	_ =	shalt  }
0x4f: {  	_ =	shalt  }
0x50: {  	_ =	shalt  }
0x51: {  	_ =	shalt  }
0x52: {  	_ =	shalt  }
0x53: {  	_ =	shalt  }
0x54: {  	_ =	shalt  }
0x55: {  	_ =	shalt  }
0x56: {  	_ =	shalt  }
0x57: {  	_ =	shalt  }
0x58: {  	_ =	shalt  }
0x59: {  	_ =	shalt  }
0x5a: {  	_ =	shalt  }
0x5b: {  	_ =	shalt  }
0x5c: {  	_ =	shalt  }
0x5d: {  	_ =	shalt  }
0x5e: {  	_ =	shalt  }
0x5f: {  	_ =	shalt  }
0x60: {  	_ =	shalt  }
0x61: {  	_ =	shalt  }
0x62: {  	_ =	shalt  }
0x63: {  	_ =	shalt  }
0x64: {  	_ =	shalt  }
0x65: {  	_ =	shalt  }
0x66: {  	_ =	shalt  }
0x67: {  	_ =	shalt  }
0x68: {  	_ =	shalt  }
0x69: {  	_ =	shalt  }
0x6a: {  	_ =	shalt  }
0x6b: {  	_ =	shalt  }
0x6c: {  	_ =	shalt  }
0x6d: {  	_ =	shalt  }
0x6e: {  	_ =	shalt  }
0x6f: {  	_ =	shalt  }
0x70: {  	_ =	shalt  }
0x71: {  	_ =	shalt  }
0x72: {  	_ =	shalt  }
0x73: {  	_ =	shalt  }
0x74: {  	_ =	shalt  }
0x75: {  	_ =	shalt  }
0x76: {  	_ =	shalt  }
0x77: {  	_ =	shalt  }
0x78: {  	_ =	shalt  }
0x79: {  	_ =	shalt  }
0x7a: {  	_ =	shalt  }
0x7b: {  	_ =	shalt  }
0x7c: {  	_ =	shalt  }
0x7d: {  	_ =	shalt  }
0x7e: {  	_ =	shalt  }
0x7f: {  	_ =	shalt  }
0x80: {  	_ =	shalt  }
0x81: {  	_ =	shalt  }
0x82: {  	_ =	shalt  }
0x83: {  	_ =	shalt  }
0x84: {  	_ =	shalt  }
0x85: {  	_ =	shalt  }
0x86: {  	_ =	shalt  }
0x87: {  	_ =	shalt  }
.Lfunc_end0:
.L_simem_size_0:
called_computation.1_lowered:
.L_overlay_start_0:
0x88: {  	s2 =	sld [smem:$0x3FD9]  }
0x89: {  	s3 =	sld [smem:$0x3FFE];
	_ =	sdelay $0x1  }
0x8a: {  	s1 =	srdreg.scid  }
0x8b: {  	s0 =	sand.u32 $0x1, s1  }
0x8c: {  	s16 =	sshll.u32 s0, $0xA;
	s2 =	sadd.s32 s3, s2  }
0x8d: {  	s2 =	sadd.s32 s2, s16  }
0x8e: {  	[smem:$0x3FC0] =	sst s2  }
0x8f: {  	_ = 	snop  }
0x90: {  	(tm) =	ssettm $0x1  }
0x91: {  	s17 =	sld [smem:$0x3FFB];
	_ =	sdelay $0x3  }
0x92: {  	_ =	strace s17  }
0x93: {  	s2 =	sld [smem:$0x3FFC];
	_ =	sdelay $0x3  }
0x94: {  	_ =	strace s2  }
0x95: {  	s2 =	sld [smem:$0x3FFD];
	_ =	sdelay $0x3  }
0x96: {  	_ =	strace s2  }
0x97: {  	_ =	strace $0x8FFFFFFF  }
0x98: {  	s18 =	sld [smem:$0x3FDB];
	_ =	sdelay $0x1  }
0x99: {  	s19 =	simm.s32 $_scs_section_size  }
0x9a: {  	s4 =	simm.s32 $_size__tile_overlayer_lowered;
	s5 =	simm.s32 $_tile_overlayer_lowered  }
0x9b: {  	s22 =	simm.s32 $0x1BFF;
	s21 =	sshll.u32 s5, $0x1;
	s2 =	sadd.s32 s19, s18  }
0x9c: {  	s6 =	simm.s32 $0x0;
	s20 =	sshll.u32 s4, $0x1;
	s4 =	sadd.s32 s21, s2  }
0x9d: {  	[timem:s6], [sflag:s22] =	dma.local [hbm:s4], s20  }
0x9e: {  	_ =	swait.ge [sflag:s22], s20  }
0x9f: {  	s3 =	ssub.s32 $0x0, s20;
	[sflag:s22] =	ssyncset.done $0x0  }
0xa0: {  	[sflag:s22] =	ssyncadd.s32 s3;
	_ =	sdelay $0x1  }
0xa1: {  	s23 =	simm.s32 $0x1B8B  }
0xa2: {  	_ =	swait.ge [sflag:s23], $0x1  }
0xa3: {  	[sflag:s23] =	ssyncset.done $0x0  }
0xa4: {  	s25 =	simm.s32 $0x1B8E;
	s24 =	sld [smem:$0x3FFE];
	[sflag:s23] =	ssyncadd.s32 $0xFFFFFFFF  }
0xa5: {  	s26 =	simm.s32 $execute0_lowered;
	[smem:$0x3FD2] =	sst s25  }
0xa6: {  	s4 =	sshll.u32 s26, $0x1;
	_ =	strace $0x80000049;
	[dreg:$0x1] =	wrdreg $0xFFFFFFFF  }
0xa7: {  	s28 =	simm.s32 $_size_execute0_lowered;
	s2 =	sadd.s32 s2, s4;
	[dreg:$0x0] =	wrdreg $0x0  }
0xa8: {  	s4 =	sshll.u32 s28, $0x1;
	[dreg:$0x2] =	wrdreg s2  }
0xa9: {  	[dreg:$0x3] =	wrdreg s4  }
0xaa: {  	[dreg:$0x4] =	wrdreg $0xC0  }
0xab: {  	_ =	task [dreg:s6], $0x5FFFF  }
0xac: {  	[dreg:$0x1] =	wrdreg $0xFFFFFFFF  }
0xad: {  	[dreg:$0x0] =	wrdreg $0x60  }
0xae: {  	[dreg:$0x2] =	wrdreg s24  }
0xaf: {  	[dreg:$0x3] =	wrdreg $0x90000  }
0xb0: {  	[dreg:$0x4] =	wrdreg $0x9  }
0xb1: {  	_ =	task.clear_ibuf [dreg:s6], $0x5FFFF;
	_ =	strace $0x90000049  }
0xb2: {  	s29 =	simm.s32 $0x9;
	_ =	strace $0x8000004B  }
0xb3: {  	_ =	swait.ge [sflag:s29], $0x1  }
0xb4: {  	[sflag:s29] =	ssyncadd.s32 $0xFFFFFFFF  }
0xb5: {  	_ =	strace $0x9000004B  }
0xb6: {  	_ =	sfence  }
0xb7: {  	s30 =	sld [smem:$0x0];
	_ =	sdelay $0x2  }
0xb8: {  	s31 =	sshll.u32 s1, $0xD;
	s1 =	sshrl.u32 s1, $0x2  }
0xb9: {  	s3 =	sand.u32 $0x4000, s31;
	s1 =	sadd.s32 s1, s30  }
0xba: {  	s0 =	sor.u32 s3, s0;
	s1 =	sshll.u32 s1, $0x11  }
0xbb: {  	s0 =	sor.u32 s1, s0  }
0xbc: {  	s0 =	sadd.s32 $0x8F2B, s0  }
0xbd: {  	[sflag:s0] =	ssyncadd.remote.s32 $0x1  }
0xbe: {  	_ =	sfence.sel $0xFFFF  }
0xbf: {  	[dreg:$0x0] =	wrdreg $0xFFFFFFFF;
	(pc) =	sbr.abs _section_cstart, $3  }
0xc0: {  	[dreg:$0x1] =	wrdreg $0xFFFFFFFF  }
0xc1: {  	_ =	task.clear_ibuf [dreg:s6], $0x2FFFF;
	_ =	strace $0x9FFFFFFF  }
0xc2: {  	(tm) =	ssettm $0x7FFFFFFF  }
0xc3: {  	_ =	shalt  }
tec
execute0_lowered:
.L_overlay_start_1:
0x0: {  	(tag) =	ssettag $0x1  }
0x1: {  	s0 =	rddreg [dreg:$0x0]  }
0x2: {  	s1 =	rddreg [dreg:$0x1]  }
0x3: {  	s3 =	simm.s32 $0x0;
	s2 =	srdreg.scid;
	s10 =	stileid.u32  }
0x4: {  	s16 =	simm.s32 $0x400;
	s17 =	simm.s32 $0x100;
	s18 =	simm.s32 $0x480  }
0x5: {  	s19 =	simm.s32 $0x180;
	s20 =	simm.s32 $0x500;
	s21 =	simm.s32 $0x200  }
0x6: {  	s11 =	simm.s32 $0x80;
	s22 =	simm.s32 $0x580;
	[smem:$0x7FF] =	sst s3  }
0x7: {  	s12 =	simm.s32 $0x1000;
	_ =	strace $0x8000004A;
	[dreg:$0x4] =	wrdreg s16  }
0x8: {  	s23 =	simm.s32 $0x280;
	s24 =	simm.s32 $0x600;
	[dreg:$0x5] =	wrdreg s17  }
0x9: {  	s25 =	simm.s32 $0x300;
	s26 =	simm.s32 $0x680;
	[dreg:$0x6] =	wrdreg s18  }
0xa: {  	s28 =	simm.s32 $0xD80;
	s29 =	simm.s32 $0xA80;
	[dreg:$0x7] =	wrdreg s19  }
0xb: {  	s30 =	simm.s32 $0xE00;
	s31 =	simm.s32 $0xB00;
	[dreg:$0x8] =	wrdreg s20  }
0xc: {  	s2 =	sand.u32 $0x1, s2;
	s6 =	sshll.u32 s10, $0xC;
	[dreg:$0x9] =	wrdreg s21  }
0xd: {  	s7 =	smul.u32 $0x2800, s10;
	s4 =	sadd.s32 $0x5D000, s0;
	[dreg:$0xa] =	wrdreg s22  }
0xe: {  	s8 =	smul.u32 $0x50000, s10;
	s15 =	sshll.u32 s10, $0x6;
	[dreg:$0xb] =	wrdreg s23  }
0xf: {  	s10 =	simm.s32 $0x3;
	s5 =	smul.u32 $0xF0000, s2;
	[dreg:$0xc] =	wrdreg s24  }
0x10: {  	s13 =	smul.u32 $0x28000, s2;
	s2 =	ssub.s32 $0x2, s2;
	[dreg:$0xd] =	wrdreg s25  }
0x11: {  	[dreg:$0xe] =	wrdreg s26;
	s16 =	simm.s32 $0x380;
	s17 =	simm.s32 $0x700  }
0x12: {  	s18 =	simm.s32 $0x800;
	s19 =	simm.s32 $0x780;
	s20 =	simm.s32 $0x880  }
0x13: {  	s21 =	simm.s32 $0xC00;
	s22 =	simm.s32 $0x900;
	s23 =	simm.s32 $0xC80  }
0x14: {  	s24 =	simm.s32 $0x980;
	s25 =	simm.s32 $0xD00;
	s26 =	simm.s32 $0xA00  }
0x15: {  	s9 =	sshrl.u32 s2, $0x1;
	s14 =	sshrl.u32 s8, $0x2;
	s8 =	sor.u32 $0x1C03, s15  }
0x16: {  	s15 =	simm.s32 $0x2;
	s5 =	sor.u32 s6, s5;
	s6 =	sadd.s32 s7, s13  }
0x17: {  	s2 =	ssub.s32 s2, s9;
	s7 =	sadd.s32 s4, s7;
	[dreg:$0x10] =	wrdreg s8  }
0x18: {  	s13 =	simm.s32 $0x5000;
	s5 =	sshrl.u32 s5, $0x3;
	[dreg:$0xf] =	wrdreg s7  }
0x19: {  	s2 =	smax.u32 s2, $0x1;
	s7 =	simm.s32 $0xF80;
	s5 =	sadd.s32 s5, s0  }
0x1a: {  	s0 =	sadd.s32 s6, s0;
	[dreg:$0x12] =	wrdreg s2;
	s5 =	sadd.s32 $0x35000, s5  }
0x1b: {  	s6 =	sadd.s32 s14, s1;
	s0 =	sadd.s32 $0x85000, s0;
	[dreg:$0x3] =	wrdreg s5  }
0x1c: {  	s9 =	sshrl.u32 s6, $0x3;
	s6 =	simm.s32 $0x0;
	[dreg:$0x11] =	wrdreg s0  }
0x1d: {  	s14 =	simm.s32 $0x1;
	s2 =	simm.s32 $0xB80;
	[dreg:$0x14] =	wrdreg s6  }
0x1e: {  	s0 =	simm.s32 $0xE80;
	s5 =	simm.s32 $0xF00;
	[dreg:$0x13] =	wrdreg s9  }
.LBB2_1:
0x1f: {  	s6 =	rddreg [dreg:$0xf]  }
0x20: {  	[spmem:s9], [sflag:s8] =	dma.local [hbm:s6], $0x2800  }
0x21: {  	_ =	swait.ge [sflag:s10], $0x2800  }
0x22: {  	[sflag:s10] =	ssyncset.done $0x0  }
0x23: {  	[sflag:s10] =	ssyncadd.s32 $0xFFFFD800  }
0x24: {  	[bflag:$0x0] =	sbarrier.arrive $0xFFFF  }
0x25: {  	s8 =	rddreg [dreg:$0x3]  }
0x26: {  	s6 =	sadd.s32 $0x0, s8  }
0x27: {  	[tilespmem:s3], [sflag:$0x3] =	stream.linear.gather [hbm4b:s6+s3], $0x1000, $0x38;
	[tilespmem:$0x1D000] =	vst v63  }
0x28: {  	_ =	swait.ge [sflag:s10], $0x1000  }
0x29: {  	[sflag:s10] =	ssyncset.done $0x0  }
0x2a: {  	[sflag:s10] =	ssyncadd.s32 $0xFFFFF000  }
0x2b: {  	[tilespmem:s12], [sflag:$0x1] =	stream.indirect.gather [hbm4b:s4+s11], $0x80, s3, s11, $0xb8;
	[tilespmem:$0x1D000] =	vst v63  }
0x2c: {  	_ = 	snop  }
0x2d: {  	[tilespmem:s13], [sflag:$0x2] =	stream.indirect.gather [hbm4b:s4+s11], $0x80, s11, s11, $0xb8;
	[tilespmem:$0x1D000] =	vst v63  }
0x2e: {  	_ =	swait.ge [sflag:s14], $0x4000  }
0x2f: {  	[sflag:s14] =	ssyncset.done $0x0  }
0x30: {  	s9 =	rddreg [dreg:$0x4];
	[sflag:s14] =	ssyncadd.s32 $0xFFFFC000  }
0x31: {  	[spmem:s1] =	stream.indirect.scatter.add.f32 [tilespmem:s12], [sflag:$0x3], $0x80, s9, s11, $0xb8;
	[tilespmem:$0x1D000] =	vst v63  }
0x32: {  	_ =	swait.ge [sflag:s10], $0x4000  }
0x33: {  	[sflag:s10] =	ssyncset.done $0x0  }
0x34: {  	s8 =	rddreg [dreg:$0x5];
	[sflag:s10] =	ssyncadd.s32 $0xFFFFC000  }
0x35: {  	[tilespmem:s12], [sflag:$0x1] =	stream.indirect.gather [hbm4b:s4+s11], $0x80, s8, s11, $0xb8;
	[tilespmem:$0x1D000] =	vst v63  }
0x36: {  	_ =	swait.ge [sflag:s15], $0x4000  }
0x37: {  	[sflag:s15] =	ssyncset.done $0x0  }
0x38: {  	s9 =	rddreg [dreg:$0x6];
	[sflag:s15] =	ssyncadd.s32 $0xFFFFC000  }
0x39: {  	[spmem:s1] =	stream.indirect.scatter.add.f32 [tilespmem:s13], [sflag:$0x3], $0x80, s9, s11, $0xb8;
	[tilespmem:$0x1D000] =	vst v63  }
0x3a: {  	_ =	swait.ge [sflag:s10], $0x4000  }
0x3b: {  	[sflag:s10] =	ssyncset.done $0x0  }
0x3c: {  	s8 =	rddreg [dreg:$0x7];
	[sflag:s10] =	ssyncadd.s32 $0xFFFFC000  }
0x3d: {  	[tilespmem:s13], [sflag:$0x2] =	stream.indirect.gather [hbm4b:s4+s11], $0x80, s8, s11, $0xb8;
	[tilespmem:$0x1D000] =	vst v63  }
0x3e: {  	_ =	swait.ge [sflag:s14], $0x4000  }
0x3f: {  	[sflag:s14] =	ssyncset.done $0x0  }
0x40: {  	s9 =	rddreg [dreg:$0x8];
	[sflag:s14] =	ssyncadd.s32 $0xFFFFC000  }
0x41: {  	[spmem:s1] =	stream.indirect.scatter.add.f32 [tilespmem:s12], [sflag:$0x3], $0x80, s9, s11, $0xb8;
	[tilespmem:$0x1D000] =	vst v63  }
0x42: {  	_ =	swait.ge [sflag:s10], $0x4000  }
0x43: {  	[sflag:s10] =	ssyncset.done $0x0  }
0x44: {  	s8 =	rddreg [dreg:$0x9];
	[sflag:s10] =	ssyncadd.s32 $0xFFFFC000  }
0x45: {  	[tilespmem:s12], [sflag:$0x1] =	stream.indirect.gather [hbm4b:s4+s11], $0x80, s8, s11, $0xb8;
	[tilespmem:$0x1D000] =	vst v63  }
0x46: {  	_ =	swait.ge [sflag:s15], $0x4000  }
0x47: {  	[sflag:s15] =	ssyncset.done $0x0  }
0x48: {  	s9 =	rddreg [dreg:$0xa];
	[sflag:s15] =	ssyncadd.s32 $0xFFFFC000  }
0x49: {  	[spmem:s1] =	stream.indirect.scatter.add.f32 [tilespmem:s13], [sflag:$0x3], $0x80, s9, s11, $0xb8;
	[tilespmem:$0x1D000] =	vst v63  }
0x4a: {  	_ =	swait.ge [sflag:s10], $0x4000  }
0x4b: {  	[sflag:s10] =	ssyncset.done $0x0  }
0x4c: {  	s8 =	rddreg [dreg:$0xb];
	[sflag:s10] =	ssyncadd.s32 $0xFFFFC000  }
0x4d: {  	[tilespmem:s13], [sflag:$0x2] =	stream.indirect.gather [hbm4b:s4+s11], $0x80, s8, s11, $0xb8;
	[tilespmem:$0x1D000] =	vst v63  }
0x4e: {  	_ =	swait.ge [sflag:s14], $0x4000  }
0x4f: {  	[sflag:s14] =	ssyncset.done $0x0  }
0x50: {  	s9 =	rddreg [dreg:$0xc];
	[sflag:s14] =	ssyncadd.s32 $0xFFFFC000  }
0x51: {  	[spmem:s1] =	stream.indirect.scatter.add.f32 [tilespmem:s12], [sflag:$0x3], $0x80, s9, s11, $0xb8;
	[tilespmem:$0x1D000] =	vst v63  }
0x52: {  	_ =	swait.ge [sflag:s10], $0x4000  }
0x53: {  	[sflag:s10] =	ssyncset.done $0x0  }
0x54: {  	s8 =	rddreg [dreg:$0xd];
	[sflag:s10] =	ssyncadd.s32 $0xFFFFC000  }
0x55: {  	[tilespmem:s12], [sflag:$0x1] =	stream.indirect.gather [hbm4b:s4+s11], $0x80, s8, s11, $0xb8;
	[tilespmem:$0x1D000] =	vst v63  }
0x56: {  	_ =	swait.ge [sflag:s15], $0x4000  }
0x57: {  	[sflag:s15] =	ssyncset.done $0x0  }
0x58: {  	s9 =	rddreg [dreg:$0xe];
	[sflag:s15] =	ssyncadd.s32 $0xFFFFC000  }
0x59: {  	[spmem:s1] =	stream.indirect.scatter.add.f32 [tilespmem:s13], [sflag:$0x3], $0x80, s9, s11, $0xb8;
	[tilespmem:$0x1D000] =	vst v63  }
0x5a: {  	_ =	swait.ge [sflag:s10], $0x4000  }
0x5b: {  	[sflag:s10] =	ssyncset.done $0x0  }
0x5c: {  	[sflag:s10] =	ssyncadd.s32 $0xFFFFC000  }
0x5d: {  	[tilespmem:s13], [sflag:$0x2] =	stream.indirect.gather [hbm4b:s4+s11], $0x80, s16, s11, $0xb8;
	[tilespmem:$0x1D000] =	vst v63  }
0x5e: {  	_ =	swait.ge [sflag:s14], $0x4000  }
0x5f: {  	[sflag:s14] =	ssyncset.done $0x0  }
0x60: {  	[sflag:s14] =	ssyncadd.s32 $0xFFFFC000  }
0x61: {  	[spmem:s1] =	stream.indirect.scatter.add.f32 [tilespmem:s12], [sflag:$0x3], $0x80, s17, s11, $0xb8;
	[tilespmem:$0x1D000] =	vst v63  }
0x62: {  	_ =	swait.ge [sflag:s10], $0x4000  }
0x63: {  	[sflag:s10] =	ssyncset.done $0x0  }
0x64: {  	[sflag:s10] =	ssyncadd.s32 $0xFFFFC000  }
0x65: {  	[tilespmem:s12], [sflag:$0x1] =	stream.indirect.gather [hbm4b:s4+s11], $0x80, s18, s11, $0xb8;
	[tilespmem:$0x1D000] =	vst v63  }
0x66: {  	_ =	swait.ge [sflag:s15], $0x4000  }
0x67: {  	[sflag:s15] =	ssyncset.done $0x0  }
0x68: {  	[sflag:s15] =	ssyncadd.s32 $0xFFFFC000  }
0x69: {  	[spmem:s1] =	stream.indirect.scatter.add.f32 [tilespmem:s13], [sflag:$0x3], $0x80, s19, s11, $0xb8;
	[tilespmem:$0x1D000] =	vst v63  }
0x6a: {  	_ =	swait.ge [sflag:s10], $0x4000  }
0x6b: {  	[sflag:s10] =	ssyncset.done $0x0  }
0x6c: {  	[sflag:s10] =	ssyncadd.s32 $0xFFFFC000  }
0x6d: {  	[tilespmem:s13], [sflag:$0x2] =	stream.indirect.gather [hbm4b:s4+s11], $0x80, s20, s11, $0xb8;
	[tilespmem:$0x1D000] =	vst v63  }
0x6e: {  	_ =	swait.ge [sflag:s14], $0x4000  }
0x6f: {  	[sflag:s14] =	ssyncset.done $0x0  }
0x70: {  	[sflag:s14] =	ssyncadd.s32 $0xFFFFC000  }
0x71: {  	[spmem:s1] =	stream.indirect.scatter.add.f32 [tilespmem:s12], [sflag:$0x3], $0x80, s21, s11, $0xb8;
	[tilespmem:$0x1D000] =	vst v63  }
0x72: {  	_ =	swait.ge [sflag:s10], $0x4000  }
0x73: {  	[sflag:s10] =	ssyncset.done $0x0  }
0x74: {  	[sflag:s10] =	ssyncadd.s32 $0xFFFFC000  }
0x75: {  	[tilespmem:s12], [sflag:$0x1] =	stream.indirect.gather [hbm4b:s4+s11], $0x80, s22, s11, $0xb8;
	[tilespmem:$0x1D000] =	vst v63  }
0x76: {  	_ =	swait.ge [sflag:s15], $0x4000  }
0x77: {  	[sflag:s15] =	ssyncset.done $0x0  }
0x78: {  	[sflag:s15] =	ssyncadd.s32 $0xFFFFC000  }
0x79: {  	[spmem:s1] =	stream.indirect.scatter.add.f32 [tilespmem:s13], [sflag:$0x3], $0x80, s23, s11, $0xb8;
	[tilespmem:$0x1D000] =	vst v63  }
0x7a: {  	_ =	swait.ge [sflag:s10], $0x4000  }
0x7b: {  	[sflag:s10] =	ssyncset.done $0x0  }
0x7c: {  	[sflag:s10] =	ssyncadd.s32 $0xFFFFC000  }
0x7d: {  	[tilespmem:s13], [sflag:$0x2] =	stream.indirect.gather [hbm4b:s4+s11], $0x80, s24, s11, $0xb8;
	[tilespmem:$0x1D000] =	vst v63  }
0x7e: {  	_ =	swait.ge [sflag:s14], $0x4000  }
0x7f: {  	[sflag:s14] =	ssyncset.done $0x0  }
0x80: {  	[sflag:s14] =	ssyncadd.s32 $0xFFFFC000  }
0x81: {  	[spmem:s1] =	stream.indirect.scatter.add.f32 [tilespmem:s12], [sflag:$0x3], $0x80, s25, s11, $0xb8;
	[tilespmem:$0x1D000] =	vst v63  }
0x82: {  	_ =	swait.ge [sflag:s10], $0x4000  }
0x83: {  	[sflag:s10] =	ssyncset.done $0x0  }
0x84: {  	[sflag:s10] =	ssyncadd.s32 $0xFFFFC000  }
0x85: {  	[tilespmem:s12], [sflag:$0x1] =	stream.indirect.gather [hbm4b:s4+s11], $0x80, s26, s11, $0xb8;
	[tilespmem:$0x1D000] =	vst v63  }
0x86: {  	_ =	swait.ge [sflag:s15], $0x4000  }
0x87: {  	[sflag:s15] =	ssyncset.done $0x0  }
0x88: {  	[sflag:s15] =	ssyncadd.s32 $0xFFFFC000  }
0x89: {  	[spmem:s1] =	stream.indirect.scatter.add.f32 [tilespmem:s13], [sflag:$0x3], $0x80, s28, s11, $0xb8;
	[tilespmem:$0x1D000] =	vst v63  }
0x8a: {  	_ =	swait.ge [sflag:s10], $0x4000  }
0x8b: {  	[sflag:s10] =	ssyncset.done $0x0  }
0x8c: {  	[sflag:s10] =	ssyncadd.s32 $0xFFFFC000  }
0x8d: {  	[tilespmem:s13], [sflag:$0x2] =	stream.indirect.gather [hbm4b:s4+s11], $0x80, s29, s11, $0xb8;
	[tilespmem:$0x1D000] =	vst v63  }
0x8e: {  	_ =	swait.ge [sflag:s14], $0x4000  }
0x8f: {  	[sflag:s14] =	ssyncset.done $0x0  }
0x90: {  	[sflag:s14] =	ssyncadd.s32 $0xFFFFC000  }
0x91: {  	[spmem:s1] =	stream.indirect.scatter.add.f32 [tilespmem:s12], [sflag:$0x3], $0x80, s30, s11, $0xb8;
	[tilespmem:$0x1D000] =	vst v63  }
0x92: {  	_ =	swait.ge [sflag:s10], $0x4000  }
0x93: {  	[sflag:s10] =	ssyncset.done $0x0  }
0x94: {  	[sflag:s10] =	ssyncadd.s32 $0xFFFFC000  }
0x95: {  	[tilespmem:s12], [sflag:$0x1] =	stream.indirect.gather [hbm4b:s4+s11], $0x80, s31, s11, $0xb8;
	[tilespmem:$0x1D000] =	vst v63  }
0x96: {  	_ =	swait.ge [sflag:s15], $0x4000  }
0x97: {  	[sflag:s15] =	ssyncset.done $0x0  }
0x98: {  	[sflag:s15] =	ssyncadd.s32 $0xFFFFC000  }
0x99: {  	[spmem:s1] =	stream.indirect.scatter.add.f32 [tilespmem:s13], [sflag:$0x3], $0x80, s0, s11, $0xb8;
	[tilespmem:$0x1D000] =	vst v63  }
0x9a: {  	_ =	swait.ge [sflag:s10], $0x4000  }
0x9b: {  	[sflag:s10] =	ssyncset.done $0x0  }
0x9c: {  	[sflag:s10] =	ssyncadd.s32 $0xFFFFC000  }
0x9d: {  	[tilespmem:s13], [sflag:$0x2] =	stream.indirect.gather [hbm4b:s4+s11], $0x80, s2, s11, $0xb8;
	[tilespmem:$0x1D000] =	vst v63  }
0x9e: {  	_ =	swait.ge [sflag:s14], $0x4000  }
0x9f: {  	[sflag:s14] =	ssyncset.done $0x0  }
0xa0: {  	[sflag:s14] =	ssyncadd.s32 $0xFFFFC000  }
0xa1: {  	[spmem:s1] =	stream.indirect.scatter.add.f32 [tilespmem:s12], [sflag:$0x3], $0x80, s5, s11, $0xb8;
	[tilespmem:$0x1D000] =	vst v63  }
0xa2: {  	_ =	swait.ge [sflag:s10], $0x4000  }
0xa3: {  	[sflag:s10] =	ssyncset.done $0x0  }
0xa4: {  	[sflag:s10] =	ssyncadd.s32 $0xFFFFC000  }
0xa5: {  	_ =	swait.ge [sflag:s15], $0x4000  }
0xa6: {  	[sflag:s15] =	ssyncset.done $0x0  }
0xa7: {  	[sflag:s15] =	ssyncadd.s32 $0xFFFFC000  }
0xa8: {  	[spmem:s1] =	stream.indirect.scatter.add.f32 [tilespmem:s13], [sflag:$0x3], $0x80, s7, s11, $0xb8;
	[tilespmem:$0x1D000] =	vst v63  }
0xa9: {  	s6 =	simm.s32 $0x2000;
	_ =	swait.ge [sflag:s10], $0x4000  }
.LBB2_2:
0xaa: {  	s9 =	rddreg [dreg:$0x3];
	s8 =	smov.u32 s6;
	[sflag:s10] =	ssyncset.done $0x0  }
0xab: {  	s8 =	sadd.s32 s8, s9;
	[sflag:s10] =	ssyncadd.s32 $0xFFFFC000  }
0xac: {  	[tilespmem:s3], [sflag:$0x3] =	stream.linear.gather [hbm4b:s8+s3], $0x1000, $0x38;
	[tilespmem:$0x1D000] =	vst v63  }
0xad: {  	_ =	swait.ge [sflag:s10], $0x1000  }
0xae: {  	[sflag:s10] =	ssyncset.done $0x0  }
0xaf: {  	[sflag:s10] =	ssyncadd.s32 $0xFFFFF000  }
0xb0: {  	[tilespmem:s12], [sflag:$0x1] =	stream.indirect.gather [hbm4b:s4+s11], $0x80, s3, s11, $0xb8;
	[tilespmem:$0x1D000] =	vst v63  }
0xb1: {  	_ = 	snop  }
0xb2: {  	[tilespmem:s13], [sflag:$0x2] =	stream.indirect.gather [hbm4b:s4+s11], $0x80, s11, s11, $0xb8;
	[tilespmem:$0x1D000] =	vst v63  }
0xb3: {  	_ =	swait.ge [sflag:s14], $0x4000  }
0xb4: {  	[sflag:s14] =	ssyncset.done $0x0  }
0xb5: {  	s9 =	rddreg [dreg:$0x4];
	[sflag:s14] =	ssyncadd.s32 $0xFFFFC000  }
0xb6: {  	[spmem:s1] =	stream.indirect.scatter.add.f32 [tilespmem:s12], [sflag:$0x3], $0x80, s9, s11, $0xb8;
	[tilespmem:$0x1D000] =	vst v63  }
0xb7: {  	_ =	swait.ge [sflag:s10], $0x4000  }
0xb8: {  	[sflag:s10] =	ssyncset.done $0x0  }
0xb9: {  	s9 =	rddreg [dreg:$0x5];
	[sflag:s10] =	ssyncadd.s32 $0xFFFFC000  }
0xba: {  	[tilespmem:s12], [sflag:$0x1] =	stream.indirect.gather [hbm4b:s4+s11], $0x80, s9, s11, $0xb8;
	[tilespmem:$0x1D000] =	vst v63  }
0xbb: {  	_ =	swait.ge [sflag:s15], $0x4000  }
0xbc: {  	[sflag:s15] =	ssyncset.done $0x0  }
0xbd: {  	s9 =	rddreg [dreg:$0x6];
	[sflag:s15] =	ssyncadd.s32 $0xFFFFC000  }
0xbe: {  	[spmem:s1] =	stream.indirect.scatter.add.f32 [tilespmem:s13], [sflag:$0x3], $0x80, s9, s11, $0xb8;
	[tilespmem:$0x1D000] =	vst v63  }
0xbf: {  	_ =	swait.ge [sflag:s10], $0x4000  }
0xc0: {  	[sflag:s10] =	ssyncset.done $0x0  }
0xc1: {  	s9 =	rddreg [dreg:$0x7];
	[sflag:s10] =	ssyncadd.s32 $0xFFFFC000  }
0xc2: {  	[tilespmem:s13], [sflag:$0x2] =	stream.indirect.gather [hbm4b:s4+s11], $0x80, s9, s11, $0xb8;
	[tilespmem:$0x1D000] =	vst v63  }
0xc3: {  	_ =	swait.ge [sflag:s14], $0x4000  }
0xc4: {  	[sflag:s14] =	ssyncset.done $0x0  }
0xc5: {  	s9 =	rddreg [dreg:$0x8];
	[sflag:s14] =	ssyncadd.s32 $0xFFFFC000  }
0xc6: {  	[spmem:s1] =	stream.indirect.scatter.add.f32 [tilespmem:s12], [sflag:$0x3], $0x80, s9, s11, $0xb8;
	[tilespmem:$0x1D000] =	vst v63  }
0xc7: {  	_ =	swait.ge [sflag:s10], $0x4000  }
0xc8: {  	[sflag:s10] =	ssyncset.done $0x0  }
0xc9: {  	s9 =	rddreg [dreg:$0x9];
	[sflag:s10] =	ssyncadd.s32 $0xFFFFC000  }
0xca: {  	[tilespmem:s12], [sflag:$0x1] =	stream.indirect.gather [hbm4b:s4+s11], $0x80, s9, s11, $0xb8;
	[tilespmem:$0x1D000] =	vst v63  }
0xcb: {  	_ =	swait.ge [sflag:s15], $0x4000  }
0xcc: {  	[sflag:s15] =	ssyncset.done $0x0  }
0xcd: {  	s9 =	rddreg [dreg:$0xa];
	[sflag:s15] =	ssyncadd.s32 $0xFFFFC000  }
0xce: {  	[spmem:s1] =	stream.indirect.scatter.add.f32 [tilespmem:s13], [sflag:$0x3], $0x80, s9, s11, $0xb8;
	[tilespmem:$0x1D000] =	vst v63  }
0xcf: {  	_ =	swait.ge [sflag:s10], $0x4000  }
0xd0: {  	[sflag:s10] =	ssyncset.done $0x0  }
0xd1: {  	s9 =	rddreg [dreg:$0xb];
	[sflag:s10] =	ssyncadd.s32 $0xFFFFC000  }
0xd2: {  	[tilespmem:s13], [sflag:$0x2] =	stream.indirect.gather [hbm4b:s4+s11], $0x80, s9, s11, $0xb8;
	[tilespmem:$0x1D000] =	vst v63  }
0xd3: {  	_ =	swait.ge [sflag:s14], $0x4000  }
0xd4: {  	[sflag:s14] =	ssyncset.done $0x0  }
0xd5: {  	s9 =	rddreg [dreg:$0xc];
	[sflag:s14] =	ssyncadd.s32 $0xFFFFC000  }
0xd6: {  	[spmem:s1] =	stream.indirect.scatter.add.f32 [tilespmem:s12], [sflag:$0x3], $0x80, s9, s11, $0xb8;
	[tilespmem:$0x1D000] =	vst v63  }
0xd7: {  	_ =	swait.ge [sflag:s10], $0x4000  }
0xd8: {  	[sflag:s10] =	ssyncset.done $0x0  }
0xd9: {  	s9 =	rddreg [dreg:$0xd];
	[sflag:s10] =	ssyncadd.s32 $0xFFFFC000  }
0xda: {  	[tilespmem:s12], [sflag:$0x1] =	stream.indirect.gather [hbm4b:s4+s11], $0x80, s9, s11, $0xb8;
	[tilespmem:$0x1D000] =	vst v63  }
0xdb: {  	_ =	swait.ge [sflag:s15], $0x4000  }
0xdc: {  	[sflag:s15] =	ssyncset.done $0x0  }
0xdd: {  	s9 =	rddreg [dreg:$0xe];
	[sflag:s15] =	ssyncadd.s32 $0xFFFFC000  }
0xde: {  	[spmem:s1] =	stream.indirect.scatter.add.f32 [tilespmem:s13], [sflag:$0x3], $0x80, s9, s11, $0xb8;
	[tilespmem:$0x1D000] =	vst v63  }
0xdf: {  	_ =	swait.ge [sflag:s10], $0x4000  }
0xe0: {  	[sflag:s10] =	ssyncset.done $0x0  }
0xe1: {  	[sflag:s10] =	ssyncadd.s32 $0xFFFFC000  }
0xe2: {  	[tilespmem:s13], [sflag:$0x2] =	stream.indirect.gather [hbm4b:s4+s11], $0x80, s16, s11, $0xb8;
	[tilespmem:$0x1D000] =	vst v63  }
0xe3: {  	_ =	swait.ge [sflag:s14], $0x4000  }
0xe4: {  	[sflag:s14] =	ssyncset.done $0x0  }
0xe5: {  	[sflag:s14] =	ssyncadd.s32 $0xFFFFC000  }
0xe6: {  	[spmem:s1] =	stream.indirect.scatter.add.f32 [tilespmem:s12], [sflag:$0x3], $0x80, s17, s11, $0xb8;
	[tilespmem:$0x1D000] =	vst v63  }
0xe7: {  	_ =	swait.ge [sflag:s10], $0x4000  }
0xe8: {  	[sflag:s10] =	ssyncset.done $0x0  }
0xe9: {  	[sflag:s10] =	ssyncadd.s32 $0xFFFFC000  }
0xea: {  	[tilespmem:s12], [sflag:$0x1] =	stream.indirect.gather [hbm4b:s4+s11], $0x80, s18, s11, $0xb8;
	[tilespmem:$0x1D000] =	vst v63  }
0xeb: {  	_ =	swait.ge [sflag:s15], $0x4000  }
0xec: {  	[sflag:s15] =	ssyncset.done $0x0  }
0xed: {  	[sflag:s15] =	ssyncadd.s32 $0xFFFFC000  }
0xee: {  	[spmem:s1] =	stream.indirect.scatter.add.f32 [tilespmem:s13], [sflag:$0x3], $0x80, s19, s11, $0xb8;
	[tilespmem:$0x1D000] =	vst v63  }
0xef: {  	_ =	swait.ge [sflag:s10], $0x4000  }
0xf0: {  	[sflag:s10] =	ssyncset.done $0x0  }
0xf1: {  	[sflag:s10] =	ssyncadd.s32 $0xFFFFC000  }
0xf2: {  	[tilespmem:s13], [sflag:$0x2] =	stream.indirect.gather [hbm4b:s4+s11], $0x80, s20, s11, $0xb8;
	[tilespmem:$0x1D000] =	vst v63  }
0xf3: {  	_ =	swait.ge [sflag:s14], $0x4000  }
0xf4: {  	[sflag:s14] =	ssyncset.done $0x0  }
0xf5: {  	[sflag:s14] =	ssyncadd.s32 $0xFFFFC000  }
0xf6: {  	[spmem:s1] =	stream.indirect.scatter.add.f32 [tilespmem:s12], [sflag:$0x3], $0x80, s21, s11, $0xb8;
	[tilespmem:$0x1D000] =	vst v63  }
0xf7: {  	_ =	swait.ge [sflag:s10], $0x4000  }
0xf8: {  	[sflag:s10] =	ssyncset.done $0x0  }
0xf9: {  	[sflag:s10] =	ssyncadd.s32 $0xFFFFC000  }
0xfa: {  	[tilespmem:s12], [sflag:$0x1] =	stream.indirect.gather [hbm4b:s4+s11], $0x80, s22, s11, $0xb8;
	[tilespmem:$0x1D000] =	vst v63  }
0xfb: {  	_ =	swait.ge [sflag:s15], $0x4000  }
0xfc: {  	[sflag:s15] =	ssyncset.done $0x0  }
0xfd: {  	[sflag:s15] =	ssyncadd.s32 $0xFFFFC000  }
0xfe: {  	[spmem:s1] =	stream.indirect.scatter.add.f32 [tilespmem:s13], [sflag:$0x3], $0x80, s23, s11, $0xb8;
	[tilespmem:$0x1D000] =	vst v63  }
0xff: {  	_ =	swait.ge [sflag:s10], $0x4000  }
0x100: {  	[sflag:s10] =	ssyncset.done $0x0  }
0x101: {  	[sflag:s10] =	ssyncadd.s32 $0xFFFFC000  }
0x102: {  	[tilespmem:s13], [sflag:$0x2] =	stream.indirect.gather [hbm4b:s4+s11], $0x80, s24, s11, $0xb8;
	[tilespmem:$0x1D000] =	vst v63  }
0x103: {  	_ =	swait.ge [sflag:s14], $0x4000  }
0x104: {  	[sflag:s14] =	ssyncset.done $0x0  }
0x105: {  	[sflag:s14] =	ssyncadd.s32 $0xFFFFC000  }
0x106: {  	[spmem:s1] =	stream.indirect.scatter.add.f32 [tilespmem:s12], [sflag:$0x3], $0x80, s25, s11, $0xb8;
	[tilespmem:$0x1D000] =	vst v63  }
0x107: {  	_ =	swait.ge [sflag:s10], $0x4000  }
0x108: {  	[sflag:s10] =	ssyncset.done $0x0  }
0x109: {  	[sflag:s10] =	ssyncadd.s32 $0xFFFFC000  }
0x10a: {  	[tilespmem:s12], [sflag:$0x1] =	stream.indirect.gather [hbm4b:s4+s11], $0x80, s26, s11, $0xb8;
	[tilespmem:$0x1D000] =	vst v63  }
0x10b: {  	_ =	swait.ge [sflag:s15], $0x4000  }
0x10c: {  	[sflag:s15] =	ssyncset.done $0x0  }
0x10d: {  	[sflag:s15] =	ssyncadd.s32 $0xFFFFC000  }
0x10e: {  	[spmem:s1] =	stream.indirect.scatter.add.f32 [tilespmem:s13], [sflag:$0x3], $0x80, s28, s11, $0xb8;
	[tilespmem:$0x1D000] =	vst v63  }
0x10f: {  	_ =	swait.ge [sflag:s10], $0x4000  }
0x110: {  	[sflag:s10] =	ssyncset.done $0x0  }
0x111: {  	[sflag:s10] =	ssyncadd.s32 $0xFFFFC000  }
0x112: {  	[tilespmem:s13], [sflag:$0x2] =	stream.indirect.gather [hbm4b:s4+s11], $0x80, s29, s11, $0xb8;
	[tilespmem:$0x1D000] =	vst v63  }
0x113: {  	_ =	swait.ge [sflag:s14], $0x4000  }
0x114: {  	[sflag:s14] =	ssyncset.done $0x0  }
0x115: {  	[sflag:s14] =	ssyncadd.s32 $0xFFFFC000  }
0x116: {  	[spmem:s1] =	stream.indirect.scatter.add.f32 [tilespmem:s12], [sflag:$0x3], $0x80, s30, s11, $0xb8;
	[tilespmem:$0x1D000] =	vst v63  }
0x117: {  	_ =	swait.ge [sflag:s10], $0x4000  }
0x118: {  	[sflag:s10] =	ssyncset.done $0x0  }
0x119: {  	[sflag:s10] =	ssyncadd.s32 $0xFFFFC000  }
0x11a: {  	[tilespmem:s12], [sflag:$0x1] =	stream.indirect.gather [hbm4b:s4+s11], $0x80, s31, s11, $0xb8;
	[tilespmem:$0x1D000] =	vst v63  }
0x11b: {  	_ =	swait.ge [sflag:s15], $0x4000  }
0x11c: {  	[sflag:s15] =	ssyncset.done $0x0  }
0x11d: {  	[sflag:s15] =	ssyncadd.s32 $0xFFFFC000  }
0x11e: {  	[spmem:s1] =	stream.indirect.scatter.add.f32 [tilespmem:s13], [sflag:$0x3], $0x80, s0, s11, $0xb8;
	[tilespmem:$0x1D000] =	vst v63  }
0x11f: {  	_ =	swait.ge [sflag:s10], $0x4000  }
0x120: {  	[sflag:s10] =	ssyncset.done $0x0  }
0x121: {  	[sflag:s10] =	ssyncadd.s32 $0xFFFFC000  }
0x122: {  	[tilespmem:s13], [sflag:$0x2] =	stream.indirect.gather [hbm4b:s4+s11], $0x80, s2, s11, $0xb8;
	[tilespmem:$0x1D000] =	vst v63  }
0x123: {  	_ =	swait.ge [sflag:s14], $0x4000  }
0x124: {  	[sflag:s14] =	ssyncset.done $0x0  }
0x125: {  	[sflag:s14] =	ssyncadd.s32 $0xFFFFC000  }
0x126: {  	[spmem:s1] =	stream.indirect.scatter.add.f32 [tilespmem:s12], [sflag:$0x3], $0x80, s5, s11, $0xb8;
	[tilespmem:$0x1D000] =	vst v63  }
0x127: {  	_ =	swait.ge [sflag:s10], $0x4000  }
0x128: {  	[sflag:s10] =	ssyncset.done $0x0  }
0x129: {  	p0 =	sne.s32 s6, $0x8000;
	[sflag:s10] =	ssyncadd.s32 $0xFFFFC000  }
.Ltmp0:
0x12a: {  	_ =	swait.ge [sflag:s15], $0x4000;
	(pc) =	sbr.rel @p0 .LBB2_2-.Ltmp0, $4  }
0x12b: {  	[sflag:s15] =	ssyncset.done $0x0  }
0x12c: {  	[sflag:s15] =	ssyncadd.s32 $0xFFFFC000  }
0x12d: {  	[spmem:s1] =	stream.indirect.scatter.add.f32 [tilespmem:s13], [sflag:$0x3], $0x80, s7, s11, $0xb8;
	[tilespmem:$0x1D000] =	vst v63  }
0x12e: {  	s6 =	sadd.s32 $0x2000, s6;
	_ =	swait.ge [sflag:s10], $0x4000  }
0x12f: {  	[sflag:s10] =	ssyncset.done $0x0  }
0x130: {  	[sflag:s10] =	ssyncadd.s32 $0xFFFFC000  }
0x131: {  	[bflag:$0x0] =	sbarrier.arrive $0xFFFF  }
0x132: {  	s8 =	rddreg [dreg:$0x10]  }
0x133: {  	s6 =	rddreg [dreg:$0x11]  }
0x134: {  	s9 =	rddreg [dreg:$0x13]  }
0x135: {  	[hbm:s6], [sflag:s8] =	dma.local [spmem:s9], $0x2800  }
0x136: {  	_ =	swait.ge [sflag:s10], $0x2800  }
0x137: {  	s6 =	rddreg [dreg:$0x14]  }
0x138: {  	s8 =	sadd.s32 $0x1, s6;
	s6 =	rddreg [dreg:$0x12]  }
0x139: {  	p0 =	sne.s32 s8, s6  }
.Ltmp1:
0x13a: {  	_ = 	snop;
	(pc) =	sbr.rel @p0 .LBB2_1-.Ltmp1, $3  }
0x13b: {  	_ =	sdelay $0x1  }
0x13c: {  	[sflag:s10] =	ssyncset.done $0x0;
	[dreg:$0x14] =	wrdreg s8  }
0x13d: {  	[sflag:s10] =	ssyncadd.s32 $0xFFFFD800;
	s8 =	rddreg [dreg:$0x10]  }
0x13e: {  	_ =	sfence.sel $0x180000  }
0x13f: {  	[bflag:$0x0] =	sbarrier.arrive $0xFFFF  }
0x140: {  	_ =	strace $0x9000004A  }
0x141: {  	s0 =	stileid.u32;
	[bflag:$0x2] =	sbarrier.arrive $0xFFFF  }
0x142: {  	p0 =	sne.s32 s0, $0x0;
	s0 =	rddreg [dreg:$0x2]  }
0x143: {  	s0 =	sadd.s32 @!p0 $0x100000, s0  }
0x144: {  	[sflag:s0] =	ssyncadd.tile.s32 @!p0 $0x1;
	_ =	shalt  }
.Lfunc_end2:
_tile_overlayer_lowered:
.L_overlay_start_2:
0x145: {  	(tag) =	ssettag $0x2  }
0x146: {  	s0 =	rddreg [dreg:$0x0];
	s2 =	stileid.u32  }
0x147: {  	s1 =	rddreg [dreg:$0x1];
	p0 =	sne.s32 s2, $0x0  }
0x148: {  	s3 =	rddreg [dreg:$0x2];
	[bflag:$0x3] =	sbarrier.arrive $0xFFFF;
	s2 =	simm.s32 @!p0 $0x1C03  }
0x149: {  	[timem:s3], [sflag:s2] =	dma.local @!p0 [hbm:s0], s1  }
0x14a: {  	s0 =	simm.s32 @!p0 $0x3  }
0x14b: {  	_ =	swait.ge @!p0 [sflag:s0], s1  }
0x14c: {  	s1 =	ssub.s32 @!p0 $0x0, s1;
	[sflag:s0] =	ssyncset.done @!p0 $0x0  }
0x14d: {  	[sflag:s0] =	ssyncadd.s32 @!p0 s1  }
0x14e: {  	[bflag:$0x3] =	sbarrier.arrive $0xFFFF  }
0x14f: {  	_ =	shalt  }

// kernel: kernel.16.cloned.1.call-start
scs
__scs_entry_jumppad:
0x0: {  	(pc) =	sbr.rel $0x88, $3  }
0x1: {  	(tag) =	ssettag $0x0;
	lr =	simm.s32 $0x1  }
0x2: {  	[smem:$0x3F99] =	sst lr;
	_ =	strace $0xD0000000  }
0x3: {  	_ = 	snop  }
0x4: {  	_ = 	snop  }
0x5: {  	_ = 	snop  }
0x6: {  	_ = 	snop  }
0x7: {  	_ = 	snop  }
__scs_overlays_trampoline_lowered:
0x8: {  	[smem:$0x3FA8] =	sst s0  }
0x9: {  	[smem:$0x3FA9] =	sst s1  }
0xa: {  	[smem:$0x3FAA] =	sst s2  }
0xb: {  	[smem:$0x3FAB] =	sst s3  }
0xc: {  	[smem:$0x3FAC] =	sst s4  }
0xd: {  	[smem:$0x3FAD] =	sst s5  }
0xe: {  	[smem:$0x3FAE] =	sst s6  }
0xf: {  	[smem:$0x3FAF] =	sst s7  }
0x10: {  	[smem:$0x3FB0] =	sst s8  }
0x11: {  	[smem:$0x3FB1] =	sst s9;
	s0 =	simm.s32 @!p0 $0x0  }
0x12: {  	s1 =	sld [smem:$0x3F97];
	s0 =	simm.s32 @p0 $0x1  }
0x13: {  	[smem:$0x3FB2] =	sst s0;
	s0 =	simm.s32 @!p1 $0x0  }
0x14: {  	s2 =	sld [smem:$0x3F96];
	s0 =	simm.s32 @p1 $0x1  }
0x15: {  	[smem:$0x3FB3] =	sst s0;
	s0 =	simm.s32 @!p2 $0x0  }
0x16: {  	s3 =	sld [smem:$0x3FDB];
	s0 =	simm.s32 @p2 $0x1  }
0x17: {  	s4 =	simm.s32 $0x1BF5;
	[smem:$0x3FB5] =	sst s0  }
0x18: {  	s0 =	sld [smem:$0x3F98];
	_ =	swait.ge [sflag:s4], $0x0  }
0x19: {  	s7 =	sld [smem:$0x3F99]  }
0x1a: {  	s8 =	sadd.s32 $0xFFFFE003, lr  }
0x1b: {  	s9 =	sadd.s32 $0xFFFFFEF7, lr;
	s5 =	simm.s32 $0xFFFFFFFF;
	p2 =	slt.u32 s8, $0xFFFFF086  }
0x1c: {  	p1 =	slt.u32 s9, $0xF7A;
	s5 =	simm.s32 @!p2 $0x0  }
0x1d: {  	s5 =	simm.s32 @p1 $0x1;
	p0 =	seq.s32 s7, s2  }
0x1e: {  	s7 =	smul.u32 @!p0 $0xF7A, s2;
	p2 =	seq.s32 @!p0 s5, $0x0  }
0x1f: {  	s9 =	smul.u32 $0xF7A, s1;
	s8 =	simm.s32 @!p0 $0x1BF5;
	p2 =	por !p2, p0  }
0x20: {  	[sflag:s8] =	ssyncset.s32 @!p0 $0xFFFFF086;
	s6 =	sadd.s32 @!p0 s3, s7;
	s7 =	simm.s32 @!p0 $0x108  }
0x21: {  	s3 =	sadd.s32 s3, s9;
	s6 =	sadd.s32 @!p0 $0x88, s6;
	s7 =	simm.s32 @p2 $0x1082  }
0x22: {  	[simem:s7], [sflag:s8] =	dma.local @!p0 [hbm:s6], $0xF7A  }
0x23: {  	s9 =	sor.u32 $0xD0000000, s2;
	s6 =	simm.s32 $0x108;
	_ =	swait.ge @!p0 [sflag:s8], $0x0  }
0x24: {  	s3 =	sadd.s32 $0x88, s3;
	s6 =	simm.s32 @!p1 $0x1082;
	[sflag:s4] =	ssyncset.s32 $0xFFFFF086  }
0x25: {  	[simem:s6], [sflag:s4] =	dma.local [hbm:s3], $0xF7A  }
0x26: {  	[smem:$0x3F99] =	sst s1;
	(tag) =	ssettag s2;
	_ =	strace s9  }
0x27: {  	s1 =	sld [smem:$0x3FA9]  }
0x28: {  	s2 =	sld [smem:$0x3FAA]  }
0x29: {  	s4 =	sld [smem:$0x3FAC]  }
0x2a: {  	p0 =	seq.s32 s5, $0x0;
	s5 =	sld [smem:$0x3FAD]  }
0x2b: {  	s6 =	sld [smem:$0x3FAE]  }
0x2c: {  	s7 =	sld [smem:$0x3FAF]  }
0x2d: {  	s3 =	simm.s32 $0x108;
	s8 =	sld [smem:$0x3FB0]  }
0x2e: {  	s3 =	simm.s32 @!p0 $0x1082;
	s9 =	sld [smem:$0x3FB1]  }
0x2f: {  	lr =	sadd.s32 s0, s3;
	s0 =	sld [smem:$0x3FA8]  }
0x30: {  	s3 =	sld [smem:$0x3FAB]  }
0x31: {  	[smem:$0x3FB4] =	sst s10  }
0x32: {  	s10 =	sld [smem:$0x3FB2];
	_ =	sdelay $0x3  }
0x33: {  	p0 =	seq.s32 s10, $0x1;
	s10 =	sld [smem:$0x3FB4];
	_ =	sdelay $0x3  }
0x34: {  	[smem:$0x3FB4] =	sst s10  }
0x35: {  	s10 =	sld [smem:$0x3FB3];
	_ =	sdelay $0x3  }
0x36: {  	p1 =	seq.s32 s10, $0x1;
	s10 =	sld [smem:$0x3FB4];
	_ =	sdelay $0x3  }
0x37: {  	[smem:$0x3FB4] =	sst s10  }
0x38: {  	s10 =	sld [smem:$0x3FB5]  }
0x39: {  	_ = 	snop;
	(pc) =	sbr.ind lr, $3  }
0x3a: {  	_ = 	snop  }
0x3b: {  	_ = 	snop  }
0x3c: {  	p2 =	seq.s32 s10, $0x1;
	s10 =	sld [smem:$0x3FB4]  }
0x3d: {  	_ =	shalt  }
0x3e: {  	_ =	shalt  }
0x3f: {  	_ =	shalt  }
0x40: {  	_ =	shalt  }
0x41: {  	_ =	shalt  }
0x42: {  	_ =	shalt  }
0x43: {  	_ =	shalt  }
0x44: {  	_ =	shalt  }
0x45: {  	_ =	shalt  }
0x46: {  	_ =	shalt  }
0x47: {  	_ =	shalt  }
0x48: {  	_ =	shalt  }
0x49: {  	_ =	shalt  }
0x4a: {  	_ =	shalt  }
0x4b: {  	_ =	shalt  }
0x4c: {  	_ =	shalt  }
0x4d: {  	_ =	shalt  }
0x4e: {  	_ =	shalt  }
0x4f: {  	_ =	shalt  }
0x50: {  	_ =	shalt  }
0x51: {  	_ =	shalt  }
0x52: {  	_ =	shalt  }
0x53: {  	_ =	shalt  }
0x54: {  	_ =	shalt  }
0x55: {  	_ =	shalt  }
0x56: {  	_ =	shalt  }
0x57: {  	_ =	shalt  }
0x58: {  	_ =	shalt  }
0x59: {  	_ =	shalt  }
0x5a: {  	_ =	shalt  }
0x5b: {  	_ =	shalt  }
0x5c: {  	_ =	shalt  }
0x5d: {  	_ =	shalt  }
0x5e: {  	_ =	shalt  }
0x5f: {  	_ =	shalt  }
0x60: {  	_ =	shalt  }
0x61: {  	_ =	shalt  }
0x62: {  	_ =	shalt  }
0x63: {  	_ =	shalt  }
0x64: {  	_ =	shalt  }
0x65: {  	_ =	shalt  }
0x66: {  	_ =	shalt  }
0x67: {  	_ =	shalt  }
0x68: {  	_ =	shalt  }
0x69: {  	_ =	shalt  }
0x6a: {  	_ =	shalt  }
0x6b: {  	_ =	shalt  }
0x6c: {  	_ =	shalt  }
0x6d: {  	_ =	shalt  }
0x6e: {  	_ =	shalt  }
0x6f: {  	_ =	shalt  }
0x70: {  	_ =	shalt  }
0x71: {  	_ =	shalt  }
0x72: {  	_ =	shalt  }
0x73: {  	_ =	shalt  }
0x74: {  	_ =	shalt  }
0x75: {  	_ =	shalt  }
0x76: {  	_ =	shalt  }
0x77: {  	_ =	shalt  }
0x78: {  	_ =	shalt  }
0x79: {  	_ =	shalt  }
0x7a: {  	_ =	shalt  }
0x7b: {  	_ =	shalt  }
0x7c: {  	_ =	shalt  }
0x7d: {  	_ =	shalt  }
0x7e: {  	_ =	shalt  }
0x7f: {  	_ =	shalt  }
0x80: {  	_ =	shalt  }
0x81: {  	_ =	shalt  }
0x82: {  	_ =	shalt  }
0x83: {  	_ =	shalt  }
0x84: {  	_ =	shalt  }
0x85: {  	_ =	shalt  }
0x86: {  	_ =	shalt  }
0x87: {  	_ =	shalt  }
.Lfunc_end0:
.L_simem_size_0:
called_computation.2_lowered:
.L_overlay_start_0:
0x88: {  	s2 =	sld [smem:$0x3FD9]  }
0x89: {  	s3 =	sld [smem:$0x3FFE];
	_ =	sdelay $0x1  }
0x8a: {  	s1 =	srdreg.scid  }
0x8b: {  	s0 =	sand.u32 $0x1, s1  }
0x8c: {  	s16 =	sshll.u32 s0, $0xA;
	s2 =	sadd.s32 s3, s2  }
0x8d: {  	s2 =	sadd.s32 s2, s16  }
0x8e: {  	[smem:$0x3FC0] =	sst s2  }
0x8f: {  	_ = 	snop  }
0x90: {  	(tm) =	ssettm $0x1  }
0x91: {  	s17 =	sld [smem:$0x3FFB];
	_ =	sdelay $0x3  }
0x92: {  	_ =	strace s17  }
0x93: {  	s2 =	sld [smem:$0x3FFC];
	_ =	sdelay $0x3  }
0x94: {  	_ =	strace s2  }
0x95: {  	s2 =	sld [smem:$0x3FFD];
	_ =	sdelay $0x3  }
0x96: {  	_ =	strace s2  }
0x97: {  	_ =	strace $0x8FFFFFFF  }
0x98: {  	s18 =	sld [smem:$0x3FDB];
	_ =	sdelay $0x1  }
0x99: {  	s19 =	simm.s32 $_scs_section_size  }
0x9a: {  	s4 =	simm.s32 $_size__tile_overlayer_lowered;
	s5 =	simm.s32 $_tile_overlayer_lowered  }
0x9b: {  	s22 =	simm.s32 $0x1BFF;
	s21 =	sshll.u32 s5, $0x1;
	s2 =	sadd.s32 s19, s18  }
0x9c: {  	s6 =	simm.s32 $0x0;
	s20 =	sshll.u32 s4, $0x1;
	s4 =	sadd.s32 s21, s2  }
0x9d: {  	[timem:s6], [sflag:s22] =	dma.local [hbm:s4], s20  }
0x9e: {  	_ =	swait.ge [sflag:s22], s20  }
0x9f: {  	s3 =	ssub.s32 $0x0, s20;
	[sflag:s22] =	ssyncset.done $0x0  }
0xa0: {  	[sflag:s22] =	ssyncadd.s32 s3;
	_ =	sdelay $0x1  }
0xa1: {  	s23 =	simm.s32 $0x1B8B  }
0xa2: {  	_ =	swait.ge [sflag:s23], $0x1  }
0xa3: {  	[sflag:s23] =	ssyncset.done $0x0  }
0xa4: {  	s25 =	simm.s32 $0x1B8E;
	s24 =	sld [smem:$0x3FFE];
	[sflag:s23] =	ssyncadd.s32 $0xFFFFFFFF  }
0xa5: {  	s26 =	simm.s32 $execute0_lowered;
	[smem:$0x3FD2] =	sst s25  }
0xa6: {  	s4 =	sshll.u32 s26, $0x1;
	_ =	strace $0x8000004C;
	[dreg:$0x1] =	wrdreg $0xFFFFFFFF  }
0xa7: {  	s28 =	simm.s32 $_size_execute0_lowered;
	s2 =	sadd.s32 s2, s4;
	[dreg:$0x0] =	wrdreg $0x0  }
0xa8: {  	s4 =	sshll.u32 s28, $0x1;
	[dreg:$0x2] =	wrdreg s2  }
0xa9: {  	[dreg:$0x3] =	wrdreg s4  }
0xaa: {  	[dreg:$0x4] =	wrdreg $0xC0  }
0xab: {  	_ =	task [dreg:s6], $0x5FFFF  }
0xac: {  	[dreg:$0x1] =	wrdreg $0xFFFFFFFF  }
0xad: {  	[dreg:$0x0] =	wrdreg $0x60  }
0xae: {  	[dreg:$0x2] =	wrdreg s24  }
0xaf: {  	[dreg:$0x3] =	wrdreg $0xA0000  }
0xb0: {  	[dreg:$0x4] =	wrdreg $0x9  }
0xb1: {  	_ =	task.clear_ibuf [dreg:s6], $0x5FFFF;
	_ =	strace $0x9000004C  }
0xb2: {  	s29 =	simm.s32 $0x9;
	_ =	strace $0x8000004E  }
0xb3: {  	_ =	swait.ge [sflag:s29], $0x1  }
0xb4: {  	[sflag:s29] =	ssyncadd.s32 $0xFFFFFFFF  }
0xb5: {  	_ =	strace $0x9000004E  }
0xb6: {  	_ =	sfence  }
0xb7: {  	s30 =	sld [smem:$0x0];
	_ =	sdelay $0x2  }
0xb8: {  	s31 =	sshll.u32 s1, $0xD;
	s1 =	sshrl.u32 s1, $0x2  }
0xb9: {  	s3 =	sand.u32 $0x4000, s31;
	s1 =	sadd.s32 s1, s30  }
0xba: {  	s0 =	sor.u32 s3, s0;
	s1 =	sshll.u32 s1, $0x11  }
0xbb: {  	s0 =	sor.u32 s1, s0  }
0xbc: {  	s0 =	sadd.s32 $0x8F2B, s0  }
0xbd: {  	[sflag:s0] =	ssyncadd.remote.s32 $0x1  }
0xbe: {  	_ =	sfence.sel $0xFFFF  }
0xbf: {  	[dreg:$0x0] =	wrdreg $0xFFFFFFFF;
	(pc) =	sbr.abs _section_cstart, $3  }
0xc0: {  	[dreg:$0x1] =	wrdreg $0xFFFFFFFF  }
0xc1: {  	_ =	task.clear_ibuf [dreg:s6], $0x2FFFF;
	_ =	strace $0x9FFFFFFF  }
0xc2: {  	(tm) =	ssettm $0x7FFFFFFF  }
0xc3: {  	_ =	shalt  }
tec
execute0_lowered:
.L_overlay_start_1:
0x0: {  	(tag) =	ssettag $0x1  }
0x1: {  	s0 =	srdreg.scid  }
0x2: {  	s0 =	sand.u32 $0x1, s0  }
0x3: {  	s9 =	stileid.u32;
	s3 =	smul.u32 $0xA0000, s0  }
0x4: {  	s1 =	rddreg [dreg:$0x0];
	s4 =	sshll.u32 s9, $0xD  }
0x5: {  	s2 =	rddreg [dreg:$0x1];
	s4 =	sor.u32 s4, s3;
	s3 =	simm.s32 $0x0  }
0x6: {  	s20 =	simm.s32 $0x400;
	[smem:$0x7FF] =	sst s3  }
0x7: {  	s21 =	simm.s32 $0x100;
	_ =	strace $0x8000004D;
	[dreg:$0x4] =	wrdreg s20  }
0x8: {  	s22 =	simm.s32 $0x480;
	[dreg:$0x5] =	wrdreg s21  }
0x9: {  	s23 =	simm.s32 $0x180;
	[dreg:$0x6] =	wrdreg s22  }
0xa: {  	s24 =	simm.s32 $0x500;
	[dreg:$0x7] =	wrdreg s23  }
0xb: {  	s25 =	simm.s32 $0x200;
	[dreg:$0x8] =	wrdreg s24  }
0xc: {  	s26 =	simm.s32 $0x580;
	[dreg:$0x9] =	wrdreg s25  }
0xd: {  	s5 =	simm.s32 $0x280;
	[dreg:$0xa] =	wrdreg s26  }
0xe: {  	s6 =	simm.s32 $0x600;
	[dreg:$0xb] =	wrdreg s5  }
0xf: {  	s7 =	simm.s32 $0x300;
	[dreg:$0xc] =	wrdreg s6  }
0x10: {  	s8 =	simm.s32 $0x680;
	[dreg:$0xd] =	wrdreg s7  }
0x11: {  	s10 =	simm.s32 $0x380;
	[dreg:$0xe] =	wrdreg s8  }
0x12: {  	s11 =	simm.s32 $0x700;
	[dreg:$0xf] =	wrdreg s10  }
0x13: {  	s12 =	simm.s32 $0x800;
	[dreg:$0x10] =	wrdreg s11  }
0x14: {  	s13 =	simm.s32 $0x780;
	[dreg:$0x11] =	wrdreg s12  }
0x15: {  	s14 =	simm.s32 $0x880;
	[dreg:$0x12] =	wrdreg s13  }
0x16: {  	s15 =	simm.s32 $0xC00;
	[dreg:$0x13] =	wrdreg s14  }
0x17: {  	s16 =	simm.s32 $0x900;
	[dreg:$0x14] =	wrdreg s15  }
0x18: {  	s17 =	simm.s32 $0xC80;
	[dreg:$0x15] =	wrdreg s16  }
0x19: {  	s18 =	simm.s32 $0x980;
	[dreg:$0x16] =	wrdreg s17  }
0x1a: {  	s19 =	simm.s32 $0xA00;
	[dreg:$0x17] =	wrdreg s18  }
0x1b: {  	s7 =	simm.s32 $0xD00;
	[dreg:$0x19] =	wrdreg s19  }
0x1c: {  	s20 =	simm.s32 $0xD80;
	[dreg:$0x18] =	wrdreg s7  }
0x1d: {  	s28 =	simm.s32 $0x1D80;
	s21 =	simm.s32 $0xA80;
	[dreg:$0x1a] =	wrdreg s20  }
0x1e: {  	s29 =	simm.s32 $0x1A80;
	s22 =	simm.s32 $0xE00;
	[dreg:$0x1b] =	wrdreg s21  }
0x1f: {  	s30 =	simm.s32 $0x1E00;
	s23 =	simm.s32 $0xB00;
	[dreg:$0x1c] =	wrdreg s22  }
0x20: {  	s31 =	simm.s32 $0x1B00;
	s25 =	simm.s32 $0xE80;
	[dreg:$0x1d] =	wrdreg s23  }
0x21: {  	s4 =	sshrl.u32 s4, $0x3;
	s26 =	simm.s32 $0xB80;
	[dreg:$0x1e] =	wrdreg s25  }
0x22: {  	s4 =	sadd.s32 s4, s1;
	s10 =	simm.s32 $0xF00;
	[dreg:$0x1f] =	wrdreg s26  }
0x23: {  	s5 =	smul.u32 $0x2800, s0;
	s12 =	simm.s32 $0x1000;
	[smem:$0x7EA] =	sst s10  }
0x24: {  	s6 =	smul.u32 $0x280, s9;
	s13 =	simm.s32 $0xF80;
	[smem:$0x7EB] =	sst s12  }
0x25: {  	s0 =	ssub.s32 $0x2, s0;
	s14 =	simm.s32 $0x1080;
	[smem:$0x7ED] =	sst s13  }
0x26: {  	s8 =	smul.u32 $0x50000, s9;
	s16 =	simm.s32 $0x1400;
	[smem:$0x7EE] =	sst s14  }
0x27: {  	s15 =	sshll.u32 s9, $0x6;
	s17 =	simm.s32 $0x1100;
	[smem:$0x7EF] =	sst s16  }
0x28: {  	s18 =	simm.s32 $0x1480;
	s19 =	simm.s32 $0x1180;
	[smem:$0x7F1] =	sst s17  }
0x29: {  	s4 =	sadd.s32 $0xD000, s4;
	s24 =	sshrl.u32 s0, $0x1;
	[smem:$0x7F3] =	sst s18  }
0x2a: {  	[smem:$0x7F4] =	sst s19;
	s20 =	simm.s32 $0x1500;
	s10 =	simm.s32 $0x3  }
0x2b: {  	s21 =	simm.s32 $0x1200;
	s22 =	simm.s32 $0x1580;
	s12 =	simm.s32 $0x2000  }
0x2c: {  	s23 =	simm.s32 $0x1280;
	s13 =	simm.s32 $0x6000;
	s14 =	simm.s32 $0x1  }
0x2d: {  	s25 =	simm.s32 $0x1300;
	s26 =	simm.s32 $0x1680;
	[dreg:$0x3] =	wrdreg s4  }
0x2e: {  	s17 =	simm.s32 $0x1700;
	s18 =	simm.s32 $0x1800;
	[smem:$0x7F5] =	sst s20  }
0x2f: {  	s19 =	simm.s32 $0x1780;
	s16 =	simm.s32 $0x0;
	[smem:$0x7F6] =	sst s21  }
0x30: {  	s4 =	sadd.s32 $0x5D000, s1;
	s5 =	sadd.s32 s6, s5;
	[smem:$0x7F7] =	sst s22  }
0x31: {  	s0 =	ssub.s32 s0, s24;
	s11 =	sshrl.u32 s8, $0x2;
	[smem:$0x7F8] =	sst s23  }
0x32: {  	s8 =	sor.u32 $0x1C03, s15;
	s24 =	simm.s32 $0x1600;
	[smem:$0x7FA] =	sst s25  }
0x33: {  	s15 =	simm.s32 $0x2;
	[smem:$0x7FB] =	sst s26;
	s20 =	simm.s32 $0x1880  }
0x34: {  	s21 =	simm.s32 $0x1C00;
	s22 =	simm.s32 $0x1900;
	s23 =	simm.s32 $0x1C80  }
0x35: {  	s25 =	simm.s32 $0x1D00;
	s26 =	simm.s32 $0x1A00;
	s5 =	sshll.u32 s5, $0x4  }
0x36: {  	s7 =	sadd.s32 s11, s2;
	s0 =	smax.u32 s0, $0x1;
	[smem:$0x7F9] =	sst s24  }
0x37: {  	s11 =	simm.s32 $0x80;
	s24 =	simm.s32 $0x1980;
	[smem:$0x7FC] =	sst s8  }
0x38: {  	s1 =	sadd.s32 s5, s1;
	s5 =	sadd.s32 s4, s5;
	[smem:$0x7F2] =	sst s0  }
0x39: {  	s9 =	sshrl.u32 s7, $0x3;
	s0 =	simm.s32 $0x1B80;
	[smem:$0x7EC] =	sst s5  }
0x3a: {  	s7 =	simm.s32 $0x1F80;
	s1 =	sadd.s32 $0xAD000, s1;
	[smem:$0x7FD] =	sst s9  }
0x3b: {  	s5 =	simm.s32 $0x1F00;
	[smem:$0x7F0] =	sst s1;
	s1 =	simm.s32 $0x1E80  }
.LBB2_1:
0x3c: {  	s6 =	sld [smem:$0x7EC];
	_ =	sdelay $0x1  }
0x3d: {  	[smem:$0x7E9] =	sst s16  }
0x3e: {  	[spmem:s9], [sflag:s8] =	dma.local [hbm:s6], $0x2800  }
0x3f: {  	_ =	swait.ge [sflag:s10], $0x2800  }
0x40: {  	[sflag:s10] =	ssyncset.done $0x0  }
0x41: {  	[sflag:s10] =	ssyncadd.s32 $0xFFFFD800  }
0x42: {  	[bflag:$0x0] =	sbarrier.arrive $0xFFFF  }
0x43: {  	s8 =	rddreg [dreg:$0x3]  }
0x44: {  	s6 =	sadd.s32 $0x0, s8  }
0x45: {  	[tilespmem:s3], [sflag:$0x3] =	stream.linear.gather [hbm4b:s6+s3], $0x2000, $0x38;
	[tilespmem:$0x1E000] =	vst v63  }
0x46: {  	_ =	swait.ge [sflag:s10], $0x2000  }
0x47: {  	[sflag:s10] =	ssyncset.done $0x0  }
0x48: {  	[sflag:s10] =	ssyncadd.s32 $0xFFFFE000  }
0x49: {  	[tilespmem:s12], [sflag:$0x1] =	stream.indirect.gather [hbm4b:s4+s11], $0x80, s3, s11, $0xb8;
	[tilespmem:$0x1E000] =	vst v63  }
0x4a: {  	_ = 	snop  }
0x4b: {  	[tilespmem:s13], [sflag:$0x2] =	stream.indirect.gather [hbm4b:s4+s11], $0x80, s11, s11, $0xb8;
	[tilespmem:$0x1E000] =	vst v63  }
0x4c: {  	_ =	swait.ge [sflag:s14], $0x4000  }
0x4d: {  	[sflag:s14] =	ssyncset.done $0x0  }
0x4e: {  	s9 =	rddreg [dreg:$0x4];
	[sflag:s14] =	ssyncadd.s32 $0xFFFFC000  }
0x4f: {  	[spmem:s2] =	stream.indirect.scatter.add.f32 [tilespmem:s12], [sflag:$0x3], $0x80, s9, s11, $0xb8;
	[tilespmem:$0x1E000] =	vst v63  }
0x50: {  	_ =	swait.ge [sflag:s10], $0x4000  }
0x51: {  	[sflag:s10] =	ssyncset.done $0x0  }
0x52: {  	s16 =	rddreg [dreg:$0x5];
	[sflag:s10] =	ssyncadd.s32 $0xFFFFC000  }
0x53: {  	[tilespmem:s12], [sflag:$0x1] =	stream.indirect.gather [hbm4b:s4+s11], $0x80, s16, s11, $0xb8;
	[tilespmem:$0x1E000] =	vst v63  }
0x54: {  	_ =	swait.ge [sflag:s15], $0x4000  }
0x55: {  	[sflag:s15] =	ssyncset.done $0x0  }
0x56: {  	s8 =	rddreg [dreg:$0x6];
	[sflag:s15] =	ssyncadd.s32 $0xFFFFC000  }
0x57: {  	[spmem:s2] =	stream.indirect.scatter.add.f32 [tilespmem:s13], [sflag:$0x3], $0x80, s8, s11, $0xb8;
	[tilespmem:$0x1E000] =	vst v63  }
0x58: {  	_ =	swait.ge [sflag:s10], $0x4000  }
0x59: {  	[sflag:s10] =	ssyncset.done $0x0  }
0x5a: {  	s9 =	rddreg [dreg:$0x7];
	[sflag:s10] =	ssyncadd.s32 $0xFFFFC000  }
0x5b: {  	[tilespmem:s13], [sflag:$0x2] =	stream.indirect.gather [hbm4b:s4+s11], $0x80, s9, s11, $0xb8;
	[tilespmem:$0x1E000] =	vst v63  }
0x5c: {  	_ =	swait.ge [sflag:s14], $0x4000  }
0x5d: {  	[sflag:s14] =	ssyncset.done $0x0  }
0x5e: {  	s16 =	rddreg [dreg:$0x8];
	[sflag:s14] =	ssyncadd.s32 $0xFFFFC000  }
0x5f: {  	[spmem:s2] =	stream.indirect.scatter.add.f32 [tilespmem:s12], [sflag:$0x3], $0x80, s16, s11, $0xb8;
	[tilespmem:$0x1E000] =	vst v63  }
0x60: {  	_ =	swait.ge [sflag:s10], $0x4000  }
0x61: {  	[sflag:s10] =	ssyncset.done $0x0  }
0x62: {  	s8 =	rddreg [dreg:$0x9];
	[sflag:s10] =	ssyncadd.s32 $0xFFFFC000  }
0x63: {  	[tilespmem:s12], [sflag:$0x1] =	stream.indirect.gather [hbm4b:s4+s11], $0x80, s8, s11, $0xb8;
	[tilespmem:$0x1E000] =	vst v63  }
0x64: {  	_ =	swait.ge [sflag:s15], $0x4000  }
0x65: {  	[sflag:s15] =	ssyncset.done $0x0  }
0x66: {  	s9 =	rddreg [dreg:$0xa];
	[sflag:s15] =	ssyncadd.s32 $0xFFFFC000  }
0x67: {  	[spmem:s2] =	stream.indirect.scatter.add.f32 [tilespmem:s13], [sflag:$0x3], $0x80, s9, s11, $0xb8;
	[tilespmem:$0x1E000] =	vst v63  }
0x68: {  	_ =	swait.ge [sflag:s10], $0x4000  }
0x69: {  	[sflag:s10] =	ssyncset.done $0x0  }
0x6a: {  	s16 =	rddreg [dreg:$0xb];
	[sflag:s10] =	ssyncadd.s32 $0xFFFFC000  }
0x6b: {  	[tilespmem:s13], [sflag:$0x2] =	stream.indirect.gather [hbm4b:s4+s11], $0x80, s16, s11, $0xb8;
	[tilespmem:$0x1E000] =	vst v63  }
0x6c: {  	_ =	swait.ge [sflag:s14], $0x4000  }
0x6d: {  	[sflag:s14] =	ssyncset.done $0x0  }
0x6e: {  	s8 =	rddreg [dreg:$0xc];
	[sflag:s14] =	ssyncadd.s32 $0xFFFFC000  }
0x6f: {  	[spmem:s2] =	stream.indirect.scatter.add.f32 [tilespmem:s12], [sflag:$0x3], $0x80, s8, s11, $0xb8;
	[tilespmem:$0x1E000] =	vst v63  }
0x70: {  	_ =	swait.ge [sflag:s10], $0x4000  }
0x71: {  	[sflag:s10] =	ssyncset.done $0x0  }
0x72: {  	s9 =	rddreg [dreg:$0xd];
	[sflag:s10] =	ssyncadd.s32 $0xFFFFC000  }
0x73: {  	[tilespmem:s12], [sflag:$0x1] =	stream.indirect.gather [hbm4b:s4+s11], $0x80, s9, s11, $0xb8;
	[tilespmem:$0x1E000] =	vst v63  }
0x74: {  	_ =	swait.ge [sflag:s15], $0x4000  }
0x75: {  	[sflag:s15] =	ssyncset.done $0x0  }
0x76: {  	s16 =	rddreg [dreg:$0xe];
	[sflag:s15] =	ssyncadd.s32 $0xFFFFC000  }
0x77: {  	[spmem:s2] =	stream.indirect.scatter.add.f32 [tilespmem:s13], [sflag:$0x3], $0x80, s16, s11, $0xb8;
	[tilespmem:$0x1E000] =	vst v63  }
0x78: {  	_ =	swait.ge [sflag:s10], $0x4000  }
0x79: {  	[sflag:s10] =	ssyncset.done $0x0  }
0x7a: {  	s8 =	rddreg [dreg:$0xf];
	[sflag:s10] =	ssyncadd.s32 $0xFFFFC000  }
0x7b: {  	[tilespmem:s13], [sflag:$0x2] =	stream.indirect.gather [hbm4b:s4+s11], $0x80, s8, s11, $0xb8;
	[tilespmem:$0x1E000] =	vst v63  }
0x7c: {  	_ =	swait.ge [sflag:s14], $0x4000  }
0x7d: {  	[sflag:s14] =	ssyncset.done $0x0  }
0x7e: {  	s9 =	rddreg [dreg:$0x10];
	[sflag:s14] =	ssyncadd.s32 $0xFFFFC000  }
0x7f: {  	[spmem:s2] =	stream.indirect.scatter.add.f32 [tilespmem:s12], [sflag:$0x3], $0x80, s9, s11, $0xb8;
	[tilespmem:$0x1E000] =	vst v63  }
0x80: {  	_ =	swait.ge [sflag:s10], $0x4000  }
0x81: {  	[sflag:s10] =	ssyncset.done $0x0  }
0x82: {  	s16 =	rddreg [dreg:$0x11];
	[sflag:s10] =	ssyncadd.s32 $0xFFFFC000  }
0x83: {  	[tilespmem:s12], [sflag:$0x1] =	stream.indirect.gather [hbm4b:s4+s11], $0x80, s16, s11, $0xb8;
	[tilespmem:$0x1E000] =	vst v63  }
0x84: {  	_ =	swait.ge [sflag:s15], $0x4000  }
0x85: {  	[sflag:s15] =	ssyncset.done $0x0  }
0x86: {  	s8 =	rddreg [dreg:$0x12];
	[sflag:s15] =	ssyncadd.s32 $0xFFFFC000  }
0x87: {  	[spmem:s2] =	stream.indirect.scatter.add.f32 [tilespmem:s13], [sflag:$0x3], $0x80, s8, s11, $0xb8;
	[tilespmem:$0x1E000] =	vst v63  }
0x88: {  	_ =	swait.ge [sflag:s10], $0x4000  }
0x89: {  	[sflag:s10] =	ssyncset.done $0x0  }
0x8a: {  	s9 =	rddreg [dreg:$0x13];
	[sflag:s10] =	ssyncadd.s32 $0xFFFFC000  }
0x8b: {  	[tilespmem:s13], [sflag:$0x2] =	stream.indirect.gather [hbm4b:s4+s11], $0x80, s9, s11, $0xb8;
	[tilespmem:$0x1E000] =	vst v63  }
0x8c: {  	_ =	swait.ge [sflag:s14], $0x4000  }
0x8d: {  	[sflag:s14] =	ssyncset.done $0x0  }
0x8e: {  	s16 =	rddreg [dreg:$0x14];
	[sflag:s14] =	ssyncadd.s32 $0xFFFFC000  }
0x8f: {  	[spmem:s2] =	stream.indirect.scatter.add.f32 [tilespmem:s12], [sflag:$0x3], $0x80, s16, s11, $0xb8;
	[tilespmem:$0x1E000] =	vst v63  }
0x90: {  	_ =	swait.ge [sflag:s10], $0x4000  }
0x91: {  	[sflag:s10] =	ssyncset.done $0x0  }
0x92: {  	s8 =	rddreg [dreg:$0x15];
	[sflag:s10] =	ssyncadd.s32 $0xFFFFC000  }
0x93: {  	[tilespmem:s12], [sflag:$0x1] =	stream.indirect.gather [hbm4b:s4+s11], $0x80, s8, s11, $0xb8;
	[tilespmem:$0x1E000] =	vst v63  }
0x94: {  	_ =	swait.ge [sflag:s15], $0x4000  }
0x95: {  	[sflag:s15] =	ssyncset.done $0x0  }
0x96: {  	s9 =	rddreg [dreg:$0x16];
	[sflag:s15] =	ssyncadd.s32 $0xFFFFC000  }
0x97: {  	[spmem:s2] =	stream.indirect.scatter.add.f32 [tilespmem:s13], [sflag:$0x3], $0x80, s9, s11, $0xb8;
	[tilespmem:$0x1E000] =	vst v63  }
0x98: {  	_ =	swait.ge [sflag:s10], $0x4000  }
0x99: {  	[sflag:s10] =	ssyncset.done $0x0  }
0x9a: {  	s16 =	rddreg [dreg:$0x17];
	[sflag:s10] =	ssyncadd.s32 $0xFFFFC000  }
0x9b: {  	[tilespmem:s13], [sflag:$0x2] =	stream.indirect.gather [hbm4b:s4+s11], $0x80, s16, s11, $0xb8;
	[tilespmem:$0x1E000] =	vst v63  }
0x9c: {  	_ =	swait.ge [sflag:s14], $0x4000  }
0x9d: {  	[sflag:s14] =	ssyncset.done $0x0  }
0x9e: {  	s8 =	rddreg [dreg:$0x18];
	[sflag:s14] =	ssyncadd.s32 $0xFFFFC000  }
0x9f: {  	[spmem:s2] =	stream.indirect.scatter.add.f32 [tilespmem:s12], [sflag:$0x3], $0x80, s8, s11, $0xb8;
	[tilespmem:$0x1E000] =	vst v63  }
0xa0: {  	_ =	swait.ge [sflag:s10], $0x4000  }
0xa1: {  	[sflag:s10] =	ssyncset.done $0x0  }
0xa2: {  	s9 =	rddreg [dreg:$0x19];
	[sflag:s10] =	ssyncadd.s32 $0xFFFFC000  }
0xa3: {  	[tilespmem:s12], [sflag:$0x1] =	stream.indirect.gather [hbm4b:s4+s11], $0x80, s9, s11, $0xb8;
	[tilespmem:$0x1E000] =	vst v63  }
0xa4: {  	_ =	swait.ge [sflag:s15], $0x4000  }
0xa5: {  	[sflag:s15] =	ssyncset.done $0x0  }
0xa6: {  	s16 =	rddreg [dreg:$0x1a];
	[sflag:s15] =	ssyncadd.s32 $0xFFFFC000  }
0xa7: {  	[spmem:s2] =	stream.indirect.scatter.add.f32 [tilespmem:s13], [sflag:$0x3], $0x80, s16, s11, $0xb8;
	[tilespmem:$0x1E000] =	vst v63  }
0xa8: {  	_ =	swait.ge [sflag:s10], $0x4000  }
0xa9: {  	[sflag:s10] =	ssyncset.done $0x0  }
0xaa: {  	s8 =	rddreg [dreg:$0x1b];
	[sflag:s10] =	ssyncadd.s32 $0xFFFFC000  }
0xab: {  	[tilespmem:s13], [sflag:$0x2] =	stream.indirect.gather [hbm4b:s4+s11], $0x80, s8, s11, $0xb8;
	[tilespmem:$0x1E000] =	vst v63  }
0xac: {  	_ =	swait.ge [sflag:s14], $0x4000  }
0xad: {  	[sflag:s14] =	ssyncset.done $0x0  }
0xae: {  	s9 =	rddreg [dreg:$0x1c];
	[sflag:s14] =	ssyncadd.s32 $0xFFFFC000  }
0xaf: {  	[spmem:s2] =	stream.indirect.scatter.add.f32 [tilespmem:s12], [sflag:$0x3], $0x80, s9, s11, $0xb8;
	[tilespmem:$0x1E000] =	vst v63  }
0xb0: {  	_ =	swait.ge [sflag:s10], $0x4000  }
0xb1: {  	[sflag:s10] =	ssyncset.done $0x0  }
0xb2: {  	s16 =	rddreg [dreg:$0x1d];
	[sflag:s10] =	ssyncadd.s32 $0xFFFFC000  }
0xb3: {  	[tilespmem:s12], [sflag:$0x1] =	stream.indirect.gather [hbm4b:s4+s11], $0x80, s16, s11, $0xb8;
	[tilespmem:$0x1E000] =	vst v63  }
0xb4: {  	_ =	swait.ge [sflag:s15], $0x4000  }
0xb5: {  	[sflag:s15] =	ssyncset.done $0x0  }
0xb6: {  	s8 =	rddreg [dreg:$0x1e];
	[sflag:s15] =	ssyncadd.s32 $0xFFFFC000  }
0xb7: {  	[spmem:s2] =	stream.indirect.scatter.add.f32 [tilespmem:s13], [sflag:$0x3], $0x80, s8, s11, $0xb8;
	[tilespmem:$0x1E000] =	vst v63  }
0xb8: {  	_ =	swait.ge [sflag:s10], $0x4000  }
0xb9: {  	[sflag:s10] =	ssyncset.done $0x0  }
0xba: {  	s9 =	rddreg [dreg:$0x1f];
	[sflag:s10] =	ssyncadd.s32 $0xFFFFC000  }
0xbb: {  	[tilespmem:s13], [sflag:$0x2] =	stream.indirect.gather [hbm4b:s4+s11], $0x80, s9, s11, $0xb8;
	[tilespmem:$0x1E000] =	vst v63  }
0xbc: {  	_ =	swait.ge [sflag:s14], $0x4000  }
0xbd: {  	s16 =	sld [smem:$0x7EA]  }
0xbe: {  	[sflag:s14] =	ssyncset.done $0x0  }
0xbf: {  	[sflag:s14] =	ssyncadd.s32 $0xFFFFC000  }
0xc0: {  	[spmem:s2] =	stream.indirect.scatter.add.f32 [tilespmem:s12], [sflag:$0x3], $0x80, s16, s11, $0xb8;
	[tilespmem:$0x1E000] =	vst v63  }
0xc1: {  	_ =	swait.ge [sflag:s10], $0x4000  }
0xc2: {  	s8 =	sld [smem:$0x7EB]  }
0xc3: {  	[sflag:s10] =	ssyncset.done $0x0  }
0xc4: {  	[sflag:s10] =	ssyncadd.s32 $0xFFFFC000  }
0xc5: {  	[tilespmem:s12], [sflag:$0x1] =	stream.indirect.gather [hbm4b:s4+s11], $0x80, s8, s11, $0xb8;
	[tilespmem:$0x1E000] =	vst v63  }
0xc6: {  	_ =	swait.ge [sflag:s15], $0x4000  }
0xc7: {  	s9 =	sld [smem:$0x7ED]  }
0xc8: {  	[sflag:s15] =	ssyncset.done $0x0  }
0xc9: {  	[sflag:s15] =	ssyncadd.s32 $0xFFFFC000  }
0xca: {  	[spmem:s2] =	stream.indirect.scatter.add.f32 [tilespmem:s13], [sflag:$0x3], $0x80, s9, s11, $0xb8;
	[tilespmem:$0x1E000] =	vst v63  }
0xcb: {  	_ =	swait.ge [sflag:s10], $0x4000  }
0xcc: {  	s16 =	sld [smem:$0x7EE]  }
0xcd: {  	[sflag:s10] =	ssyncset.done $0x0  }
0xce: {  	[sflag:s10] =	ssyncadd.s32 $0xFFFFC000  }
0xcf: {  	[tilespmem:s13], [sflag:$0x2] =	stream.indirect.gather [hbm4b:s4+s11], $0x80, s16, s11, $0xb8;
	[tilespmem:$0x1E000] =	vst v63  }
0xd0: {  	_ =	swait.ge [sflag:s14], $0x4000  }
0xd1: {  	s8 =	sld [smem:$0x7EF]  }
0xd2: {  	[sflag:s14] =	ssyncset.done $0x0  }
0xd3: {  	[sflag:s14] =	ssyncadd.s32 $0xFFFFC000  }
0xd4: {  	[spmem:s2] =	stream.indirect.scatter.add.f32 [tilespmem:s12], [sflag:$0x3], $0x80, s8, s11, $0xb8;
	[tilespmem:$0x1E000] =	vst v63  }
0xd5: {  	_ =	swait.ge [sflag:s10], $0x4000  }
0xd6: {  	s9 =	sld [smem:$0x7F1]  }
0xd7: {  	[sflag:s10] =	ssyncset.done $0x0  }
0xd8: {  	[sflag:s10] =	ssyncadd.s32 $0xFFFFC000  }
0xd9: {  	[tilespmem:s12], [sflag:$0x1] =	stream.indirect.gather [hbm4b:s4+s11], $0x80, s9, s11, $0xb8;
	[tilespmem:$0x1E000] =	vst v63  }
0xda: {  	_ =	swait.ge [sflag:s15], $0x4000  }
0xdb: {  	s16 =	sld [smem:$0x7F3]  }
0xdc: {  	[sflag:s15] =	ssyncset.done $0x0  }
0xdd: {  	[sflag:s15] =	ssyncadd.s32 $0xFFFFC000  }
0xde: {  	[spmem:s2] =	stream.indirect.scatter.add.f32 [tilespmem:s13], [sflag:$0x3], $0x80, s16, s11, $0xb8;
	[tilespmem:$0x1E000] =	vst v63  }
0xdf: {  	_ =	swait.ge [sflag:s10], $0x4000  }
0xe0: {  	s8 =	sld [smem:$0x7F4]  }
0xe1: {  	[sflag:s10] =	ssyncset.done $0x0  }
0xe2: {  	[sflag:s10] =	ssyncadd.s32 $0xFFFFC000  }
0xe3: {  	[tilespmem:s13], [sflag:$0x2] =	stream.indirect.gather [hbm4b:s4+s11], $0x80, s8, s11, $0xb8;
	[tilespmem:$0x1E000] =	vst v63  }
0xe4: {  	_ =	swait.ge [sflag:s14], $0x4000  }
0xe5: {  	s9 =	sld [smem:$0x7F5]  }
0xe6: {  	[sflag:s14] =	ssyncset.done $0x0  }
0xe7: {  	[sflag:s14] =	ssyncadd.s32 $0xFFFFC000  }
0xe8: {  	[spmem:s2] =	stream.indirect.scatter.add.f32 [tilespmem:s12], [sflag:$0x3], $0x80, s9, s11, $0xb8;
	[tilespmem:$0x1E000] =	vst v63  }
0xe9: {  	_ =	swait.ge [sflag:s10], $0x4000  }
0xea: {  	s16 =	sld [smem:$0x7F6]  }
0xeb: {  	[sflag:s10] =	ssyncset.done $0x0  }
0xec: {  	[sflag:s10] =	ssyncadd.s32 $0xFFFFC000  }
0xed: {  	[tilespmem:s12], [sflag:$0x1] =	stream.indirect.gather [hbm4b:s4+s11], $0x80, s16, s11, $0xb8;
	[tilespmem:$0x1E000] =	vst v63  }
0xee: {  	_ =	swait.ge [sflag:s15], $0x4000  }
0xef: {  	s8 =	sld [smem:$0x7F7]  }
0xf0: {  	[sflag:s15] =	ssyncset.done $0x0  }
0xf1: {  	[sflag:s15] =	ssyncadd.s32 $0xFFFFC000  }
0xf2: {  	[spmem:s2] =	stream.indirect.scatter.add.f32 [tilespmem:s13], [sflag:$0x3], $0x80, s8, s11, $0xb8;
	[tilespmem:$0x1E000] =	vst v63  }
0xf3: {  	_ =	swait.ge [sflag:s10], $0x4000  }
0xf4: {  	s9 =	sld [smem:$0x7F8]  }
0xf5: {  	[sflag:s10] =	ssyncset.done $0x0  }
0xf6: {  	[sflag:s10] =	ssyncadd.s32 $0xFFFFC000  }
0xf7: {  	[tilespmem:s13], [sflag:$0x2] =	stream.indirect.gather [hbm4b:s4+s11], $0x80, s9, s11, $0xb8;
	[tilespmem:$0x1E000] =	vst v63  }
0xf8: {  	_ =	swait.ge [sflag:s14], $0x4000  }
0xf9: {  	s16 =	sld [smem:$0x7F9]  }
0xfa: {  	[sflag:s14] =	ssyncset.done $0x0  }
0xfb: {  	[sflag:s14] =	ssyncadd.s32 $0xFFFFC000  }
0xfc: {  	[spmem:s2] =	stream.indirect.scatter.add.f32 [tilespmem:s12], [sflag:$0x3], $0x80, s16, s11, $0xb8;
	[tilespmem:$0x1E000] =	vst v63  }
0xfd: {  	_ =	swait.ge [sflag:s10], $0x4000  }
0xfe: {  	s8 =	sld [smem:$0x7FA]  }
0xff: {  	[sflag:s10] =	ssyncset.done $0x0  }
0x100: {  	[sflag:s10] =	ssyncadd.s32 $0xFFFFC000  }
0x101: {  	[tilespmem:s12], [sflag:$0x1] =	stream.indirect.gather [hbm4b:s4+s11], $0x80, s8, s11, $0xb8;
	[tilespmem:$0x1E000] =	vst v63  }
0x102: {  	_ =	swait.ge [sflag:s15], $0x4000  }
0x103: {  	s9 =	sld [smem:$0x7FB]  }
0x104: {  	[sflag:s15] =	ssyncset.done $0x0  }
0x105: {  	[sflag:s15] =	ssyncadd.s32 $0xFFFFC000  }
0x106: {  	[spmem:s2] =	stream.indirect.scatter.add.f32 [tilespmem:s13], [sflag:$0x3], $0x80, s9, s11, $0xb8;
	[tilespmem:$0x1E000] =	vst v63  }
0x107: {  	_ =	swait.ge [sflag:s10], $0x4000  }
0x108: {  	[sflag:s10] =	ssyncset.done $0x0  }
0x109: {  	s16 =	simm.s32 $0x1380;
	[sflag:s10] =	ssyncadd.s32 $0xFFFFC000  }
0x10a: {  	[tilespmem:s13], [sflag:$0x2] =	stream.indirect.gather [hbm4b:s4+s11], $0x80, s16, s11, $0xb8;
	[tilespmem:$0x1E000] =	vst v63  }
0x10b: {  	_ =	swait.ge [sflag:s14], $0x4000  }
0x10c: {  	[sflag:s14] =	ssyncset.done $0x0  }
0x10d: {  	[sflag:s14] =	ssyncadd.s32 $0xFFFFC000  }
0x10e: {  	[spmem:s2] =	stream.indirect.scatter.add.f32 [tilespmem:s12], [sflag:$0x3], $0x80, s17, s11, $0xb8;
	[tilespmem:$0x1E000] =	vst v63  }
0x10f: {  	_ =	swait.ge [sflag:s10], $0x4000  }
0x110: {  	[sflag:s10] =	ssyncset.done $0x0  }
0x111: {  	[sflag:s10] =	ssyncadd.s32 $0xFFFFC000  }
0x112: {  	[tilespmem:s12], [sflag:$0x1] =	stream.indirect.gather [hbm4b:s4+s11], $0x80, s18, s11, $0xb8;
	[tilespmem:$0x1E000] =	vst v63  }
0x113: {  	_ =	swait.ge [sflag:s15], $0x4000  }
0x114: {  	[sflag:s15] =	ssyncset.done $0x0  }
0x115: {  	[sflag:s15] =	ssyncadd.s32 $0xFFFFC000  }
0x116: {  	[spmem:s2] =	stream.indirect.scatter.add.f32 [tilespmem:s13], [sflag:$0x3], $0x80, s19, s11, $0xb8;
	[tilespmem:$0x1E000] =	vst v63  }
0x117: {  	_ =	swait.ge [sflag:s10], $0x4000  }
0x118: {  	[sflag:s10] =	ssyncset.done $0x0  }
0x119: {  	[sflag:s10] =	ssyncadd.s32 $0xFFFFC000  }
0x11a: {  	[tilespmem:s13], [sflag:$0x2] =	stream.indirect.gather [hbm4b:s4+s11], $0x80, s20, s11, $0xb8;
	[tilespmem:$0x1E000] =	vst v63  }
0x11b: {  	_ =	swait.ge [sflag:s14], $0x4000  }
0x11c: {  	[sflag:s14] =	ssyncset.done $0x0  }
0x11d: {  	[sflag:s14] =	ssyncadd.s32 $0xFFFFC000  }
0x11e: {  	[spmem:s2] =	stream.indirect.scatter.add.f32 [tilespmem:s12], [sflag:$0x3], $0x80, s21, s11, $0xb8;
	[tilespmem:$0x1E000] =	vst v63  }
0x11f: {  	_ =	swait.ge [sflag:s10], $0x4000  }
0x120: {  	[sflag:s10] =	ssyncset.done $0x0  }
0x121: {  	[sflag:s10] =	ssyncadd.s32 $0xFFFFC000  }
0x122: {  	[tilespmem:s12], [sflag:$0x1] =	stream.indirect.gather [hbm4b:s4+s11], $0x80, s22, s11, $0xb8;
	[tilespmem:$0x1E000] =	vst v63  }
0x123: {  	_ =	swait.ge [sflag:s15], $0x4000  }
0x124: {  	[sflag:s15] =	ssyncset.done $0x0  }
0x125: {  	[sflag:s15] =	ssyncadd.s32 $0xFFFFC000  }
0x126: {  	[spmem:s2] =	stream.indirect.scatter.add.f32 [tilespmem:s13], [sflag:$0x3], $0x80, s23, s11, $0xb8;
	[tilespmem:$0x1E000] =	vst v63  }
0x127: {  	_ =	swait.ge [sflag:s10], $0x4000  }
0x128: {  	[sflag:s10] =	ssyncset.done $0x0  }
0x129: {  	[sflag:s10] =	ssyncadd.s32 $0xFFFFC000  }
0x12a: {  	[tilespmem:s13], [sflag:$0x2] =	stream.indirect.gather [hbm4b:s4+s11], $0x80, s24, s11, $0xb8;
	[tilespmem:$0x1E000] =	vst v63  }
0x12b: {  	_ =	swait.ge [sflag:s14], $0x4000  }
0x12c: {  	[sflag:s14] =	ssyncset.done $0x0  }
0x12d: {  	[sflag:s14] =	ssyncadd.s32 $0xFFFFC000  }
0x12e: {  	[spmem:s2] =	stream.indirect.scatter.add.f32 [tilespmem:s12], [sflag:$0x3], $0x80, s25, s11, $0xb8;
	[tilespmem:$0x1E000] =	vst v63  }
0x12f: {  	_ =	swait.ge [sflag:s10], $0x4000  }
0x130: {  	[sflag:s10] =	ssyncset.done $0x0  }
0x131: {  	[sflag:s10] =	ssyncadd.s32 $0xFFFFC000  }
0x132: {  	[tilespmem:s12], [sflag:$0x1] =	stream.indirect.gather [hbm4b:s4+s11], $0x80, s26, s11, $0xb8;
	[tilespmem:$0x1E000] =	vst v63  }
0x133: {  	_ =	swait.ge [sflag:s15], $0x4000  }
0x134: {  	[sflag:s15] =	ssyncset.done $0x0  }
0x135: {  	[sflag:s15] =	ssyncadd.s32 $0xFFFFC000  }
0x136: {  	[spmem:s2] =	stream.indirect.scatter.add.f32 [tilespmem:s13], [sflag:$0x3], $0x80, s28, s11, $0xb8;
	[tilespmem:$0x1E000] =	vst v63  }
0x137: {  	_ =	swait.ge [sflag:s10], $0x4000  }
0x138: {  	[sflag:s10] =	ssyncset.done $0x0  }
0x139: {  	[sflag:s10] =	ssyncadd.s32 $0xFFFFC000  }
0x13a: {  	[tilespmem:s13], [sflag:$0x2] =	stream.indirect.gather [hbm4b:s4+s11], $0x80, s29, s11, $0xb8;
	[tilespmem:$0x1E000] =	vst v63  }
0x13b: {  	_ =	swait.ge [sflag:s14], $0x4000  }
0x13c: {  	[sflag:s14] =	ssyncset.done $0x0  }
0x13d: {  	[sflag:s14] =	ssyncadd.s32 $0xFFFFC000  }
0x13e: {  	[spmem:s2] =	stream.indirect.scatter.add.f32 [tilespmem:s12], [sflag:$0x3], $0x80, s30, s11, $0xb8;
	[tilespmem:$0x1E000] =	vst v63  }
0x13f: {  	_ =	swait.ge [sflag:s10], $0x4000  }
0x140: {  	[sflag:s10] =	ssyncset.done $0x0  }
0x141: {  	[sflag:s10] =	ssyncadd.s32 $0xFFFFC000  }
0x142: {  	[tilespmem:s12], [sflag:$0x1] =	stream.indirect.gather [hbm4b:s4+s11], $0x80, s31, s11, $0xb8;
	[tilespmem:$0x1E000] =	vst v63  }
0x143: {  	_ =	swait.ge [sflag:s15], $0x4000  }
0x144: {  	[sflag:s15] =	ssyncset.done $0x0  }
0x145: {  	[sflag:s15] =	ssyncadd.s32 $0xFFFFC000  }
0x146: {  	[spmem:s2] =	stream.indirect.scatter.add.f32 [tilespmem:s13], [sflag:$0x3], $0x80, s1, s11, $0xb8;
	[tilespmem:$0x1E000] =	vst v63  }
0x147: {  	_ =	swait.ge [sflag:s10], $0x4000  }
0x148: {  	[sflag:s10] =	ssyncset.done $0x0  }
0x149: {  	[sflag:s10] =	ssyncadd.s32 $0xFFFFC000  }
0x14a: {  	[tilespmem:s13], [sflag:$0x2] =	stream.indirect.gather [hbm4b:s4+s11], $0x80, s0, s11, $0xb8;
	[tilespmem:$0x1E000] =	vst v63  }
0x14b: {  	_ =	swait.ge [sflag:s14], $0x4000  }
0x14c: {  	[sflag:s14] =	ssyncset.done $0x0  }
0x14d: {  	[sflag:s14] =	ssyncadd.s32 $0xFFFFC000  }
0x14e: {  	[spmem:s2] =	stream.indirect.scatter.add.f32 [tilespmem:s12], [sflag:$0x3], $0x80, s5, s11, $0xb8;
	[tilespmem:$0x1E000] =	vst v63  }
0x14f: {  	_ =	swait.ge [sflag:s10], $0x4000  }
0x150: {  	[sflag:s10] =	ssyncset.done $0x0  }
0x151: {  	[sflag:s10] =	ssyncadd.s32 $0xFFFFC000  }
0x152: {  	_ =	swait.ge [sflag:s15], $0x4000  }
0x153: {  	[sflag:s15] =	ssyncset.done $0x0  }
0x154: {  	[sflag:s15] =	ssyncadd.s32 $0xFFFFC000  }
0x155: {  	[spmem:s2] =	stream.indirect.scatter.add.f32 [tilespmem:s13], [sflag:$0x3], $0x80, s7, s11, $0xb8;
	[tilespmem:$0x1E000] =	vst v63  }
0x156: {  	s6 =	simm.s32 $0x4000;
	_ =	swait.ge [sflag:s10], $0x4000  }
0x157: {  	s9 =	simm.s32 $0x8000;
	s8 =	rddreg [dreg:$0x3];
	[sflag:s10] =	ssyncset.done $0x0  }
.LBB2_2:
0x158: {  	[sflag:s10] =	ssyncadd.s32 $0xFFFFC000;
	s8 =	sadd.s32 s6, s8  }
0x159: {  	[tilespmem:s3], [sflag:$0x3] =	stream.linear.gather [hbm4b:s8+s3], $0x2000, $0x38;
	[tilespmem:$0x1E000] =	vst v63  }
0x15a: {  	_ =	swait.ge [sflag:s10], $0x2000  }
0x15b: {  	[sflag:s10] =	ssyncset.done $0x0  }
0x15c: {  	[sflag:s10] =	ssyncadd.s32 $0xFFFFE000  }
0x15d: {  	[tilespmem:s12], [sflag:$0x1] =	stream.indirect.gather [hbm4b:s4+s11], $0x80, s3, s11, $0xb8;
	[tilespmem:$0x1E000] =	vst v63  }
0x15e: {  	_ = 	snop  }
0x15f: {  	[tilespmem:s13], [sflag:$0x2] =	stream.indirect.gather [hbm4b:s4+s11], $0x80, s11, s11, $0xb8;
	[tilespmem:$0x1E000] =	vst v63  }
0x160: {  	_ =	swait.ge [sflag:s14], $0x4000  }
0x161: {  	s16 =	smov.u32 s9;
	[sflag:s14] =	ssyncset.done $0x0  }
0x162: {  	s6 =	smov.u32 s16;
	s16 =	rddreg [dreg:$0x4];
	[sflag:s14] =	ssyncadd.s32 $0xFFFFC000  }
0x163: {  	[spmem:s2] =	stream.indirect.scatter.add.f32 [tilespmem:s12], [sflag:$0x3], $0x80, s16, s11, $0xb8;
	[tilespmem:$0x1E000] =	vst v63  }
0x164: {  	_ =	swait.ge [sflag:s10], $0x4000  }
0x165: {  	[sflag:s10] =	ssyncset.done $0x0  }
0x166: {  	s16 =	rddreg [dreg:$0x5];
	[sflag:s10] =	ssyncadd.s32 $0xFFFFC000  }
0x167: {  	[tilespmem:s12], [sflag:$0x1] =	stream.indirect.gather [hbm4b:s4+s11], $0x80, s16, s11, $0xb8;
	[tilespmem:$0x1E000] =	vst v63  }
0x168: {  	_ =	swait.ge [sflag:s15], $0x4000  }
0x169: {  	[sflag:s15] =	ssyncset.done $0x0  }
0x16a: {  	s16 =	rddreg [dreg:$0x6];
	[sflag:s15] =	ssyncadd.s32 $0xFFFFC000  }
0x16b: {  	[spmem:s2] =	stream.indirect.scatter.add.f32 [tilespmem:s13], [sflag:$0x3], $0x80, s16, s11, $0xb8;
	[tilespmem:$0x1E000] =	vst v63  }
0x16c: {  	_ =	swait.ge [sflag:s10], $0x4000  }
0x16d: {  	[sflag:s10] =	ssyncset.done $0x0  }
0x16e: {  	s16 =	rddreg [dreg:$0x7];
	[sflag:s10] =	ssyncadd.s32 $0xFFFFC000  }
0x16f: {  	[tilespmem:s13], [sflag:$0x2] =	stream.indirect.gather [hbm4b:s4+s11], $0x80, s16, s11, $0xb8;
	[tilespmem:$0x1E000] =	vst v63  }
0x170: {  	_ =	swait.ge [sflag:s14], $0x4000  }
0x171: {  	[sflag:s14] =	ssyncset.done $0x0  }
0x172: {  	s16 =	rddreg [dreg:$0x8];
	[sflag:s14] =	ssyncadd.s32 $0xFFFFC000  }
0x173: {  	[spmem:s2] =	stream.indirect.scatter.add.f32 [tilespmem:s12], [sflag:$0x3], $0x80, s16, s11, $0xb8;
	[tilespmem:$0x1E000] =	vst v63  }
0x174: {  	_ =	swait.ge [sflag:s10], $0x4000  }
0x175: {  	[sflag:s10] =	ssyncset.done $0x0  }
0x176: {  	s16 =	rddreg [dreg:$0x9];
	[sflag:s10] =	ssyncadd.s32 $0xFFFFC000  }
0x177: {  	[tilespmem:s12], [sflag:$0x1] =	stream.indirect.gather [hbm4b:s4+s11], $0x80, s16, s11, $0xb8;
	[tilespmem:$0x1E000] =	vst v63  }
0x178: {  	_ =	swait.ge [sflag:s15], $0x4000  }
0x179: {  	[sflag:s15] =	ssyncset.done $0x0  }
0x17a: {  	s16 =	rddreg [dreg:$0xa];
	[sflag:s15] =	ssyncadd.s32 $0xFFFFC000  }
0x17b: {  	[spmem:s2] =	stream.indirect.scatter.add.f32 [tilespmem:s13], [sflag:$0x3], $0x80, s16, s11, $0xb8;
	[tilespmem:$0x1E000] =	vst v63  }
0x17c: {  	_ =	swait.ge [sflag:s10], $0x4000  }
0x17d: {  	[sflag:s10] =	ssyncset.done $0x0  }
0x17e: {  	s16 =	rddreg [dreg:$0xb];
	[sflag:s10] =	ssyncadd.s32 $0xFFFFC000  }
0x17f: {  	[tilespmem:s13], [sflag:$0x2] =	stream.indirect.gather [hbm4b:s4+s11], $0x80, s16, s11, $0xb8;
	[tilespmem:$0x1E000] =	vst v63  }
0x180: {  	_ =	swait.ge [sflag:s14], $0x4000  }
0x181: {  	[sflag:s14] =	ssyncset.done $0x0  }
0x182: {  	s16 =	rddreg [dreg:$0xc];
	[sflag:s14] =	ssyncadd.s32 $0xFFFFC000  }
0x183: {  	[spmem:s2] =	stream.indirect.scatter.add.f32 [tilespmem:s12], [sflag:$0x3], $0x80, s16, s11, $0xb8;
	[tilespmem:$0x1E000] =	vst v63  }
0x184: {  	_ =	swait.ge [sflag:s10], $0x4000  }
0x185: {  	[sflag:s10] =	ssyncset.done $0x0  }
0x186: {  	s16 =	rddreg [dreg:$0xd];
	[sflag:s10] =	ssyncadd.s32 $0xFFFFC000  }
0x187: {  	[tilespmem:s12], [sflag:$0x1] =	stream.indirect.gather [hbm4b:s4+s11], $0x80, s16, s11, $0xb8;
	[tilespmem:$0x1E000] =	vst v63  }
0x188: {  	_ =	swait.ge [sflag:s15], $0x4000  }
0x189: {  	[sflag:s15] =	ssyncset.done $0x0  }
0x18a: {  	s16 =	rddreg [dreg:$0xe];
	[sflag:s15] =	ssyncadd.s32 $0xFFFFC000  }
0x18b: {  	[spmem:s2] =	stream.indirect.scatter.add.f32 [tilespmem:s13], [sflag:$0x3], $0x80, s16, s11, $0xb8;
	[tilespmem:$0x1E000] =	vst v63  }
0x18c: {  	_ =	swait.ge [sflag:s10], $0x4000  }
0x18d: {  	[sflag:s10] =	ssyncset.done $0x0  }
0x18e: {  	s16 =	rddreg [dreg:$0xf];
	[sflag:s10] =	ssyncadd.s32 $0xFFFFC000  }
0x18f: {  	[tilespmem:s13], [sflag:$0x2] =	stream.indirect.gather [hbm4b:s4+s11], $0x80, s16, s11, $0xb8;
	[tilespmem:$0x1E000] =	vst v63  }
0x190: {  	_ =	swait.ge [sflag:s14], $0x4000  }
0x191: {  	[sflag:s14] =	ssyncset.done $0x0  }
0x192: {  	s16 =	rddreg [dreg:$0x10];
	[sflag:s14] =	ssyncadd.s32 $0xFFFFC000  }
0x193: {  	[spmem:s2] =	stream.indirect.scatter.add.f32 [tilespmem:s12], [sflag:$0x3], $0x80, s16, s11, $0xb8;
	[tilespmem:$0x1E000] =	vst v63  }
0x194: {  	_ =	swait.ge [sflag:s10], $0x4000  }
0x195: {  	[sflag:s10] =	ssyncset.done $0x0  }
0x196: {  	s16 =	rddreg [dreg:$0x11];
	[sflag:s10] =	ssyncadd.s32 $0xFFFFC000  }
0x197: {  	[tilespmem:s12], [sflag:$0x1] =	stream.indirect.gather [hbm4b:s4+s11], $0x80, s16, s11, $0xb8;
	[tilespmem:$0x1E000] =	vst v63  }
0x198: {  	_ =	swait.ge [sflag:s15], $0x4000  }
0x199: {  	[sflag:s15] =	ssyncset.done $0x0  }
0x19a: {  	s16 =	rddreg [dreg:$0x12];
	[sflag:s15] =	ssyncadd.s32 $0xFFFFC000  }
0x19b: {  	[spmem:s2] =	stream.indirect.scatter.add.f32 [tilespmem:s13], [sflag:$0x3], $0x80, s16, s11, $0xb8;
	[tilespmem:$0x1E000] =	vst v63  }
0x19c: {  	_ =	swait.ge [sflag:s10], $0x4000  }
0x19d: {  	[sflag:s10] =	ssyncset.done $0x0  }
0x19e: {  	s16 =	rddreg [dreg:$0x13];
	[sflag:s10] =	ssyncadd.s32 $0xFFFFC000  }
0x19f: {  	[tilespmem:s13], [sflag:$0x2] =	stream.indirect.gather [hbm4b:s4+s11], $0x80, s16, s11, $0xb8;
	[tilespmem:$0x1E000] =	vst v63  }
0x1a0: {  	_ =	swait.ge [sflag:s14], $0x4000  }
0x1a1: {  	[sflag:s14] =	ssyncset.done $0x0  }
0x1a2: {  	s16 =	rddreg [dreg:$0x14];
	[sflag:s14] =	ssyncadd.s32 $0xFFFFC000  }
0x1a3: {  	[spmem:s2] =	stream.indirect.scatter.add.f32 [tilespmem:s12], [sflag:$0x3], $0x80, s16, s11, $0xb8;
	[tilespmem:$0x1E000] =	vst v63  }
0x1a4: {  	_ =	swait.ge [sflag:s10], $0x4000  }
0x1a5: {  	[sflag:s10] =	ssyncset.done $0x0  }
0x1a6: {  	s16 =	rddreg [dreg:$0x15];
	[sflag:s10] =	ssyncadd.s32 $0xFFFFC000  }
0x1a7: {  	[tilespmem:s12], [sflag:$0x1] =	stream.indirect.gather [hbm4b:s4+s11], $0x80, s16, s11, $0xb8;
	[tilespmem:$0x1E000] =	vst v63  }
0x1a8: {  	_ =	swait.ge [sflag:s15], $0x4000  }
0x1a9: {  	[sflag:s15] =	ssyncset.done $0x0  }
0x1aa: {  	s16 =	rddreg [dreg:$0x16];
	[sflag:s15] =	ssyncadd.s32 $0xFFFFC000  }
0x1ab: {  	[spmem:s2] =	stream.indirect.scatter.add.f32 [tilespmem:s13], [sflag:$0x3], $0x80, s16, s11, $0xb8;
	[tilespmem:$0x1E000] =	vst v63  }
0x1ac: {  	_ =	swait.ge [sflag:s10], $0x4000  }
0x1ad: {  	[sflag:s10] =	ssyncset.done $0x0  }
0x1ae: {  	s16 =	rddreg [dreg:$0x17];
	[sflag:s10] =	ssyncadd.s32 $0xFFFFC000  }
0x1af: {  	[tilespmem:s13], [sflag:$0x2] =	stream.indirect.gather [hbm4b:s4+s11], $0x80, s16, s11, $0xb8;
	[tilespmem:$0x1E000] =	vst v63  }
0x1b0: {  	_ =	swait.ge [sflag:s14], $0x4000  }
0x1b1: {  	[sflag:s14] =	ssyncset.done $0x0  }
0x1b2: {  	s16 =	rddreg [dreg:$0x18];
	[sflag:s14] =	ssyncadd.s32 $0xFFFFC000  }
0x1b3: {  	[spmem:s2] =	stream.indirect.scatter.add.f32 [tilespmem:s12], [sflag:$0x3], $0x80, s16, s11, $0xb8;
	[tilespmem:$0x1E000] =	vst v63  }
0x1b4: {  	_ =	swait.ge [sflag:s10], $0x4000  }
0x1b5: {  	[sflag:s10] =	ssyncset.done $0x0  }
0x1b6: {  	s16 =	rddreg [dreg:$0x19];
	[sflag:s10] =	ssyncadd.s32 $0xFFFFC000  }
0x1b7: {  	[tilespmem:s12], [sflag:$0x1] =	stream.indirect.gather [hbm4b:s4+s11], $0x80, s16, s11, $0xb8;
	[tilespmem:$0x1E000] =	vst v63  }
0x1b8: {  	_ =	swait.ge [sflag:s15], $0x4000  }
0x1b9: {  	[sflag:s15] =	ssyncset.done $0x0  }
0x1ba: {  	s16 =	rddreg [dreg:$0x1a];
	[sflag:s15] =	ssyncadd.s32 $0xFFFFC000  }
0x1bb: {  	[spmem:s2] =	stream.indirect.scatter.add.f32 [tilespmem:s13], [sflag:$0x3], $0x80, s16, s11, $0xb8;
	[tilespmem:$0x1E000] =	vst v63  }
0x1bc: {  	_ =	swait.ge [sflag:s10], $0x4000  }
0x1bd: {  	[sflag:s10] =	ssyncset.done $0x0  }
0x1be: {  	s16 =	rddreg [dreg:$0x1b];
	[sflag:s10] =	ssyncadd.s32 $0xFFFFC000  }
0x1bf: {  	[tilespmem:s13], [sflag:$0x2] =	stream.indirect.gather [hbm4b:s4+s11], $0x80, s16, s11, $0xb8;
	[tilespmem:$0x1E000] =	vst v63  }
0x1c0: {  	_ =	swait.ge [sflag:s14], $0x4000  }
0x1c1: {  	[sflag:s14] =	ssyncset.done $0x0  }
0x1c2: {  	s16 =	rddreg [dreg:$0x1c];
	[sflag:s14] =	ssyncadd.s32 $0xFFFFC000  }
0x1c3: {  	[spmem:s2] =	stream.indirect.scatter.add.f32 [tilespmem:s12], [sflag:$0x3], $0x80, s16, s11, $0xb8;
	[tilespmem:$0x1E000] =	vst v63  }
0x1c4: {  	_ =	swait.ge [sflag:s10], $0x4000  }
0x1c5: {  	[sflag:s10] =	ssyncset.done $0x0  }
0x1c6: {  	s16 =	rddreg [dreg:$0x1d];
	[sflag:s10] =	ssyncadd.s32 $0xFFFFC000  }
0x1c7: {  	[tilespmem:s12], [sflag:$0x1] =	stream.indirect.gather [hbm4b:s4+s11], $0x80, s16, s11, $0xb8;
	[tilespmem:$0x1E000] =	vst v63  }
0x1c8: {  	_ =	swait.ge [sflag:s15], $0x4000  }
0x1c9: {  	[sflag:s15] =	ssyncset.done $0x0  }
0x1ca: {  	s16 =	rddreg [dreg:$0x1e];
	[sflag:s15] =	ssyncadd.s32 $0xFFFFC000  }
0x1cb: {  	[spmem:s2] =	stream.indirect.scatter.add.f32 [tilespmem:s13], [sflag:$0x3], $0x80, s16, s11, $0xb8;
	[tilespmem:$0x1E000] =	vst v63  }
0x1cc: {  	_ =	swait.ge [sflag:s10], $0x4000  }
0x1cd: {  	[sflag:s10] =	ssyncset.done $0x0  }
0x1ce: {  	s16 =	rddreg [dreg:$0x1f];
	[sflag:s10] =	ssyncadd.s32 $0xFFFFC000  }
0x1cf: {  	[tilespmem:s13], [sflag:$0x2] =	stream.indirect.gather [hbm4b:s4+s11], $0x80, s16, s11, $0xb8;
	[tilespmem:$0x1E000] =	vst v63  }
0x1d0: {  	_ =	swait.ge [sflag:s14], $0x4000  }
0x1d1: {  	s16 =	sld [smem:$0x7EA]  }
0x1d2: {  	[sflag:s14] =	ssyncset.done $0x0  }
0x1d3: {  	[sflag:s14] =	ssyncadd.s32 $0xFFFFC000  }
0x1d4: {  	[spmem:s2] =	stream.indirect.scatter.add.f32 [tilespmem:s12], [sflag:$0x3], $0x80, s16, s11, $0xb8;
	[tilespmem:$0x1E000] =	vst v63  }
0x1d5: {  	_ =	swait.ge [sflag:s10], $0x4000  }
0x1d6: {  	s16 =	sld [smem:$0x7EB]  }
0x1d7: {  	[sflag:s10] =	ssyncset.done $0x0  }
0x1d8: {  	[sflag:s10] =	ssyncadd.s32 $0xFFFFC000  }
0x1d9: {  	[tilespmem:s12], [sflag:$0x1] =	stream.indirect.gather [hbm4b:s4+s11], $0x80, s16, s11, $0xb8;
	[tilespmem:$0x1E000] =	vst v63  }
0x1da: {  	_ =	swait.ge [sflag:s15], $0x4000  }
0x1db: {  	s16 =	sld [smem:$0x7ED]  }
0x1dc: {  	[sflag:s15] =	ssyncset.done $0x0  }
0x1dd: {  	[sflag:s15] =	ssyncadd.s32 $0xFFFFC000  }
0x1de: {  	[spmem:s2] =	stream.indirect.scatter.add.f32 [tilespmem:s13], [sflag:$0x3], $0x80, s16, s11, $0xb8;
	[tilespmem:$0x1E000] =	vst v63  }
0x1df: {  	_ =	swait.ge [sflag:s10], $0x4000  }
0x1e0: {  	s16 =	sld [smem:$0x7EE]  }
0x1e1: {  	[sflag:s10] =	ssyncset.done $0x0  }
0x1e2: {  	[sflag:s10] =	ssyncadd.s32 $0xFFFFC000  }
0x1e3: {  	[tilespmem:s13], [sflag:$0x2] =	stream.indirect.gather [hbm4b:s4+s11], $0x80, s16, s11, $0xb8;
	[tilespmem:$0x1E000] =	vst v63  }
0x1e4: {  	_ =	swait.ge [sflag:s14], $0x4000  }
0x1e5: {  	s16 =	sld [smem:$0x7EF]  }
0x1e6: {  	[sflag:s14] =	ssyncset.done $0x0  }
0x1e7: {  	[sflag:s14] =	ssyncadd.s32 $0xFFFFC000  }
0x1e8: {  	[spmem:s2] =	stream.indirect.scatter.add.f32 [tilespmem:s12], [sflag:$0x3], $0x80, s16, s11, $0xb8;
	[tilespmem:$0x1E000] =	vst v63  }
0x1e9: {  	_ =	swait.ge [sflag:s10], $0x4000  }
0x1ea: {  	s16 =	sld [smem:$0x7F1]  }
0x1eb: {  	[sflag:s10] =	ssyncset.done $0x0  }
0x1ec: {  	[sflag:s10] =	ssyncadd.s32 $0xFFFFC000  }
0x1ed: {  	[tilespmem:s12], [sflag:$0x1] =	stream.indirect.gather [hbm4b:s4+s11], $0x80, s16, s11, $0xb8;
	[tilespmem:$0x1E000] =	vst v63  }
0x1ee: {  	_ =	swait.ge [sflag:s15], $0x4000  }
0x1ef: {  	s16 =	sld [smem:$0x7F3]  }
0x1f0: {  	[sflag:s15] =	ssyncset.done $0x0  }
0x1f1: {  	[sflag:s15] =	ssyncadd.s32 $0xFFFFC000  }
0x1f2: {  	[spmem:s2] =	stream.indirect.scatter.add.f32 [tilespmem:s13], [sflag:$0x3], $0x80, s16, s11, $0xb8;
	[tilespmem:$0x1E000] =	vst v63  }
0x1f3: {  	_ =	swait.ge [sflag:s10], $0x4000  }
0x1f4: {  	s16 =	sld [smem:$0x7F4]  }
0x1f5: {  	[sflag:s10] =	ssyncset.done $0x0  }
0x1f6: {  	[sflag:s10] =	ssyncadd.s32 $0xFFFFC000  }
0x1f7: {  	[tilespmem:s13], [sflag:$0x2] =	stream.indirect.gather [hbm4b:s4+s11], $0x80, s16, s11, $0xb8;
	[tilespmem:$0x1E000] =	vst v63  }
0x1f8: {  	_ =	swait.ge [sflag:s14], $0x4000  }
0x1f9: {  	s16 =	sld [smem:$0x7F5]  }
0x1fa: {  	[sflag:s14] =	ssyncset.done $0x0  }
0x1fb: {  	[sflag:s14] =	ssyncadd.s32 $0xFFFFC000  }
0x1fc: {  	[spmem:s2] =	stream.indirect.scatter.add.f32 [tilespmem:s12], [sflag:$0x3], $0x80, s16, s11, $0xb8;
	[tilespmem:$0x1E000] =	vst v63  }
0x1fd: {  	_ =	swait.ge [sflag:s10], $0x4000  }
0x1fe: {  	s16 =	sld [smem:$0x7F6]  }
0x1ff: {  	[sflag:s10] =	ssyncset.done $0x0  }
0x200: {  	[sflag:s10] =	ssyncadd.s32 $0xFFFFC000  }
0x201: {  	[tilespmem:s12], [sflag:$0x1] =	stream.indirect.gather [hbm4b:s4+s11], $0x80, s16, s11, $0xb8;
	[tilespmem:$0x1E000] =	vst v63  }
0x202: {  	_ =	swait.ge [sflag:s15], $0x4000  }
0x203: {  	s16 =	sld [smem:$0x7F7]  }
0x204: {  	[sflag:s15] =	ssyncset.done $0x0  }
0x205: {  	[sflag:s15] =	ssyncadd.s32 $0xFFFFC000  }
0x206: {  	[spmem:s2] =	stream.indirect.scatter.add.f32 [tilespmem:s13], [sflag:$0x3], $0x80, s16, s11, $0xb8;
	[tilespmem:$0x1E000] =	vst v63  }
0x207: {  	_ =	swait.ge [sflag:s10], $0x4000  }
0x208: {  	s16 =	sld [smem:$0x7F8]  }
0x209: {  	[sflag:s10] =	ssyncset.done $0x0  }
0x20a: {  	[sflag:s10] =	ssyncadd.s32 $0xFFFFC000  }
0x20b: {  	[tilespmem:s13], [sflag:$0x2] =	stream.indirect.gather [hbm4b:s4+s11], $0x80, s16, s11, $0xb8;
	[tilespmem:$0x1E000] =	vst v63  }
0x20c: {  	_ =	swait.ge [sflag:s14], $0x4000  }
0x20d: {  	s16 =	sld [smem:$0x7F9]  }
0x20e: {  	[sflag:s14] =	ssyncset.done $0x0  }
0x20f: {  	[sflag:s14] =	ssyncadd.s32 $0xFFFFC000  }
0x210: {  	[spmem:s2] =	stream.indirect.scatter.add.f32 [tilespmem:s12], [sflag:$0x3], $0x80, s16, s11, $0xb8;
	[tilespmem:$0x1E000] =	vst v63  }
0x211: {  	_ =	swait.ge [sflag:s10], $0x4000  }
0x212: {  	s16 =	sld [smem:$0x7FA]  }
0x213: {  	[sflag:s10] =	ssyncset.done $0x0  }
0x214: {  	[sflag:s10] =	ssyncadd.s32 $0xFFFFC000  }
0x215: {  	[tilespmem:s12], [sflag:$0x1] =	stream.indirect.gather [hbm4b:s4+s11], $0x80, s16, s11, $0xb8;
	[tilespmem:$0x1E000] =	vst v63  }
0x216: {  	_ =	swait.ge [sflag:s15], $0x4000  }
0x217: {  	s16 =	sld [smem:$0x7FB]  }
0x218: {  	[sflag:s15] =	ssyncset.done $0x0  }
0x219: {  	[sflag:s15] =	ssyncadd.s32 $0xFFFFC000  }
0x21a: {  	[spmem:s2] =	stream.indirect.scatter.add.f32 [tilespmem:s13], [sflag:$0x3], $0x80, s16, s11, $0xb8;
	[tilespmem:$0x1E000] =	vst v63  }
0x21b: {  	_ =	swait.ge [sflag:s10], $0x4000  }
0x21c: {  	[sflag:s10] =	ssyncset.done $0x0  }
0x21d: {  	s16 =	simm.s32 $0x1380;
	[sflag:s10] =	ssyncadd.s32 $0xFFFFC000  }
0x21e: {  	[tilespmem:s13], [sflag:$0x2] =	stream.indirect.gather [hbm4b:s4+s11], $0x80, s16, s11, $0xb8;
	[tilespmem:$0x1E000] =	vst v63  }
0x21f: {  	_ =	swait.ge [sflag:s14], $0x4000  }
0x220: {  	[sflag:s14] =	ssyncset.done $0x0  }
0x221: {  	[sflag:s14] =	ssyncadd.s32 $0xFFFFC000  }
0x222: {  	[spmem:s2] =	stream.indirect.scatter.add.f32 [tilespmem:s12], [sflag:$0x3], $0x80, s17, s11, $0xb8;
	[tilespmem:$0x1E000] =	vst v63  }
0x223: {  	_ =	swait.ge [sflag:s10], $0x4000  }
0x224: {  	[sflag:s10] =	ssyncset.done $0x0  }
0x225: {  	[sflag:s10] =	ssyncadd.s32 $0xFFFFC000  }
0x226: {  	[tilespmem:s12], [sflag:$0x1] =	stream.indirect.gather [hbm4b:s4+s11], $0x80, s18, s11, $0xb8;
	[tilespmem:$0x1E000] =	vst v63  }
0x227: {  	_ =	swait.ge [sflag:s15], $0x4000  }
0x228: {  	[sflag:s15] =	ssyncset.done $0x0  }
0x229: {  	[sflag:s15] =	ssyncadd.s32 $0xFFFFC000  }
0x22a: {  	[spmem:s2] =	stream.indirect.scatter.add.f32 [tilespmem:s13], [sflag:$0x3], $0x80, s19, s11, $0xb8;
	[tilespmem:$0x1E000] =	vst v63  }
0x22b: {  	_ =	swait.ge [sflag:s10], $0x4000  }
0x22c: {  	[sflag:s10] =	ssyncset.done $0x0  }
0x22d: {  	[sflag:s10] =	ssyncadd.s32 $0xFFFFC000  }
0x22e: {  	[tilespmem:s13], [sflag:$0x2] =	stream.indirect.gather [hbm4b:s4+s11], $0x80, s20, s11, $0xb8;
	[tilespmem:$0x1E000] =	vst v63  }
0x22f: {  	_ =	swait.ge [sflag:s14], $0x4000  }
0x230: {  	[sflag:s14] =	ssyncset.done $0x0  }
0x231: {  	[sflag:s14] =	ssyncadd.s32 $0xFFFFC000  }
0x232: {  	[spmem:s2] =	stream.indirect.scatter.add.f32 [tilespmem:s12], [sflag:$0x3], $0x80, s21, s11, $0xb8;
	[tilespmem:$0x1E000] =	vst v63  }
0x233: {  	_ =	swait.ge [sflag:s10], $0x4000  }
0x234: {  	[sflag:s10] =	ssyncset.done $0x0  }
0x235: {  	[sflag:s10] =	ssyncadd.s32 $0xFFFFC000  }
0x236: {  	[tilespmem:s12], [sflag:$0x1] =	stream.indirect.gather [hbm4b:s4+s11], $0x80, s22, s11, $0xb8;
	[tilespmem:$0x1E000] =	vst v63  }
0x237: {  	_ =	swait.ge [sflag:s15], $0x4000  }
0x238: {  	[sflag:s15] =	ssyncset.done $0x0  }
0x239: {  	[sflag:s15] =	ssyncadd.s32 $0xFFFFC000  }
0x23a: {  	[spmem:s2] =	stream.indirect.scatter.add.f32 [tilespmem:s13], [sflag:$0x3], $0x80, s23, s11, $0xb8;
	[tilespmem:$0x1E000] =	vst v63  }
0x23b: {  	_ =	swait.ge [sflag:s10], $0x4000  }
0x23c: {  	[sflag:s10] =	ssyncset.done $0x0  }
0x23d: {  	[sflag:s10] =	ssyncadd.s32 $0xFFFFC000  }
0x23e: {  	[tilespmem:s13], [sflag:$0x2] =	stream.indirect.gather [hbm4b:s4+s11], $0x80, s24, s11, $0xb8;
	[tilespmem:$0x1E000] =	vst v63  }
0x23f: {  	_ =	swait.ge [sflag:s14], $0x4000  }
0x240: {  	[sflag:s14] =	ssyncset.done $0x0  }
0x241: {  	[sflag:s14] =	ssyncadd.s32 $0xFFFFC000  }
0x242: {  	[spmem:s2] =	stream.indirect.scatter.add.f32 [tilespmem:s12], [sflag:$0x3], $0x80, s25, s11, $0xb8;
	[tilespmem:$0x1E000] =	vst v63  }
0x243: {  	_ =	swait.ge [sflag:s10], $0x4000  }
0x244: {  	[sflag:s10] =	ssyncset.done $0x0  }
0x245: {  	[sflag:s10] =	ssyncadd.s32 $0xFFFFC000  }
0x246: {  	[tilespmem:s12], [sflag:$0x1] =	stream.indirect.gather [hbm4b:s4+s11], $0x80, s26, s11, $0xb8;
	[tilespmem:$0x1E000] =	vst v63  }
0x247: {  	_ =	swait.ge [sflag:s15], $0x4000  }
0x248: {  	[sflag:s15] =	ssyncset.done $0x0  }
0x249: {  	[sflag:s15] =	ssyncadd.s32 $0xFFFFC000  }
0x24a: {  	[spmem:s2] =	stream.indirect.scatter.add.f32 [tilespmem:s13], [sflag:$0x3], $0x80, s28, s11, $0xb8;
	[tilespmem:$0x1E000] =	vst v63  }
0x24b: {  	_ =	swait.ge [sflag:s10], $0x4000  }
0x24c: {  	[sflag:s10] =	ssyncset.done $0x0  }
0x24d: {  	[sflag:s10] =	ssyncadd.s32 $0xFFFFC000  }
0x24e: {  	[tilespmem:s13], [sflag:$0x2] =	stream.indirect.gather [hbm4b:s4+s11], $0x80, s29, s11, $0xb8;
	[tilespmem:$0x1E000] =	vst v63  }
0x24f: {  	_ =	swait.ge [sflag:s14], $0x4000  }
0x250: {  	[sflag:s14] =	ssyncset.done $0x0  }
0x251: {  	[sflag:s14] =	ssyncadd.s32 $0xFFFFC000  }
0x252: {  	[spmem:s2] =	stream.indirect.scatter.add.f32 [tilespmem:s12], [sflag:$0x3], $0x80, s30, s11, $0xb8;
	[tilespmem:$0x1E000] =	vst v63  }
0x253: {  	_ =	swait.ge [sflag:s10], $0x4000  }
0x254: {  	[sflag:s10] =	ssyncset.done $0x0  }
0x255: {  	[sflag:s10] =	ssyncadd.s32 $0xFFFFC000  }
0x256: {  	[tilespmem:s12], [sflag:$0x1] =	stream.indirect.gather [hbm4b:s4+s11], $0x80, s31, s11, $0xb8;
	[tilespmem:$0x1E000] =	vst v63  }
0x257: {  	_ =	swait.ge [sflag:s15], $0x4000  }
0x258: {  	[sflag:s15] =	ssyncset.done $0x0  }
0x259: {  	[sflag:s15] =	ssyncadd.s32 $0xFFFFC000  }
0x25a: {  	[spmem:s2] =	stream.indirect.scatter.add.f32 [tilespmem:s13], [sflag:$0x3], $0x80, s1, s11, $0xb8;
	[tilespmem:$0x1E000] =	vst v63  }
0x25b: {  	_ =	swait.ge [sflag:s10], $0x4000  }
0x25c: {  	[sflag:s10] =	ssyncset.done $0x0  }
0x25d: {  	[sflag:s10] =	ssyncadd.s32 $0xFFFFC000  }
0x25e: {  	[tilespmem:s13], [sflag:$0x2] =	stream.indirect.gather [hbm4b:s4+s11], $0x80, s0, s11, $0xb8;
	[tilespmem:$0x1E000] =	vst v63  }
0x25f: {  	_ =	swait.ge [sflag:s14], $0x4000  }
0x260: {  	[sflag:s14] =	ssyncset.done $0x0  }
0x261: {  	[sflag:s14] =	ssyncadd.s32 $0xFFFFC000  }
0x262: {  	[spmem:s2] =	stream.indirect.scatter.add.f32 [tilespmem:s12], [sflag:$0x3], $0x80, s5, s11, $0xb8;
	[tilespmem:$0x1E000] =	vst v63  }
0x263: {  	_ =	swait.ge [sflag:s10], $0x4000  }
0x264: {  	[sflag:s10] =	ssyncset.done $0x0  }
0x265: {  	[sflag:s10] =	ssyncadd.s32 $0xFFFFC000  }
0x266: {  	p0 =	sne.s32 s9, $0x10000;
	_ =	swait.ge [sflag:s15], $0x4000  }
.Ltmp0:
0x267: {  	[sflag:s15] =	ssyncset.done $0x0;
	(pc) =	sbr.rel @p0 .LBB2_2-.Ltmp0, $4  }
0x268: {  	[sflag:s15] =	ssyncadd.s32 $0xFFFFC000  }
0x269: {  	[spmem:s2] =	stream.indirect.scatter.add.f32 [tilespmem:s13], [sflag:$0x3], $0x80, s7, s11, $0xb8;
	[tilespmem:$0x1E000] =	vst v63  }
0x26a: {  	_ =	swait.ge [sflag:s10], $0x4000  }
0x26b: {  	s9 =	sadd.s32 $0x4000, s9;
	s8 =	rddreg [dreg:$0x3];
	[sflag:s10] =	ssyncset.done $0x0  }
0x26c: {  	s6 =	sadd.s32 s6, s8;
	[sflag:s10] =	ssyncadd.s32 $0xFFFFC000  }
0x26d: {  	[tilespmem:s3], [sflag:$0x3] =	stream.linear.gather [hbm4b:s6+s3], $0x2000, $0x38;
	[tilespmem:$0x1E000] =	vst v63  }
0x26e: {  	_ =	swait.ge [sflag:s10], $0x2000  }
0x26f: {  	[sflag:s10] =	ssyncset.done $0x0  }
0x270: {  	[sflag:s10] =	ssyncadd.s32 $0xFFFFE000  }
0x271: {  	[tilespmem:s12], [sflag:$0x1] =	stream.indirect.gather [hbm4b:s4+s11], $0x80, s3, s11, $0xb8;
	[tilespmem:$0x1E000] =	vst v63  }
0x272: {  	_ = 	snop  }
0x273: {  	[tilespmem:s13], [sflag:$0x2] =	stream.indirect.gather [hbm4b:s4+s11], $0x80, s11, s11, $0xb8;
	[tilespmem:$0x1E000] =	vst v63  }
0x274: {  	_ =	swait.ge [sflag:s14], $0x4000  }
0x275: {  	[sflag:s14] =	ssyncset.done $0x0  }
0x276: {  	s8 =	rddreg [dreg:$0x4];
	[sflag:s14] =	ssyncadd.s32 $0xFFFFC000  }
0x277: {  	[spmem:s2] =	stream.indirect.scatter.add.f32 [tilespmem:s12], [sflag:$0x3], $0x80, s8, s11, $0xb8;
	[tilespmem:$0x1E000] =	vst v63  }
0x278: {  	_ =	swait.ge [sflag:s10], $0x4000  }
0x279: {  	[sflag:s10] =	ssyncset.done $0x0  }
0x27a: {  	s9 =	rddreg [dreg:$0x5];
	[sflag:s10] =	ssyncadd.s32 $0xFFFFC000  }
0x27b: {  	[tilespmem:s12], [sflag:$0x1] =	stream.indirect.gather [hbm4b:s4+s11], $0x80, s9, s11, $0xb8;
	[tilespmem:$0x1E000] =	vst v63  }
0x27c: {  	_ =	swait.ge [sflag:s15], $0x4000  }
0x27d: {  	[sflag:s15] =	ssyncset.done $0x0  }
0x27e: {  	s16 =	rddreg [dreg:$0x6];
	[sflag:s15] =	ssyncadd.s32 $0xFFFFC000  }
0x27f: {  	[spmem:s2] =	stream.indirect.scatter.add.f32 [tilespmem:s13], [sflag:$0x3], $0x80, s16, s11, $0xb8;
	[tilespmem:$0x1E000] =	vst v63  }
0x280: {  	_ =	swait.ge [sflag:s10], $0x4000  }
0x281: {  	[sflag:s10] =	ssyncset.done $0x0  }
0x282: {  	s8 =	rddreg [dreg:$0x7];
	[sflag:s10] =	ssyncadd.s32 $0xFFFFC000  }
0x283: {  	[tilespmem:s13], [sflag:$0x2] =	stream.indirect.gather [hbm4b:s4+s11], $0x80, s8, s11, $0xb8;
	[tilespmem:$0x1E000] =	vst v63  }
0x284: {  	_ =	swait.ge [sflag:s14], $0x4000  }
0x285: {  	[sflag:s14] =	ssyncset.done $0x0  }
0x286: {  	s9 =	rddreg [dreg:$0x8];
	[sflag:s14] =	ssyncadd.s32 $0xFFFFC000  }
0x287: {  	[spmem:s2] =	stream.indirect.scatter.add.f32 [tilespmem:s12], [sflag:$0x3], $0x80, s9, s11, $0xb8;
	[tilespmem:$0x1E000] =	vst v63  }
0x288: {  	_ =	swait.ge [sflag:s10], $0x4000  }
0x289: {  	[sflag:s10] =	ssyncset.done $0x0  }
0x28a: {  	s16 =	rddreg [dreg:$0x9];
	[sflag:s10] =	ssyncadd.s32 $0xFFFFC000  }
0x28b: {  	[tilespmem:s12], [sflag:$0x1] =	stream.indirect.gather [hbm4b:s4+s11], $0x80, s16, s11, $0xb8;
	[tilespmem:$0x1E000] =	vst v63  }
0x28c: {  	_ =	swait.ge [sflag:s15], $0x4000  }
0x28d: {  	[sflag:s15] =	ssyncset.done $0x0  }
0x28e: {  	s8 =	rddreg [dreg:$0xa];
	[sflag:s15] =	ssyncadd.s32 $0xFFFFC000  }
0x28f: {  	[spmem:s2] =	stream.indirect.scatter.add.f32 [tilespmem:s13], [sflag:$0x3], $0x80, s8, s11, $0xb8;
	[tilespmem:$0x1E000] =	vst v63  }
0x290: {  	_ =	swait.ge [sflag:s10], $0x4000  }
0x291: {  	[sflag:s10] =	ssyncset.done $0x0  }
0x292: {  	s9 =	rddreg [dreg:$0xb];
	[sflag:s10] =	ssyncadd.s32 $0xFFFFC000  }
0x293: {  	[tilespmem:s13], [sflag:$0x2] =	stream.indirect.gather [hbm4b:s4+s11], $0x80, s9, s11, $0xb8;
	[tilespmem:$0x1E000] =	vst v63  }
0x294: {  	_ =	swait.ge [sflag:s14], $0x4000  }
0x295: {  	[sflag:s14] =	ssyncset.done $0x0  }
0x296: {  	s16 =	rddreg [dreg:$0xc];
	[sflag:s14] =	ssyncadd.s32 $0xFFFFC000  }
0x297: {  	[spmem:s2] =	stream.indirect.scatter.add.f32 [tilespmem:s12], [sflag:$0x3], $0x80, s16, s11, $0xb8;
	[tilespmem:$0x1E000] =	vst v63  }
0x298: {  	_ =	swait.ge [sflag:s10], $0x4000  }
0x299: {  	[sflag:s10] =	ssyncset.done $0x0  }
0x29a: {  	s8 =	rddreg [dreg:$0xd];
	[sflag:s10] =	ssyncadd.s32 $0xFFFFC000  }
0x29b: {  	[tilespmem:s12], [sflag:$0x1] =	stream.indirect.gather [hbm4b:s4+s11], $0x80, s8, s11, $0xb8;
	[tilespmem:$0x1E000] =	vst v63  }
0x29c: {  	_ =	swait.ge [sflag:s15], $0x4000  }
0x29d: {  	[sflag:s15] =	ssyncset.done $0x0  }
0x29e: {  	s9 =	rddreg [dreg:$0xe];
	[sflag:s15] =	ssyncadd.s32 $0xFFFFC000  }
0x29f: {  	[spmem:s2] =	stream.indirect.scatter.add.f32 [tilespmem:s13], [sflag:$0x3], $0x80, s9, s11, $0xb8;
	[tilespmem:$0x1E000] =	vst v63  }
0x2a0: {  	_ =	swait.ge [sflag:s10], $0x4000  }
0x2a1: {  	[sflag:s10] =	ssyncset.done $0x0  }
0x2a2: {  	s16 =	rddreg [dreg:$0xf];
	[sflag:s10] =	ssyncadd.s32 $0xFFFFC000  }
0x2a3: {  	[tilespmem:s13], [sflag:$0x2] =	stream.indirect.gather [hbm4b:s4+s11], $0x80, s16, s11, $0xb8;
	[tilespmem:$0x1E000] =	vst v63  }
0x2a4: {  	_ =	swait.ge [sflag:s14], $0x4000  }
0x2a5: {  	[sflag:s14] =	ssyncset.done $0x0  }
0x2a6: {  	s8 =	rddreg [dreg:$0x10];
	[sflag:s14] =	ssyncadd.s32 $0xFFFFC000  }
0x2a7: {  	[spmem:s2] =	stream.indirect.scatter.add.f32 [tilespmem:s12], [sflag:$0x3], $0x80, s8, s11, $0xb8;
	[tilespmem:$0x1E000] =	vst v63  }
0x2a8: {  	_ =	swait.ge [sflag:s10], $0x4000  }
0x2a9: {  	[sflag:s10] =	ssyncset.done $0x0  }
0x2aa: {  	s9 =	rddreg [dreg:$0x11];
	[sflag:s10] =	ssyncadd.s32 $0xFFFFC000  }
0x2ab: {  	[tilespmem:s12], [sflag:$0x1] =	stream.indirect.gather [hbm4b:s4+s11], $0x80, s9, s11, $0xb8;
	[tilespmem:$0x1E000] =	vst v63  }
0x2ac: {  	_ =	swait.ge [sflag:s15], $0x4000  }
0x2ad: {  	[sflag:s15] =	ssyncset.done $0x0  }
0x2ae: {  	s16 =	rddreg [dreg:$0x12];
	[sflag:s15] =	ssyncadd.s32 $0xFFFFC000  }
0x2af: {  	[spmem:s2] =	stream.indirect.scatter.add.f32 [tilespmem:s13], [sflag:$0x3], $0x80, s16, s11, $0xb8;
	[tilespmem:$0x1E000] =	vst v63  }
0x2b0: {  	_ =	swait.ge [sflag:s10], $0x4000  }
0x2b1: {  	[sflag:s10] =	ssyncset.done $0x0  }
0x2b2: {  	s8 =	rddreg [dreg:$0x13];
	[sflag:s10] =	ssyncadd.s32 $0xFFFFC000  }
0x2b3: {  	[tilespmem:s13], [sflag:$0x2] =	stream.indirect.gather [hbm4b:s4+s11], $0x80, s8, s11, $0xb8;
	[tilespmem:$0x1E000] =	vst v63  }
0x2b4: {  	_ =	swait.ge [sflag:s14], $0x4000  }
0x2b5: {  	[sflag:s14] =	ssyncset.done $0x0  }
0x2b6: {  	s9 =	rddreg [dreg:$0x14];
	[sflag:s14] =	ssyncadd.s32 $0xFFFFC000  }
0x2b7: {  	[spmem:s2] =	stream.indirect.scatter.add.f32 [tilespmem:s12], [sflag:$0x3], $0x80, s9, s11, $0xb8;
	[tilespmem:$0x1E000] =	vst v63  }
0x2b8: {  	_ =	swait.ge [sflag:s10], $0x4000  }
0x2b9: {  	[sflag:s10] =	ssyncset.done $0x0  }
0x2ba: {  	s16 =	rddreg [dreg:$0x15];
	[sflag:s10] =	ssyncadd.s32 $0xFFFFC000  }
0x2bb: {  	[tilespmem:s12], [sflag:$0x1] =	stream.indirect.gather [hbm4b:s4+s11], $0x80, s16, s11, $0xb8;
	[tilespmem:$0x1E000] =	vst v63  }
0x2bc: {  	_ =	swait.ge [sflag:s15], $0x4000  }
0x2bd: {  	[sflag:s15] =	ssyncset.done $0x0  }
0x2be: {  	s8 =	rddreg [dreg:$0x16];
	[sflag:s15] =	ssyncadd.s32 $0xFFFFC000  }
0x2bf: {  	[spmem:s2] =	stream.indirect.scatter.add.f32 [tilespmem:s13], [sflag:$0x3], $0x80, s8, s11, $0xb8;
	[tilespmem:$0x1E000] =	vst v63  }
0x2c0: {  	_ =	swait.ge [sflag:s10], $0x4000  }
0x2c1: {  	[sflag:s10] =	ssyncset.done $0x0  }
0x2c2: {  	s9 =	rddreg [dreg:$0x17];
	[sflag:s10] =	ssyncadd.s32 $0xFFFFC000  }
0x2c3: {  	[tilespmem:s13], [sflag:$0x2] =	stream.indirect.gather [hbm4b:s4+s11], $0x80, s9, s11, $0xb8;
	[tilespmem:$0x1E000] =	vst v63  }
0x2c4: {  	_ =	swait.ge [sflag:s14], $0x4000  }
0x2c5: {  	[sflag:s14] =	ssyncset.done $0x0  }
0x2c6: {  	s16 =	rddreg [dreg:$0x18];
	[sflag:s14] =	ssyncadd.s32 $0xFFFFC000  }
0x2c7: {  	[spmem:s2] =	stream.indirect.scatter.add.f32 [tilespmem:s12], [sflag:$0x3], $0x80, s16, s11, $0xb8;
	[tilespmem:$0x1E000] =	vst v63  }
0x2c8: {  	_ =	swait.ge [sflag:s10], $0x4000  }
0x2c9: {  	[sflag:s10] =	ssyncset.done $0x0  }
0x2ca: {  	s8 =	rddreg [dreg:$0x19];
	[sflag:s10] =	ssyncadd.s32 $0xFFFFC000  }
0x2cb: {  	[tilespmem:s12], [sflag:$0x1] =	stream.indirect.gather [hbm4b:s4+s11], $0x80, s8, s11, $0xb8;
	[tilespmem:$0x1E000] =	vst v63  }
0x2cc: {  	_ =	swait.ge [sflag:s15], $0x4000  }
0x2cd: {  	[sflag:s15] =	ssyncset.done $0x0  }
0x2ce: {  	s9 =	rddreg [dreg:$0x1a];
	[sflag:s15] =	ssyncadd.s32 $0xFFFFC000  }
0x2cf: {  	[spmem:s2] =	stream.indirect.scatter.add.f32 [tilespmem:s13], [sflag:$0x3], $0x80, s9, s11, $0xb8;
	[tilespmem:$0x1E000] =	vst v63  }
0x2d0: {  	_ =	swait.ge [sflag:s10], $0x4000  }
0x2d1: {  	[sflag:s10] =	ssyncset.done $0x0  }
0x2d2: {  	s16 =	rddreg [dreg:$0x1b];
	[sflag:s10] =	ssyncadd.s32 $0xFFFFC000  }
0x2d3: {  	[tilespmem:s13], [sflag:$0x2] =	stream.indirect.gather [hbm4b:s4+s11], $0x80, s16, s11, $0xb8;
	[tilespmem:$0x1E000] =	vst v63  }
0x2d4: {  	_ =	swait.ge [sflag:s14], $0x4000  }
0x2d5: {  	[sflag:s14] =	ssyncset.done $0x0  }
0x2d6: {  	s8 =	rddreg [dreg:$0x1c];
	[sflag:s14] =	ssyncadd.s32 $0xFFFFC000  }
0x2d7: {  	[spmem:s2] =	stream.indirect.scatter.add.f32 [tilespmem:s12], [sflag:$0x3], $0x80, s8, s11, $0xb8;
	[tilespmem:$0x1E000] =	vst v63  }
0x2d8: {  	_ =	swait.ge [sflag:s10], $0x4000  }
0x2d9: {  	[sflag:s10] =	ssyncset.done $0x0  }
0x2da: {  	s9 =	rddreg [dreg:$0x1d];
	[sflag:s10] =	ssyncadd.s32 $0xFFFFC000  }
0x2db: {  	[tilespmem:s12], [sflag:$0x1] =	stream.indirect.gather [hbm4b:s4+s11], $0x80, s9, s11, $0xb8;
	[tilespmem:$0x1E000] =	vst v63  }
0x2dc: {  	_ =	swait.ge [sflag:s15], $0x4000  }
0x2dd: {  	[sflag:s15] =	ssyncset.done $0x0  }
0x2de: {  	s16 =	rddreg [dreg:$0x1e];
	[sflag:s15] =	ssyncadd.s32 $0xFFFFC000  }
0x2df: {  	[spmem:s2] =	stream.indirect.scatter.add.f32 [tilespmem:s13], [sflag:$0x3], $0x80, s16, s11, $0xb8;
	[tilespmem:$0x1E000] =	vst v63  }
0x2e0: {  	_ =	swait.ge [sflag:s10], $0x4000  }
0x2e1: {  	[sflag:s10] =	ssyncset.done $0x0  }
0x2e2: {  	s8 =	rddreg [dreg:$0x1f];
	[sflag:s10] =	ssyncadd.s32 $0xFFFFC000  }
0x2e3: {  	[tilespmem:s13], [sflag:$0x2] =	stream.indirect.gather [hbm4b:s4+s11], $0x80, s8, s11, $0xb8;
	[tilespmem:$0x1E000] =	vst v63  }
0x2e4: {  	_ =	swait.ge [sflag:s14], $0x4000  }
0x2e5: {  	s9 =	sld [smem:$0x7EA]  }
0x2e6: {  	[sflag:s14] =	ssyncset.done $0x0  }
0x2e7: {  	[sflag:s14] =	ssyncadd.s32 $0xFFFFC000  }
0x2e8: {  	[spmem:s2] =	stream.indirect.scatter.add.f32 [tilespmem:s12], [sflag:$0x3], $0x80, s9, s11, $0xb8;
	[tilespmem:$0x1E000] =	vst v63  }
0x2e9: {  	_ =	swait.ge [sflag:s10], $0x4000  }
0x2ea: {  	s16 =	sld [smem:$0x7EB]  }
0x2eb: {  	[sflag:s10] =	ssyncset.done $0x0  }
0x2ec: {  	[sflag:s10] =	ssyncadd.s32 $0xFFFFC000  }
0x2ed: {  	[tilespmem:s12], [sflag:$0x1] =	stream.indirect.gather [hbm4b:s4+s11], $0x80, s16, s11, $0xb8;
	[tilespmem:$0x1E000] =	vst v63  }
0x2ee: {  	_ =	swait.ge [sflag:s15], $0x4000  }
0x2ef: {  	s8 =	sld [smem:$0x7ED]  }
0x2f0: {  	[sflag:s15] =	ssyncset.done $0x0  }
0x2f1: {  	[sflag:s15] =	ssyncadd.s32 $0xFFFFC000  }
0x2f2: {  	[spmem:s2] =	stream.indirect.scatter.add.f32 [tilespmem:s13], [sflag:$0x3], $0x80, s8, s11, $0xb8;
	[tilespmem:$0x1E000] =	vst v63  }
0x2f3: {  	_ =	swait.ge [sflag:s10], $0x4000  }
0x2f4: {  	s9 =	sld [smem:$0x7EE]  }
0x2f5: {  	[sflag:s10] =	ssyncset.done $0x0  }
0x2f6: {  	[sflag:s10] =	ssyncadd.s32 $0xFFFFC000  }
0x2f7: {  	[tilespmem:s13], [sflag:$0x2] =	stream.indirect.gather [hbm4b:s4+s11], $0x80, s9, s11, $0xb8;
	[tilespmem:$0x1E000] =	vst v63  }
0x2f8: {  	_ =	swait.ge [sflag:s14], $0x4000  }
0x2f9: {  	s16 =	sld [smem:$0x7EF]  }
0x2fa: {  	[sflag:s14] =	ssyncset.done $0x0  }
0x2fb: {  	[sflag:s14] =	ssyncadd.s32 $0xFFFFC000  }
0x2fc: {  	[spmem:s2] =	stream.indirect.scatter.add.f32 [tilespmem:s12], [sflag:$0x3], $0x80, s16, s11, $0xb8;
	[tilespmem:$0x1E000] =	vst v63  }
0x2fd: {  	_ =	swait.ge [sflag:s10], $0x4000  }
0x2fe: {  	s8 =	sld [smem:$0x7F1]  }
0x2ff: {  	[sflag:s10] =	ssyncset.done $0x0  }
0x300: {  	[sflag:s10] =	ssyncadd.s32 $0xFFFFC000  }
0x301: {  	[tilespmem:s12], [sflag:$0x1] =	stream.indirect.gather [hbm4b:s4+s11], $0x80, s8, s11, $0xb8;
	[tilespmem:$0x1E000] =	vst v63  }
0x302: {  	_ =	swait.ge [sflag:s15], $0x4000  }
0x303: {  	s9 =	sld [smem:$0x7F3]  }
0x304: {  	[sflag:s15] =	ssyncset.done $0x0  }
0x305: {  	[sflag:s15] =	ssyncadd.s32 $0xFFFFC000  }
0x306: {  	[spmem:s2] =	stream.indirect.scatter.add.f32 [tilespmem:s13], [sflag:$0x3], $0x80, s9, s11, $0xb8;
	[tilespmem:$0x1E000] =	vst v63  }
0x307: {  	_ =	swait.ge [sflag:s10], $0x4000  }
0x308: {  	s16 =	sld [smem:$0x7F4]  }
0x309: {  	[sflag:s10] =	ssyncset.done $0x0  }
0x30a: {  	[sflag:s10] =	ssyncadd.s32 $0xFFFFC000  }
0x30b: {  	[tilespmem:s13], [sflag:$0x2] =	stream.indirect.gather [hbm4b:s4+s11], $0x80, s16, s11, $0xb8;
	[tilespmem:$0x1E000] =	vst v63  }
0x30c: {  	_ =	swait.ge [sflag:s14], $0x4000  }
0x30d: {  	s8 =	sld [smem:$0x7F5]  }
0x30e: {  	[sflag:s14] =	ssyncset.done $0x0  }
0x30f: {  	[sflag:s14] =	ssyncadd.s32 $0xFFFFC000  }
0x310: {  	[spmem:s2] =	stream.indirect.scatter.add.f32 [tilespmem:s12], [sflag:$0x3], $0x80, s8, s11, $0xb8;
	[tilespmem:$0x1E000] =	vst v63  }
0x311: {  	_ =	swait.ge [sflag:s10], $0x4000  }
0x312: {  	s9 =	sld [smem:$0x7F6]  }
0x313: {  	[sflag:s10] =	ssyncset.done $0x0  }
0x314: {  	[sflag:s10] =	ssyncadd.s32 $0xFFFFC000  }
0x315: {  	[tilespmem:s12], [sflag:$0x1] =	stream.indirect.gather [hbm4b:s4+s11], $0x80, s9, s11, $0xb8;
	[tilespmem:$0x1E000] =	vst v63  }
0x316: {  	_ =	swait.ge [sflag:s15], $0x4000  }
0x317: {  	s16 =	sld [smem:$0x7F7]  }
0x318: {  	[sflag:s15] =	ssyncset.done $0x0  }
0x319: {  	[sflag:s15] =	ssyncadd.s32 $0xFFFFC000  }
0x31a: {  	[spmem:s2] =	stream.indirect.scatter.add.f32 [tilespmem:s13], [sflag:$0x3], $0x80, s16, s11, $0xb8;
	[tilespmem:$0x1E000] =	vst v63  }
0x31b: {  	_ =	swait.ge [sflag:s10], $0x4000  }
0x31c: {  	s8 =	sld [smem:$0x7F8]  }
0x31d: {  	[sflag:s10] =	ssyncset.done $0x0  }
0x31e: {  	[sflag:s10] =	ssyncadd.s32 $0xFFFFC000  }
0x31f: {  	[tilespmem:s13], [sflag:$0x2] =	stream.indirect.gather [hbm4b:s4+s11], $0x80, s8, s11, $0xb8;
	[tilespmem:$0x1E000] =	vst v63  }
0x320: {  	_ =	swait.ge [sflag:s14], $0x4000  }
0x321: {  	s9 =	sld [smem:$0x7F9]  }
0x322: {  	[sflag:s14] =	ssyncset.done $0x0  }
0x323: {  	[sflag:s14] =	ssyncadd.s32 $0xFFFFC000  }
0x324: {  	[spmem:s2] =	stream.indirect.scatter.add.f32 [tilespmem:s12], [sflag:$0x3], $0x80, s9, s11, $0xb8;
	[tilespmem:$0x1E000] =	vst v63  }
0x325: {  	_ =	swait.ge [sflag:s10], $0x4000  }
0x326: {  	s16 =	sld [smem:$0x7FA]  }
0x327: {  	[sflag:s10] =	ssyncset.done $0x0  }
0x328: {  	[sflag:s10] =	ssyncadd.s32 $0xFFFFC000  }
0x329: {  	[tilespmem:s12], [sflag:$0x1] =	stream.indirect.gather [hbm4b:s4+s11], $0x80, s16, s11, $0xb8;
	[tilespmem:$0x1E000] =	vst v63  }
0x32a: {  	_ =	swait.ge [sflag:s15], $0x4000  }
0x32b: {  	s8 =	sld [smem:$0x7FB]  }
0x32c: {  	[sflag:s15] =	ssyncset.done $0x0  }
0x32d: {  	[sflag:s15] =	ssyncadd.s32 $0xFFFFC000  }
0x32e: {  	[spmem:s2] =	stream.indirect.scatter.add.f32 [tilespmem:s13], [sflag:$0x3], $0x80, s8, s11, $0xb8;
	[tilespmem:$0x1E000] =	vst v63  }
0x32f: {  	_ =	swait.ge [sflag:s10], $0x4000  }
0x330: {  	[sflag:s10] =	ssyncset.done $0x0  }
0x331: {  	s9 =	simm.s32 $0x1380;
	[sflag:s10] =	ssyncadd.s32 $0xFFFFC000  }
0x332: {  	[tilespmem:s13], [sflag:$0x2] =	stream.indirect.gather [hbm4b:s4+s11], $0x80, s9, s11, $0xb8;
	[tilespmem:$0x1E000] =	vst v63  }
0x333: {  	_ =	swait.ge [sflag:s14], $0x4000  }
0x334: {  	[sflag:s14] =	ssyncset.done $0x0  }
0x335: {  	[sflag:s14] =	ssyncadd.s32 $0xFFFFC000  }
0x336: {  	[spmem:s2] =	stream.indirect.scatter.add.f32 [tilespmem:s12], [sflag:$0x3], $0x80, s17, s11, $0xb8;
	[tilespmem:$0x1E000] =	vst v63  }
0x337: {  	_ =	swait.ge [sflag:s10], $0x4000  }
0x338: {  	[sflag:s10] =	ssyncset.done $0x0  }
0x339: {  	[sflag:s10] =	ssyncadd.s32 $0xFFFFC000  }
0x33a: {  	[tilespmem:s12], [sflag:$0x1] =	stream.indirect.gather [hbm4b:s4+s11], $0x80, s18, s11, $0xb8;
	[tilespmem:$0x1E000] =	vst v63  }
0x33b: {  	_ =	swait.ge [sflag:s15], $0x4000  }
0x33c: {  	[sflag:s15] =	ssyncset.done $0x0  }
0x33d: {  	[sflag:s15] =	ssyncadd.s32 $0xFFFFC000  }
0x33e: {  	[spmem:s2] =	stream.indirect.scatter.add.f32 [tilespmem:s13], [sflag:$0x3], $0x80, s19, s11, $0xb8;
	[tilespmem:$0x1E000] =	vst v63  }
0x33f: {  	_ =	swait.ge [sflag:s10], $0x4000  }
0x340: {  	[sflag:s10] =	ssyncset.done $0x0  }
0x341: {  	[sflag:s10] =	ssyncadd.s32 $0xFFFFC000  }
0x342: {  	[tilespmem:s13], [sflag:$0x2] =	stream.indirect.gather [hbm4b:s4+s11], $0x80, s20, s11, $0xb8;
	[tilespmem:$0x1E000] =	vst v63  }
0x343: {  	_ =	swait.ge [sflag:s14], $0x4000  }
0x344: {  	[sflag:s14] =	ssyncset.done $0x0  }
0x345: {  	[sflag:s14] =	ssyncadd.s32 $0xFFFFC000  }
0x346: {  	[spmem:s2] =	stream.indirect.scatter.add.f32 [tilespmem:s12], [sflag:$0x3], $0x80, s21, s11, $0xb8;
	[tilespmem:$0x1E000] =	vst v63  }
0x347: {  	_ =	swait.ge [sflag:s10], $0x4000  }
0x348: {  	[sflag:s10] =	ssyncset.done $0x0  }
0x349: {  	[sflag:s10] =	ssyncadd.s32 $0xFFFFC000  }
0x34a: {  	[tilespmem:s12], [sflag:$0x1] =	stream.indirect.gather [hbm4b:s4+s11], $0x80, s22, s11, $0xb8;
	[tilespmem:$0x1E000] =	vst v63  }
0x34b: {  	_ =	swait.ge [sflag:s15], $0x4000  }
0x34c: {  	[sflag:s15] =	ssyncset.done $0x0  }
0x34d: {  	[sflag:s15] =	ssyncadd.s32 $0xFFFFC000  }
0x34e: {  	[spmem:s2] =	stream.indirect.scatter.add.f32 [tilespmem:s13], [sflag:$0x3], $0x80, s23, s11, $0xb8;
	[tilespmem:$0x1E000] =	vst v63  }
0x34f: {  	_ =	swait.ge [sflag:s10], $0x4000  }
0x350: {  	[sflag:s10] =	ssyncset.done $0x0  }
0x351: {  	[sflag:s10] =	ssyncadd.s32 $0xFFFFC000  }
0x352: {  	[tilespmem:s13], [sflag:$0x2] =	stream.indirect.gather [hbm4b:s4+s11], $0x80, s24, s11, $0xb8;
	[tilespmem:$0x1E000] =	vst v63  }
0x353: {  	_ =	swait.ge [sflag:s14], $0x4000  }
0x354: {  	[sflag:s14] =	ssyncset.done $0x0  }
0x355: {  	[sflag:s14] =	ssyncadd.s32 $0xFFFFC000  }
0x356: {  	[spmem:s2] =	stream.indirect.scatter.add.f32 [tilespmem:s12], [sflag:$0x3], $0x80, s25, s11, $0xb8;
	[tilespmem:$0x1E000] =	vst v63  }
0x357: {  	_ =	swait.ge [sflag:s10], $0x4000  }
0x358: {  	[sflag:s10] =	ssyncset.done $0x0  }
0x359: {  	[sflag:s10] =	ssyncadd.s32 $0xFFFFC000  }
0x35a: {  	[tilespmem:s12], [sflag:$0x1] =	stream.indirect.gather [hbm4b:s4+s11], $0x80, s26, s11, $0xb8;
	[tilespmem:$0x1E000] =	vst v63  }
0x35b: {  	_ =	swait.ge [sflag:s15], $0x4000  }
0x35c: {  	[sflag:s15] =	ssyncset.done $0x0  }
0x35d: {  	[sflag:s15] =	ssyncadd.s32 $0xFFFFC000  }
0x35e: {  	[spmem:s2] =	stream.indirect.scatter.add.f32 [tilespmem:s13], [sflag:$0x3], $0x80, s28, s11, $0xb8;
	[tilespmem:$0x1E000] =	vst v63  }
0x35f: {  	_ =	swait.ge [sflag:s10], $0x4000  }
0x360: {  	[sflag:s10] =	ssyncset.done $0x0  }
0x361: {  	[sflag:s10] =	ssyncadd.s32 $0xFFFFC000  }
0x362: {  	[tilespmem:s13], [sflag:$0x2] =	stream.indirect.gather [hbm4b:s4+s11], $0x80, s29, s11, $0xb8;
	[tilespmem:$0x1E000] =	vst v63  }
0x363: {  	_ =	swait.ge [sflag:s14], $0x4000  }
0x364: {  	[sflag:s14] =	ssyncset.done $0x0  }
0x365: {  	[sflag:s14] =	ssyncadd.s32 $0xFFFFC000  }
0x366: {  	[spmem:s2] =	stream.indirect.scatter.add.f32 [tilespmem:s12], [sflag:$0x3], $0x80, s30, s11, $0xb8;
	[tilespmem:$0x1E000] =	vst v63  }
0x367: {  	_ =	swait.ge [sflag:s10], $0x4000  }
0x368: {  	[sflag:s10] =	ssyncset.done $0x0  }
0x369: {  	[sflag:s10] =	ssyncadd.s32 $0xFFFFC000  }
0x36a: {  	[tilespmem:s12], [sflag:$0x1] =	stream.indirect.gather [hbm4b:s4+s11], $0x80, s31, s11, $0xb8;
	[tilespmem:$0x1E000] =	vst v63  }
0x36b: {  	_ =	swait.ge [sflag:s15], $0x4000  }
0x36c: {  	[sflag:s15] =	ssyncset.done $0x0  }
0x36d: {  	[sflag:s15] =	ssyncadd.s32 $0xFFFFC000  }
0x36e: {  	[spmem:s2] =	stream.indirect.scatter.add.f32 [tilespmem:s13], [sflag:$0x3], $0x80, s1, s11, $0xb8;
	[tilespmem:$0x1E000] =	vst v63  }
0x36f: {  	_ =	swait.ge [sflag:s10], $0x4000  }
0x370: {  	[sflag:s10] =	ssyncset.done $0x0  }
0x371: {  	[sflag:s10] =	ssyncadd.s32 $0xFFFFC000  }
0x372: {  	[tilespmem:s13], [sflag:$0x2] =	stream.indirect.gather [hbm4b:s4+s11], $0x80, s0, s11, $0xb8;
	[tilespmem:$0x1E000] =	vst v63  }
0x373: {  	_ =	swait.ge [sflag:s14], $0x4000  }
0x374: {  	[sflag:s14] =	ssyncset.done $0x0  }
0x375: {  	[sflag:s14] =	ssyncadd.s32 $0xFFFFC000  }
0x376: {  	[spmem:s2] =	stream.indirect.scatter.add.f32 [tilespmem:s12], [sflag:$0x3], $0x80, s5, s11, $0xb8;
	[tilespmem:$0x1E000] =	vst v63  }
0x377: {  	_ =	swait.ge [sflag:s10], $0x4000  }
0x378: {  	[sflag:s10] =	ssyncset.done $0x0  }
0x379: {  	[sflag:s10] =	ssyncadd.s32 $0xFFFFC000  }
0x37a: {  	_ =	swait.ge [sflag:s15], $0x4000  }
0x37b: {  	[sflag:s15] =	ssyncset.done $0x0  }
0x37c: {  	[sflag:s15] =	ssyncadd.s32 $0xFFFFC000  }
0x37d: {  	[spmem:s2] =	stream.indirect.scatter.add.f32 [tilespmem:s13], [sflag:$0x3], $0x80, s7, s11, $0xb8;
	[tilespmem:$0x1E000] =	vst v63  }
0x37e: {  	_ =	swait.ge [sflag:s10], $0x4000  }
0x37f: {  	[sflag:s10] =	ssyncset.done $0x0  }
0x380: {  	[sflag:s10] =	ssyncadd.s32 $0xFFFFC000  }
0x381: {  	[bflag:$0x0] =	sbarrier.arrive $0xFFFF  }
0x382: {  	s8 =	sld [smem:$0x7FC]  }
0x383: {  	s16 =	sld [smem:$0x7F0]  }
0x384: {  	s9 =	sld [smem:$0x7FD];
	_ =	sdelay $0x2  }
0x385: {  	[hbm:s16], [sflag:s8] =	dma.local [spmem:s9], $0x2800  }
0x386: {  	_ =	swait.ge [sflag:s10], $0x2800  }
0x387: {  	s16 =	sld [smem:$0x7E9]  }
0x388: {  	s6 =	sld [smem:$0x7F2];
	_ =	sdelay $0x1  }
0x389: {  	s16 =	sadd.s32 $0x1, s16  }
0x38a: {  	p0 =	sne.s32 s16, s6  }
.Ltmp1:
0x38b: {  	_ = 	snop;
	(pc) =	sbr.rel @p0 .LBB2_1-.Ltmp1, $3  }
0x38c: {  	_ =	sdelay $0x1  }
0x38d: {  	[sflag:s10] =	ssyncset.done $0x0  }
0x38e: {  	[sflag:s10] =	ssyncadd.s32 $0xFFFFD800  }
0x38f: {  	_ =	sfence.sel $0x180000  }
0x390: {  	[bflag:$0x0] =	sbarrier.arrive $0xFFFF  }
0x391: {  	_ =	strace $0x9000004D  }
0x392: {  	s0 =	stileid.u32;
	[bflag:$0x2] =	sbarrier.arrive $0xFFFF  }
0x393: {  	p0 =	sne.s32 s0, $0x0;
	s0 =	rddreg [dreg:$0x2]  }
0x394: {  	s0 =	sadd.s32 @!p0 $0x100000, s0  }
0x395: {  	[sflag:s0] =	ssyncadd.tile.s32 @!p0 $0x1;
	_ =	shalt  }
.Lfunc_end2:
_tile_overlayer_lowered:
.L_overlay_start_2:
0x396: {  	(tag) =	ssettag $0x2  }
0x397: {  	s0 =	rddreg [dreg:$0x0];
	s2 =	stileid.u32  }
0x398: {  	s1 =	rddreg [dreg:$0x1];
	p0 =	sne.s32 s2, $0x0  }
0x399: {  	s3 =	rddreg [dreg:$0x2];
	[bflag:$0x3] =	sbarrier.arrive $0xFFFF;
	s2 =	simm.s32 @!p0 $0x1C03  }
0x39a: {  	[timem:s3], [sflag:s2] =	dma.local @!p0 [hbm:s0], s1  }
0x39b: {  	s0 =	simm.s32 @!p0 $0x3  }
0x39c: {  	_ =	swait.ge @!p0 [sflag:s0], s1  }
0x39d: {  	s1 =	ssub.s32 @!p0 $0x0, s1;
	[sflag:s0] =	ssyncset.done @!p0 $0x0  }
0x39e: {  	[sflag:s0] =	ssyncadd.s32 @!p0 s1  }
0x39f: {  	[bflag:$0x3] =	sbarrier.arrive $0xFFFF  }
0x3a0: {  	_ =	shalt  }

// kernel: kernel.19.cloned.1.call-start
scs
__scs_entry_jumppad:
0x0: {  	(pc) =	sbr.rel $0x88, $3  }
0x1: {  	(tag) =	ssettag $0x0;
	lr =	simm.s32 $0x1  }
0x2: {  	[smem:$0x3F99] =	sst lr;
	_ =	strace $0xD0000000  }
0x3: {  	_ = 	snop  }
0x4: {  	_ = 	snop  }
0x5: {  	_ = 	snop  }
0x6: {  	_ = 	snop  }
0x7: {  	_ = 	snop  }
__scs_overlays_trampoline_lowered:
0x8: {  	[smem:$0x3FA8] =	sst s0  }
0x9: {  	[smem:$0x3FA9] =	sst s1  }
0xa: {  	[smem:$0x3FAA] =	sst s2  }
0xb: {  	[smem:$0x3FAB] =	sst s3  }
0xc: {  	[smem:$0x3FAC] =	sst s4  }
0xd: {  	[smem:$0x3FAD] =	sst s5  }
0xe: {  	[smem:$0x3FAE] =	sst s6  }
0xf: {  	[smem:$0x3FAF] =	sst s7  }
0x10: {  	[smem:$0x3FB0] =	sst s8  }
0x11: {  	[smem:$0x3FB1] =	sst s9;
	s0 =	simm.s32 @!p0 $0x0  }
0x12: {  	s1 =	sld [smem:$0x3F97];
	s0 =	simm.s32 @p0 $0x1  }
0x13: {  	[smem:$0x3FB2] =	sst s0;
	s0 =	simm.s32 @!p1 $0x0  }
0x14: {  	s2 =	sld [smem:$0x3F96];
	s0 =	simm.s32 @p1 $0x1  }
0x15: {  	[smem:$0x3FB3] =	sst s0;
	s0 =	simm.s32 @!p2 $0x0  }
0x16: {  	s3 =	sld [smem:$0x3FDB];
	s0 =	simm.s32 @p2 $0x1  }
0x17: {  	s4 =	simm.s32 $0x1BF5;
	[smem:$0x3FB5] =	sst s0  }
0x18: {  	s0 =	sld [smem:$0x3F98];
	_ =	swait.ge [sflag:s4], $0x0  }
0x19: {  	s7 =	sld [smem:$0x3F99]  }
0x1a: {  	s8 =	sadd.s32 $0xFFFFE003, lr  }
0x1b: {  	s9 =	sadd.s32 $0xFFFFFEF7, lr;
	s5 =	simm.s32 $0xFFFFFFFF;
	p2 =	slt.u32 s8, $0xFFFFF086  }
0x1c: {  	p1 =	slt.u32 s9, $0xF7A;
	s5 =	simm.s32 @!p2 $0x0  }
0x1d: {  	s5 =	simm.s32 @p1 $0x1;
	p0 =	seq.s32 s7, s2  }
0x1e: {  	s7 =	smul.u32 @!p0 $0xF7A, s2;
	p2 =	seq.s32 @!p0 s5, $0x0  }
0x1f: {  	s9 =	smul.u32 $0xF7A, s1;
	s8 =	simm.s32 @!p0 $0x1BF5;
	p2 =	por !p2, p0  }
0x20: {  	[sflag:s8] =	ssyncset.s32 @!p0 $0xFFFFF086;
	s6 =	sadd.s32 @!p0 s3, s7;
	s7 =	simm.s32 @!p0 $0x108  }
0x21: {  	s3 =	sadd.s32 s3, s9;
	s6 =	sadd.s32 @!p0 $0x88, s6;
	s7 =	simm.s32 @p2 $0x1082  }
0x22: {  	[simem:s7], [sflag:s8] =	dma.local @!p0 [hbm:s6], $0xF7A  }
0x23: {  	s9 =	sor.u32 $0xD0000000, s2;
	s6 =	simm.s32 $0x108;
	_ =	swait.ge @!p0 [sflag:s8], $0x0  }
0x24: {  	s3 =	sadd.s32 $0x88, s3;
	s6 =	simm.s32 @!p1 $0x1082;
	[sflag:s4] =	ssyncset.s32 $0xFFFFF086  }
0x25: {  	[simem:s6], [sflag:s4] =	dma.local [hbm:s3], $0xF7A  }
0x26: {  	[smem:$0x3F99] =	sst s1;
	(tag) =	ssettag s2;
	_ =	strace s9  }
0x27: {  	s1 =	sld [smem:$0x3FA9]  }
0x28: {  	s2 =	sld [smem:$0x3FAA]  }
0x29: {  	s4 =	sld [smem:$0x3FAC]  }
0x2a: {  	p0 =	seq.s32 s5, $0x0;
	s5 =	sld [smem:$0x3FAD]  }
0x2b: {  	s6 =	sld [smem:$0x3FAE]  }
0x2c: {  	s7 =	sld [smem:$0x3FAF]  }
0x2d: {  	s3 =	simm.s32 $0x108;
	s8 =	sld [smem:$0x3FB0]  }
0x2e: {  	s3 =	simm.s32 @!p0 $0x1082;
	s9 =	sld [smem:$0x3FB1]  }
0x2f: {  	lr =	sadd.s32 s0, s3;
	s0 =	sld [smem:$0x3FA8]  }
0x30: {  	s3 =	sld [smem:$0x3FAB]  }
0x31: {  	[smem:$0x3FB4] =	sst s10  }
0x32: {  	s10 =	sld [smem:$0x3FB2];
	_ =	sdelay $0x3  }
0x33: {  	p0 =	seq.s32 s10, $0x1;
	s10 =	sld [smem:$0x3FB4];
	_ =	sdelay $0x3  }
0x34: {  	[smem:$0x3FB4] =	sst s10  }
0x35: {  	s10 =	sld [smem:$0x3FB3];
	_ =	sdelay $0x3  }
0x36: {  	p1 =	seq.s32 s10, $0x1;
	s10 =	sld [smem:$0x3FB4];
	_ =	sdelay $0x3  }
0x37: {  	[smem:$0x3FB4] =	sst s10  }
0x38: {  	s10 =	sld [smem:$0x3FB5]  }
0x39: {  	_ = 	snop;
	(pc) =	sbr.ind lr, $3  }
0x3a: {  	_ = 	snop  }
0x3b: {  	_ = 	snop  }
0x3c: {  	p2 =	seq.s32 s10, $0x1;
	s10 =	sld [smem:$0x3FB4]  }
0x3d: {  	_ =	shalt  }
0x3e: {  	_ =	shalt  }
0x3f: {  	_ =	shalt  }
0x40: {  	_ =	shalt  }
0x41: {  	_ =	shalt  }
0x42: {  	_ =	shalt  }
0x43: {  	_ =	shalt  }
0x44: {  	_ =	shalt  }
0x45: {  	_ =	shalt  }
0x46: {  	_ =	shalt  }
0x47: {  	_ =	shalt  }
0x48: {  	_ =	shalt  }
0x49: {  	_ =	shalt  }
0x4a: {  	_ =	shalt  }
0x4b: {  	_ =	shalt  }
0x4c: {  	_ =	shalt  }
0x4d: {  	_ =	shalt  }
0x4e: {  	_ =	shalt  }
0x4f: {  	_ =	shalt  }
0x50: {  	_ =	shalt  }
0x51: {  	_ =	shalt  }
0x52: {  	_ =	shalt  }
0x53: {  	_ =	shalt  }
0x54: {  	_ =	shalt  }
0x55: {  	_ =	shalt  }
0x56: {  	_ =	shalt  }
0x57: {  	_ =	shalt  }
0x58: {  	_ =	shalt  }
0x59: {  	_ =	shalt  }
0x5a: {  	_ =	shalt  }
0x5b: {  	_ =	shalt  }
0x5c: {  	_ =	shalt  }
0x5d: {  	_ =	shalt  }
0x5e: {  	_ =	shalt  }
0x5f: {  	_ =	shalt  }
0x60: {  	_ =	shalt  }
0x61: {  	_ =	shalt  }
0x62: {  	_ =	shalt  }
0x63: {  	_ =	shalt  }
0x64: {  	_ =	shalt  }
0x65: {  	_ =	shalt  }
0x66: {  	_ =	shalt  }
0x67: {  	_ =	shalt  }
0x68: {  	_ =	shalt  }
0x69: {  	_ =	shalt  }
0x6a: {  	_ =	shalt  }
0x6b: {  	_ =	shalt  }
0x6c: {  	_ =	shalt  }
0x6d: {  	_ =	shalt  }
0x6e: {  	_ =	shalt  }
0x6f: {  	_ =	shalt  }
0x70: {  	_ =	shalt  }
0x71: {  	_ =	shalt  }
0x72: {  	_ =	shalt  }
0x73: {  	_ =	shalt  }
0x74: {  	_ =	shalt  }
0x75: {  	_ =	shalt  }
0x76: {  	_ =	shalt  }
0x77: {  	_ =	shalt  }
0x78: {  	_ =	shalt  }
0x79: {  	_ =	shalt  }
0x7a: {  	_ =	shalt  }
0x7b: {  	_ =	shalt  }
0x7c: {  	_ =	shalt  }
0x7d: {  	_ =	shalt  }
0x7e: {  	_ =	shalt  }
0x7f: {  	_ =	shalt  }
0x80: {  	_ =	shalt  }
0x81: {  	_ =	shalt  }
0x82: {  	_ =	shalt  }
0x83: {  	_ =	shalt  }
0x84: {  	_ =	shalt  }
0x85: {  	_ =	shalt  }
0x86: {  	_ =	shalt  }
0x87: {  	_ =	shalt  }
.Lfunc_end0:
.L_simem_size_0:
called_computation.3_lowered:
.L_overlay_start_0:
0x88: {  	s2 =	sld [smem:$0x3FD9]  }
0x89: {  	s3 =	sld [smem:$0x3FFE];
	_ =	sdelay $0x1  }
0x8a: {  	s1 =	srdreg.scid  }
0x8b: {  	s0 =	sand.u32 $0x1, s1  }
0x8c: {  	s16 =	sshll.u32 s0, $0xA;
	s2 =	sadd.s32 s3, s2  }
0x8d: {  	s2 =	sadd.s32 s2, s16  }
0x8e: {  	[smem:$0x3FC0] =	sst s2  }
0x8f: {  	_ = 	snop  }
0x90: {  	(tm) =	ssettm $0x1  }
0x91: {  	s17 =	sld [smem:$0x3FFB];
	_ =	sdelay $0x3  }
0x92: {  	_ =	strace s17  }
0x93: {  	s2 =	sld [smem:$0x3FFC];
	_ =	sdelay $0x3  }
0x94: {  	_ =	strace s2  }
0x95: {  	s2 =	sld [smem:$0x3FFD];
	_ =	sdelay $0x3  }
0x96: {  	_ =	strace s2  }
0x97: {  	_ =	strace $0x8FFFFFFF  }
0x98: {  	s18 =	sld [smem:$0x3FDB];
	_ =	sdelay $0x1  }
0x99: {  	s19 =	simm.s32 $_scs_section_size  }
0x9a: {  	s4 =	simm.s32 $_size__tile_overlayer_lowered;
	s5 =	simm.s32 $_tile_overlayer_lowered  }
0x9b: {  	s22 =	simm.s32 $0x1BFF;
	s21 =	sshll.u32 s5, $0x1;
	s2 =	sadd.s32 s19, s18  }
0x9c: {  	s6 =	simm.s32 $0x0;
	s20 =	sshll.u32 s4, $0x1;
	s4 =	sadd.s32 s21, s2  }
0x9d: {  	[timem:s6], [sflag:s22] =	dma.local [hbm:s4], s20  }
0x9e: {  	_ =	swait.ge [sflag:s22], s20  }
0x9f: {  	s3 =	ssub.s32 $0x0, s20;
	[sflag:s22] =	ssyncset.done $0x0  }
0xa0: {  	[sflag:s22] =	ssyncadd.s32 s3;
	_ =	sdelay $0x1  }
0xa1: {  	s23 =	simm.s32 $0x1B8B  }
0xa2: {  	_ =	swait.ge [sflag:s23], $0x1  }
0xa3: {  	[sflag:s23] =	ssyncset.done $0x0  }
0xa4: {  	s25 =	simm.s32 $0x1B8E;
	s24 =	sld [smem:$0x3FFE];
	[sflag:s23] =	ssyncadd.s32 $0xFFFFFFFF  }
0xa5: {  	s26 =	simm.s32 $execute0_lowered;
	[smem:$0x3FD2] =	sst s25  }
0xa6: {  	s4 =	sshll.u32 s26, $0x1;
	_ =	strace $0x8000004F;
	[dreg:$0x1] =	wrdreg $0xFFFFFFFF  }
0xa7: {  	s28 =	simm.s32 $_size_execute0_lowered;
	s2 =	sadd.s32 s2, s4;
	[dreg:$0x0] =	wrdreg $0x0  }
0xa8: {  	s4 =	sshll.u32 s28, $0x1;
	[dreg:$0x2] =	wrdreg s2  }
0xa9: {  	[dreg:$0x3] =	wrdreg s4  }
0xaa: {  	[dreg:$0x4] =	wrdreg $0xC0  }
0xab: {  	_ =	task [dreg:s6], $0x5FFFF  }
0xac: {  	[dreg:$0x1] =	wrdreg $0xFFFFFFFF  }
0xad: {  	[dreg:$0x0] =	wrdreg $0x60  }
0xae: {  	[dreg:$0x2] =	wrdreg s24  }
0xaf: {  	[dreg:$0x3] =	wrdreg $0x90000  }
0xb0: {  	[dreg:$0x4] =	wrdreg $0x9  }
0xb1: {  	_ =	task.clear_ibuf [dreg:s6], $0x5FFFF;
	_ =	strace $0x9000004F  }
0xb2: {  	s29 =	simm.s32 $0x9;
	_ =	strace $0x80000051  }
0xb3: {  	_ =	swait.ge [sflag:s29], $0x1  }
0xb4: {  	[sflag:s29] =	ssyncadd.s32 $0xFFFFFFFF  }
0xb5: {  	_ =	strace $0x90000051  }
0xb6: {  	_ =	sfence  }
0xb7: {  	s30 =	sld [smem:$0x0];
	_ =	sdelay $0x2  }
0xb8: {  	s31 =	sshll.u32 s1, $0xD;
	s1 =	sshrl.u32 s1, $0x2  }
0xb9: {  	s3 =	sand.u32 $0x4000, s31;
	s1 =	sadd.s32 s1, s30  }
0xba: {  	s0 =	sor.u32 s3, s0;
	s1 =	sshll.u32 s1, $0x11  }
0xbb: {  	s0 =	sor.u32 s1, s0  }
0xbc: {  	s0 =	sadd.s32 $0x8F2B, s0  }
0xbd: {  	[sflag:s0] =	ssyncadd.remote.s32 $0x1  }
0xbe: {  	_ =	sfence.sel $0xFFFF  }
0xbf: {  	[dreg:$0x0] =	wrdreg $0xFFFFFFFF;
	(pc) =	sbr.abs _section_cstart, $3  }
0xc0: {  	[dreg:$0x1] =	wrdreg $0xFFFFFFFF  }
0xc1: {  	_ =	task.clear_ibuf [dreg:s6], $0x2FFFF;
	_ =	strace $0x9FFFFFFF  }
0xc2: {  	(tm) =	ssettm $0x7FFFFFFF  }
0xc3: {  	_ =	shalt  }
tec
execute0_lowered:
.L_overlay_start_1:
0x0: {  	(tag) =	ssettag $0x1  }
0x1: {  	s0 =	rddreg [dreg:$0x0]  }
0x2: {  	s1 =	rddreg [dreg:$0x1]  }
0x3: {  	s3 =	simm.s32 $0x0;
	s2 =	srdreg.scid;
	s10 =	stileid.u32  }
0x4: {  	s16 =	simm.s32 $0x400;
	s17 =	simm.s32 $0x100;
	s18 =	simm.s32 $0x480  }
0x5: {  	s19 =	simm.s32 $0x180;
	s20 =	simm.s32 $0x500;
	s21 =	simm.s32 $0x200  }
0x6: {  	s11 =	simm.s32 $0x80;
	s22 =	simm.s32 $0x580;
	[smem:$0x7FF] =	sst s3  }
0x7: {  	s12 =	simm.s32 $0x1000;
	_ =	strace $0x80000050;
	[dreg:$0x4] =	wrdreg s16  }
0x8: {  	s23 =	simm.s32 $0x280;
	s24 =	simm.s32 $0x600;
	[dreg:$0x5] =	wrdreg s17  }
0x9: {  	s25 =	simm.s32 $0x300;
	s26 =	simm.s32 $0x680;
	[dreg:$0x6] =	wrdreg s18  }
0xa: {  	s28 =	simm.s32 $0xD80;
	s29 =	simm.s32 $0xA80;
	[dreg:$0x7] =	wrdreg s19  }
0xb: {  	s30 =	simm.s32 $0xE00;
	s31 =	simm.s32 $0xB00;
	[dreg:$0x8] =	wrdreg s20  }
0xc: {  	s2 =	sand.u32 $0x1, s2;
	s6 =	sshll.u32 s10, $0xC;
	[dreg:$0x9] =	wrdreg s21  }
0xd: {  	s7 =	smul.u32 $0x2800, s10;
	s4 =	sadd.s32 $0x3200, s0;
	[dreg:$0xa] =	wrdreg s22  }
0xe: {  	s8 =	smul.u32 $0x50000, s10;
	s15 =	sshll.u32 s10, $0x6;
	[dreg:$0xb] =	wrdreg s23  }
0xf: {  	s10 =	simm.s32 $0x3;
	s5 =	smul.u32 $0xF0000, s2;
	[dreg:$0xc] =	wrdreg s24  }
0x10: {  	s13 =	smul.u32 $0x28000, s2;
	s2 =	ssub.s32 $0x2, s2;
	[dreg:$0xd] =	wrdreg s25  }
0x11: {  	[dreg:$0xe] =	wrdreg s26;
	s16 =	simm.s32 $0x380;
	s17 =	simm.s32 $0x700  }
0x12: {  	s18 =	simm.s32 $0x800;
	s19 =	simm.s32 $0x780;
	s20 =	simm.s32 $0x880  }
0x13: {  	s21 =	simm.s32 $0xC00;
	s22 =	simm.s32 $0x900;
	s23 =	simm.s32 $0xC80  }
0x14: {  	s24 =	simm.s32 $0x980;
	s25 =	simm.s32 $0xD00;
	s26 =	simm.s32 $0xA00  }
0x15: {  	s9 =	sshrl.u32 s2, $0x1;
	s14 =	sshrl.u32 s8, $0x2;
	s8 =	sor.u32 $0x1C03, s15  }
0x16: {  	s15 =	simm.s32 $0x2;
	s5 =	sor.u32 s6, s5;
	s6 =	sadd.s32 s7, s13  }
0x17: {  	s2 =	ssub.s32 s2, s9;
	s7 =	sadd.s32 s4, s7;
	[dreg:$0x10] =	wrdreg s8  }
0x18: {  	s13 =	simm.s32 $0x5000;
	s5 =	sshrl.u32 s5, $0x3;
	[dreg:$0xf] =	wrdreg s7  }
0x19: {  	s2 =	smax.u32 s2, $0x1;
	s7 =	simm.s32 $0xF80;
	s5 =	sadd.s32 s5, s0  }
0x1a: {  	s0 =	sadd.s32 s6, s0;
	[dreg:$0x12] =	wrdreg s2;
	s5 =	sadd.s32 $0x35000, s5  }
0x1b: {  	s6 =	sadd.s32 s14, s1;
	s0 =	sadd.s32 $0x5D000, s0;
	[dreg:$0x3] =	wrdreg s5  }
0x1c: {  	s9 =	sshrl.u32 s6, $0x3;
	s6 =	simm.s32 $0x0;
	[dreg:$0x11] =	wrdreg s0  }
0x1d: {  	s14 =	simm.s32 $0x1;
	s2 =	simm.s32 $0xB80;
	[dreg:$0x14] =	wrdreg s6  }
0x1e: {  	s0 =	simm.s32 $0xE80;
	s5 =	simm.s32 $0xF00;
	[dreg:$0x13] =	wrdreg s9  }
.LBB2_1:
0x1f: {  	s6 =	rddreg [dreg:$0xf]  }
0x20: {  	[spmem:s9], [sflag:s8] =	dma.local [hbm:s6], $0x2800  }
0x21: {  	_ =	swait.ge [sflag:s10], $0x2800  }
0x22: {  	[sflag:s10] =	ssyncset.done $0x0  }
0x23: {  	[sflag:s10] =	ssyncadd.s32 $0xFFFFD800  }
0x24: {  	[bflag:$0x0] =	sbarrier.arrive $0xFFFF  }
0x25: {  	s8 =	rddreg [dreg:$0x3]  }
0x26: {  	s6 =	sadd.s32 $0x0, s8  }
0x27: {  	[tilespmem:s3], [sflag:$0x3] =	stream.linear.gather [hbm4b:s6+s3], $0x1000, $0x38;
	[tilespmem:$0x1D000] =	vst v63  }
0x28: {  	_ =	swait.ge [sflag:s10], $0x1000  }
0x29: {  	[sflag:s10] =	ssyncset.done $0x0  }
0x2a: {  	[sflag:s10] =	ssyncadd.s32 $0xFFFFF000  }
0x2b: {  	[tilespmem:s12], [sflag:$0x1] =	stream.indirect.gather [hbm4b:s4+s11], $0x80, s3, s11, $0xb8;
	[tilespmem:$0x1D000] =	vst v63  }
0x2c: {  	_ = 	snop  }
0x2d: {  	[tilespmem:s13], [sflag:$0x2] =	stream.indirect.gather [hbm4b:s4+s11], $0x80, s11, s11, $0xb8;
	[tilespmem:$0x1D000] =	vst v63  }
0x2e: {  	_ =	swait.ge [sflag:s14], $0x4000  }
0x2f: {  	[sflag:s14] =	ssyncset.done $0x0  }
0x30: {  	s9 =	rddreg [dreg:$0x4];
	[sflag:s14] =	ssyncadd.s32 $0xFFFFC000  }
0x31: {  	[spmem:s1] =	stream.indirect.scatter.add.f32 [tilespmem:s12], [sflag:$0x3], $0x80, s9, s11, $0xb8;
	[tilespmem:$0x1D000] =	vst v63  }
0x32: {  	_ =	swait.ge [sflag:s10], $0x4000  }
0x33: {  	[sflag:s10] =	ssyncset.done $0x0  }
0x34: {  	s8 =	rddreg [dreg:$0x5];
	[sflag:s10] =	ssyncadd.s32 $0xFFFFC000  }
0x35: {  	[tilespmem:s12], [sflag:$0x1] =	stream.indirect.gather [hbm4b:s4+s11], $0x80, s8, s11, $0xb8;
	[tilespmem:$0x1D000] =	vst v63  }
0x36: {  	_ =	swait.ge [sflag:s15], $0x4000  }
0x37: {  	[sflag:s15] =	ssyncset.done $0x0  }
0x38: {  	s9 =	rddreg [dreg:$0x6];
	[sflag:s15] =	ssyncadd.s32 $0xFFFFC000  }
0x39: {  	[spmem:s1] =	stream.indirect.scatter.add.f32 [tilespmem:s13], [sflag:$0x3], $0x80, s9, s11, $0xb8;
	[tilespmem:$0x1D000] =	vst v63  }
0x3a: {  	_ =	swait.ge [sflag:s10], $0x4000  }
0x3b: {  	[sflag:s10] =	ssyncset.done $0x0  }
0x3c: {  	s8 =	rddreg [dreg:$0x7];
	[sflag:s10] =	ssyncadd.s32 $0xFFFFC000  }
0x3d: {  	[tilespmem:s13], [sflag:$0x2] =	stream.indirect.gather [hbm4b:s4+s11], $0x80, s8, s11, $0xb8;
	[tilespmem:$0x1D000] =	vst v63  }
0x3e: {  	_ =	swait.ge [sflag:s14], $0x4000  }
0x3f: {  	[sflag:s14] =	ssyncset.done $0x0  }
0x40: {  	s9 =	rddreg [dreg:$0x8];
	[sflag:s14] =	ssyncadd.s32 $0xFFFFC000  }
0x41: {  	[spmem:s1] =	stream.indirect.scatter.add.f32 [tilespmem:s12], [sflag:$0x3], $0x80, s9, s11, $0xb8;
	[tilespmem:$0x1D000] =	vst v63  }
0x42: {  	_ =	swait.ge [sflag:s10], $0x4000  }
0x43: {  	[sflag:s10] =	ssyncset.done $0x0  }
0x44: {  	s8 =	rddreg [dreg:$0x9];
	[sflag:s10] =	ssyncadd.s32 $0xFFFFC000  }
0x45: {  	[tilespmem:s12], [sflag:$0x1] =	stream.indirect.gather [hbm4b:s4+s11], $0x80, s8, s11, $0xb8;
	[tilespmem:$0x1D000] =	vst v63  }
0x46: {  	_ =	swait.ge [sflag:s15], $0x4000  }
0x47: {  	[sflag:s15] =	ssyncset.done $0x0  }
0x48: {  	s9 =	rddreg [dreg:$0xa];
	[sflag:s15] =	ssyncadd.s32 $0xFFFFC000  }
0x49: {  	[spmem:s1] =	stream.indirect.scatter.add.f32 [tilespmem:s13], [sflag:$0x3], $0x80, s9, s11, $0xb8;
	[tilespmem:$0x1D000] =	vst v63  }
0x4a: {  	_ =	swait.ge [sflag:s10], $0x4000  }
0x4b: {  	[sflag:s10] =	ssyncset.done $0x0  }
0x4c: {  	s8 =	rddreg [dreg:$0xb];
	[sflag:s10] =	ssyncadd.s32 $0xFFFFC000  }
0x4d: {  	[tilespmem:s13], [sflag:$0x2] =	stream.indirect.gather [hbm4b:s4+s11], $0x80, s8, s11, $0xb8;
	[tilespmem:$0x1D000] =	vst v63  }
0x4e: {  	_ =	swait.ge [sflag:s14], $0x4000  }
0x4f: {  	[sflag:s14] =	ssyncset.done $0x0  }
0x50: {  	s9 =	rddreg [dreg:$0xc];
	[sflag:s14] =	ssyncadd.s32 $0xFFFFC000  }
0x51: {  	[spmem:s1] =	stream.indirect.scatter.add.f32 [tilespmem:s12], [sflag:$0x3], $0x80, s9, s11, $0xb8;
	[tilespmem:$0x1D000] =	vst v63  }
0x52: {  	_ =	swait.ge [sflag:s10], $0x4000  }
0x53: {  	[sflag:s10] =	ssyncset.done $0x0  }
0x54: {  	s8 =	rddreg [dreg:$0xd];
	[sflag:s10] =	ssyncadd.s32 $0xFFFFC000  }
0x55: {  	[tilespmem:s12], [sflag:$0x1] =	stream.indirect.gather [hbm4b:s4+s11], $0x80, s8, s11, $0xb8;
	[tilespmem:$0x1D000] =	vst v63  }
0x56: {  	_ =	swait.ge [sflag:s15], $0x4000  }
0x57: {  	[sflag:s15] =	ssyncset.done $0x0  }
0x58: {  	s9 =	rddreg [dreg:$0xe];
	[sflag:s15] =	ssyncadd.s32 $0xFFFFC000  }
0x59: {  	[spmem:s1] =	stream.indirect.scatter.add.f32 [tilespmem:s13], [sflag:$0x3], $0x80, s9, s11, $0xb8;
	[tilespmem:$0x1D000] =	vst v63  }
0x5a: {  	_ =	swait.ge [sflag:s10], $0x4000  }
0x5b: {  	[sflag:s10] =	ssyncset.done $0x0  }
0x5c: {  	[sflag:s10] =	ssyncadd.s32 $0xFFFFC000  }
0x5d: {  	[tilespmem:s13], [sflag:$0x2] =	stream.indirect.gather [hbm4b:s4+s11], $0x80, s16, s11, $0xb8;
	[tilespmem:$0x1D000] =	vst v63  }
0x5e: {  	_ =	swait.ge [sflag:s14], $0x4000  }
0x5f: {  	[sflag:s14] =	ssyncset.done $0x0  }
0x60: {  	[sflag:s14] =	ssyncadd.s32 $0xFFFFC000  }
0x61: {  	[spmem:s1] =	stream.indirect.scatter.add.f32 [tilespmem:s12], [sflag:$0x3], $0x80, s17, s11, $0xb8;
	[tilespmem:$0x1D000] =	vst v63  }
0x62: {  	_ =	swait.ge [sflag:s10], $0x4000  }
0x63: {  	[sflag:s10] =	ssyncset.done $0x0  }
0x64: {  	[sflag:s10] =	ssyncadd.s32 $0xFFFFC000  }
0x65: {  	[tilespmem:s12], [sflag:$0x1] =	stream.indirect.gather [hbm4b:s4+s11], $0x80, s18, s11, $0xb8;
	[tilespmem:$0x1D000] =	vst v63  }
0x66: {  	_ =	swait.ge [sflag:s15], $0x4000  }
0x67: {  	[sflag:s15] =	ssyncset.done $0x0  }
0x68: {  	[sflag:s15] =	ssyncadd.s32 $0xFFFFC000  }
0x69: {  	[spmem:s1] =	stream.indirect.scatter.add.f32 [tilespmem:s13], [sflag:$0x3], $0x80, s19, s11, $0xb8;
	[tilespmem:$0x1D000] =	vst v63  }
0x6a: {  	_ =	swait.ge [sflag:s10], $0x4000  }
0x6b: {  	[sflag:s10] =	ssyncset.done $0x0  }
0x6c: {  	[sflag:s10] =	ssyncadd.s32 $0xFFFFC000  }
0x6d: {  	[tilespmem:s13], [sflag:$0x2] =	stream.indirect.gather [hbm4b:s4+s11], $0x80, s20, s11, $0xb8;
	[tilespmem:$0x1D000] =	vst v63  }
0x6e: {  	_ =	swait.ge [sflag:s14], $0x4000  }
0x6f: {  	[sflag:s14] =	ssyncset.done $0x0  }
0x70: {  	[sflag:s14] =	ssyncadd.s32 $0xFFFFC000  }
0x71: {  	[spmem:s1] =	stream.indirect.scatter.add.f32 [tilespmem:s12], [sflag:$0x3], $0x80, s21, s11, $0xb8;
	[tilespmem:$0x1D000] =	vst v63  }
0x72: {  	_ =	swait.ge [sflag:s10], $0x4000  }
0x73: {  	[sflag:s10] =	ssyncset.done $0x0  }
0x74: {  	[sflag:s10] =	ssyncadd.s32 $0xFFFFC000  }
0x75: {  	[tilespmem:s12], [sflag:$0x1] =	stream.indirect.gather [hbm4b:s4+s11], $0x80, s22, s11, $0xb8;
	[tilespmem:$0x1D000] =	vst v63  }
0x76: {  	_ =	swait.ge [sflag:s15], $0x4000  }
0x77: {  	[sflag:s15] =	ssyncset.done $0x0  }
0x78: {  	[sflag:s15] =	ssyncadd.s32 $0xFFFFC000  }
0x79: {  	[spmem:s1] =	stream.indirect.scatter.add.f32 [tilespmem:s13], [sflag:$0x3], $0x80, s23, s11, $0xb8;
	[tilespmem:$0x1D000] =	vst v63  }
0x7a: {  	_ =	swait.ge [sflag:s10], $0x4000  }
0x7b: {  	[sflag:s10] =	ssyncset.done $0x0  }
0x7c: {  	[sflag:s10] =	ssyncadd.s32 $0xFFFFC000  }
0x7d: {  	[tilespmem:s13], [sflag:$0x2] =	stream.indirect.gather [hbm4b:s4+s11], $0x80, s24, s11, $0xb8;
	[tilespmem:$0x1D000] =	vst v63  }
0x7e: {  	_ =	swait.ge [sflag:s14], $0x4000  }
0x7f: {  	[sflag:s14] =	ssyncset.done $0x0  }
0x80: {  	[sflag:s14] =	ssyncadd.s32 $0xFFFFC000  }
0x81: {  	[spmem:s1] =	stream.indirect.scatter.add.f32 [tilespmem:s12], [sflag:$0x3], $0x80, s25, s11, $0xb8;
	[tilespmem:$0x1D000] =	vst v63  }
0x82: {  	_ =	swait.ge [sflag:s10], $0x4000  }
0x83: {  	[sflag:s10] =	ssyncset.done $0x0  }
0x84: {  	[sflag:s10] =	ssyncadd.s32 $0xFFFFC000  }
0x85: {  	[tilespmem:s12], [sflag:$0x1] =	stream.indirect.gather [hbm4b:s4+s11], $0x80, s26, s11, $0xb8;
	[tilespmem:$0x1D000] =	vst v63  }
0x86: {  	_ =	swait.ge [sflag:s15], $0x4000  }
0x87: {  	[sflag:s15] =	ssyncset.done $0x0  }
0x88: {  	[sflag:s15] =	ssyncadd.s32 $0xFFFFC000  }
0x89: {  	[spmem:s1] =	stream.indirect.scatter.add.f32 [tilespmem:s13], [sflag:$0x3], $0x80, s28, s11, $0xb8;
	[tilespmem:$0x1D000] =	vst v63  }
0x8a: {  	_ =	swait.ge [sflag:s10], $0x4000  }
0x8b: {  	[sflag:s10] =	ssyncset.done $0x0  }
0x8c: {  	[sflag:s10] =	ssyncadd.s32 $0xFFFFC000  }
0x8d: {  	[tilespmem:s13], [sflag:$0x2] =	stream.indirect.gather [hbm4b:s4+s11], $0x80, s29, s11, $0xb8;
	[tilespmem:$0x1D000] =	vst v63  }
0x8e: {  	_ =	swait.ge [sflag:s14], $0x4000  }
0x8f: {  	[sflag:s14] =	ssyncset.done $0x0  }
0x90: {  	[sflag:s14] =	ssyncadd.s32 $0xFFFFC000  }
0x91: {  	[spmem:s1] =	stream.indirect.scatter.add.f32 [tilespmem:s12], [sflag:$0x3], $0x80, s30, s11, $0xb8;
	[tilespmem:$0x1D000] =	vst v63  }
0x92: {  	_ =	swait.ge [sflag:s10], $0x4000  }
0x93: {  	[sflag:s10] =	ssyncset.done $0x0  }
0x94: {  	[sflag:s10] =	ssyncadd.s32 $0xFFFFC000  }
0x95: {  	[tilespmem:s12], [sflag:$0x1] =	stream.indirect.gather [hbm4b:s4+s11], $0x80, s31, s11, $0xb8;
	[tilespmem:$0x1D000] =	vst v63  }
0x96: {  	_ =	swait.ge [sflag:s15], $0x4000  }
0x97: {  	[sflag:s15] =	ssyncset.done $0x0  }
0x98: {  	[sflag:s15] =	ssyncadd.s32 $0xFFFFC000  }
0x99: {  	[spmem:s1] =	stream.indirect.scatter.add.f32 [tilespmem:s13], [sflag:$0x3], $0x80, s0, s11, $0xb8;
	[tilespmem:$0x1D000] =	vst v63  }
0x9a: {  	_ =	swait.ge [sflag:s10], $0x4000  }
0x9b: {  	[sflag:s10] =	ssyncset.done $0x0  }
0x9c: {  	[sflag:s10] =	ssyncadd.s32 $0xFFFFC000  }
0x9d: {  	[tilespmem:s13], [sflag:$0x2] =	stream.indirect.gather [hbm4b:s4+s11], $0x80, s2, s11, $0xb8;
	[tilespmem:$0x1D000] =	vst v63  }
0x9e: {  	_ =	swait.ge [sflag:s14], $0x4000  }
0x9f: {  	[sflag:s14] =	ssyncset.done $0x0  }
0xa0: {  	[sflag:s14] =	ssyncadd.s32 $0xFFFFC000  }
0xa1: {  	[spmem:s1] =	stream.indirect.scatter.add.f32 [tilespmem:s12], [sflag:$0x3], $0x80, s5, s11, $0xb8;
	[tilespmem:$0x1D000] =	vst v63  }
0xa2: {  	_ =	swait.ge [sflag:s10], $0x4000  }
0xa3: {  	[sflag:s10] =	ssyncset.done $0x0  }
0xa4: {  	[sflag:s10] =	ssyncadd.s32 $0xFFFFC000  }
0xa5: {  	_ =	swait.ge [sflag:s15], $0x4000  }
0xa6: {  	[sflag:s15] =	ssyncset.done $0x0  }
0xa7: {  	[sflag:s15] =	ssyncadd.s32 $0xFFFFC000  }
0xa8: {  	[spmem:s1] =	stream.indirect.scatter.add.f32 [tilespmem:s13], [sflag:$0x3], $0x80, s7, s11, $0xb8;
	[tilespmem:$0x1D000] =	vst v63  }
0xa9: {  	s6 =	simm.s32 $0x2000;
	_ =	swait.ge [sflag:s10], $0x4000  }
.LBB2_2:
0xaa: {  	s9 =	rddreg [dreg:$0x3];
	s8 =	smov.u32 s6;
	[sflag:s10] =	ssyncset.done $0x0  }
0xab: {  	s8 =	sadd.s32 s8, s9;
	[sflag:s10] =	ssyncadd.s32 $0xFFFFC000  }
0xac: {  	[tilespmem:s3], [sflag:$0x3] =	stream.linear.gather [hbm4b:s8+s3], $0x1000, $0x38;
	[tilespmem:$0x1D000] =	vst v63  }
0xad: {  	_ =	swait.ge [sflag:s10], $0x1000  }
0xae: {  	[sflag:s10] =	ssyncset.done $0x0  }
0xaf: {  	[sflag:s10] =	ssyncadd.s32 $0xFFFFF000  }
0xb0: {  	[tilespmem:s12], [sflag:$0x1] =	stream.indirect.gather [hbm4b:s4+s11], $0x80, s3, s11, $0xb8;
	[tilespmem:$0x1D000] =	vst v63  }
0xb1: {  	_ = 	snop  }
0xb2: {  	[tilespmem:s13], [sflag:$0x2] =	stream.indirect.gather [hbm4b:s4+s11], $0x80, s11, s11, $0xb8;
	[tilespmem:$0x1D000] =	vst v63  }
0xb3: {  	_ =	swait.ge [sflag:s14], $0x4000  }
0xb4: {  	[sflag:s14] =	ssyncset.done $0x0  }
0xb5: {  	s9 =	rddreg [dreg:$0x4];
	[sflag:s14] =	ssyncadd.s32 $0xFFFFC000  }
0xb6: {  	[spmem:s1] =	stream.indirect.scatter.add.f32 [tilespmem:s12], [sflag:$0x3], $0x80, s9, s11, $0xb8;
	[tilespmem:$0x1D000] =	vst v63  }
0xb7: {  	_ =	swait.ge [sflag:s10], $0x4000  }
0xb8: {  	[sflag:s10] =	ssyncset.done $0x0  }
0xb9: {  	s9 =	rddreg [dreg:$0x5];
	[sflag:s10] =	ssyncadd.s32 $0xFFFFC000  }
0xba: {  	[tilespmem:s12], [sflag:$0x1] =	stream.indirect.gather [hbm4b:s4+s11], $0x80, s9, s11, $0xb8;
	[tilespmem:$0x1D000] =	vst v63  }
0xbb: {  	_ =	swait.ge [sflag:s15], $0x4000  }
0xbc: {  	[sflag:s15] =	ssyncset.done $0x0  }
0xbd: {  	s9 =	rddreg [dreg:$0x6];
	[sflag:s15] =	ssyncadd.s32 $0xFFFFC000  }
0xbe: {  	[spmem:s1] =	stream.indirect.scatter.add.f32 [tilespmem:s13], [sflag:$0x3], $0x80, s9, s11, $0xb8;
	[tilespmem:$0x1D000] =	vst v63  }
0xbf: {  	_ =	swait.ge [sflag:s10], $0x4000  }
0xc0: {  	[sflag:s10] =	ssyncset.done $0x0  }
0xc1: {  	s9 =	rddreg [dreg:$0x7];
	[sflag:s10] =	ssyncadd.s32 $0xFFFFC000  }
0xc2: {  	[tilespmem:s13], [sflag:$0x2] =	stream.indirect.gather [hbm4b:s4+s11], $0x80, s9, s11, $0xb8;
	[tilespmem:$0x1D000] =	vst v63  }
0xc3: {  	_ =	swait.ge [sflag:s14], $0x4000  }
0xc4: {  	[sflag:s14] =	ssyncset.done $0x0  }
0xc5: {  	s9 =	rddreg [dreg:$0x8];
	[sflag:s14] =	ssyncadd.s32 $0xFFFFC000  }
0xc6: {  	[spmem:s1] =	stream.indirect.scatter.add.f32 [tilespmem:s12], [sflag:$0x3], $0x80, s9, s11, $0xb8;
	[tilespmem:$0x1D000] =	vst v63  }
0xc7: {  	_ =	swait.ge [sflag:s10], $0x4000  }
0xc8: {  	[sflag:s10] =	ssyncset.done $0x0  }
0xc9: {  	s9 =	rddreg [dreg:$0x9];
	[sflag:s10] =	ssyncadd.s32 $0xFFFFC000  }
0xca: {  	[tilespmem:s12], [sflag:$0x1] =	stream.indirect.gather [hbm4b:s4+s11], $0x80, s9, s11, $0xb8;
	[tilespmem:$0x1D000] =	vst v63  }
0xcb: {  	_ =	swait.ge [sflag:s15], $0x4000  }
0xcc: {  	[sflag:s15] =	ssyncset.done $0x0  }
0xcd: {  	s9 =	rddreg [dreg:$0xa];
	[sflag:s15] =	ssyncadd.s32 $0xFFFFC000  }
0xce: {  	[spmem:s1] =	stream.indirect.scatter.add.f32 [tilespmem:s13], [sflag:$0x3], $0x80, s9, s11, $0xb8;
	[tilespmem:$0x1D000] =	vst v63  }
0xcf: {  	_ =	swait.ge [sflag:s10], $0x4000  }
0xd0: {  	[sflag:s10] =	ssyncset.done $0x0  }
0xd1: {  	s9 =	rddreg [dreg:$0xb];
	[sflag:s10] =	ssyncadd.s32 $0xFFFFC000  }
0xd2: {  	[tilespmem:s13], [sflag:$0x2] =	stream.indirect.gather [hbm4b:s4+s11], $0x80, s9, s11, $0xb8;
	[tilespmem:$0x1D000] =	vst v63  }
0xd3: {  	_ =	swait.ge [sflag:s14], $0x4000  }
0xd4: {  	[sflag:s14] =	ssyncset.done $0x0  }
0xd5: {  	s9 =	rddreg [dreg:$0xc];
	[sflag:s14] =	ssyncadd.s32 $0xFFFFC000  }
0xd6: {  	[spmem:s1] =	stream.indirect.scatter.add.f32 [tilespmem:s12], [sflag:$0x3], $0x80, s9, s11, $0xb8;
	[tilespmem:$0x1D000] =	vst v63  }
0xd7: {  	_ =	swait.ge [sflag:s10], $0x4000  }
0xd8: {  	[sflag:s10] =	ssyncset.done $0x0  }
0xd9: {  	s9 =	rddreg [dreg:$0xd];
	[sflag:s10] =	ssyncadd.s32 $0xFFFFC000  }
0xda: {  	[tilespmem:s12], [sflag:$0x1] =	stream.indirect.gather [hbm4b:s4+s11], $0x80, s9, s11, $0xb8;
	[tilespmem:$0x1D000] =	vst v63  }
0xdb: {  	_ =	swait.ge [sflag:s15], $0x4000  }
0xdc: {  	[sflag:s15] =	ssyncset.done $0x0  }
0xdd: {  	s9 =	rddreg [dreg:$0xe];
	[sflag:s15] =	ssyncadd.s32 $0xFFFFC000  }
0xde: {  	[spmem:s1] =	stream.indirect.scatter.add.f32 [tilespmem:s13], [sflag:$0x3], $0x80, s9, s11, $0xb8;
	[tilespmem:$0x1D000] =	vst v63  }
0xdf: {  	_ =	swait.ge [sflag:s10], $0x4000  }
0xe0: {  	[sflag:s10] =	ssyncset.done $0x0  }
0xe1: {  	[sflag:s10] =	ssyncadd.s32 $0xFFFFC000  }
0xe2: {  	[tilespmem:s13], [sflag:$0x2] =	stream.indirect.gather [hbm4b:s4+s11], $0x80, s16, s11, $0xb8;
	[tilespmem:$0x1D000] =	vst v63  }
0xe3: {  	_ =	swait.ge [sflag:s14], $0x4000  }
0xe4: {  	[sflag:s14] =	ssyncset.done $0x0  }
0xe5: {  	[sflag:s14] =	ssyncadd.s32 $0xFFFFC000  }
0xe6: {  	[spmem:s1] =	stream.indirect.scatter.add.f32 [tilespmem:s12], [sflag:$0x3], $0x80, s17, s11, $0xb8;
	[tilespmem:$0x1D000] =	vst v63  }
0xe7: {  	_ =	swait.ge [sflag:s10], $0x4000  }
0xe8: {  	[sflag:s10] =	ssyncset.done $0x0  }
0xe9: {  	[sflag:s10] =	ssyncadd.s32 $0xFFFFC000  }
0xea: {  	[tilespmem:s12], [sflag:$0x1] =	stream.indirect.gather [hbm4b:s4+s11], $0x80, s18, s11, $0xb8;
	[tilespmem:$0x1D000] =	vst v63  }
0xeb: {  	_ =	swait.ge [sflag:s15], $0x4000  }
0xec: {  	[sflag:s15] =	ssyncset.done $0x0  }
0xed: {  	[sflag:s15] =	ssyncadd.s32 $0xFFFFC000  }
0xee: {  	[spmem:s1] =	stream.indirect.scatter.add.f32 [tilespmem:s13], [sflag:$0x3], $0x80, s19, s11, $0xb8;
	[tilespmem:$0x1D000] =	vst v63  }
0xef: {  	_ =	swait.ge [sflag:s10], $0x4000  }
0xf0: {  	[sflag:s10] =	ssyncset.done $0x0  }
0xf1: {  	[sflag:s10] =	ssyncadd.s32 $0xFFFFC000  }
0xf2: {  	[tilespmem:s13], [sflag:$0x2] =	stream.indirect.gather [hbm4b:s4+s11], $0x80, s20, s11, $0xb8;
	[tilespmem:$0x1D000] =	vst v63  }
0xf3: {  	_ =	swait.ge [sflag:s14], $0x4000  }
0xf4: {  	[sflag:s14] =	ssyncset.done $0x0  }
0xf5: {  	[sflag:s14] =	ssyncadd.s32 $0xFFFFC000  }
0xf6: {  	[spmem:s1] =	stream.indirect.scatter.add.f32 [tilespmem:s12], [sflag:$0x3], $0x80, s21, s11, $0xb8;
	[tilespmem:$0x1D000] =	vst v63  }
0xf7: {  	_ =	swait.ge [sflag:s10], $0x4000  }
0xf8: {  	[sflag:s10] =	ssyncset.done $0x0  }
0xf9: {  	[sflag:s10] =	ssyncadd.s32 $0xFFFFC000  }
0xfa: {  	[tilespmem:s12], [sflag:$0x1] =	stream.indirect.gather [hbm4b:s4+s11], $0x80, s22, s11, $0xb8;
	[tilespmem:$0x1D000] =	vst v63  }
0xfb: {  	_ =	swait.ge [sflag:s15], $0x4000  }
0xfc: {  	[sflag:s15] =	ssyncset.done $0x0  }
0xfd: {  	[sflag:s15] =	ssyncadd.s32 $0xFFFFC000  }
0xfe: {  	[spmem:s1] =	stream.indirect.scatter.add.f32 [tilespmem:s13], [sflag:$0x3], $0x80, s23, s11, $0xb8;
	[tilespmem:$0x1D000] =	vst v63  }
0xff: {  	_ =	swait.ge [sflag:s10], $0x4000  }
0x100: {  	[sflag:s10] =	ssyncset.done $0x0  }
0x101: {  	[sflag:s10] =	ssyncadd.s32 $0xFFFFC000  }
0x102: {  	[tilespmem:s13], [sflag:$0x2] =	stream.indirect.gather [hbm4b:s4+s11], $0x80, s24, s11, $0xb8;
	[tilespmem:$0x1D000] =	vst v63  }
0x103: {  	_ =	swait.ge [sflag:s14], $0x4000  }
0x104: {  	[sflag:s14] =	ssyncset.done $0x0  }
0x105: {  	[sflag:s14] =	ssyncadd.s32 $0xFFFFC000  }
0x106: {  	[spmem:s1] =	stream.indirect.scatter.add.f32 [tilespmem:s12], [sflag:$0x3], $0x80, s25, s11, $0xb8;
	[tilespmem:$0x1D000] =	vst v63  }
0x107: {  	_ =	swait.ge [sflag:s10], $0x4000  }
0x108: {  	[sflag:s10] =	ssyncset.done $0x0  }
0x109: {  	[sflag:s10] =	ssyncadd.s32 $0xFFFFC000  }
0x10a: {  	[tilespmem:s12], [sflag:$0x1] =	stream.indirect.gather [hbm4b:s4+s11], $0x80, s26, s11, $0xb8;
	[tilespmem:$0x1D000] =	vst v63  }
0x10b: {  	_ =	swait.ge [sflag:s15], $0x4000  }
0x10c: {  	[sflag:s15] =	ssyncset.done $0x0  }
0x10d: {  	[sflag:s15] =	ssyncadd.s32 $0xFFFFC000  }
0x10e: {  	[spmem:s1] =	stream.indirect.scatter.add.f32 [tilespmem:s13], [sflag:$0x3], $0x80, s28, s11, $0xb8;
	[tilespmem:$0x1D000] =	vst v63  }
0x10f: {  	_ =	swait.ge [sflag:s10], $0x4000  }
0x110: {  	[sflag:s10] =	ssyncset.done $0x0  }
0x111: {  	[sflag:s10] =	ssyncadd.s32 $0xFFFFC000  }
0x112: {  	[tilespmem:s13], [sflag:$0x2] =	stream.indirect.gather [hbm4b:s4+s11], $0x80, s29, s11, $0xb8;
	[tilespmem:$0x1D000] =	vst v63  }
0x113: {  	_ =	swait.ge [sflag:s14], $0x4000  }
0x114: {  	[sflag:s14] =	ssyncset.done $0x0  }
0x115: {  	[sflag:s14] =	ssyncadd.s32 $0xFFFFC000  }
0x116: {  	[spmem:s1] =	stream.indirect.scatter.add.f32 [tilespmem:s12], [sflag:$0x3], $0x80, s30, s11, $0xb8;
	[tilespmem:$0x1D000] =	vst v63  }
0x117: {  	_ =	swait.ge [sflag:s10], $0x4000  }
0x118: {  	[sflag:s10] =	ssyncset.done $0x0  }
0x119: {  	[sflag:s10] =	ssyncadd.s32 $0xFFFFC000  }
0x11a: {  	[tilespmem:s12], [sflag:$0x1] =	stream.indirect.gather [hbm4b:s4+s11], $0x80, s31, s11, $0xb8;
	[tilespmem:$0x1D000] =	vst v63  }
0x11b: {  	_ =	swait.ge [sflag:s15], $0x4000  }
0x11c: {  	[sflag:s15] =	ssyncset.done $0x0  }
0x11d: {  	[sflag:s15] =	ssyncadd.s32 $0xFFFFC000  }
0x11e: {  	[spmem:s1] =	stream.indirect.scatter.add.f32 [tilespmem:s13], [sflag:$0x3], $0x80, s0, s11, $0xb8;
	[tilespmem:$0x1D000] =	vst v63  }
0x11f: {  	_ =	swait.ge [sflag:s10], $0x4000  }
0x120: {  	[sflag:s10] =	ssyncset.done $0x0  }
0x121: {  	[sflag:s10] =	ssyncadd.s32 $0xFFFFC000  }
0x122: {  	[tilespmem:s13], [sflag:$0x2] =	stream.indirect.gather [hbm4b:s4+s11], $0x80, s2, s11, $0xb8;
	[tilespmem:$0x1D000] =	vst v63  }
0x123: {  	_ =	swait.ge [sflag:s14], $0x4000  }
0x124: {  	[sflag:s14] =	ssyncset.done $0x0  }
0x125: {  	[sflag:s14] =	ssyncadd.s32 $0xFFFFC000  }
0x126: {  	[spmem:s1] =	stream.indirect.scatter.add.f32 [tilespmem:s12], [sflag:$0x3], $0x80, s5, s11, $0xb8;
	[tilespmem:$0x1D000] =	vst v63  }
0x127: {  	_ =	swait.ge [sflag:s10], $0x4000  }
0x128: {  	[sflag:s10] =	ssyncset.done $0x0  }
0x129: {  	p0 =	sne.s32 s6, $0x8000;
	[sflag:s10] =	ssyncadd.s32 $0xFFFFC000  }
.Ltmp0:
0x12a: {  	_ =	swait.ge [sflag:s15], $0x4000;
	(pc) =	sbr.rel @p0 .LBB2_2-.Ltmp0, $4  }
0x12b: {  	[sflag:s15] =	ssyncset.done $0x0  }
0x12c: {  	[sflag:s15] =	ssyncadd.s32 $0xFFFFC000  }
0x12d: {  	[spmem:s1] =	stream.indirect.scatter.add.f32 [tilespmem:s13], [sflag:$0x3], $0x80, s7, s11, $0xb8;
	[tilespmem:$0x1D000] =	vst v63  }
0x12e: {  	s6 =	sadd.s32 $0x2000, s6;
	_ =	swait.ge [sflag:s10], $0x4000  }
0x12f: {  	[sflag:s10] =	ssyncset.done $0x0  }
0x130: {  	[sflag:s10] =	ssyncadd.s32 $0xFFFFC000  }
0x131: {  	[bflag:$0x0] =	sbarrier.arrive $0xFFFF  }
0x132: {  	s8 =	rddreg [dreg:$0x10]  }
0x133: {  	s6 =	rddreg [dreg:$0x11]  }
0x134: {  	s9 =	rddreg [dreg:$0x13]  }
0x135: {  	[hbm:s6], [sflag:s8] =	dma.local [spmem:s9], $0x2800  }
0x136: {  	_ =	swait.ge [sflag:s10], $0x2800  }
0x137: {  	s6 =	rddreg [dreg:$0x14]  }
0x138: {  	s8 =	sadd.s32 $0x1, s6;
	s6 =	rddreg [dreg:$0x12]  }
0x139: {  	p0 =	sne.s32 s8, s6  }
.Ltmp1:
0x13a: {  	_ = 	snop;
	(pc) =	sbr.rel @p0 .LBB2_1-.Ltmp1, $3  }
0x13b: {  	_ =	sdelay $0x1  }
0x13c: {  	[sflag:s10] =	ssyncset.done $0x0;
	[dreg:$0x14] =	wrdreg s8  }
0x13d: {  	[sflag:s10] =	ssyncadd.s32 $0xFFFFD800;
	s8 =	rddreg [dreg:$0x10]  }
0x13e: {  	_ =	sfence.sel $0x180000  }
0x13f: {  	[bflag:$0x0] =	sbarrier.arrive $0xFFFF  }
0x140: {  	_ =	strace $0x90000050  }
0x141: {  	s0 =	stileid.u32;
	[bflag:$0x2] =	sbarrier.arrive $0xFFFF  }
0x142: {  	p0 =	sne.s32 s0, $0x0;
	s0 =	rddreg [dreg:$0x2]  }
0x143: {  	s0 =	sadd.s32 @!p0 $0x100000, s0  }
0x144: {  	[sflag:s0] =	ssyncadd.tile.s32 @!p0 $0x1;
	_ =	shalt  }
.Lfunc_end2:
_tile_overlayer_lowered:
.L_overlay_start_2:
0x145: {  	(tag) =	ssettag $0x2  }
0x146: {  	s0 =	rddreg [dreg:$0x0];
	s2 =	stileid.u32  }
0x147: {  	s1 =	rddreg [dreg:$0x1];
	p0 =	sne.s32 s2, $0x0  }
0x148: {  	s3 =	rddreg [dreg:$0x2];
	[bflag:$0x3] =	sbarrier.arrive $0xFFFF;
	s2 =	simm.s32 @!p0 $0x1C03  }
0x149: {  	[timem:s3], [sflag:s2] =	dma.local @!p0 [hbm:s0], s1  }
0x14a: {  	s0 =	simm.s32 @!p0 $0x3  }
0x14b: {  	_ =	swait.ge @!p0 [sflag:s0], s1  }
0x14c: {  	s1 =	ssub.s32 @!p0 $0x0, s1;
	[sflag:s0] =	ssyncset.done @!p0 $0x0  }
0x14d: {  	[sflag:s0] =	ssyncadd.s32 @!p0 s1  }
0x14e: {  	[bflag:$0x3] =	sbarrier.arrive $0xFFFF  }
0x14f: {  	_ =	shalt  }

</sc_bundles>
